<compile_context>
chip_gen: v7x
topology: tpu7x:2x2x1
jax: 0.10.2.dev20260603
libtpu: 0.0.44.dev20260713+nightly
codegen_flags: <defaults>
</compile_context>

<pallas_src>
import functools

import jax
import jax.numpy as jnp
from jax import lax
from jax.experimental import pallas as pl
from jax.experimental.pallas import tpu as pltpu
from jax.experimental.pallas import tpu_sc as plsc

N = 100000
E = 3200000
WEIGHT = 0.01
EPS = 1e-08

NC = 2
NSUB = 16
NW = NC * NSUB
L = 16

NP = 100352
NODES_W = NP // NW
NODES_S = NP // NSUB
TROWS_S = N // NSUB
EP = NW * 100352
EW = EP // NW
CHUNKS = 98
SUBQ = 8
SW = 16
NS_ITERS = 20
MAGIC = 1597463007

_mesh = plsc.VectorSubcoreMesh(core_axis_name="c", subcore_axis_name="s",
                               num_cores=NC, num_subcores=NSUB)
_cparams = pltpu.CompilerParams(needs_layout_passes=False,
                                use_tc_tiling_on_sc=False)


def _rsqrt(x, iters=3):
    y = plsc.bitcast(MAGIC - (plsc.bitcast(x, jnp.int32) >> 1), jnp.float32)
    for _ in range(iters):
        u = x * y
        y = y * (1.5 - 0.5 * (u * y))
    return y


def _edge_body(t_hbm, i2d, j2d, z2d, s_part, acc_part,
               idx_i, idx_j, rows_i0, rows_i1, rows_j0, rows_j1,
               upd0, upd1, accbuf, s_sh,
               sem_g0, sem_g1, sem_s0, sem_s1):
    c = lax.axis_index("c")
    s = lax.axis_index("s")
    wid = c * NSUB + s
    iota = lax.iota(jnp.int32, L)
    zv = jnp.zeros((L,), jnp.float32)
    cols = [jnp.full((L,), k, jnp.int32) for k in (0, 1, 2, 3, 4, 5)]
    ocols = [jnp.full((L,), k, jnp.int32) for k in range(9)]
    rows_i = (rows_i0, rows_i1)
    rows_j = (rows_j0, rows_j1)
    upd = (upd0, upd1)
    sem_g = (sem_g0, sem_g1)
    sem_s = (sem_s0, sem_s1)

    def zloop(t, carry):
        pltpu.sync_copy(z2d, s_sh.at[pl.ds(s * NODES_S + t * 128, 128)])
        return carry
    lax.fori_loop(0, NODES_S // 128, zloop, 0)
    plsc.subcore_barrier()

    ebase = wid * EW
    rowbase = wid * (EW // 128)

    def _issue_gather(q):
        p = q & 1
        return (pltpu.async_copy(t_hbm.at[idx_i.at[q]], rows_i[p], sem_g[p]),
                pltpu.async_copy(t_hbm.at[idx_j.at[q]], rows_j[p], sem_g[p]))

    def chunk_body(cc, accs):
        pltpu.sync_copy(i2d.at[pl.ds(rowbase + cc * SUBQ, SUBQ)], idx_i)
        pltpu.sync_copy(j2d.at[pl.ds(rowbase + cc * SUBQ, SUBQ)], idx_j)
        gd = {0: _issue_gather(0), 1: _issue_gather(1)}
        sd = {}
        for q in range(SUBQ):
            p = q & 1
            gi, gj = gd.pop(q)
            gi.wait()
            gj.wait()
            if q >= 2:
                sd.pop(q - 2).wait()
            ri, rj, up = rows_i[p], rows_j[p], upd[p]
            esub = ebase + cc * (SUBQ * 128) + q * 128

            @plsc.parallel_loop(0, 8, unroll=4, carry=accs)
            def group(g, accs2):
                a1, a2 = accs2
                row = g * L + iota
                gvi = [plsc.load_gather(ri, [row, cl]) for cl in cols]
                gvj = [plsc.load_gather(rj, [row, cl]) for cl in cols]
                r0 = gvj[0] - gvi[0]
                r1 = gvj[1] - gvi[1]
                r2 = gvj[2] - gvi[2]
                d0 = gvj[3] - gvi[3]
                d1 = gvj[4] - gvi[4]
                d2 = gvj[5] - gvi[5]
                n2 = r0 * r0 + r1 * r1 + r2 * r2
                m2 = d0 * d0 + d1 * d1 + d2 * d2
                ln = n2 * _rsqrt(n2, 2)
                w = 1.0 / (ln + EPS)
                w = jnp.where((esub + g * L + iota) < E, w, 0.0)
                a1 = a1 + w * (n2 + m2)
                a2 = a2 + w
                wd0 = w * d0
                wd1 = w * d1
                wd2 = w * d2
                outs = (wd0 * r0, wd0 * r1, wd0 * r2,
                        wd1 * r0, wd1 * r1, wd1 * r2,
                        wd2 * r0, wd2 * r1, wd2 * r2)
                for k in range(9):
                    plsc.store_scatter(up, [row, ocols[k]], outs[k])
                return (a1, a2)

            accs = group
            if q < SUBQ - 2:
                gd[q + 2] = _issue_gather(q + 2)
            sd[q] = pltpu.async_copy(up, s_sh.at[idx_i.at[q]], sem_s[p],
                                     add=True)
        sd.pop(SUBQ - 2).wait()
        sd.pop(SUBQ - 1).wait()
        return accs

    acc1, acc2 = lax.fori_loop(0, CHUNKS, chunk_body, (zv, zv))

    plsc.subcore_barrier()
    pltpu.sync_copy(s_sh.at[pl.ds(s * NODES_S, NODES_S)],
                    s_part.at[c, pl.ds(s * NODES_S, NODES_S)])
    accbuf[0, :] = acc1
    accbuf[1, :] = acc2
    pltpu.sync_copy(accbuf, acc_part.at[c, s])


_edge_kernel = functools.partial(
    pl.kernel,
    out_type=(jax.ShapeDtypeStruct((NC, NP, SW), jnp.float32),
              jax.ShapeDtypeStruct((NC, NSUB, 2, L), jnp.float32)),
    mesh=_mesh,
    scratch_types=[
        pltpu.VMEM((SUBQ, 128), jnp.int32),
        pltpu.VMEM((SUBQ, 128), jnp.int32),
        pltpu.VMEM((128, 8), jnp.float32),
        pltpu.VMEM((128, 8), jnp.float32),
        pltpu.VMEM((128, 8), jnp.float32),
        pltpu.VMEM((128, 8), jnp.float32),
        pltpu.VMEM((128, SW), jnp.float32),
        pltpu.VMEM((128, SW), jnp.float32),
        pltpu.VMEM((2, L), jnp.float32),
        pltpu.VMEM_SHARED((NP, SW), jnp.float32),
        pltpu.SemaphoreType.DMA,
        pltpu.SemaphoreType.DMA,
        pltpu.SemaphoreType.DMA,
        pltpu.SemaphoreType.DMA,
    ],
    compiler_params=_cparams,
)(_edge_body)


def _polar_body(s_part, dot_part, buf0, buf1, ovec):
    c = lax.axis_index("c")
    s = lax.axis_index("s")
    wid = c * NSUB + s
    nbase = wid * NODES_W
    iota = lax.iota(jnp.int32, L)
    ocols = [jnp.full((L,), k, jnp.int32) for k in range(9)]
    dot0 = jnp.zeros((L,), jnp.float32)

    def chunk(cc, dot0):
        pltpu.sync_copy(s_part.at[0, pl.ds(nbase + cc * 784, 784)], buf0)
        pltpu.sync_copy(s_part.at[1, pl.ds(nbase + cc * 784, 784)], buf1)

        @plsc.parallel_loop(0, 49, unroll=2, carry=dot0)
        def group(g, dot):
            row = g * L + iota
            sv = [plsc.load_gather(buf0, [row, cl]) +
                  plsc.load_gather(buf1, [row, cl]) for cl in ocols]
            m = jnp.abs(sv[0])
            for k in range(1, 9):
                m = jnp.maximum(m, jnp.abs(sv[k]))
            scale = 1.0 / (4.0 * m + 1e-35)
            x = tuple(v * scale for v in sv)

            def ns(t, x):
                x0, x1, x2, x3, x4, x5, x6, x7, x8 = x
                z00 = x0 * x0 + x3 * x3 + x6 * x6
                z01 = x0 * x1 + x3 * x4 + x6 * x7
                z02 = x0 * x2 + x3 * x5 + x6 * x8
                z11 = x1 * x1 + x4 * x4 + x7 * x7
                z12 = x1 * x2 + x4 * x5 + x7 * x8
                z22 = x2 * x2 + x5 * x5 + x8 * x8
                t00 = 1.5 - 0.5 * z00
                t01 = -0.5 * z01
                t02 = -0.5 * z02
                t11 = 1.5 - 0.5 * z11
                t12 = -0.5 * z12
                t22 = 1.5 - 0.5 * z22
                return (x0 * t00 + x1 * t01 + x2 * t02,
                        x0 * t01 + x1 * t11 + x2 * t12,
                        x0 * t02 + x1 * t12 + x2 * t22,
                        x3 * t00 + x4 * t01 + x5 * t02,
                        x3 * t01 + x4 * t11 + x5 * t12,
                        x3 * t02 + x4 * t12 + x5 * t22,
                        x6 * t00 + x7 * t01 + x8 * t02,
                        x6 * t01 + x7 * t11 + x8 * t12,
                        x6 * t02 + x7 * t12 + x8 * t22)

            x0, x1, x2, x3, x4, x5, x6, x7, x8 = lax.fori_loop(
                0, NS_ITERS, ns, x)
            det = (x0 * (x4 * x8 - x5 * x7)
                   - x1 * (x3 * x8 - x5 * x6)
                   + x2 * (x3 * x7 - x4 * x6))
            neg = det < 0.0
            x0 = jnp.where(neg, -x0, x0)
            x3 = jnp.where(neg, -x3, x3)
            x6 = jnp.where(neg, -x6, x6)
            contrib = (x0 * sv[0] + x1 * sv[1] + x2 * sv[2]
                       + x3 * sv[3] + x4 * sv[4] + x5 * sv[5]
                       + x6 * sv[6] + x7 * sv[7] + x8 * sv[8])
            return dot + contrib

        return group

    dot = lax.fori_loop(0, NODES_W // 784, chunk, dot0)
    ovec[...] = dot
    pltpu.sync_copy(ovec, dot_part.at[c, s])


_polar_kernel = functools.partial(
    pl.kernel,
    out_type=jax.ShapeDtypeStruct((NC, NSUB, L), jnp.float32),
    mesh=_mesh,
    scratch_types=[
        pltpu.VMEM((784, SW), jnp.float32),
        pltpu.VMEM((784, SW), jnp.float32),
        pltpu.VMEM((L,), jnp.float32),
    ],
    compiler_params=_cparams,
)(_polar_body)


def kernel(mu0, mu, edge_idx):
    t = jnp.concatenate(
        [mu0, mu, jnp.zeros((N, 2), jnp.float32)], axis=1)
    pad = EP - E
    i2d = jnp.pad(edge_idx[0], (0, pad)).reshape(EP // 128, 128)
    j2d = jnp.pad(edge_idx[1], (0, pad)).reshape(EP // 128, 128)
    z2d = jnp.zeros((128, SW), jnp.float32)
    s_part, acc_part = _edge_kernel(t, i2d, j2d, z2d)
    dot_part = _polar_kernel(s_part)
    acc1 = jnp.sum(acc_part[:, :, 0, :])
    acc2 = jnp.sum(acc_part[:, :, 1, :])
    dot = jnp.sum(dot_part)
    return (WEIGHT * (acc1 - 2.0 * dot) / acc2).astype(jnp.float32)

# --- scband reference (transcript-rebuilt; emitter-appended) ---
"""Pipeline reference for scband-araploss-19945828122686 (READ-ONLY COPY).

The authoritative reference and input builder live on the scoring server;
editing this copy changes nothing except your own understanding.
"""

import jax, jax.numpy as jnp
import numpy as np

N = 100000
E = 3200000
WEIGHT = 0.01
EPS = 1e-08


def setup_inputs(seed: int = 0) -> dict:
    key = jax.random.key(seed)
    k1, k2, k3 = jax.random.split(key, 3)
    mu0 = jax.random.normal(k1, (N, 3), dtype=jnp.float32)
    mu = jax.random.normal(k2, (N, 3), dtype=jnp.float32)
    edge_idx = jax.random.randint(k3, (2, E), 0, N, dtype=jnp.int32)
    return {"mu0": mu0, "mu": mu, "edge_idx": edge_idx}


def reference(mu0, mu, edge_idx):
    i = edge_idx[0]
    j = edge_idx[1]
    # gather endpoint positions per edge
    rest = mu0[j] - mu0[i]          # (E,3)
    deform = mu[j] - mu[i]          # (E,3)
    w = 1.0 / (jnp.linalg.norm(rest, axis=-1) + EPS)  # (E,)
    # outer = einsum('e,ei,ej->eij', w, deform, rest)
    outer = w[:, None, None] * deform[:, :, None] * rest[:, None, :]  # (E,3,3)
    # scatter-add per-edge covariance into per-node S
    S = jax.ops.segment_sum(outer, i, num_segments=N)  # (N,3,3)
    U, _s, Vh = jnp.linalg.svd(S, full_matrices=False)
    R = jnp.matmul(U, Vh)
    det_mask = (jnp.linalg.det(R) < 0)[:, None, None]
    diag_fix = jnp.array([-1.0, 1.0, 1.0], dtype=S.dtype).reshape(1, 3)
    Vh = jnp.where(det_mask, Vh * diag_fix, Vh)
    R = jnp.matmul(U, Vh)
    Ri = R[i]                         # gather per-edge rotation (E,3,3)
    pred = jnp.einsum('eij,ej->ei', Ri, rest)
    err = deform - pred
    loss = jnp.sum(w * jnp.sum(jnp.square(err), axis=-1)) / jnp.sum(w)
    return WEIGHT * loss

if __name__ == "__main__":
    import jax
    _d = setup_inputs()
    print(jax.jit(kernel)(*tuple(_d.values())))

</pallas_src>

<mosaic_0001>
#map = affine_map<(d0, d1) -> (0, 0, 0)>
module attributes {stable_mosaic.version = 14 : i64} {
  func.func @_polar_body(%arg0: i32, %arg1: i32, %arg2: memref<2x100352x16xf32, #tpu.memory_space<hbm>>, %arg3: memref<2x16x16xf32, #tpu.memory_space<hbm>>, %arg4: memref<784x16xf32, #tpu.memory_space<vmem>>, %arg5: memref<784x16xf32, #tpu.memory_space<vmem>>, %arg6: memref<16xf32, #tpu.memory_space<vmem>>) attributes {dimension_semantics = [#tpu.dimension_semantics<core_parallel>, #tpu.dimension_semantics<subcore_parallel>], iteration_bounds = array<i64: 2, 16>, scalar_prefetch = 0 : i64, scratch_operands = 3 : i64, tpu.core_type = #tpu.core_type<sc_vector_subcore>, window_params = [{transform_indices = #map}, {transform_indices = #map}]} {
    %mul3A = arith.constant 16 : i32
    %mul3A_0 = arith.muli %arg0, %mul3A : i32
    %add3A = arith.addi %mul3A_0, %arg1 : i32
    %mul3A_1 = arith.constant 3136 : i32
    %mul3A_2 = arith.muli %add3A, %mul3A_1 : i32
    %iota3A = tpu.iota {dimensions = array<i32: 0>} : vector<16xi32>
    %broadcast_in_dim3A = arith.constant 0 : i32
    %broadcast_in_dim3A_3 = vector.broadcast %broadcast_in_dim3A : i32 to vector<16xi32>
    %broadcast_in_dim3A_4 = arith.constant 1 : i32
    %broadcast_in_dim3A_5 = vector.broadcast %broadcast_in_dim3A_4 : i32 to vector<16xi32>
    %broadcast_in_dim3A_6 = arith.constant 2 : i32
    %broadcast_in_dim3A_7 = vector.broadcast %broadcast_in_dim3A_6 : i32 to vector<16xi32>
    %broadcast_in_dim3A_8 = arith.constant 3 : i32
    %broadcast_in_dim3A_9 = vector.broadcast %broadcast_in_dim3A_8 : i32 to vector<16xi32>
    %broadcast_in_dim3A_10 = arith.constant 4 : i32
    %broadcast_in_dim3A_11 = vector.broadcast %broadcast_in_dim3A_10 : i32 to vector<16xi32>
    %broadcast_in_dim3A_12 = arith.constant 5 : i32
    %broadcast_in_dim3A_13 = vector.broadcast %broadcast_in_dim3A_12 : i32 to vector<16xi32>
    %broadcast_in_dim3A_14 = arith.constant 6 : i32
    %broadcast_in_dim3A_15 = vector.broadcast %broadcast_in_dim3A_14 : i32 to vector<16xi32>
    %broadcast_in_dim3A_16 = arith.constant 7 : i32
    %broadcast_in_dim3A_17 = vector.broadcast %broadcast_in_dim3A_16 : i32 to vector<16xi32>
    %broadcast_in_dim3A_18 = arith.constant 8 : i32
    %broadcast_in_dim3A_19 = vector.broadcast %broadcast_in_dim3A_18 : i32 to vector<16xi32>
    %broadcast_in_dim3A_20 = arith.constant 0.000000e+00 : f32
    %broadcast_in_dim3A_21 = vector.broadcast %broadcast_in_dim3A_20 : f32 to vector<16xf32>
    %scan3A = arith.constant 0 : i32
    %scan3A_22 = arith.constant 4 : i32
    %scan3A_23 = arith.addi %scan3A, %scan3A_22 : i32
    %scan3A_24 = arith.constant 1 : i32
    %scan3A_25 = scf.for %scan3A_28 = %scan3A to %scan3A_23 step %scan3A_24 iter_args(%scan3A_29 = %broadcast_in_dim3A_21) -> (vector<16xf32>)  : i32 {
      %mul3A_30 = arith.constant 784 : i32
      %mul3A_31 = arith.muli %scan3A_28, %mul3A_30 : i32
      %add3A_32 = arith.addi %mul3A_2, %mul3A_31 : i32
      %run_scoped3A = arith.constant 0 : i32
      "tpu.region"() ({
        %run_scoped3A_40 = tpu.sem_alloc : memref<!tpu.dma_semaphore, #tpu.memory_space<semaphore_mem>>
        %dma_start3A = arith.constant 0 : i32
        %dma_start3A_41 = tpu.memref_slice %arg2[%run_scoped3A, %add3A_32, %dma_start3A] : memref<2x100352x16xf32, #tpu.memory_space<hbm>> -> memref<1x784x16xf32, #tpu.memory_space<hbm>>
        %dma_start3A_42 = tpu.memref_squeeze %dma_start3A_41 : memref<1x784x16xf32, #tpu.memory_space<hbm>> -> memref<784x16xf32, #tpu.memory_space<hbm>>
        %dma_start3A_43 = arith.constant 0 : i32
        %dma_start3A_44 = tpu.memref_slice %arg2[%run_scoped3A, %add3A_32, %dma_start3A_43] : memref<2x100352x16xf32, #tpu.memory_space<hbm>> -> memref<1x784x16xf32, #tpu.memory_space<hbm>>
        %dma_start3A_45 = tpu.memref_squeeze %dma_start3A_44 : memref<1x784x16xf32, #tpu.memory_space<hbm>> -> memref<784x16xf32, #tpu.memory_space<hbm>>
        tpu.enqueue_dma source(%dma_start3A_45 : memref<784x16xf32, #tpu.memory_space<hbm>>) target(%arg4 : memref<784x16xf32, #tpu.memory_space<vmem>>) target_semaphore(%run_scoped3A_40 : memref<!tpu.dma_semaphore, #tpu.memory_space<semaphore_mem>>)
        %dma_wait3A = arith.constant 0 : i32
        %dma_wait3A_46 = tpu.memref_slice %arg2[%run_scoped3A, %add3A_32, %dma_wait3A] : memref<2x100352x16xf32, #tpu.memory_space<hbm>> -> memref<1x784x16xf32, #tpu.memory_space<hbm>>
        %dma_wait3A_47 = tpu.memref_squeeze %dma_wait3A_46 : memref<1x784x16xf32, #tpu.memory_space<hbm>> -> memref<784x16xf32, #tpu.memory_space<hbm>>
        %dma_wait3A_48 = arith.constant 0 : i32
        %dma_wait3A_49 = tpu.memref_slice %arg2[%run_scoped3A, %add3A_32, %dma_wait3A_48] : memref<2x100352x16xf32, #tpu.memory_space<hbm>> -> memref<1x784x16xf32, #tpu.memory_space<hbm>>
        %dma_wait3A_50 = tpu.memref_squeeze %dma_wait3A_49 : memref<1x784x16xf32, #tpu.memory_space<hbm>> -> memref<784x16xf32, #tpu.memory_space<hbm>>
        tpu.wait_dma2 semaphore(%run_scoped3A_40 : memref<!tpu.dma_semaphore, #tpu.memory_space<semaphore_mem>>) src(%dma_wait3A_50 : memref<784x16xf32, #tpu.memory_space<hbm>>) dst(%arg4 : memref<784x16xf32, #tpu.memory_space<vmem>>)
        tpu.yield
      }) : () -> ()
      %mul3A_33 = arith.constant 784 : i32
      %mul3A_34 = arith.muli %scan3A_28, %mul3A_33 : i32
      %add3A_35 = arith.addi %mul3A_2, %mul3A_34 : i32
      %run_scoped3A_36 = arith.constant 1 : i32
      "tpu.region"() ({
        %run_scoped3A_40 = tpu.sem_alloc : memref<!tpu.dma_semaphore, #tpu.memory_space<semaphore_mem>>
        %dma_start3A = arith.constant 0 : i32
        %dma_start3A_41 = tpu.memref_slice %arg2[%run_scoped3A_36, %add3A_35, %dma_start3A] : memref<2x100352x16xf32, #tpu.memory_space<hbm>> -> memref<1x784x16xf32, #tpu.memory_space<hbm>>
        %dma_start3A_42 = tpu.memref_squeeze %dma_start3A_41 : memref<1x784x16xf32, #tpu.memory_space<hbm>> -> memref<784x16xf32, #tpu.memory_space<hbm>>
        %dma_start3A_43 = arith.constant 0 : i32
        %dma_start3A_44 = tpu.memref_slice %arg2[%run_scoped3A_36, %add3A_35, %dma_start3A_43] : memref<2x100352x16xf32, #tpu.memory_space<hbm>> -> memref<1x784x16xf32, #tpu.memory_space<hbm>>
        %dma_start3A_45 = tpu.memref_squeeze %dma_start3A_44 : memref<1x784x16xf32, #tpu.memory_space<hbm>> -> memref<784x16xf32, #tpu.memory_space<hbm>>
        tpu.enqueue_dma source(%dma_start3A_45 : memref<784x16xf32, #tpu.memory_space<hbm>>) target(%arg5 : memref<784x16xf32, #tpu.memory_space<vmem>>) target_semaphore(%run_scoped3A_40 : memref<!tpu.dma_semaphore, #tpu.memory_space<semaphore_mem>>)
        %dma_wait3A = arith.constant 0 : i32
        %dma_wait3A_46 = tpu.memref_slice %arg2[%run_scoped3A_36, %add3A_35, %dma_wait3A] : memref<2x100352x16xf32, #tpu.memory_space<hbm>> -> memref<1x784x16xf32, #tpu.memory_space<hbm>>
        %dma_wait3A_47 = tpu.memref_squeeze %dma_wait3A_46 : memref<1x784x16xf32, #tpu.memory_space<hbm>> -> memref<784x16xf32, #tpu.memory_space<hbm>>
        %dma_wait3A_48 = arith.constant 0 : i32
        %dma_wait3A_49 = tpu.memref_slice %arg2[%run_scoped3A_36, %add3A_35, %dma_wait3A_48] : memref<2x100352x16xf32, #tpu.memory_space<hbm>> -> memref<1x784x16xf32, #tpu.memory_space<hbm>>
        %dma_wait3A_50 = tpu.memref_squeeze %dma_wait3A_49 : memref<1x784x16xf32, #tpu.memory_space<hbm>> -> memref<784x16xf32, #tpu.memory_space<hbm>>
        tpu.wait_dma2 semaphore(%run_scoped3A_40 : memref<!tpu.dma_semaphore, #tpu.memory_space<semaphore_mem>>) src(%dma_wait3A_50 : memref<784x16xf32, #tpu.memory_space<hbm>>) dst(%arg5 : memref<784x16xf32, #tpu.memory_space<vmem>>)
        tpu.yield
      }) : () -> ()
      %parallel_loop3A = arith.constant 0 : i32
      %parallel_loop3A_37 = arith.constant 49 : i32
      %parallel_loop3A_38 = arith.constant 1 : i32
      %parallel_loop3A_39 = scf.for %parallel_loop3A_40 = %parallel_loop3A to %parallel_loop3A_37 step %parallel_loop3A_38 iter_args(%parallel_loop3A_41 = %scan3A_29) -> (vector<16xf32>)  : i32 {
        %parallel_loop3A_42 = arith.constant 16 : i32
        %parallel_loop3A_43 = arith.muli %parallel_loop3A_40, %parallel_loop3A_42 : i32
        %parallel_loop3A_44 = vector.broadcast %parallel_loop3A_43 : i32 to vector<16xi32>
        %parallel_loop3A_45 = arith.addi %parallel_loop3A_44, %iota3A : vector<16xi32>
        %parallel_loop3A_46 = tpu.vector_load_idx %arg4[%parallel_loop3A_45, %broadcast_in_dim3A_3] : memref<784x16xf32, #tpu.memory_space<vmem>>[vector<16xi32>, vector<16xi32>], vector<16xf32>,
        %parallel_loop3A_47 = tpu.vector_load_idx %arg5[%parallel_loop3A_45, %broadcast_in_dim3A_3] : memref<784x16xf32, #tpu.memory_space<vmem>>[vector<16xi32>, vector<16xi32>], vector<16xf32>,
        %parallel_loop3A_48 = arith.addf %parallel_loop3A_46, %parallel_loop3A_47 : vector<16xf32>
        %parallel_loop3A_49 = tpu.vector_load_idx %arg4[%parallel_loop3A_45, %broadcast_in_dim3A_5] : memref<784x16xf32, #tpu.memory_space<vmem>>[vector<16xi32>, vector<16xi32>], vector<16xf32>,
        %parallel_loop3A_50 = tpu.vector_load_idx %arg5[%parallel_loop3A_45, %broadcast_in_dim3A_5] : memref<784x16xf32, #tpu.memory_space<vmem>>[vector<16xi32>, vector<16xi32>], vector<16xf32>,
        %parallel_loop3A_51 = arith.addf %parallel_loop3A_49, %parallel_loop3A_50 : vector<16xf32>
        %parallel_loop3A_52 = tpu.vector_load_idx %arg4[%parallel_loop3A_45, %broadcast_in_dim3A_7] : memref<784x16xf32, #tpu.memory_space<vmem>>[vector<16xi32>, vector<16xi32>], vector<16xf32>,
        %parallel_loop3A_53 = tpu.vector_load_idx %arg5[%parallel_loop3A_45, %broadcast_in_dim3A_7] : memref<784x16xf32, #tpu.memory_space<vmem>>[vector<16xi32>, vector<16xi32>], vector<16xf32>,
        %parallel_loop3A_54 = arith.addf %parallel_loop3A_52, %parallel_loop3A_53 : vector<16xf32>
        %parallel_loop3A_55 = tpu.vector_load_idx %arg4[%parallel_loop3A_45, %broadcast_in_dim3A_9] : memref<784x16xf32, #tpu.memory_space<vmem>>[vector<16xi32>, vector<16xi32>], vector<16xf32>,
        %parallel_loop3A_56 = tpu.vector_load_idx %arg5[%parallel_loop3A_45, %broadcast_in_dim3A_9] : memref<784x16xf32, #tpu.memory_space<vmem>>[vector<16xi32>, vector<16xi32>], vector<16xf32>,
        %parallel_loop3A_57 = arith.addf %parallel_loop3A_55, %parallel_loop3A_56 : vector<16xf32>
        %parallel_loop3A_58 = tpu.vector_load_idx %arg4[%parallel_loop3A_45, %broadcast_in_dim3A_11] : memref<784x16xf32, #tpu.memory_space<vmem>>[vector<16xi32>, vector<16xi32>], vector<16xf32>,
        %parallel_loop3A_59 = tpu.vector_load_idx %arg5[%parallel_loop3A_45, %broadcast_in_dim3A_11] : memref<784x16xf32, #tpu.memory_space<vmem>>[vector<16xi32>, vector<16xi32>], vector<16xf32>,
        %parallel_loop3A_60 = arith.addf %parallel_loop3A_58, %parallel_loop3A_59 : vector<16xf32>
        %parallel_loop3A_61 = tpu.vector_load_idx %arg4[%parallel_loop3A_45, %broadcast_in_dim3A_13] : memref<784x16xf32, #tpu.memory_space<vmem>>[vector<16xi32>, vector<16xi32>], vector<16xf32>,
        %parallel_loop3A_62 = tpu.vector_load_idx %arg5[%parallel_loop3A_45, %broadcast_in_dim3A_13] : memref<784x16xf32, #tpu.memory_space<vmem>>[vector<16xi32>, vector<16xi32>], vector<16xf32>,
        %parallel_loop3A_63 = arith.addf %parallel_loop3A_61, %parallel_loop3A_62 : vector<16xf32>
        %parallel_loop3A_64 = tpu.vector_load_idx %arg4[%parallel_loop3A_45, %broadcast_in_dim3A_15] : memref<784x16xf32, #tpu.memory_space<vmem>>[vector<16xi32>, vector<16xi32>], vector<16xf32>,
        %parallel_loop3A_65 = tpu.vector_load_idx %arg5[%parallel_loop3A_45, %broadcast_in_dim3A_15] : memref<784x16xf32, #tpu.memory_space<vmem>>[vector<16xi32>, vector<16xi32>], vector<16xf32>,
        %parallel_loop3A_66 = arith.addf %parallel_loop3A_64, %parallel_loop3A_65 : vector<16xf32>
        %parallel_loop3A_67 = tpu.vector_load_idx %arg4[%parallel_loop3A_45, %broadcast_in_dim3A_17] : memref<784x16xf32, #tpu.memory_space<vmem>>[vector<16xi32>, vector<16xi32>], vector<16xf32>,
        %parallel_loop3A_68 = tpu.vector_load_idx %arg5[%parallel_loop3A_45, %broadcast_in_dim3A_17] : memref<784x16xf32, #tpu.memory_space<vmem>>[vector<16xi32>, vector<16xi32>], vector<16xf32>,
        %parallel_loop3A_69 = arith.addf %parallel_loop3A_67, %parallel_loop3A_68 : vector<16xf32>
        %parallel_loop3A_70 = tpu.vector_load_idx %arg4[%parallel_loop3A_45, %broadcast_in_dim3A_19] : memref<784x16xf32, #tpu.memory_space<vmem>>[vector<16xi32>, vector<16xi32>], vector<16xf32>,
        %parallel_loop3A_71 = tpu.vector_load_idx %arg5[%parallel_loop3A_45, %broadcast_in_dim3A_19] : memref<784x16xf32, #tpu.memory_space<vmem>>[vector<16xi32>, vector<16xi32>], vector<16xf32>,
        %parallel_loop3A_72 = arith.addf %parallel_loop3A_70, %parallel_loop3A_71 : vector<16xf32>
        %parallel_loop3A_73 = math.absf %parallel_loop3A_48 : vector<16xf32>
        %parallel_loop3A_74 = math.absf %parallel_loop3A_51 : vector<16xf32>
        %parallel_loop3A_75 = arith.maximumf %parallel_loop3A_73, %parallel_loop3A_74 : vector<16xf32>
        %parallel_loop3A_76 = math.absf %parallel_loop3A_54 : vector<16xf32>
        %parallel_loop3A_77 = arith.maximumf %parallel_loop3A_75, %parallel_loop3A_76 : vector<16xf32>
        %parallel_loop3A_78 = math.absf %parallel_loop3A_57 : vector<16xf32>
        %parallel_loop3A_79 = arith.maximumf %parallel_loop3A_77, %parallel_loop3A_78 : vector<16xf32>
        %parallel_loop3A_80 = math.absf %parallel_loop3A_60 : vector<16xf32>
        %parallel_loop3A_81 = arith.maximumf %parallel_loop3A_79, %parallel_loop3A_80 : vector<16xf32>
        %parallel_loop3A_82 = math.absf %parallel_loop3A_63 : vector<16xf32>
        %parallel_loop3A_83 = arith.maximumf %parallel_loop3A_81, %parallel_loop3A_82 : vector<16xf32>
        %parallel_loop3A_84 = math.absf %parallel_loop3A_66 : vector<16xf32>
        %parallel_loop3A_85 = arith.maximumf %parallel_loop3A_83, %parallel_loop3A_84 : vector<16xf32>
        %parallel_loop3A_86 = math.absf %parallel_loop3A_69 : vector<16xf32>
        %parallel_loop3A_87 = arith.maximumf %parallel_loop3A_85, %parallel_loop3A_86 : vector<16xf32>
        %parallel_loop3A_88 = math.absf %parallel_loop3A_72 : vector<16xf32>
        %parallel_loop3A_89 = arith.maximumf %parallel_loop3A_87, %parallel_loop3A_88 : vector<16xf32>
        %parallel_loop3A_90 = arith.constant 4.000000e+00 : f32
        %parallel_loop3A_91 = vector.broadcast %parallel_loop3A_90 : f32 to vector<16xf32>
        %parallel_loop3A_92 = arith.mulf %parallel_loop3A_91, %parallel_loop3A_89 : vector<16xf32>
        %parallel_loop3A_93 = arith.constant 1.000000e-35 : f32
        %parallel_loop3A_94 = vector.broadcast %parallel_loop3A_93 : f32 to vector<16xf32>
        %parallel_loop3A_95 = arith.addf %parallel_loop3A_92, %parallel_loop3A_94 : vector<16xf32>
        %parallel_loop3A_96 = arith.constant 1.000000e+00 : f32
        %parallel_loop3A_97 = vector.broadcast %parallel_loop3A_96 : f32 to vector<16xf32>
        %parallel_loop3A_98 = arith.divf %parallel_loop3A_97, %parallel_loop3A_95 : vector<16xf32>
        %parallel_loop3A_99 = arith.mulf %parallel_loop3A_48, %parallel_loop3A_98 : vector<16xf32>
        %parallel_loop3A_100 = arith.mulf %parallel_loop3A_51, %parallel_loop3A_98 : vector<16xf32>
        %parallel_loop3A_101 = arith.mulf %parallel_loop3A_54, %parallel_loop3A_98 : vector<16xf32>
        %parallel_loop3A_102 = arith.mulf %parallel_loop3A_57, %parallel_loop3A_98 : vector<16xf32>
        %parallel_loop3A_103 = arith.mulf %parallel_loop3A_60, %parallel_loop3A_98 : vector<16xf32>
        %parallel_loop3A_104 = arith.mulf %parallel_loop3A_63, %parallel_loop3A_98 : vector<16xf32>
        %parallel_loop3A_105 = arith.mulf %parallel_loop3A_66, %parallel_loop3A_98 : vector<16xf32>
        %parallel_loop3A_106 = arith.mulf %parallel_loop3A_69, %parallel_loop3A_98 : vector<16xf32>
        %parallel_loop3A_107 = arith.mulf %parallel_loop3A_72, %parallel_loop3A_98 : vector<16xf32>
        %parallel_loop3A_108 = arith.constant 0 : i32
        %parallel_loop3A_109 = arith.constant 20 : i32
        %parallel_loop3A_110 = arith.addi %parallel_loop3A_108, %parallel_loop3A_109 : i32
        %parallel_loop3A_111 = arith.constant 1 : i32
        %parallel_loop3A_112:9 = scf.for %scan3A_161 = %parallel_loop3A_108 to %parallel_loop3A_110 step %parallel_loop3A_111 iter_args(%scan3A_162 = %parallel_loop3A_99, %scan3A_163 = %parallel_loop3A_100, %scan3A_164 = %parallel_loop3A_101, %scan3A_165 = %parallel_loop3A_102, %scan3A_166 = %parallel_loop3A_103, %scan3A_167 = %parallel_loop3A_104, %scan3A_168 = %parallel_loop3A_105, %scan3A_169 = %parallel_loop3A_106, %scan3A_170 = %parallel_loop3A_107) -> (vector<16xf32>, vector<16xf32>, vector<16xf32>, vector<16xf32>, vector<16xf32>, vector<16xf32>, vector<16xf32>, vector<16xf32>, vector<16xf32>)  : i32 {
          %parallel_loop3A_171 = arith.mulf %scan3A_162, %scan3A_162 : vector<16xf32>
          %parallel_loop3A_172 = arith.mulf %scan3A_165, %scan3A_165 : vector<16xf32>
          %parallel_loop3A_173 = arith.addf %parallel_loop3A_171, %parallel_loop3A_172 : vector<16xf32>
          %parallel_loop3A_174 = arith.mulf %scan3A_168, %scan3A_168 : vector<16xf32>
          %parallel_loop3A_175 = arith.addf %parallel_loop3A_173, %parallel_loop3A_174 : vector<16xf32>
          %parallel_loop3A_176 = arith.mulf %scan3A_162, %scan3A_163 : vector<16xf32>
          %parallel_loop3A_177 = arith.mulf %scan3A_165, %scan3A_166 : vector<16xf32>
          %parallel_loop3A_178 = arith.addf %parallel_loop3A_176, %parallel_loop3A_177 : vector<16xf32>
          %parallel_loop3A_179 = arith.mulf %scan3A_168, %scan3A_169 : vector<16xf32>
          %parallel_loop3A_180 = arith.addf %parallel_loop3A_178, %parallel_loop3A_179 : vector<16xf32>
          %parallel_loop3A_181 = arith.mulf %scan3A_162, %scan3A_164 : vector<16xf32>
          %parallel_loop3A_182 = arith.mulf %scan3A_165, %scan3A_167 : vector<16xf32>
          %parallel_loop3A_183 = arith.addf %parallel_loop3A_181, %parallel_loop3A_182 : vector<16xf32>
          %parallel_loop3A_184 = arith.mulf %scan3A_168, %scan3A_170 : vector<16xf32>
          %parallel_loop3A_185 = arith.addf %parallel_loop3A_183, %parallel_loop3A_184 : vector<16xf32>
          %parallel_loop3A_186 = arith.mulf %scan3A_163, %scan3A_163 : vector<16xf32>
          %parallel_loop3A_187 = arith.mulf %scan3A_166, %scan3A_166 : vector<16xf32>
          %parallel_loop3A_188 = arith.addf %parallel_loop3A_186, %parallel_loop3A_187 : vector<16xf32>
          %parallel_loop3A_189 = arith.mulf %scan3A_169, %scan3A_169 : vector<16xf32>
          %parallel_loop3A_190 = arith.addf %parallel_loop3A_188, %parallel_loop3A_189 : vector<16xf32>
          %parallel_loop3A_191 = arith.mulf %scan3A_163, %scan3A_164 : vector<16xf32>
          %parallel_loop3A_192 = arith.mulf %scan3A_166, %scan3A_167 : vector<16xf32>
          %parallel_loop3A_193 = arith.addf %parallel_loop3A_191, %parallel_loop3A_192 : vector<16xf32>
          %parallel_loop3A_194 = arith.mulf %scan3A_169, %scan3A_170 : vector<16xf32>
          %parallel_loop3A_195 = arith.addf %parallel_loop3A_193, %parallel_loop3A_194 : vector<16xf32>
          %parallel_loop3A_196 = arith.mulf %scan3A_164, %scan3A_164 : vector<16xf32>
          %parallel_loop3A_197 = arith.mulf %scan3A_167, %scan3A_167 : vector<16xf32>
          %parallel_loop3A_198 = arith.addf %parallel_loop3A_196, %parallel_loop3A_197 : vector<16xf32>
          %parallel_loop3A_199 = arith.mulf %scan3A_170, %scan3A_170 : vector<16xf32>
          %parallel_loop3A_200 = arith.addf %parallel_loop3A_198, %parallel_loop3A_199 : vector<16xf32>
          %parallel_loop3A_201 = arith.constant 5.000000e-01 : f32
          %parallel_loop3A_202 = vector.broadcast %parallel_loop3A_201 : f32 to vector<16xf32>
          %parallel_loop3A_203 = arith.mulf %parallel_loop3A_202, %parallel_loop3A_175 : vector<16xf32>
          %parallel_loop3A_204 = arith.constant 1.500000e+00 : f32
          %parallel_loop3A_205 = vector.broadcast %parallel_loop3A_204 : f32 to vector<16xf32>
          %parallel_loop3A_206 = arith.subf %parallel_loop3A_205, %parallel_loop3A_203 : vector<16xf32>
          %parallel_loop3A_207 = arith.constant -5.000000e-01 : f32
          %parallel_loop3A_208 = vector.broadcast %parallel_loop3A_207 : f32 to vector<16xf32>
          %parallel_loop3A_209 = arith.mulf %parallel_loop3A_208, %parallel_loop3A_180 : vector<16xf32>
          %parallel_loop3A_210 = arith.constant -5.000000e-01 : f32
          %parallel_loop3A_211 = vector.broadcast %parallel_loop3A_210 : f32 to vector<16xf32>
          %parallel_loop3A_212 = arith.mulf %parallel_loop3A_211, %parallel_loop3A_185 : vector<16xf32>
          %parallel_loop3A_213 = arith.constant 5.000000e-01 : f32
          %parallel_loop3A_214 = vector.broadcast %parallel_loop3A_213 : f32 to vector<16xf32>
          %parallel_loop3A_215 = arith.mulf %parallel_loop3A_214, %parallel_loop3A_190 : vector<16xf32>
          %parallel_loop3A_216 = arith.constant 1.500000e+00 : f32
          %parallel_loop3A_217 = vector.broadcast %parallel_loop3A_216 : f32 to vector<16xf32>
          %parallel_loop3A_218 = arith.subf %parallel_loop3A_217, %parallel_loop3A_215 : vector<16xf32>
          %parallel_loop3A_219 = arith.constant -5.000000e-01 : f32
          %parallel_loop3A_220 = vector.broadcast %parallel_loop3A_219 : f32 to vector<16xf32>
          %parallel_loop3A_221 = arith.mulf %parallel_loop3A_220, %parallel_loop3A_195 : vector<16xf32>
          %parallel_loop3A_222 = arith.constant 5.000000e-01 : f32
          %parallel_loop3A_223 = vector.broadcast %parallel_loop3A_222 : f32 to vector<16xf32>
          %parallel_loop3A_224 = arith.mulf %parallel_loop3A_223, %parallel_loop3A_200 : vector<16xf32>
          %parallel_loop3A_225 = arith.constant 1.500000e+00 : f32
          %parallel_loop3A_226 = vector.broadcast %parallel_loop3A_225 : f32 to vector<16xf32>
          %parallel_loop3A_227 = arith.subf %parallel_loop3A_226, %parallel_loop3A_224 : vector<16xf32>
          %parallel_loop3A_228 = arith.mulf %scan3A_162, %parallel_loop3A_206 : vector<16xf32>
          %parallel_loop3A_229 = arith.mulf %scan3A_163, %parallel_loop3A_209 : vector<16xf32>
          %parallel_loop3A_230 = arith.addf %parallel_loop3A_228, %parallel_loop3A_229 : vector<16xf32>
          %parallel_loop3A_231 = arith.mulf %scan3A_164, %parallel_loop3A_212 : vector<16xf32>
          %parallel_loop3A_232 = arith.addf %parallel_loop3A_230, %parallel_loop3A_231 : vector<16xf32>
          %parallel_loop3A_233 = arith.mulf %scan3A_162, %parallel_loop3A_209 : vector<16xf32>
          %parallel_loop3A_234 = arith.mulf %scan3A_163, %parallel_loop3A_218 : vector<16xf32>
          %parallel_loop3A_235 = arith.addf %parallel_loop3A_233, %parallel_loop3A_234 : vector<16xf32>
          %parallel_loop3A_236 = arith.mulf %scan3A_164, %parallel_loop3A_221 : vector<16xf32>
          %parallel_loop3A_237 = arith.addf %parallel_loop3A_235, %parallel_loop3A_236 : vector<16xf32>
          %parallel_loop3A_238 = arith.mulf %scan3A_162, %parallel_loop3A_212 : vector<16xf32>
          %parallel_loop3A_239 = arith.mulf %scan3A_163, %parallel_loop3A_221 : vector<16xf32>
          %parallel_loop3A_240 = arith.addf %parallel_loop3A_238, %parallel_loop3A_239 : vector<16xf32>
          %parallel_loop3A_241 = arith.mulf %scan3A_164, %parallel_loop3A_227 : vector<16xf32>
          %parallel_loop3A_242 = arith.addf %parallel_loop3A_240, %parallel_loop3A_241 : vector<16xf32>
          %parallel_loop3A_243 = arith.mulf %scan3A_165, %parallel_loop3A_206 : vector<16xf32>
          %parallel_loop3A_244 = arith.mulf %scan3A_166, %parallel_loop3A_209 : vector<16xf32>
          %parallel_loop3A_245 = arith.addf %parallel_loop3A_243, %parallel_loop3A_244 : vector<16xf32>
          %parallel_loop3A_246 = arith.mulf %scan3A_167, %parallel_loop3A_212 : vector<16xf32>
          %parallel_loop3A_247 = arith.addf %parallel_loop3A_245, %parallel_loop3A_246 : vector<16xf32>
          %parallel_loop3A_248 = arith.mulf %scan3A_165, %parallel_loop3A_209 : vector<16xf32>
          %parallel_loop3A_249 = arith.mulf %scan3A_166, %parallel_loop3A_218 : vector<16xf32>
          %parallel_loop3A_250 = arith.addf %parallel_loop3A_248, %parallel_loop3A_249 : vector<16xf32>
          %parallel_loop3A_251 = arith.mulf %scan3A_167, %parallel_loop3A_221 : vector<16xf32>
          %parallel_loop3A_252 = arith.addf %parallel_loop3A_250, %parallel_loop3A_251 : vector<16xf32>
          %parallel_loop3A_253 = arith.mulf %scan3A_165, %parallel_loop3A_212 : vector<16xf32>
          %parallel_loop3A_254 = arith.mulf %scan3A_166, %parallel_loop3A_221 : vector<16xf32>
          %parallel_loop3A_255 = arith.addf %parallel_loop3A_253, %parallel_loop3A_254 : vector<16xf32>
          %parallel_loop3A_256 = arith.mulf %scan3A_167, %parallel_loop3A_227 : vector<16xf32>
          %parallel_loop3A_257 = arith.addf %parallel_loop3A_255, %parallel_loop3A_256 : vector<16xf32>
          %parallel_loop3A_258 = arith.mulf %scan3A_168, %parallel_loop3A_206 : vector<16xf32>
          %parallel_loop3A_259 = arith.mulf %scan3A_169, %parallel_loop3A_209 : vector<16xf32>
          %parallel_loop3A_260 = arith.addf %parallel_loop3A_258, %parallel_loop3A_259 : vector<16xf32>
          %parallel_loop3A_261 = arith.mulf %scan3A_170, %parallel_loop3A_212 : vector<16xf32>
          %parallel_loop3A_262 = arith.addf %parallel_loop3A_260, %parallel_loop3A_261 : vector<16xf32>
          %parallel_loop3A_263 = arith.mulf %scan3A_168, %parallel_loop3A_209 : vector<16xf32>
          %parallel_loop3A_264 = arith.mulf %scan3A_169, %parallel_loop3A_218 : vector<16xf32>
          %parallel_loop3A_265 = arith.addf %parallel_loop3A_263, %parallel_loop3A_264 : vector<16xf32>
          %parallel_loop3A_266 = arith.mulf %scan3A_170, %parallel_loop3A_221 : vector<16xf32>
          %parallel_loop3A_267 = arith.addf %parallel_loop3A_265, %parallel_loop3A_266 : vector<16xf32>
          %parallel_loop3A_268 = arith.mulf %scan3A_168, %parallel_loop3A_212 : vector<16xf32>
          %parallel_loop3A_269 = arith.mulf %scan3A_169, %parallel_loop3A_221 : vector<16xf32>
          %parallel_loop3A_270 = arith.addf %parallel_loop3A_268, %parallel_loop3A_269 : vector<16xf32>
          %parallel_loop3A_271 = arith.mulf %scan3A_170, %parallel_loop3A_227 : vector<16xf32>
          %parallel_loop3A_272 = arith.addf %parallel_loop3A_270, %parallel_loop3A_271 : vector<16xf32>
          scf.yield %parallel_loop3A_232, %parallel_loop3A_237, %parallel_loop3A_242, %parallel_loop3A_247, %parallel_loop3A_252, %parallel_loop3A_257, %parallel_loop3A_262, %parallel_loop3A_267, %parallel_loop3A_272 : vector<16xf32>, vector<16xf32>, vector<16xf32>, vector<16xf32>, vector<16xf32>, vector<16xf32>, vector<16xf32>, vector<16xf32>, vector<16xf32>
        }
        %parallel_loop3A_113 = arith.constant 20 : i32
        %parallel_loop3A_114 = arith.mulf %parallel_loop3A_112#4, %parallel_loop3A_112#8 : vector<16xf32>
        %parallel_loop3A_115 = arith.mulf %parallel_loop3A_112#5, %parallel_loop3A_112#7 : vector<16xf32>
        %parallel_loop3A_116 = arith.subf %parallel_loop3A_114, %parallel_loop3A_115 : vector<16xf32>
        %parallel_loop3A_117 = arith.mulf %parallel_loop3A_112#0, %parallel_loop3A_116 : vector<16xf32>
        %parallel_loop3A_118 = arith.mulf %parallel_loop3A_112#3, %parallel_loop3A_112#8 : vector<16xf32>
        %parallel_loop3A_119 = arith.mulf %parallel_loop3A_112#5, %parallel_loop3A_112#6 : vector<16xf32>
        %parallel_loop3A_120 = arith.subf %parallel_loop3A_118, %parallel_loop3A_119 : vector<16xf32>
        %parallel_loop3A_121 = arith.mulf %parallel_loop3A_112#1, %parallel_loop3A_120 : vector<16xf32>
        %parallel_loop3A_122 = arith.subf %parallel_loop3A_117, %parallel_loop3A_121 : vector<16xf32>
        %parallel_loop3A_123 = arith.mulf %parallel_loop3A_112#3, %parallel_loop3A_112#7 : vector<16xf32>
        %parallel_loop3A_124 = arith.mulf %parallel_loop3A_112#4, %parallel_loop3A_112#6 : vector<16xf32>
        %parallel_loop3A_125 = arith.subf %parallel_loop3A_123, %parallel_loop3A_124 : vector<16xf32>
        %parallel_loop3A_126 = arith.mulf %parallel_loop3A_112#2, %parallel_loop3A_125 : vector<16xf32>
        %parallel_loop3A_127 = arith.addf %parallel_loop3A_122, %parallel_loop3A_126 : vector<16xf32>
        %parallel_loop3A_128 = arith.constant 0.000000e+00 : f32
        %parallel_loop3A_129 = vector.broadcast %parallel_loop3A_128 : f32 to vector<16xf32>
        %parallel_loop3A_130 = arith.cmpf olt, %parallel_loop3A_127, %parallel_loop3A_129 : vector<16xf32>
        %parallel_loop3A_131 = arith.constant 0.000000e+00 : f32
        %parallel_loop3A_132 = vector.broadcast %parallel_loop3A_131 : f32 to vector<16xf32>
        %parallel_loop3A_133 = arith.subf %parallel_loop3A_132, %parallel_loop3A_112#0 : vector<16xf32>
        %parallel_loop3A_134 = arith.select %parallel_loop3A_130, %parallel_loop3A_133, %parallel_loop3A_112#0 : vector<16xi1>, vector<16xf32>
        %parallel_loop3A_135 = arith.constant 0.000000e+00 : f32
        %parallel_loop3A_136 = vector.broadcast %parallel_loop3A_135 : f32 to vector<16xf32>
        %parallel_loop3A_137 = arith.subf %parallel_loop3A_136, %parallel_loop3A_112#3 : vector<16xf32>
        %parallel_loop3A_138 = arith.select %parallel_loop3A_130, %parallel_loop3A_137, %parallel_loop3A_112#3 : vector<16xi1>, vector<16xf32>
        %parallel_loop3A_139 = arith.constant 0.000000e+00 : f32
        %parallel_loop3A_140 = vector.broadcast %parallel_loop3A_139 : f32 to vector<16xf32>
        %parallel_loop3A_141 = arith.subf %parallel_loop3A_140, %parallel_loop3A_112#6 : vector<16xf32>
        %parallel_loop3A_142 = arith.select %parallel_loop3A_130, %parallel_loop3A_141, %parallel_loop3A_112#6 : vector<16xi1>, vector<16xf32>
        %parallel_loop3A_143 = arith.mulf %parallel_loop3A_134, %parallel_loop3A_48 : vector<16xf32>
        %parallel_loop3A_144 = arith.mulf %parallel_loop3A_112#1, %parallel_loop3A_51 : vector<16xf32>
        %parallel_loop3A_145 = arith.addf %parallel_loop3A_143, %parallel_loop3A_144 : vector<16xf32>
        %parallel_loop3A_146 = arith.mulf %parallel_loop3A_112#2, %parallel_loop3A_54 : vector<16xf32>
        %parallel_loop3A_147 = arith.addf %parallel_loop3A_145, %parallel_loop3A_146 : vector<16xf32>
        %parallel_loop3A_148 = arith.mulf %parallel_loop3A_138, %parallel_loop3A_57 : vector<16xf32>
        %parallel_loop3A_149 = arith.addf %parallel_loop3A_147, %parallel_loop3A_148 : vector<16xf32>
        %parallel_loop3A_150 = arith.mulf %parallel_loop3A_112#4, %parallel_loop3A_60 : vector<16xf32>
        %parallel_loop3A_151 = arith.addf %parallel_loop3A_149, %parallel_loop3A_150 : vector<16xf32>
        %parallel_loop3A_152 = arith.mulf %parallel_loop3A_112#5, %parallel_loop3A_63 : vector<16xf32>
        %parallel_loop3A_153 = arith.addf %parallel_loop3A_151, %parallel_loop3A_152 : vector<16xf32>
        %parallel_loop3A_154 = arith.mulf %parallel_loop3A_142, %parallel_loop3A_66 : vector<16xf32>
        %parallel_loop3A_155 = arith.addf %parallel_loop3A_153, %parallel_loop3A_154 : vector<16xf32>
        %parallel_loop3A_156 = arith.mulf %parallel_loop3A_112#7, %parallel_loop3A_69 : vector<16xf32>
        %parallel_loop3A_157 = arith.addf %parallel_loop3A_155, %parallel_loop3A_156 : vector<16xf32>
        %parallel_loop3A_158 = arith.mulf %parallel_loop3A_112#8, %parallel_loop3A_72 : vector<16xf32>
        %parallel_loop3A_159 = arith.addf %parallel_loop3A_157, %parallel_loop3A_158 : vector<16xf32>
        %parallel_loop3A_160 = arith.addf %parallel_loop3A_41, %parallel_loop3A_159 : vector<16xf32>
        scf.yield %parallel_loop3A_160 : vector<16xf32>
      } {sc.loop_unroll_factor = 2 : i64, sc.parallel_access}
      scf.yield %parallel_loop3A_39 : vector<16xf32>
    }
    %scan3A_26 = arith.constant 4 : i32
    %swap3A = arith.constant 0 : index
    %swap3A_27 = tpu.vector_load %arg6[%swap3A] {strides = array<i32>} : memref<16xf32, #tpu.memory_space<vmem>>, vector<16xf32>,
    tpu.vector_store %arg6[%swap3A], %scan3A_25 {strides = array<i32>} : memref<16xf32, #tpu.memory_space<vmem>>, vector<16xf32>,
    "tpu.region"() ({
      %run_scoped3A = tpu.sem_alloc : memref<!tpu.dma_semaphore, #tpu.memory_space<semaphore_mem>>
      %dma_start3A = arith.constant 0 : i32
      %dma_start3A_28 = tpu.memref_slice %arg3[%arg0, %arg1, %dma_start3A] : memref<2x16x16xf32, #tpu.memory_space<hbm>> -> memref<1x1x16xf32, #tpu.memory_space<hbm>>
      %dma_start3A_29 = tpu.memref_squeeze %dma_start3A_28 : memref<1x1x16xf32, #tpu.memory_space<hbm>> -> memref<16xf32, #tpu.memory_space<hbm>>
      %dma_start3A_30 = arith.constant 0 : i32
      %dma_start3A_31 = tpu.memref_slice %arg3[%arg0, %arg1, %dma_start3A_30] : memref<2x16x16xf32, #tpu.memory_space<hbm>> -> memref<1x1x16xf32, #tpu.memory_space<hbm>>
      %dma_start3A_32 = tpu.memref_squeeze %dma_start3A_31 : memref<1x1x16xf32, #tpu.memory_space<hbm>> -> memref<16xf32, #tpu.memory_space<hbm>>
      tpu.enqueue_dma source(%arg6 : memref<16xf32, #tpu.memory_space<vmem>>) target(%dma_start3A_32 : memref<16xf32, #tpu.memory_space<hbm>>) target_semaphore(%run_scoped3A : memref<!tpu.dma_semaphore, #tpu.memory_space<semaphore_mem>>)
      %dma_wait3A = arith.constant 0 : i32
      %dma_wait3A_33 = tpu.memref_slice %arg3[%arg0, %arg1, %dma_wait3A] : memref<2x16x16xf32, #tpu.memory_space<hbm>> -> memref<1x1x16xf32, #tpu.memory_space<hbm>>
      %dma_wait3A_34 = tpu.memref_squeeze %dma_wait3A_33 : memref<1x1x16xf32, #tpu.memory_space<hbm>> -> memref<16xf32, #tpu.memory_space<hbm>>
      %dma_wait3A_35 = arith.constant 0 : i32
      %dma_wait3A_36 = tpu.memref_slice %arg3[%arg0, %arg1, %dma_wait3A_35] : memref<2x16x16xf32, #tpu.memory_space<hbm>> -> memref<1x1x16xf32, #tpu.memory_space<hbm>>
      %dma_wait3A_37 = tpu.memref_squeeze %dma_wait3A_36 : memref<1x1x16xf32, #tpu.memory_space<hbm>> -> memref<16xf32, #tpu.memory_space<hbm>>
      tpu.wait_dma2 semaphore(%run_scoped3A : memref<!tpu.dma_semaphore, #tpu.memory_space<semaphore_mem>>) src(%arg6 : memref<16xf32, #tpu.memory_space<vmem>>) dst(%dma_wait3A_37 : memref<16xf32, #tpu.memory_space<hbm>>)
      tpu.yield
    }) : () -> ()
    return
  }
}

#map = affine_map<(d0, d1) -> (0, 0)>
#map1 = affine_map<(d0, d1) -> (0, 0, 0)>
#map2 = affine_map<(d0, d1) -> (0, 0, 0, 0)>
module attributes {stable_mosaic.version = 14 : i64} {
  func.func @_edge_body(%arg0: i32, %arg1: i32, %arg2: memref<100000x8xf32, #tpu.memory_space<hbm>>, %arg3: memref<25088x128xi32, #tpu.memory_space<hbm>>, %arg4: memref<25088x128xi32, #tpu.memory_space<hbm>>, %arg5: memref<128x16xf32, #tpu.memory_space<hbm>>, %arg6: memref<2x100352x16xf32, #tpu.memory_space<hbm>>, %arg7: memref<2x16x2x16xf32, #tpu.memory_space<hbm>>, %arg8: memref<8x128xi32, #tpu.memory_space<vmem>>, %arg9: memref<8x128xi32, #tpu.memory_space<vmem>>, %arg10: memref<128x8xf32, #tpu.memory_space<vmem>>, %arg11: memref<128x8xf32, #tpu.memory_space<vmem>>, %arg12: memref<128x8xf32, #tpu.memory_space<vmem>>, %arg13: memref<128x8xf32, #tpu.memory_space<vmem>>, %arg14: memref<128x16xf32, #tpu.memory_space<vmem>>, %arg15: memref<128x16xf32, #tpu.memory_space<vmem>>, %arg16: memref<2x16xf32, #tpu.memory_space<vmem>>, %arg17: memref<100352x16xf32, #tpu.memory_space<vmem_shared>>, %arg18: memref<!tpu.dma_semaphore, #tpu.memory_space<semaphore_mem>>, %arg19: memref<!tpu.dma_semaphore, #tpu.memory_space<semaphore_mem>>, %arg20: memref<!tpu.dma_semaphore, #tpu.memory_space<semaphore_mem>>, %arg21: memref<!tpu.dma_semaphore, #tpu.memory_space<semaphore_mem>>) attributes {dimension_semantics = [#tpu.dimension_semantics<core_parallel>, #tpu.dimension_semantics<subcore_parallel>], iteration_bounds = array<i64: 2, 16>, scalar_prefetch = 0 : i64, scratch_operands = 14 : i64, tpu.core_type = #tpu.core_type<sc_vector_subcore>, window_params = [{transform_indices = #map}, {transform_indices = #map}, {transform_indices = #map}, {transform_indices = #map}, {transform_indices = #map1}, {transform_indices = #map2}]} {
    %mul3A = arith.constant 16 : i32
    %mul3A_0 = arith.muli %arg0, %mul3A : i32
    %add3A = arith.addi %mul3A_0, %arg1 : i32
    %iota3A = tpu.iota {dimensions = array<i32: 0>} : vector<16xi32>
    %broadcast_in_dim3A = arith.constant 0.000000e+00 : f32
    %broadcast_in_dim3A_1 = vector.broadcast %broadcast_in_dim3A : f32 to vector<16xf32>
    %broadcast_in_dim3A_2 = arith.constant 0 : i32
    %broadcast_in_dim3A_3 = vector.broadcast %broadcast_in_dim3A_2 : i32 to vector<16xi32>
    %broadcast_in_dim3A_4 = arith.constant 1 : i32
    %broadcast_in_dim3A_5 = vector.broadcast %broadcast_in_dim3A_4 : i32 to vector<16xi32>
    %broadcast_in_dim3A_6 = arith.constant 2 : i32
    %broadcast_in_dim3A_7 = vector.broadcast %broadcast_in_dim3A_6 : i32 to vector<16xi32>
    %broadcast_in_dim3A_8 = arith.constant 3 : i32
    %broadcast_in_dim3A_9 = vector.broadcast %broadcast_in_dim3A_8 : i32 to vector<16xi32>
    %broadcast_in_dim3A_10 = arith.constant 4 : i32
    %broadcast_in_dim3A_11 = vector.broadcast %broadcast_in_dim3A_10 : i32 to vector<16xi32>
    %broadcast_in_dim3A_12 = arith.constant 5 : i32
    %broadcast_in_dim3A_13 = vector.broadcast %broadcast_in_dim3A_12 : i32 to vector<16xi32>
    %broadcast_in_dim3A_14 = arith.constant 0 : i32
    %broadcast_in_dim3A_15 = vector.broadcast %broadcast_in_dim3A_14 : i32 to vector<16xi32>
    %broadcast_in_dim3A_16 = arith.constant 1 : i32
    %broadcast_in_dim3A_17 = vector.broadcast %broadcast_in_dim3A_16 : i32 to vector<16xi32>
    %broadcast_in_dim3A_18 = arith.constant 2 : i32
    %broadcast_in_dim3A_19 = vector.broadcast %broadcast_in_dim3A_18 : i32 to vector<16xi32>
    %broadcast_in_dim3A_20 = arith.constant 3 : i32
    %broadcast_in_dim3A_21 = vector.broadcast %broadcast_in_dim3A_20 : i32 to vector<16xi32>
    %broadcast_in_dim3A_22 = arith.constant 4 : i32
    %broadcast_in_dim3A_23 = vector.broadcast %broadcast_in_dim3A_22 : i32 to vector<16xi32>
    %broadcast_in_dim3A_24 = arith.constant 5 : i32
    %broadcast_in_dim3A_25 = vector.broadcast %broadcast_in_dim3A_24 : i32 to vector<16xi32>
    %broadcast_in_dim3A_26 = arith.constant 6 : i32
    %broadcast_in_dim3A_27 = vector.broadcast %broadcast_in_dim3A_26 : i32 to vector<16xi32>
    %broadcast_in_dim3A_28 = arith.constant 7 : i32
    %broadcast_in_dim3A_29 = vector.broadcast %broadcast_in_dim3A_28 : i32 to vector<16xi32>
    %broadcast_in_dim3A_30 = arith.constant 8 : i32
    %broadcast_in_dim3A_31 = vector.broadcast %broadcast_in_dim3A_30 : i32 to vector<16xi32>
    %scan3A = arith.constant 0 : i32
    %scan3A_32 = arith.constant 0 : i32
    %scan3A_33 = arith.constant 49 : i32
    %scan3A_34 = arith.addi %scan3A_32, %scan3A_33 : i32
    %scan3A_35 = arith.constant 1 : i32
    scf.for %scan3A_59 = %scan3A_32 to %scan3A_34 step %scan3A_35  : i32 {
      %mul3A_60 = arith.constant 6272 : i32
      %mul3A_61 = arith.muli %arg1, %mul3A_60 : i32
      %mul3A_62 = arith.constant 128 : i32
      %mul3A_63 = arith.muli %scan3A_59, %mul3A_62 : i32
      %add3A_64 = arith.addi %mul3A_61, %mul3A_63 : i32
      "tpu.region"() ({
        %run_scoped3A = tpu.sem_alloc : memref<!tpu.dma_semaphore, #tpu.memory_space<semaphore_mem>>
        %dma_start3A = arith.constant 0 : i32
        %dma_start3A_65 = tpu.memref_slice %arg17[%add3A_64, %dma_start3A] : memref<100352x16xf32, #tpu.memory_space<vmem_shared>> -> memref<128x16xf32, #tpu.memory_space<vmem_shared>>
        tpu.enqueue_dma source(%arg5 : memref<128x16xf32, #tpu.memory_space<hbm>>) target(%dma_start3A_65 : memref<128x16xf32, #tpu.memory_space<vmem_shared>>) target_semaphore(%run_scoped3A : memref<!tpu.dma_semaphore, #tpu.memory_space<semaphore_mem>>)
        %dma_wait3A = arith.constant 0 : i32
        %dma_wait3A_66 = tpu.memref_slice %arg17[%add3A_64, %dma_wait3A] : memref<100352x16xf32, #tpu.memory_space<vmem_shared>> -> memref<128x16xf32, #tpu.memory_space<vmem_shared>>
        tpu.wait_dma2 semaphore(%run_scoped3A : memref<!tpu.dma_semaphore, #tpu.memory_space<semaphore_mem>>) src(%arg5 : memref<128x16xf32, #tpu.memory_space<hbm>>) dst(%dma_wait3A_66 : memref<128x16xf32, #tpu.memory_space<vmem_shared>>)
        tpu.yield
      }) : () -> ()
    }
    %scan3A_36 = arith.constant 49 : i32
    %barrier3A = arith.constant 0 : index
    tpu.barrier barrier_id(%barrier3A)
    %mul3A_37 = arith.constant 100352 : i32
    %mul3A_38 = arith.muli %add3A, %mul3A_37 : i32
    %mul3A_39 = arith.constant 784 : i32
    %mul3A_40 = arith.muli %add3A, %mul3A_39 : i32
    %scan3A_41 = arith.constant 0 : i32
    %scan3A_42 = arith.constant 98 : i32
    %scan3A_43 = arith.addi %scan3A_41, %scan3A_42 : i32
    %scan3A_44 = arith.constant 1 : i32
    %scan3A_45:2 = scf.for %scan3A_59 = %scan3A_41 to %scan3A_43 step %scan3A_44 iter_args(%scan3A_60 = %broadcast_in_dim3A_1, %scan3A_61 = %broadcast_in_dim3A_1) -> (vector<16xf32>, vector<16xf32>)  : i32 {
      %mul3A_62 = arith.constant 8 : i32
      %mul3A_63 = arith.muli %scan3A_59, %mul3A_62 : i32
      %add3A_64 = arith.addi %mul3A_40, %mul3A_63 : i32
      "tpu.region"() ({
        %run_scoped3A = tpu.sem_alloc : memref<!tpu.dma_semaphore, #tpu.memory_space<semaphore_mem>>
        %dma_start3A_473 = arith.constant 0 : i32
        %dma_start3A_474 = tpu.memref_slice %arg3[%add3A_64, %dma_start3A_473] : memref<25088x128xi32, #tpu.memory_space<hbm>> -> memref<8x128xi32, #tpu.memory_space<hbm>>
        %dma_start3A_475 = arith.constant 0 : i32
        %dma_start3A_476 = tpu.memref_slice %arg3[%add3A_64, %dma_start3A_475] : memref<25088x128xi32, #tpu.memory_space<hbm>> -> memref<8x128xi32, #tpu.memory_space<hbm>>
        tpu.enqueue_dma source(%dma_start3A_476 : memref<8x128xi32, #tpu.memory_space<hbm>>) target(%arg8 : memref<8x128xi32, #tpu.memory_space<vmem>>) target_semaphore(%run_scoped3A : memref<!tpu.dma_semaphore, #tpu.memory_space<semaphore_mem>>)
        %dma_wait3A_477 = arith.constant 0 : i32
        %dma_wait3A_478 = tpu.memref_slice %arg3[%add3A_64, %dma_wait3A_477] : memref<25088x128xi32, #tpu.memory_space<hbm>> -> memref<8x128xi32, #tpu.memory_space<hbm>>
        %dma_wait3A_479 = arith.constant 0 : i32
        %dma_wait3A_480 = tpu.memref_slice %arg3[%add3A_64, %dma_wait3A_479] : memref<25088x128xi32, #tpu.memory_space<hbm>> -> memref<8x128xi32, #tpu.memory_space<hbm>>
        tpu.wait_dma2 semaphore(%run_scoped3A : memref<!tpu.dma_semaphore, #tpu.memory_space<semaphore_mem>>) src(%dma_wait3A_480 : memref<8x128xi32, #tpu.memory_space<hbm>>) dst(%arg8 : memref<8x128xi32, #tpu.memory_space<vmem>>)
        tpu.yield
      }) : () -> ()
      %mul3A_65 = arith.constant 8 : i32
      %mul3A_66 = arith.muli %scan3A_59, %mul3A_65 : i32
      %add3A_67 = arith.addi %mul3A_40, %mul3A_66 : i32
      "tpu.region"() ({
        %run_scoped3A = tpu.sem_alloc : memref<!tpu.dma_semaphore, #tpu.memory_space<semaphore_mem>>
        %dma_start3A_473 = arith.constant 0 : i32
        %dma_start3A_474 = tpu.memref_slice %arg4[%add3A_67, %dma_start3A_473] : memref<25088x128xi32, #tpu.memory_space<hbm>> -> memref<8x128xi32, #tpu.memory_space<hbm>>
        %dma_start3A_475 = arith.constant 0 : i32
        %dma_start3A_476 = tpu.memref_slice %arg4[%add3A_67, %dma_start3A_475] : memref<25088x128xi32, #tpu.memory_space<hbm>> -> memref<8x128xi32, #tpu.memory_space<hbm>>
        tpu.enqueue_dma source(%dma_start3A_476 : memref<8x128xi32, #tpu.memory_space<hbm>>) target(%arg9 : memref<8x128xi32, #tpu.memory_space<vmem>>) target_semaphore(%run_scoped3A : memref<!tpu.dma_semaphore, #tpu.memory_space<semaphore_mem>>)
        %dma_wait3A_477 = arith.constant 0 : i32
        %dma_wait3A_478 = tpu.memref_slice %arg4[%add3A_67, %dma_wait3A_477] : memref<25088x128xi32, #tpu.memory_space<hbm>> -> memref<8x128xi32, #tpu.memory_space<hbm>>
        %dma_wait3A_479 = arith.constant 0 : i32
        %dma_wait3A_480 = tpu.memref_slice %arg4[%add3A_67, %dma_wait3A_479] : memref<25088x128xi32, #tpu.memory_space<hbm>> -> memref<8x128xi32, #tpu.memory_space<hbm>>
        tpu.wait_dma2 semaphore(%run_scoped3A : memref<!tpu.dma_semaphore, #tpu.memory_space<semaphore_mem>>) src(%dma_wait3A_480 : memref<8x128xi32, #tpu.memory_space<hbm>>) dst(%arg9 : memref<8x128xi32, #tpu.memory_space<vmem>>)
        tpu.yield
      }) : () -> ()
      %dma_start3A = arith.constant 0 : i32
      %dma_start3A_68 = arith.constant 0 : i32
      %dma_start3A_69 = tpu.memref_slice %arg8[%dma_start3A, %dma_start3A_68] : memref<8x128xi32, #tpu.memory_space<vmem>> -> memref<1x128xi32, #tpu.memory_space<vmem>>
      %dma_start3A_70 = tpu.memref_squeeze %dma_start3A_69 : memref<1x128xi32, #tpu.memory_space<vmem>> -> memref<128xi32, #tpu.memory_space<vmem>>
      %dma_start3A_71 = arith.constant 0 : i32
      %dma_start3A_72 = arith.constant 0 : i32
      %dma_start3A_73 = tpu.memref_slice %arg2[%dma_start3A_71, %dma_start3A_72] : memref<100000x8xf32, #tpu.memory_space<hbm>> -> memref<100000x8xf32, #tpu.memory_space<hbm>>
      tpu.enqueue_indirect_dma source(%dma_start3A_73 : memref<100000x8xf32, #tpu.memory_space<hbm>>) target(%arg10 : memref<128x8xf32, #tpu.memory_space<vmem>>) offsets(%dma_start3A_70 : memref<128xi32, #tpu.memory_space<vmem>>) semaphore(%arg18 : memref<!tpu.dma_semaphore, #tpu.memory_space<semaphore_mem>>)
      %dma_start3A_74 = arith.constant 0 : i32
      %dma_start3A_75 = arith.constant 0 : i32
      %dma_start3A_76 = tpu.memref_slice %arg9[%dma_start3A_74, %dma_start3A_75] : memref<8x128xi32, #tpu.memory_space<vmem>> -> memref<1x128xi32, #tpu.memory_space<vmem>>
      %dma_start3A_77 = tpu.memref_squeeze %dma_start3A_76 : memref<1x128xi32, #tpu.memory_space<vmem>> -> memref<128xi32, #tpu.memory_space<vmem>>
      %dma_start3A_78 = arith.constant 0 : i32
      %dma_start3A_79 = arith.constant 0 : i32
      %dma_start3A_80 = tpu.memref_slice %arg2[%dma_start3A_78, %dma_start3A_79] : memref<100000x8xf32, #tpu.memory_space<hbm>> -> memref<100000x8xf32, #tpu.memory_space<hbm>>
      tpu.enqueue_indirect_dma source(%dma_start3A_80 : memref<100000x8xf32, #tpu.memory_space<hbm>>) target(%arg12 : memref<128x8xf32, #tpu.memory_space<vmem>>) offsets(%dma_start3A_77 : memref<128xi32, #tpu.memory_space<vmem>>) semaphore(%arg18 : memref<!tpu.dma_semaphore, #tpu.memory_space<semaphore_mem>>)
      %dma_start3A_81 = arith.constant 1 : i32
      %dma_start3A_82 = arith.constant 0 : i32
      %dma_start3A_83 = tpu.memref_slice %arg8[%dma_start3A_81, %dma_start3A_82] : memref<8x128xi32, #tpu.memory_space<vmem>> -> memref<1x128xi32, #tpu.memory_space<vmem>>
      %dma_start3A_84 = tpu.memref_squeeze %dma_start3A_83 : memref<1x128xi32, #tpu.memory_space<vmem>> -> memref<128xi32, #tpu.memory_space<vmem>>
      %dma_start3A_85 = arith.constant 0 : i32
      %dma_start3A_86 = arith.constant 0 : i32
      %dma_start3A_87 = tpu.memref_slice %arg2[%dma_start3A_85, %dma_start3A_86] : memref<100000x8xf32, #tpu.memory_space<hbm>> -> memref<100000x8xf32, #tpu.memory_space<hbm>>
      tpu.enqueue_indirect_dma source(%dma_start3A_87 : memref<100000x8xf32, #tpu.memory_space<hbm>>) target(%arg11 : memref<128x8xf32, #tpu.memory_space<vmem>>) offsets(%dma_start3A_84 : memref<128xi32, #tpu.memory_space<vmem>>) semaphore(%arg19 : memref<!tpu.dma_semaphore, #tpu.memory_space<semaphore_mem>>)
      %dma_start3A_88 = arith.constant 1 : i32
      %dma_start3A_89 = arith.constant 0 : i32
      %dma_start3A_90 = tpu.memref_slice %arg9[%dma_start3A_88, %dma_start3A_89] : memref<8x128xi32, #tpu.memory_space<vmem>> -> memref<1x128xi32, #tpu.memory_space<vmem>>
      %dma_start3A_91 = tpu.memref_squeeze %dma_start3A_90 : memref<1x128xi32, #tpu.memory_space<vmem>> -> memref<128xi32, #tpu.memory_space<vmem>>
      %dma_start3A_92 = arith.constant 0 : i32
      %dma_start3A_93 = arith.constant 0 : i32
      %dma_start3A_94 = tpu.memref_slice %arg2[%dma_start3A_92, %dma_start3A_93] : memref<100000x8xf32, #tpu.memory_space<hbm>> -> memref<100000x8xf32, #tpu.memory_space<hbm>>
      tpu.enqueue_indirect_dma source(%dma_start3A_94 : memref<100000x8xf32, #tpu.memory_space<hbm>>) target(%arg13 : memref<128x8xf32, #tpu.memory_space<vmem>>) offsets(%dma_start3A_91 : memref<128xi32, #tpu.memory_space<vmem>>) semaphore(%arg19 : memref<!tpu.dma_semaphore, #tpu.memory_space<semaphore_mem>>)
      %dma_wait3A = arith.constant 0 : i32
      %dma_wait3A_95 = arith.constant 0 : i32
      %dma_wait3A_96 = tpu.memref_slice %arg8[%dma_wait3A, %dma_wait3A_95] : memref<8x128xi32, #tpu.memory_space<vmem>> -> memref<1x128xi32, #tpu.memory_space<vmem>>
      %dma_wait3A_97 = tpu.memref_squeeze %dma_wait3A_96 : memref<1x128xi32, #tpu.memory_space<vmem>> -> memref<128xi32, #tpu.memory_space<vmem>>
      %dma_wait3A_98 = arith.constant 0 : i32
      %dma_wait3A_99 = arith.constant 0 : i32
      %dma_wait3A_100 = tpu.memref_slice %arg2[%dma_wait3A_98, %dma_wait3A_99] : memref<100000x8xf32, #tpu.memory_space<hbm>> -> memref<100000x8xf32, #tpu.memory_space<hbm>>
      tpu.wait_indirect_dma semaphore(%arg18 : memref<!tpu.dma_semaphore, #tpu.memory_space<semaphore_mem>>) src(%dma_wait3A_100 : memref<100000x8xf32, #tpu.memory_space<hbm>>) dst(%arg10 : memref<128x8xf32, #tpu.memory_space<vmem>>)
      %dma_wait3A_101 = arith.constant 0 : i32
      %dma_wait3A_102 = arith.constant 0 : i32
      %dma_wait3A_103 = tpu.memref_slice %arg9[%dma_wait3A_101, %dma_wait3A_102] : memref<8x128xi32, #tpu.memory_space<vmem>> -> memref<1x128xi32, #tpu.memory_space<vmem>>
      %dma_wait3A_104 = tpu.memref_squeeze %dma_wait3A_103 : memref<1x128xi32, #tpu.memory_space<vmem>> -> memref<128xi32, #tpu.memory_space<vmem>>
      %dma_wait3A_105 = arith.constant 0 : i32
      %dma_wait3A_106 = arith.constant 0 : i32
      %dma_wait3A_107 = tpu.memref_slice %arg2[%dma_wait3A_105, %dma_wait3A_106] : memref<100000x8xf32, #tpu.memory_space<hbm>> -> memref<100000x8xf32, #tpu.memory_space<hbm>>
      tpu.wait_indirect_dma semaphore(%arg18 : memref<!tpu.dma_semaphore, #tpu.memory_space<semaphore_mem>>) src(%dma_wait3A_107 : memref<100000x8xf32, #tpu.memory_space<hbm>>) dst(%arg12 : memref<128x8xf32, #tpu.memory_space<vmem>>)
      %mul3A_108 = arith.constant 1024 : i32
      %mul3A_109 = arith.muli %scan3A_59, %mul3A_108 : i32
      %add3A_110 = arith.addi %mul3A_38, %mul3A_109 : i32
      %add3A_111 = arith.constant 0 : i32
      %add3A_112 = arith.addi %add3A_110, %add3A_111 : i32
      %parallel_loop3A = arith.constant 0 : i32
      %parallel_loop3A_113 = arith.constant 8 : i32
      %parallel_loop3A_114 = arith.constant 1 : i32
      %parallel_loop3A_115:2 = scf.for %parallel_loop3A_473 = %parallel_loop3A to %parallel_loop3A_113 step %parallel_loop3A_114 iter_args(%parallel_loop3A_474 = %scan3A_60, %parallel_loop3A_475 = %scan3A_61) -> (vector<16xf32>, vector<16xf32>)  : i32 {
        %parallel_loop3A_476 = arith.constant 16 : i32
        %parallel_loop3A_477 = arith.muli %parallel_loop3A_473, %parallel_loop3A_476 : i32
        %parallel_loop3A_478 = vector.broadcast %parallel_loop3A_477 : i32 to vector<16xi32>
        %parallel_loop3A_479 = arith.addi %parallel_loop3A_478, %iota3A : vector<16xi32>
        %parallel_loop3A_480 = tpu.vector_load_idx %arg10[%parallel_loop3A_479, %broadcast_in_dim3A_3] : memref<128x8xf32, #tpu.memory_space<vmem>>[vector<16xi32>, vector<16xi32>], vector<16xf32>,
        %parallel_loop3A_481 = tpu.vector_load_idx %arg10[%parallel_loop3A_479, %broadcast_in_dim3A_5] : memref<128x8xf32, #tpu.memory_space<vmem>>[vector<16xi32>, vector<16xi32>], vector<16xf32>,
        %parallel_loop3A_482 = tpu.vector_load_idx %arg10[%parallel_loop3A_479, %broadcast_in_dim3A_7] : memref<128x8xf32, #tpu.memory_space<vmem>>[vector<16xi32>, vector<16xi32>], vector<16xf32>,
        %parallel_loop3A_483 = tpu.vector_load_idx %arg10[%parallel_loop3A_479, %broadcast_in_dim3A_9] : memref<128x8xf32, #tpu.memory_space<vmem>>[vector<16xi32>, vector<16xi32>], vector<16xf32>,
        %parallel_loop3A_484 = tpu.vector_load_idx %arg10[%parallel_loop3A_479, %broadcast_in_dim3A_11] : memref<128x8xf32, #tpu.memory_space<vmem>>[vector<16xi32>, vector<16xi32>], vector<16xf32>,
        %parallel_loop3A_485 = tpu.vector_load_idx %arg10[%parallel_loop3A_479, %broadcast_in_dim3A_13] : memref<128x8xf32, #tpu.memory_space<vmem>>[vector<16xi32>, vector<16xi32>], vector<16xf32>,
        %parallel_loop3A_486 = tpu.vector_load_idx %arg12[%parallel_loop3A_479, %broadcast_in_dim3A_3] : memref<128x8xf32, #tpu.memory_space<vmem>>[vector<16xi32>, vector<16xi32>], vector<16xf32>,
        %parallel_loop3A_487 = tpu.vector_load_idx %arg12[%parallel_loop3A_479, %broadcast_in_dim3A_5] : memref<128x8xf32, #tpu.memory_space<vmem>>[vector<16xi32>, vector<16xi32>], vector<16xf32>,
        %parallel_loop3A_488 = tpu.vector_load_idx %arg12[%parallel_loop3A_479, %broadcast_in_dim3A_7] : memref<128x8xf32, #tpu.memory_space<vmem>>[vector<16xi32>, vector<16xi32>], vector<16xf32>,
        %parallel_loop3A_489 = tpu.vector_load_idx %arg12[%parallel_loop3A_479, %broadcast_in_dim3A_9] : memref<128x8xf32, #tpu.memory_space<vmem>>[vector<16xi32>, vector<16xi32>], vector<16xf32>,
        %parallel_loop3A_490 = tpu.vector_load_idx %arg12[%parallel_loop3A_479, %broadcast_in_dim3A_11] : memref<128x8xf32, #tpu.memory_space<vmem>>[vector<16xi32>, vector<16xi32>], vector<16xf32>,
        %parallel_loop3A_491 = tpu.vector_load_idx %arg12[%parallel_loop3A_479, %broadcast_in_dim3A_13] : memref<128x8xf32, #tpu.memory_space<vmem>>[vector<16xi32>, vector<16xi32>], vector<16xf32>,
        %parallel_loop3A_492 = arith.subf %parallel_loop3A_486, %parallel_loop3A_480 : vector<16xf32>
        %parallel_loop3A_493 = arith.subf %parallel_loop3A_487, %parallel_loop3A_481 : vector<16xf32>
        %parallel_loop3A_494 = arith.subf %parallel_loop3A_488, %parallel_loop3A_482 : vector<16xf32>
        %parallel_loop3A_495 = arith.subf %parallel_loop3A_489, %parallel_loop3A_483 : vector<16xf32>
        %parallel_loop3A_496 = arith.subf %parallel_loop3A_490, %parallel_loop3A_484 : vector<16xf32>
        %parallel_loop3A_497 = arith.subf %parallel_loop3A_491, %parallel_loop3A_485 : vector<16xf32>
        %parallel_loop3A_498 = arith.mulf %parallel_loop3A_492, %parallel_loop3A_492 : vector<16xf32>
        %parallel_loop3A_499 = arith.mulf %parallel_loop3A_493, %parallel_loop3A_493 : vector<16xf32>
        %parallel_loop3A_500 = arith.addf %parallel_loop3A_498, %parallel_loop3A_499 : vector<16xf32>
        %parallel_loop3A_501 = arith.mulf %parallel_loop3A_494, %parallel_loop3A_494 : vector<16xf32>
        %parallel_loop3A_502 = arith.addf %parallel_loop3A_500, %parallel_loop3A_501 : vector<16xf32>
        %parallel_loop3A_503 = arith.mulf %parallel_loop3A_495, %parallel_loop3A_495 : vector<16xf32>
        %parallel_loop3A_504 = arith.mulf %parallel_loop3A_496, %parallel_loop3A_496 : vector<16xf32>
        %parallel_loop3A_505 = arith.addf %parallel_loop3A_503, %parallel_loop3A_504 : vector<16xf32>
        %parallel_loop3A_506 = arith.mulf %parallel_loop3A_497, %parallel_loop3A_497 : vector<16xf32>
        %parallel_loop3A_507 = arith.addf %parallel_loop3A_505, %parallel_loop3A_506 : vector<16xf32>
        %parallel_loop3A_508 = vector.bitcast %parallel_loop3A_502 : vector<16xf32> to vector<16xi32>
        %parallel_loop3A_509 = arith.constant 1 : i32
        %parallel_loop3A_510 = vector.broadcast %parallel_loop3A_509 : i32 to vector<16xi32>
        %parallel_loop3A_511 = arith.shrsi %parallel_loop3A_508, %parallel_loop3A_510 : vector<16xi32>
        %parallel_loop3A_512 = arith.constant 1597463007 : i32
        %parallel_loop3A_513 = vector.broadcast %parallel_loop3A_512 : i32 to vector<16xi32>
        %parallel_loop3A_514 = arith.subi %parallel_loop3A_513, %parallel_loop3A_511 : vector<16xi32>
        %parallel_loop3A_515 = vector.bitcast %parallel_loop3A_514 : vector<16xi32> to vector<16xf32>
        %parallel_loop3A_516 = arith.mulf %parallel_loop3A_502, %parallel_loop3A_515 : vector<16xf32>
        %parallel_loop3A_517 = arith.mulf %parallel_loop3A_516, %parallel_loop3A_515 : vector<16xf32>
        %parallel_loop3A_518 = arith.constant 5.000000e-01 : f32
        %parallel_loop3A_519 = vector.broadcast %parallel_loop3A_518 : f32 to vector<16xf32>
        %parallel_loop3A_520 = arith.mulf %parallel_loop3A_519, %parallel_loop3A_517 : vector<16xf32>
        %parallel_loop3A_521 = arith.constant 1.500000e+00 : f32
        %parallel_loop3A_522 = vector.broadcast %parallel_loop3A_521 : f32 to vector<16xf32>
        %parallel_loop3A_523 = arith.subf %parallel_loop3A_522, %parallel_loop3A_520 : vector<16xf32>
        %parallel_loop3A_524 = arith.mulf %parallel_loop3A_515, %parallel_loop3A_523 : vector<16xf32>
        %parallel_loop3A_525 = arith.mulf %parallel_loop3A_502, %parallel_loop3A_524 : vector<16xf32>
        %parallel_loop3A_526 = arith.mulf %parallel_loop3A_525, %parallel_loop3A_524 : vector<16xf32>
        %parallel_loop3A_527 = arith.constant 5.000000e-01 : f32
        %parallel_loop3A_528 = vector.broadcast %parallel_loop3A_527 : f32 to vector<16xf32>
        %parallel_loop3A_529 = arith.mulf %parallel_loop3A_528, %parallel_loop3A_526 : vector<16xf32>
        %parallel_loop3A_530 = arith.constant 1.500000e+00 : f32
        %parallel_loop3A_531 = vector.broadcast %parallel_loop3A_530 : f32 to vector<16xf32>
        %parallel_loop3A_532 = arith.subf %parallel_loop3A_531, %parallel_loop3A_529 : vector<16xf32>
        %parallel_loop3A_533 = arith.mulf %parallel_loop3A_524, %parallel_loop3A_532 : vector<16xf32>
        %parallel_loop3A_534 = arith.mulf %parallel_loop3A_502, %parallel_loop3A_533 : vector<16xf32>
        %parallel_loop3A_535 = arith.constant 9.99999993E-9 : f32
        %parallel_loop3A_536 = vector.broadcast %parallel_loop3A_535 : f32 to vector<16xf32>
        %parallel_loop3A_537 = arith.addf %parallel_loop3A_534, %parallel_loop3A_536 : vector<16xf32>
        %parallel_loop3A_538 = arith.constant 1.000000e+00 : f32
        %parallel_loop3A_539 = vector.broadcast %parallel_loop3A_538 : f32 to vector<16xf32>
        %parallel_loop3A_540 = arith.divf %parallel_loop3A_539, %parallel_loop3A_537 : vector<16xf32>
        %parallel_loop3A_541 = arith.constant 16 : i32
        %parallel_loop3A_542 = arith.muli %parallel_loop3A_473, %parallel_loop3A_541 : i32
        %parallel_loop3A_543 = arith.addi %add3A_112, %parallel_loop3A_542 : i32
        %parallel_loop3A_544 = vector.broadcast %parallel_loop3A_543 : i32 to vector<16xi32>
        %parallel_loop3A_545 = arith.addi %parallel_loop3A_544, %iota3A : vector<16xi32>
        %parallel_loop3A_546 = arith.constant 3200000 : i32
        %parallel_loop3A_547 = vector.broadcast %parallel_loop3A_546 : i32 to vector<16xi32>
        %parallel_loop3A_548 = arith.cmpi slt, %parallel_loop3A_545, %parallel_loop3A_547 : vector<16xi32>
        %parallel_loop3A_549 = arith.constant 0.000000e+00 : f32
        %parallel_loop3A_550 = vector.broadcast %parallel_loop3A_549 : f32 to vector<16xf32>
        %parallel_loop3A_551 = arith.select %parallel_loop3A_548, %parallel_loop3A_540, %parallel_loop3A_550 : vector<16xi1>, vector<16xf32>
        %parallel_loop3A_552 = arith.addf %parallel_loop3A_502, %parallel_loop3A_507 : vector<16xf32>
        %parallel_loop3A_553 = arith.mulf %parallel_loop3A_551, %parallel_loop3A_552 : vector<16xf32>
        %parallel_loop3A_554 = arith.addf %parallel_loop3A_474, %parallel_loop3A_553 : vector<16xf32>
        %parallel_loop3A_555 = arith.addf %parallel_loop3A_475, %parallel_loop3A_551 : vector<16xf32>
        %parallel_loop3A_556 = arith.mulf %parallel_loop3A_551, %parallel_loop3A_495 : vector<16xf32>
        %parallel_loop3A_557 = arith.mulf %parallel_loop3A_551, %parallel_loop3A_496 : vector<16xf32>
        %parallel_loop3A_558 = arith.mulf %parallel_loop3A_551, %parallel_loop3A_497 : vector<16xf32>
        %parallel_loop3A_559 = arith.mulf %parallel_loop3A_556, %parallel_loop3A_492 : vector<16xf32>
        %parallel_loop3A_560 = arith.mulf %parallel_loop3A_556, %parallel_loop3A_493 : vector<16xf32>
        %parallel_loop3A_561 = arith.mulf %parallel_loop3A_556, %parallel_loop3A_494 : vector<16xf32>
        %parallel_loop3A_562 = arith.mulf %parallel_loop3A_557, %parallel_loop3A_492 : vector<16xf32>
        %parallel_loop3A_563 = arith.mulf %parallel_loop3A_557, %parallel_loop3A_493 : vector<16xf32>
        %parallel_loop3A_564 = arith.mulf %parallel_loop3A_557, %parallel_loop3A_494 : vector<16xf32>
        %parallel_loop3A_565 = arith.mulf %parallel_loop3A_558, %parallel_loop3A_492 : vector<16xf32>
        %parallel_loop3A_566 = arith.mulf %parallel_loop3A_558, %parallel_loop3A_493 : vector<16xf32>
        %parallel_loop3A_567 = arith.mulf %parallel_loop3A_558, %parallel_loop3A_494 : vector<16xf32>
        tpu.vector_store_idx %arg14[%parallel_loop3A_479, %broadcast_in_dim3A_15], %parallel_loop3A_559 : memref<128x16xf32, #tpu.memory_space<vmem>>[vector<16xi32>, vector<16xi32>], vector<16xf32>,
        tpu.vector_store_idx %arg14[%parallel_loop3A_479, %broadcast_in_dim3A_17], %parallel_loop3A_560 : memref<128x16xf32, #tpu.memory_space<vmem>>[vector<16xi32>, vector<16xi32>], vector<16xf32>,
        tpu.vector_store_idx %arg14[%parallel_loop3A_479, %broadcast_in_dim3A_19], %parallel_loop3A_561 : memref<128x16xf32, #tpu.memory_space<vmem>>[vector<16xi32>, vector<16xi32>], vector<16xf32>,
        tpu.vector_store_idx %arg14[%parallel_loop3A_479, %broadcast_in_dim3A_21], %parallel_loop3A_562 : memref<128x16xf32, #tpu.memory_space<vmem>>[vector<16xi32>, vector<16xi32>], vector<16xf32>,
        tpu.vector_store_idx %arg14[%parallel_loop3A_479, %broadcast_in_dim3A_23], %parallel_loop3A_563 : memref<128x16xf32, #tpu.memory_space<vmem>>[vector<16xi32>, vector<16xi32>], vector<16xf32>,
        tpu.vector_store_idx %arg14[%parallel_loop3A_479, %broadcast_in_dim3A_25], %parallel_loop3A_564 : memref<128x16xf32, #tpu.memory_space<vmem>>[vector<16xi32>, vector<16xi32>], vector<16xf32>,
        tpu.vector_store_idx %arg14[%parallel_loop3A_479, %broadcast_in_dim3A_27], %parallel_loop3A_565 : memref<128x16xf32, #tpu.memory_space<vmem>>[vector<16xi32>, vector<16xi32>], vector<16xf32>,
        tpu.vector_store_idx %arg14[%parallel_loop3A_479, %broadcast_in_dim3A_29], %parallel_loop3A_566 : memref<128x16xf32, #tpu.memory_space<vmem>>[vector<16xi32>, vector<16xi32>], vector<16xf32>,
        tpu.vector_store_idx %arg14[%parallel_loop3A_479, %broadcast_in_dim3A_31], %parallel_loop3A_567 : memref<128x16xf32, #tpu.memory_space<vmem>>[vector<16xi32>, vector<16xi32>], vector<16xf32>,
        scf.yield %parallel_loop3A_554, %parallel_loop3A_555 : vector<16xf32>, vector<16xf32>
      } {sc.loop_unroll_factor = 4 : i64, sc.parallel_access}
      %dma_start3A_116 = arith.constant 2 : i32
      %dma_start3A_117 = arith.constant 0 : i32
      %dma_start3A_118 = tpu.memref_slice %arg8[%dma_start3A_116, %dma_start3A_117] : memref<8x128xi32, #tpu.memory_space<vmem>> -> memref<1x128xi32, #tpu.memory_space<vmem>>
      %dma_start3A_119 = tpu.memref_squeeze %dma_start3A_118 : memref<1x128xi32, #tpu.memory_space<vmem>> -> memref<128xi32, #tpu.memory_space<vmem>>
      %dma_start3A_120 = arith.constant 0 : i32
      %dma_start3A_121 = arith.constant 0 : i32
      %dma_start3A_122 = tpu.memref_slice %arg2[%dma_start3A_120, %dma_start3A_121] : memref<100000x8xf32, #tpu.memory_space<hbm>> -> memref<100000x8xf32, #tpu.memory_space<hbm>>
      tpu.enqueue_indirect_dma source(%dma_start3A_122 : memref<100000x8xf32, #tpu.memory_space<hbm>>) target(%arg10 : memref<128x8xf32, #tpu.memory_space<vmem>>) offsets(%dma_start3A_119 : memref<128xi32, #tpu.memory_space<vmem>>) semaphore(%arg18 : memref<!tpu.dma_semaphore, #tpu.memory_space<semaphore_mem>>)
      %dma_start3A_123 = arith.constant 2 : i32
      %dma_start3A_124 = arith.constant 0 : i32
      %dma_start3A_125 = tpu.memref_slice %arg9[%dma_start3A_123, %dma_start3A_124] : memref<8x128xi32, #tpu.memory_space<vmem>> -> memref<1x128xi32, #tpu.memory_space<vmem>>
      %dma_start3A_126 = tpu.memref_squeeze %dma_start3A_125 : memref<1x128xi32, #tpu.memory_space<vmem>> -> memref<128xi32, #tpu.memory_space<vmem>>
      %dma_start3A_127 = arith.constant 0 : i32
      %dma_start3A_128 = arith.constant 0 : i32
      %dma_start3A_129 = tpu.memref_slice %arg2[%dma_start3A_127, %dma_start3A_128] : memref<100000x8xf32, #tpu.memory_space<hbm>> -> memref<100000x8xf32, #tpu.memory_space<hbm>>
      tpu.enqueue_indirect_dma source(%dma_start3A_129 : memref<100000x8xf32, #tpu.memory_space<hbm>>) target(%arg12 : memref<128x8xf32, #tpu.memory_space<vmem>>) offsets(%dma_start3A_126 : memref<128xi32, #tpu.memory_space<vmem>>) semaphore(%arg18 : memref<!tpu.dma_semaphore, #tpu.memory_space<semaphore_mem>>)
      %dma_start3A_130 = arith.constant 0 : i32
      %dma_start3A_131 = arith.constant 0 : i32
      %dma_start3A_132 = tpu.memref_slice %arg8[%dma_start3A_130, %dma_start3A_131] : memref<8x128xi32, #tpu.memory_space<vmem>> -> memref<1x128xi32, #tpu.memory_space<vmem>>
      %dma_start3A_133 = tpu.memref_squeeze %dma_start3A_132 : memref<1x128xi32, #tpu.memory_space<vmem>> -> memref<128xi32, #tpu.memory_space<vmem>>
      %dma_start3A_134 = arith.constant 0 : i32
      %dma_start3A_135 = arith.constant 0 : i32
      %dma_start3A_136 = tpu.memref_slice %arg17[%dma_start3A_134, %dma_start3A_135] : memref<100352x16xf32, #tpu.memory_space<vmem_shared>> -> memref<100352x16xf32, #tpu.memory_space<vmem_shared>>
      tpu.enqueue_indirect_dma source(%arg14 : memref<128x16xf32, #tpu.memory_space<vmem>>) target(%dma_start3A_136 : memref<100352x16xf32, #tpu.memory_space<vmem_shared>>) offsets(%dma_start3A_133 : memref<128xi32, #tpu.memory_space<vmem>>) semaphore(%arg20 : memref<!tpu.dma_semaphore, #tpu.memory_space<semaphore_mem>>) {add = true}
      %dma_wait3A_137 = arith.constant 1 : i32
      %dma_wait3A_138 = arith.constant 0 : i32
      %dma_wait3A_139 = tpu.memref_slice %arg8[%dma_wait3A_137, %dma_wait3A_138] : memref<8x128xi32, #tpu.memory_space<vmem>> -> memref<1x128xi32, #tpu.memory_space<vmem>>
      %dma_wait3A_140 = tpu.memref_squeeze %dma_wait3A_139 : memref<1x128xi32, #tpu.memory_space<vmem>> -> memref<128xi32, #tpu.memory_space<vmem>>
      %dma_wait3A_141 = arith.constant 0 : i32
      %dma_wait3A_142 = arith.constant 0 : i32
      %dma_wait3A_143 = tpu.memref_slice %arg2[%dma_wait3A_141, %dma_wait3A_142] : memref<100000x8xf32, #tpu.memory_space<hbm>> -> memref<100000x8xf32, #tpu.memory_space<hbm>>
      tpu.wait_indirect_dma semaphore(%arg19 : memref<!tpu.dma_semaphore, #tpu.memory_space<semaphore_mem>>) src(%dma_wait3A_143 : memref<100000x8xf32, #tpu.memory_space<hbm>>) dst(%arg11 : memref<128x8xf32, #tpu.memory_space<vmem>>)
      %dma_wait3A_144 = arith.constant 1 : i32
      %dma_wait3A_145 = arith.constant 0 : i32
      %dma_wait3A_146 = tpu.memref_slice %arg9[%dma_wait3A_144, %dma_wait3A_145] : memref<8x128xi32, #tpu.memory_space<vmem>> -> memref<1x128xi32, #tpu.memory_space<vmem>>
      %dma_wait3A_147 = tpu.memref_squeeze %dma_wait3A_146 : memref<1x128xi32, #tpu.memory_space<vmem>> -> memref<128xi32, #tpu.memory_space<vmem>>
      %dma_wait3A_148 = arith.constant 0 : i32
      %dma_wait3A_149 = arith.constant 0 : i32
      %dma_wait3A_150 = tpu.memref_slice %arg2[%dma_wait3A_148, %dma_wait3A_149] : memref<100000x8xf32, #tpu.memory_space<hbm>> -> memref<100000x8xf32, #tpu.memory_space<hbm>>
      tpu.wait_indirect_dma semaphore(%arg19 : memref<!tpu.dma_semaphore, #tpu.memory_space<semaphore_mem>>) src(%dma_wait3A_150 : memref<100000x8xf32, #tpu.memory_space<hbm>>) dst(%arg13 : memref<128x8xf32, #tpu.memory_space<vmem>>)
      %mul3A_151 = arith.constant 1024 : i32
      %mul3A_152 = arith.muli %scan3A_59, %mul3A_151 : i32
      %add3A_153 = arith.addi %mul3A_38, %mul3A_152 : i32
      %add3A_154 = arith.constant 128 : i32
      %add3A_155 = arith.addi %add3A_153, %add3A_154 : i32
      %parallel_loop3A_156 = arith.constant 0 : i32
      %parallel_loop3A_157 = arith.constant 8 : i32
      %parallel_loop3A_158 = arith.constant 1 : i32
      %parallel_loop3A_159:2 = scf.for %parallel_loop3A_473 = %parallel_loop3A_156 to %parallel_loop3A_157 step %parallel_loop3A_158 iter_args(%parallel_loop3A_474 = %parallel_loop3A_115#0, %parallel_loop3A_475 = %parallel_loop3A_115#1) -> (vector<16xf32>, vector<16xf32>)  : i32 {
        %parallel_loop3A_476 = arith.constant 16 : i32
        %parallel_loop3A_477 = arith.muli %parallel_loop3A_473, %parallel_loop3A_476 : i32
        %parallel_loop3A_478 = vector.broadcast %parallel_loop3A_477 : i32 to vector<16xi32>
        %parallel_loop3A_479 = arith.addi %parallel_loop3A_478, %iota3A : vector<16xi32>
        %parallel_loop3A_480 = tpu.vector_load_idx %arg11[%parallel_loop3A_479, %broadcast_in_dim3A_3] : memref<128x8xf32, #tpu.memory_space<vmem>>[vector<16xi32>, vector<16xi32>], vector<16xf32>,
        %parallel_loop3A_481 = tpu.vector_load_idx %arg11[%parallel_loop3A_479, %broadcast_in_dim3A_5] : memref<128x8xf32, #tpu.memory_space<vmem>>[vector<16xi32>, vector<16xi32>], vector<16xf32>,
        %parallel_loop3A_482 = tpu.vector_load_idx %arg11[%parallel_loop3A_479, %broadcast_in_dim3A_7] : memref<128x8xf32, #tpu.memory_space<vmem>>[vector<16xi32>, vector<16xi32>], vector<16xf32>,
        %parallel_loop3A_483 = tpu.vector_load_idx %arg11[%parallel_loop3A_479, %broadcast_in_dim3A_9] : memref<128x8xf32, #tpu.memory_space<vmem>>[vector<16xi32>, vector<16xi32>], vector<16xf32>,
        %parallel_loop3A_484 = tpu.vector_load_idx %arg11[%parallel_loop3A_479, %broadcast_in_dim3A_11] : memref<128x8xf32, #tpu.memory_space<vmem>>[vector<16xi32>, vector<16xi32>], vector<16xf32>,
        %parallel_loop3A_485 = tpu.vector_load_idx %arg11[%parallel_loop3A_479, %broadcast_in_dim3A_13] : memref<128x8xf32, #tpu.memory_space<vmem>>[vector<16xi32>, vector<16xi32>], vector<16xf32>,
        %parallel_loop3A_486 = tpu.vector_load_idx %arg13[%parallel_loop3A_479, %broadcast_in_dim3A_3] : memref<128x8xf32, #tpu.memory_space<vmem>>[vector<16xi32>, vector<16xi32>], vector<16xf32>,
        %parallel_loop3A_487 = tpu.vector_load_idx %arg13[%parallel_loop3A_479, %broadcast_in_dim3A_5] : memref<128x8xf32, #tpu.memory_space<vmem>>[vector<16xi32>, vector<16xi32>], vector<16xf32>,
        %parallel_loop3A_488 = tpu.vector_load_idx %arg13[%parallel_loop3A_479, %broadcast_in_dim3A_7] : memref<128x8xf32, #tpu.memory_space<vmem>>[vector<16xi32>, vector<16xi32>], vector<16xf32>,
        %parallel_loop3A_489 = tpu.vector_load_idx %arg13[%parallel_loop3A_479, %broadcast_in_dim3A_9] : memref<128x8xf32, #tpu.memory_space<vmem>>[vector<16xi32>, vector<16xi32>], vector<16xf32>,
        %parallel_loop3A_490 = tpu.vector_load_idx %arg13[%parallel_loop3A_479, %broadcast_in_dim3A_11] : memref<128x8xf32, #tpu.memory_space<vmem>>[vector<16xi32>, vector<16xi32>], vector<16xf32>,
        %parallel_loop3A_491 = tpu.vector_load_idx %arg13[%parallel_loop3A_479, %broadcast_in_dim3A_13] : memref<128x8xf32, #tpu.memory_space<vmem>>[vector<16xi32>, vector<16xi32>], vector<16xf32>,
        %parallel_loop3A_492 = arith.subf %parallel_loop3A_486, %parallel_loop3A_480 : vector<16xf32>
        %parallel_loop3A_493 = arith.subf %parallel_loop3A_487, %parallel_loop3A_481 : vector<16xf32>
        %parallel_loop3A_494 = arith.subf %parallel_loop3A_488, %parallel_loop3A_482 : vector<16xf32>
        %parallel_loop3A_495 = arith.subf %parallel_loop3A_489, %parallel_loop3A_483 : vector<16xf32>
        %parallel_loop3A_496 = arith.subf %parallel_loop3A_490, %parallel_loop3A_484 : vector<16xf32>
        %parallel_loop3A_497 = arith.subf %parallel_loop3A_491, %parallel_loop3A_485 : vector<16xf32>
        %parallel_loop3A_498 = arith.mulf %parallel_loop3A_492, %parallel_loop3A_492 : vector<16xf32>
        %parallel_loop3A_499 = arith.mulf %parallel_loop3A_493, %parallel_loop3A_493 : vector<16xf32>
        %parallel_loop3A_500 = arith.addf %parallel_loop3A_498, %parallel_loop3A_499 : vector<16xf32>
        %parallel_loop3A_501 = arith.mulf %parallel_loop3A_494, %parallel_loop3A_494 : vector<16xf32>
        %parallel_loop3A_502 = arith.addf %parallel_loop3A_500, %parallel_loop3A_501 : vector<16xf32>
        %parallel_loop3A_503 = arith.mulf %parallel_loop3A_495, %parallel_loop3A_495 : vector<16xf32>
        %parallel_loop3A_504 = arith.mulf %parallel_loop3A_496, %parallel_loop3A_496 : vector<16xf32>
        %parallel_loop3A_505 = arith.addf %parallel_loop3A_503, %parallel_loop3A_504 : vector<16xf32>
        %parallel_loop3A_506 = arith.mulf %parallel_loop3A_497, %parallel_loop3A_497 : vector<16xf32>
        %parallel_loop3A_507 = arith.addf %parallel_loop3A_505, %parallel_loop3A_506 : vector<16xf32>
        %parallel_loop3A_508 = vector.bitcast %parallel_loop3A_502 : vector<16xf32> to vector<16xi32>
        %parallel_loop3A_509 = arith.constant 1 : i32
        %parallel_loop3A_510 = vector.broadcast %parallel_loop3A_509 : i32 to vector<16xi32>
        %parallel_loop3A_511 = arith.shrsi %parallel_loop3A_508, %parallel_loop3A_510 : vector<16xi32>
        %parallel_loop3A_512 = arith.constant 1597463007 : i32
        %parallel_loop3A_513 = vector.broadcast %parallel_loop3A_512 : i32 to vector<16xi32>
        %parallel_loop3A_514 = arith.subi %parallel_loop3A_513, %parallel_loop3A_511 : vector<16xi32>
        %parallel_loop3A_515 = vector.bitcast %parallel_loop3A_514 : vector<16xi32> to vector<16xf32>
        %parallel_loop3A_516 = arith.mulf %parallel_loop3A_502, %parallel_loop3A_515 : vector<16xf32>
        %parallel_loop3A_517 = arith.mulf %parallel_loop3A_516, %parallel_loop3A_515 : vector<16xf32>
        %parallel_loop3A_518 = arith.constant 5.000000e-01 : f32
        %parallel_loop3A_519 = vector.broadcast %parallel_loop3A_518 : f32 to vector<16xf32>
        %parallel_loop3A_520 = arith.mulf %parallel_loop3A_519, %parallel_loop3A_517 : vector<16xf32>
        %parallel_loop3A_521 = arith.constant 1.500000e+00 : f32
        %parallel_loop3A_522 = vector.broadcast %parallel_loop3A_521 : f32 to vector<16xf32>
        %parallel_loop3A_523 = arith.subf %parallel_loop3A_522, %parallel_loop3A_520 : vector<16xf32>
        %parallel_loop3A_524 = arith.mulf %parallel_loop3A_515, %parallel_loop3A_523 : vector<16xf32>
        %parallel_loop3A_525 = arith.mulf %parallel_loop3A_502, %parallel_loop3A_524 : vector<16xf32>
        %parallel_loop3A_526 = arith.mulf %parallel_loop3A_525, %parallel_loop3A_524 : vector<16xf32>
        %parallel_loop3A_527 = arith.constant 5.000000e-01 : f32
        %parallel_loop3A_528 = vector.broadcast %parallel_loop3A_527 : f32 to vector<16xf32>
        %parallel_loop3A_529 = arith.mulf %parallel_loop3A_528, %parallel_loop3A_526 : vector<16xf32>
        %parallel_loop3A_530 = arith.constant 1.500000e+00 : f32
        %parallel_loop3A_531 = vector.broadcast %parallel_loop3A_530 : f32 to vector<16xf32>
        %parallel_loop3A_532 = arith.subf %parallel_loop3A_531, %parallel_loop3A_529 : vector<16xf32>
        %parallel_loop3A_533 = arith.mulf %parallel_loop3A_524, %parallel_loop3A_532 : vector<16xf32>
        %parallel_loop3A_534 = arith.mulf %parallel_loop3A_502, %parallel_loop3A_533 : vector<16xf32>
        %parallel_loop3A_535 = arith.constant 9.99999993E-9 : f32
        %parallel_loop3A_536 = vector.broadcast %parallel_loop3A_535 : f32 to vector<16xf32>
        %parallel_loop3A_537 = arith.addf %parallel_loop3A_534, %parallel_loop3A_536 : vector<16xf32>
        %parallel_loop3A_538 = arith.constant 1.000000e+00 : f32
        %parallel_loop3A_539 = vector.broadcast %parallel_loop3A_538 : f32 to vector<16xf32>
        %parallel_loop3A_540 = arith.divf %parallel_loop3A_539, %parallel_loop3A_537 : vector<16xf32>
        %parallel_loop3A_541 = arith.constant 16 : i32
        %parallel_loop3A_542 = arith.muli %parallel_loop3A_473, %parallel_loop3A_541 : i32
        %parallel_loop3A_543 = arith.addi %add3A_155, %parallel_loop3A_542 : i32
        %parallel_loop3A_544 = vector.broadcast %parallel_loop3A_543 : i32 to vector<16xi32>
        %parallel_loop3A_545 = arith.addi %parallel_loop3A_544, %iota3A : vector<16xi32>
        %parallel_loop3A_546 = arith.constant 3200000 : i32
        %parallel_loop3A_547 = vector.broadcast %parallel_loop3A_546 : i32 to vector<16xi32>
        %parallel_loop3A_548 = arith.cmpi slt, %parallel_loop3A_545, %parallel_loop3A_547 : vector<16xi32>
        %parallel_loop3A_549 = arith.constant 0.000000e+00 : f32
        %parallel_loop3A_550 = vector.broadcast %parallel_loop3A_549 : f32 to vector<16xf32>
        %parallel_loop3A_551 = arith.select %parallel_loop3A_548, %parallel_loop3A_540, %parallel_loop3A_550 : vector<16xi1>, vector<16xf32>
        %parallel_loop3A_552 = arith.addf %parallel_loop3A_502, %parallel_loop3A_507 : vector<16xf32>
        %parallel_loop3A_553 = arith.mulf %parallel_loop3A_551, %parallel_loop3A_552 : vector<16xf32>
        %parallel_loop3A_554 = arith.addf %parallel_loop3A_474, %parallel_loop3A_553 : vector<16xf32>
        %parallel_loop3A_555 = arith.addf %parallel_loop3A_475, %parallel_loop3A_551 : vector<16xf32>
        %parallel_loop3A_556 = arith.mulf %parallel_loop3A_551, %parallel_loop3A_495 : vector<16xf32>
        %parallel_loop3A_557 = arith.mulf %parallel_loop3A_551, %parallel_loop3A_496 : vector<16xf32>
        %parallel_loop3A_558 = arith.mulf %parallel_loop3A_551, %parallel_loop3A_497 : vector<16xf32>
        %parallel_loop3A_559 = arith.mulf %parallel_loop3A_556, %parallel_loop3A_492 : vector<16xf32>
        %parallel_loop3A_560 = arith.mulf %parallel_loop3A_556, %parallel_loop3A_493 : vector<16xf32>
        %parallel_loop3A_561 = arith.mulf %parallel_loop3A_556, %parallel_loop3A_494 : vector<16xf32>
        %parallel_loop3A_562 = arith.mulf %parallel_loop3A_557, %parallel_loop3A_492 : vector<16xf32>
        %parallel_loop3A_563 = arith.mulf %parallel_loop3A_557, %parallel_loop3A_493 : vector<16xf32>
        %parallel_loop3A_564 = arith.mulf %parallel_loop3A_557, %parallel_loop3A_494 : vector<16xf32>
        %parallel_loop3A_565 = arith.mulf %parallel_loop3A_558, %parallel_loop3A_492 : vector<16xf32>
        %parallel_loop3A_566 = arith.mulf %parallel_loop3A_558, %parallel_loop3A_493 : vector<16xf32>
        %parallel_loop3A_567 = arith.mulf %parallel_loop3A_558, %parallel_loop3A_494 : vector<16xf32>
        tpu.vector_store_idx %arg15[%parallel_loop3A_479, %broadcast_in_dim3A_15], %parallel_loop3A_559 : memref<128x16xf32, #tpu.memory_space<vmem>>[vector<16xi32>, vector<16xi32>], vector<16xf32>,
        tpu.vector_store_idx %arg15[%parallel_loop3A_479, %broadcast_in_dim3A_17], %parallel_loop3A_560 : memref<128x16xf32, #tpu.memory_space<vmem>>[vector<16xi32>, vector<16xi32>], vector<16xf32>,
        tpu.vector_store_idx %arg15[%parallel_loop3A_479, %broadcast_in_dim3A_19], %parallel_loop3A_561 : memref<128x16xf32, #tpu.memory_space<vmem>>[vector<16xi32>, vector<16xi32>], vector<16xf32>,
        tpu.vector_store_idx %arg15[%parallel_loop3A_479, %broadcast_in_dim3A_21], %parallel_loop3A_562 : memref<128x16xf32, #tpu.memory_space<vmem>>[vector<16xi32>, vector<16xi32>], vector<16xf32>,
        tpu.vector_store_idx %arg15[%parallel_loop3A_479, %broadcast_in_dim3A_23], %parallel_loop3A_563 : memref<128x16xf32, #tpu.memory_space<vmem>>[vector<16xi32>, vector<16xi32>], vector<16xf32>,
        tpu.vector_store_idx %arg15[%parallel_loop3A_479, %broadcast_in_dim3A_25], %parallel_loop3A_564 : memref<128x16xf32, #tpu.memory_space<vmem>>[vector<16xi32>, vector<16xi32>], vector<16xf32>,
        tpu.vector_store_idx %arg15[%parallel_loop3A_479, %broadcast_in_dim3A_27], %parallel_loop3A_565 : memref<128x16xf32, #tpu.memory_space<vmem>>[vector<16xi32>, vector<16xi32>], vector<16xf32>,
        tpu.vector_store_idx %arg15[%parallel_loop3A_479, %broadcast_in_dim3A_29], %parallel_loop3A_566 : memref<128x16xf32, #tpu.memory_space<vmem>>[vector<16xi32>, vector<16xi32>], vector<16xf32>,
        tpu.vector_store_idx %arg15[%parallel_loop3A_479, %broadcast_in_dim3A_31], %parallel_loop3A_567 : memref<128x16xf32, #tpu.memory_space<vmem>>[vector<16xi32>, vector<16xi32>], vector<16xf32>,
        scf.yield %parallel_loop3A_554, %parallel_loop3A_555 : vector<16xf32>, vector<16xf32>
      } {sc.loop_unroll_factor = 4 : i64, sc.parallel_access}
      %dma_start3A_160 = arith.constant 3 : i32
      %dma_start3A_161 = arith.constant 0 : i32
      %dma_start3A_162 = tpu.memref_slice %arg8[%dma_start3A_160, %dma_start3A_161] : memref<8x128xi32, #tpu.memory_space<vmem>> -> memref<1x128xi32, #tpu.memory_space<vmem>>
      %dma_start3A_163 = tpu.memref_squeeze %dma_start3A_162 : memref<1x128xi32, #tpu.memory_space<vmem>> -> memref<128xi32, #tpu.memory_space<vmem>>
      %dma_start3A_164 = arith.constant 0 : i32
      %dma_start3A_165 = arith.constant 0 : i32
      %dma_start3A_166 = tpu.memref_slice %arg2[%dma_start3A_164, %dma_start3A_165] : memref<100000x8xf32, #tpu.memory_space<hbm>> -> memref<100000x8xf32, #tpu.memory_space<hbm>>
      tpu.enqueue_indirect_dma source(%dma_start3A_166 : memref<100000x8xf32, #tpu.memory_space<hbm>>) target(%arg11 : memref<128x8xf32, #tpu.memory_space<vmem>>) offsets(%dma_start3A_163 : memref<128xi32, #tpu.memory_space<vmem>>) semaphore(%arg19 : memref<!tpu.dma_semaphore, #tpu.memory_space<semaphore_mem>>)
      %dma_start3A_167 = arith.constant 3 : i32
      %dma_start3A_168 = arith.constant 0 : i32
      %dma_start3A_169 = tpu.memref_slice %arg9[%dma_start3A_167, %dma_start3A_168] : memref<8x128xi32, #tpu.memory_space<vmem>> -> memref<1x128xi32, #tpu.memory_space<vmem>>
      %dma_start3A_170 = tpu.memref_squeeze %dma_start3A_169 : memref<1x128xi32, #tpu.memory_space<vmem>> -> memref<128xi32, #tpu.memory_space<vmem>>
      %dma_start3A_171 = arith.constant 0 : i32
      %dma_start3A_172 = arith.constant 0 : i32
      %dma_start3A_173 = tpu.memref_slice %arg2[%dma_start3A_171, %dma_start3A_172] : memref<100000x8xf32, #tpu.memory_space<hbm>> -> memref<100000x8xf32, #tpu.memory_space<hbm>>
      tpu.enqueue_indirect_dma source(%dma_start3A_173 : memref<100000x8xf32, #tpu.memory_space<hbm>>) target(%arg13 : memref<128x8xf32, #tpu.memory_space<vmem>>) offsets(%dma_start3A_170 : memref<128xi32, #tpu.memory_space<vmem>>) semaphore(%arg19 : memref<!tpu.dma_semaphore, #tpu.memory_space<semaphore_mem>>)
      %dma_start3A_174 = arith.constant 1 : i32
      %dma_start3A_175 = arith.constant 0 : i32
      %dma_start3A_176 = tpu.memref_slice %arg8[%dma_start3A_174, %dma_start3A_175] : memref<8x128xi32, #tpu.memory_space<vmem>> -> memref<1x128xi32, #tpu.memory_space<vmem>>
      %dma_start3A_177 = tpu.memref_squeeze %dma_start3A_176 : memref<1x128xi32, #tpu.memory_space<vmem>> -> memref<128xi32, #tpu.memory_space<vmem>>
      %dma_start3A_178 = arith.constant 0 : i32
      %dma_start3A_179 = arith.constant 0 : i32
      %dma_start3A_180 = tpu.memref_slice %arg17[%dma_start3A_178, %dma_start3A_179] : memref<100352x16xf32, #tpu.memory_space<vmem_shared>> -> memref<100352x16xf32, #tpu.memory_space<vmem_shared>>
      tpu.enqueue_indirect_dma source(%arg15 : memref<128x16xf32, #tpu.memory_space<vmem>>) target(%dma_start3A_180 : memref<100352x16xf32, #tpu.memory_space<vmem_shared>>) offsets(%dma_start3A_177 : memref<128xi32, #tpu.memory_space<vmem>>) semaphore(%arg21 : memref<!tpu.dma_semaphore, #tpu.memory_space<semaphore_mem>>) {add = true}
      %dma_wait3A_181 = arith.constant 2 : i32
      %dma_wait3A_182 = arith.constant 0 : i32
      %dma_wait3A_183 = tpu.memref_slice %arg8[%dma_wait3A_181, %dma_wait3A_182] : memref<8x128xi32, #tpu.memory_space<vmem>> -> memref<1x128xi32, #tpu.memory_space<vmem>>
      %dma_wait3A_184 = tpu.memref_squeeze %dma_wait3A_183 : memref<1x128xi32, #tpu.memory_space<vmem>> -> memref<128xi32, #tpu.memory_space<vmem>>
      %dma_wait3A_185 = arith.constant 0 : i32
      %dma_wait3A_186 = arith.constant 0 : i32
      %dma_wait3A_187 = tpu.memref_slice %arg2[%dma_wait3A_185, %dma_wait3A_186] : memref<100000x8xf32, #tpu.memory_space<hbm>> -> memref<100000x8xf32, #tpu.memory_space<hbm>>
      tpu.wait_indirect_dma semaphore(%arg18 : memref<!tpu.dma_semaphore, #tpu.memory_space<semaphore_mem>>) src(%dma_wait3A_187 : memref<100000x8xf32, #tpu.memory_space<hbm>>) dst(%arg10 : memref<128x8xf32, #tpu.memory_space<vmem>>)
      %dma_wait3A_188 = arith.constant 2 : i32
      %dma_wait3A_189 = arith.constant 0 : i32
      %dma_wait3A_190 = tpu.memref_slice %arg9[%dma_wait3A_188, %dma_wait3A_189] : memref<8x128xi32, #tpu.memory_space<vmem>> -> memref<1x128xi32, #tpu.memory_space<vmem>>
      %dma_wait3A_191 = tpu.memref_squeeze %dma_wait3A_190 : memref<1x128xi32, #tpu.memory_space<vmem>> -> memref<128xi32, #tpu.memory_space<vmem>>
      %dma_wait3A_192 = arith.constant 0 : i32
      %dma_wait3A_193 = arith.constant 0 : i32
      %dma_wait3A_194 = tpu.memref_slice %arg2[%dma_wait3A_192, %dma_wait3A_193] : memref<100000x8xf32, #tpu.memory_space<hbm>> -> memref<100000x8xf32, #tpu.memory_space<hbm>>
      tpu.wait_indirect_dma semaphore(%arg18 : memref<!tpu.dma_semaphore, #tpu.memory_space<semaphore_mem>>) src(%dma_wait3A_194 : memref<100000x8xf32, #tpu.memory_space<hbm>>) dst(%arg12 : memref<128x8xf32, #tpu.memory_space<vmem>>)
      %dma_wait3A_195 = arith.constant 0 : i32
      %dma_wait3A_196 = arith.constant 0 : i32
      %dma_wait3A_197 = tpu.memref_slice %arg8[%dma_wait3A_195, %dma_wait3A_196] : memref<8x128xi32, #tpu.memory_space<vmem>> -> memref<1x128xi32, #tpu.memory_space<vmem>>
      %dma_wait3A_198 = tpu.memref_squeeze %dma_wait3A_197 : memref<1x128xi32, #tpu.memory_space<vmem>> -> memref<128xi32, #tpu.memory_space<vmem>>
      %dma_wait3A_199 = arith.constant 0 : i32
      %dma_wait3A_200 = arith.constant 0 : i32
      %dma_wait3A_201 = tpu.memref_slice %arg17[%dma_wait3A_199, %dma_wait3A_200] : memref<100352x16xf32, #tpu.memory_space<vmem_shared>> -> memref<100352x16xf32, #tpu.memory_space<vmem_shared>>
      tpu.wait_indirect_dma semaphore(%arg20 : memref<!tpu.dma_semaphore, #tpu.memory_space<semaphore_mem>>) src(%arg14 : memref<128x16xf32, #tpu.memory_space<vmem>>) dst(%dma_wait3A_201 : memref<100352x16xf32, #tpu.memory_space<vmem_shared>>)
      %mul3A_202 = arith.constant 1024 : i32
      %mul3A_203 = arith.muli %scan3A_59, %mul3A_202 : i32
      %add3A_204 = arith.addi %mul3A_38, %mul3A_203 : i32
      %add3A_205 = arith.constant 256 : i32
      %add3A_206 = arith.addi %add3A_204, %add3A_205 : i32
      %parallel_loop3A_207 = arith.constant 0 : i32
      %parallel_loop3A_208 = arith.constant 8 : i32
      %parallel_loop3A_209 = arith.constant 1 : i32
      %parallel_loop3A_210:2 = scf.for %parallel_loop3A_473 = %parallel_loop3A_207 to %parallel_loop3A_208 step %parallel_loop3A_209 iter_args(%parallel_loop3A_474 = %parallel_loop3A_159#0, %parallel_loop3A_475 = %parallel_loop3A_159#1) -> (vector<16xf32>, vector<16xf32>)  : i32 {
        %parallel_loop3A_476 = arith.constant 16 : i32
        %parallel_loop3A_477 = arith.muli %parallel_loop3A_473, %parallel_loop3A_476 : i32
        %parallel_loop3A_478 = vector.broadcast %parallel_loop3A_477 : i32 to vector<16xi32>
        %parallel_loop3A_479 = arith.addi %parallel_loop3A_478, %iota3A : vector<16xi32>
        %parallel_loop3A_480 = tpu.vector_load_idx %arg10[%parallel_loop3A_479, %broadcast_in_dim3A_3] : memref<128x8xf32, #tpu.memory_space<vmem>>[vector<16xi32>, vector<16xi32>], vector<16xf32>,
        %parallel_loop3A_481 = tpu.vector_load_idx %arg10[%parallel_loop3A_479, %broadcast_in_dim3A_5] : memref<128x8xf32, #tpu.memory_space<vmem>>[vector<16xi32>, vector<16xi32>], vector<16xf32>,
        %parallel_loop3A_482 = tpu.vector_load_idx %arg10[%parallel_loop3A_479, %broadcast_in_dim3A_7] : memref<128x8xf32, #tpu.memory_space<vmem>>[vector<16xi32>, vector<16xi32>], vector<16xf32>,
        %parallel_loop3A_483 = tpu.vector_load_idx %arg10[%parallel_loop3A_479, %broadcast_in_dim3A_9] : memref<128x8xf32, #tpu.memory_space<vmem>>[vector<16xi32>, vector<16xi32>], vector<16xf32>,
        %parallel_loop3A_484 = tpu.vector_load_idx %arg10[%parallel_loop3A_479, %broadcast_in_dim3A_11] : memref<128x8xf32, #tpu.memory_space<vmem>>[vector<16xi32>, vector<16xi32>], vector<16xf32>,
        %parallel_loop3A_485 = tpu.vector_load_idx %arg10[%parallel_loop3A_479, %broadcast_in_dim3A_13] : memref<128x8xf32, #tpu.memory_space<vmem>>[vector<16xi32>, vector<16xi32>], vector<16xf32>,
        %parallel_loop3A_486 = tpu.vector_load_idx %arg12[%parallel_loop3A_479, %broadcast_in_dim3A_3] : memref<128x8xf32, #tpu.memory_space<vmem>>[vector<16xi32>, vector<16xi32>], vector<16xf32>,
        %parallel_loop3A_487 = tpu.vector_load_idx %arg12[%parallel_loop3A_479, %broadcast_in_dim3A_5] : memref<128x8xf32, #tpu.memory_space<vmem>>[vector<16xi32>, vector<16xi32>], vector<16xf32>,
        %parallel_loop3A_488 = tpu.vector_load_idx %arg12[%parallel_loop3A_479, %broadcast_in_dim3A_7] : memref<128x8xf32, #tpu.memory_space<vmem>>[vector<16xi32>, vector<16xi32>], vector<16xf32>,
        %parallel_loop3A_489 = tpu.vector_load_idx %arg12[%parallel_loop3A_479, %broadcast_in_dim3A_9] : memref<128x8xf32, #tpu.memory_space<vmem>>[vector<16xi32>, vector<16xi32>], vector<16xf32>,
        %parallel_loop3A_490 = tpu.vector_load_idx %arg12[%parallel_loop3A_479, %broadcast_in_dim3A_11] : memref<128x8xf32, #tpu.memory_space<vmem>>[vector<16xi32>, vector<16xi32>], vector<16xf32>,
        %parallel_loop3A_491 = tpu.vector_load_idx %arg12[%parallel_loop3A_479, %broadcast_in_dim3A_13] : memref<128x8xf32, #tpu.memory_space<vmem>>[vector<16xi32>, vector<16xi32>], vector<16xf32>,
        %parallel_loop3A_492 = arith.subf %parallel_loop3A_486, %parallel_loop3A_480 : vector<16xf32>
        %parallel_loop3A_493 = arith.subf %parallel_loop3A_487, %parallel_loop3A_481 : vector<16xf32>
        %parallel_loop3A_494 = arith.subf %parallel_loop3A_488, %parallel_loop3A_482 : vector<16xf32>
        %parallel_loop3A_495 = arith.subf %parallel_loop3A_489, %parallel_loop3A_483 : vector<16xf32>
        %parallel_loop3A_496 = arith.subf %parallel_loop3A_490, %parallel_loop3A_484 : vector<16xf32>
        %parallel_loop3A_497 = arith.subf %parallel_loop3A_491, %parallel_loop3A_485 : vector<16xf32>
        %parallel_loop3A_498 = arith.mulf %parallel_loop3A_492, %parallel_loop3A_492 : vector<16xf32>
        %parallel_loop3A_499 = arith.mulf %parallel_loop3A_493, %parallel_loop3A_493 : vector<16xf32>
        %parallel_loop3A_500 = arith.addf %parallel_loop3A_498, %parallel_loop3A_499 : vector<16xf32>
        %parallel_loop3A_501 = arith.mulf %parallel_loop3A_494, %parallel_loop3A_494 : vector<16xf32>
        %parallel_loop3A_502 = arith.addf %parallel_loop3A_500, %parallel_loop3A_501 : vector<16xf32>
        %parallel_loop3A_503 = arith.mulf %parallel_loop3A_495, %parallel_loop3A_495 : vector<16xf32>
        %parallel_loop3A_504 = arith.mulf %parallel_loop3A_496, %parallel_loop3A_496 : vector<16xf32>
        %parallel_loop3A_505 = arith.addf %parallel_loop3A_503, %parallel_loop3A_504 : vector<16xf32>
        %parallel_loop3A_506 = arith.mulf %parallel_loop3A_497, %parallel_loop3A_497 : vector<16xf32>
        %parallel_loop3A_507 = arith.addf %parallel_loop3A_505, %parallel_loop3A_506 : vector<16xf32>
        %parallel_loop3A_508 = vector.bitcast %parallel_loop3A_502 : vector<16xf32> to vector<16xi32>
        %parallel_loop3A_509 = arith.constant 1 : i32
        %parallel_loop3A_510 = vector.broadcast %parallel_loop3A_509 : i32 to vector<16xi32>
        %parallel_loop3A_511 = arith.shrsi %parallel_loop3A_508, %parallel_loop3A_510 : vector<16xi32>
        %parallel_loop3A_512 = arith.constant 1597463007 : i32
        %parallel_loop3A_513 = vector.broadcast %parallel_loop3A_512 : i32 to vector<16xi32>
        %parallel_loop3A_514 = arith.subi %parallel_loop3A_513, %parallel_loop3A_511 : vector<16xi32>
        %parallel_loop3A_515 = vector.bitcast %parallel_loop3A_514 : vector<16xi32> to vector<16xf32>
        %parallel_loop3A_516 = arith.mulf %parallel_loop3A_502, %parallel_loop3A_515 : vector<16xf32>
        %parallel_loop3A_517 = arith.mulf %parallel_loop3A_516, %parallel_loop3A_515 : vector<16xf32>
        %parallel_loop3A_518 = arith.constant 5.000000e-01 : f32
        %parallel_loop3A_519 = vector.broadcast %parallel_loop3A_518 : f32 to vector<16xf32>
        %parallel_loop3A_520 = arith.mulf %parallel_loop3A_519, %parallel_loop3A_517 : vector<16xf32>
        %parallel_loop3A_521 = arith.constant 1.500000e+00 : f32
        %parallel_loop3A_522 = vector.broadcast %parallel_loop3A_521 : f32 to vector<16xf32>
        %parallel_loop3A_523 = arith.subf %parallel_loop3A_522, %parallel_loop3A_520 : vector<16xf32>
        %parallel_loop3A_524 = arith.mulf %parallel_loop3A_515, %parallel_loop3A_523 : vector<16xf32>
        %parallel_loop3A_525 = arith.mulf %parallel_loop3A_502, %parallel_loop3A_524 : vector<16xf32>
        %parallel_loop3A_526 = arith.mulf %parallel_loop3A_525, %parallel_loop3A_524 : vector<16xf32>
        %parallel_loop3A_527 = arith.constant 5.000000e-01 : f32
        %parallel_loop3A_528 = vector.broadcast %parallel_loop3A_527 : f32 to vector<16xf32>
        %parallel_loop3A_529 = arith.mulf %parallel_loop3A_528, %parallel_loop3A_526 : vector<16xf32>
        %parallel_loop3A_530 = arith.constant 1.500000e+00 : f32
        %parallel_loop3A_531 = vector.broadcast %parallel_loop3A_530 : f32 to vector<16xf32>
        %parallel_loop3A_532 = arith.subf %parallel_loop3A_531, %parallel_loop3A_529 : vector<16xf32>
        %parallel_loop3A_533 = arith.mulf %parallel_loop3A_524, %parallel_loop3A_532 : vector<16xf32>
        %parallel_loop3A_534 = arith.mulf %parallel_loop3A_502, %parallel_loop3A_533 : vector<16xf32>
        %parallel_loop3A_535 = arith.constant 9.99999993E-9 : f32
        %parallel_loop3A_536 = vector.broadcast %parallel_loop3A_535 : f32 to vector<16xf32>
        %parallel_loop3A_537 = arith.addf %parallel_loop3A_534, %parallel_loop3A_536 : vector<16xf32>
        %parallel_loop3A_538 = arith.constant 1.000000e+00 : f32
        %parallel_loop3A_539 = vector.broadcast %parallel_loop3A_538 : f32 to vector<16xf32>
        %parallel_loop3A_540 = arith.divf %parallel_loop3A_539, %parallel_loop3A_537 : vector<16xf32>
        %parallel_loop3A_541 = arith.constant 16 : i32
        %parallel_loop3A_542 = arith.muli %parallel_loop3A_473, %parallel_loop3A_541 : i32
        %parallel_loop3A_543 = arith.addi %add3A_206, %parallel_loop3A_542 : i32
        %parallel_loop3A_544 = vector.broadcast %parallel_loop3A_543 : i32 to vector<16xi32>
        %parallel_loop3A_545 = arith.addi %parallel_loop3A_544, %iota3A : vector<16xi32>
        %parallel_loop3A_546 = arith.constant 3200000 : i32
        %parallel_loop3A_547 = vector.broadcast %parallel_loop3A_546 : i32 to vector<16xi32>
        %parallel_loop3A_548 = arith.cmpi slt, %parallel_loop3A_545, %parallel_loop3A_547 : vector<16xi32>
        %parallel_loop3A_549 = arith.constant 0.000000e+00 : f32
        %parallel_loop3A_550 = vector.broadcast %parallel_loop3A_549 : f32 to vector<16xf32>
        %parallel_loop3A_551 = arith.select %parallel_loop3A_548, %parallel_loop3A_540, %parallel_loop3A_550 : vector<16xi1>, vector<16xf32>
        %parallel_loop3A_552 = arith.addf %parallel_loop3A_502, %parallel_loop3A_507 : vector<16xf32>
        %parallel_loop3A_553 = arith.mulf %parallel_loop3A_551, %parallel_loop3A_552 : vector<16xf32>
        %parallel_loop3A_554 = arith.addf %parallel_loop3A_474, %parallel_loop3A_553 : vector<16xf32>
        %parallel_loop3A_555 = arith.addf %parallel_loop3A_475, %parallel_loop3A_551 : vector<16xf32>
        %parallel_loop3A_556 = arith.mulf %parallel_loop3A_551, %parallel_loop3A_495 : vector<16xf32>
        %parallel_loop3A_557 = arith.mulf %parallel_loop3A_551, %parallel_loop3A_496 : vector<16xf32>
        %parallel_loop3A_558 = arith.mulf %parallel_loop3A_551, %parallel_loop3A_497 : vector<16xf32>
        %parallel_loop3A_559 = arith.mulf %parallel_loop3A_556, %parallel_loop3A_492 : vector<16xf32>
        %parallel_loop3A_560 = arith.mulf %parallel_loop3A_556, %parallel_loop3A_493 : vector<16xf32>
        %parallel_loop3A_561 = arith.mulf %parallel_loop3A_556, %parallel_loop3A_494 : vector<16xf32>
        %parallel_loop3A_562 = arith.mulf %parallel_loop3A_557, %parallel_loop3A_492 : vector<16xf32>
        %parallel_loop3A_563 = arith.mulf %parallel_loop3A_557, %parallel_loop3A_493 : vector<16xf32>
        %parallel_loop3A_564 = arith.mulf %parallel_loop3A_557, %parallel_loop3A_494 : vector<16xf32>
        %parallel_loop3A_565 = arith.mulf %parallel_loop3A_558, %parallel_loop3A_492 : vector<16xf32>
        %parallel_loop3A_566 = arith.mulf %parallel_loop3A_558, %parallel_loop3A_493 : vector<16xf32>
        %parallel_loop3A_567 = arith.mulf %parallel_loop3A_558, %parallel_loop3A_494 : vector<16xf32>
        tpu.vector_store_idx %arg14[%parallel_loop3A_479, %broadcast_in_dim3A_15], %parallel_loop3A_559 : memref<128x16xf32, #tpu.memory_space<vmem>>[vector<16xi32>, vector<16xi32>], vector<16xf32>,
        tpu.vector_store_idx %arg14[%parallel_loop3A_479, %broadcast_in_dim3A_17], %parallel_loop3A_560 : memref<128x16xf32, #tpu.memory_space<vmem>>[vector<16xi32>, vector<16xi32>], vector<16xf32>,
        tpu.vector_store_idx %arg14[%parallel_loop3A_479, %broadcast_in_dim3A_19], %parallel_loop3A_561 : memref<128x16xf32, #tpu.memory_space<vmem>>[vector<16xi32>, vector<16xi32>], vector<16xf32>,
        tpu.vector_store_idx %arg14[%parallel_loop3A_479, %broadcast_in_dim3A_21], %parallel_loop3A_562 : memref<128x16xf32, #tpu.memory_space<vmem>>[vector<16xi32>, vector<16xi32>], vector<16xf32>,
        tpu.vector_store_idx %arg14[%parallel_loop3A_479, %broadcast_in_dim3A_23], %parallel_loop3A_563 : memref<128x16xf32, #tpu.memory_space<vmem>>[vector<16xi32>, vector<16xi32>], vector<16xf32>,
        tpu.vector_store_idx %arg14[%parallel_loop3A_479, %broadcast_in_dim3A_25], %parallel_loop3A_564 : memref<128x16xf32, #tpu.memory_space<vmem>>[vector<16xi32>, vector<16xi32>], vector<16xf32>,
        tpu.vector_store_idx %arg14[%parallel_loop3A_479, %broadcast_in_dim3A_27], %parallel_loop3A_565 : memref<128x16xf32, #tpu.memory_space<vmem>>[vector<16xi32>, vector<16xi32>], vector<16xf32>,
        tpu.vector_store_idx %arg14[%parallel_loop3A_479, %broadcast_in_dim3A_29], %parallel_loop3A_566 : memref<128x16xf32, #tpu.memory_space<vmem>>[vector<16xi32>, vector<16xi32>], vector<16xf32>,
        tpu.vector_store_idx %arg14[%parallel_loop3A_479, %broadcast_in_dim3A_31], %parallel_loop3A_567 : memref<128x16xf32, #tpu.memory_space<vmem>>[vector<16xi32>, vector<16xi32>], vector<16xf32>,
        scf.yield %parallel_loop3A_554, %parallel_loop3A_555 : vector<16xf32>, vector<16xf32>
      } {sc.loop_unroll_factor = 4 : i64, sc.parallel_access}
      %dma_start3A_211 = arith.constant 4 : i32
      %dma_start3A_212 = arith.constant 0 : i32
      %dma_start3A_213 = tpu.memref_slice %arg8[%dma_start3A_211, %dma_start3A_212] : memref<8x128xi32, #tpu.memory_space<vmem>> -> memref<1x128xi32, #tpu.memory_space<vmem>>
      %dma_start3A_214 = tpu.memref_squeeze %dma_start3A_213 : memref<1x128xi32, #tpu.memory_space<vmem>> -> memref<128xi32, #tpu.memory_space<vmem>>
      %dma_start3A_215 = arith.constant 0 : i32
      %dma_start3A_216 = arith.constant 0 : i32
      %dma_start3A_217 = tpu.memref_slice %arg2[%dma_start3A_215, %dma_start3A_216] : memref<100000x8xf32, #tpu.memory_space<hbm>> -> memref<100000x8xf32, #tpu.memory_space<hbm>>
      tpu.enqueue_indirect_dma source(%dma_start3A_217 : memref<100000x8xf32, #tpu.memory_space<hbm>>) target(%arg10 : memref<128x8xf32, #tpu.memory_space<vmem>>) offsets(%dma_start3A_214 : memref<128xi32, #tpu.memory_space<vmem>>) semaphore(%arg18 : memref<!tpu.dma_semaphore, #tpu.memory_space<semaphore_mem>>)
      %dma_start3A_218 = arith.constant 4 : i32
      %dma_start3A_219 = arith.constant 0 : i32
      %dma_start3A_220 = tpu.memref_slice %arg9[%dma_start3A_218, %dma_start3A_219] : memref<8x128xi32, #tpu.memory_space<vmem>> -> memref<1x128xi32, #tpu.memory_space<vmem>>
      %dma_start3A_221 = tpu.memref_squeeze %dma_start3A_220 : memref<1x128xi32, #tpu.memory_space<vmem>> -> memref<128xi32, #tpu.memory_space<vmem>>
      %dma_start3A_222 = arith.constant 0 : i32
      %dma_start3A_223 = arith.constant 0 : i32
      %dma_start3A_224 = tpu.memref_slice %arg2[%dma_start3A_222, %dma_start3A_223] : memref<100000x8xf32, #tpu.memory_space<hbm>> -> memref<100000x8xf32, #tpu.memory_space<hbm>>
      tpu.enqueue_indirect_dma source(%dma_start3A_224 : memref<100000x8xf32, #tpu.memory_space<hbm>>) target(%arg12 : memref<128x8xf32, #tpu.memory_space<vmem>>) offsets(%dma_start3A_221 : memref<128xi32, #tpu.memory_space<vmem>>) semaphore(%arg18 : memref<!tpu.dma_semaphore, #tpu.memory_space<semaphore_mem>>)
      %dma_start3A_225 = arith.constant 2 : i32
      %dma_start3A_226 = arith.constant 0 : i32
      %dma_start3A_227 = tpu.memref_slice %arg8[%dma_start3A_225, %dma_start3A_226] : memref<8x128xi32, #tpu.memory_space<vmem>> -> memref<1x128xi32, #tpu.memory_space<vmem>>
      %dma_start3A_228 = tpu.memref_squeeze %dma_start3A_227 : memref<1x128xi32, #tpu.memory_space<vmem>> -> memref<128xi32, #tpu.memory_space<vmem>>
      %dma_start3A_229 = arith.constant 0 : i32
      %dma_start3A_230 = arith.constant 0 : i32
      %dma_start3A_231 = tpu.memref_slice %arg17[%dma_start3A_229, %dma_start3A_230] : memref<100352x16xf32, #tpu.memory_space<vmem_shared>> -> memref<100352x16xf32, #tpu.memory_space<vmem_shared>>
      tpu.enqueue_indirect_dma source(%arg14 : memref<128x16xf32, #tpu.memory_space<vmem>>) target(%dma_start3A_231 : memref<100352x16xf32, #tpu.memory_space<vmem_shared>>) offsets(%dma_start3A_228 : memref<128xi32, #tpu.memory_space<vmem>>) semaphore(%arg20 : memref<!tpu.dma_semaphore, #tpu.memory_space<semaphore_mem>>) {add = true}
      %dma_wait3A_232 = arith.constant 3 : i32
      %dma_wait3A_233 = arith.constant 0 : i32
      %dma_wait3A_234 = tpu.memref_slice %arg8[%dma_wait3A_232, %dma_wait3A_233] : memref<8x128xi32, #tpu.memory_space<vmem>> -> memref<1x128xi32, #tpu.memory_space<vmem>>
      %dma_wait3A_235 = tpu.memref_squeeze %dma_wait3A_234 : memref<1x128xi32, #tpu.memory_space<vmem>> -> memref<128xi32, #tpu.memory_space<vmem>>
      %dma_wait3A_236 = arith.constant 0 : i32
      %dma_wait3A_237 = arith.constant 0 : i32
      %dma_wait3A_238 = tpu.memref_slice %arg2[%dma_wait3A_236, %dma_wait3A_237] : memref<100000x8xf32, #tpu.memory_space<hbm>> -> memref<100000x8xf32, #tpu.memory_space<hbm>>
      tpu.wait_indirect_dma semaphore(%arg19 : memref<!tpu.dma_semaphore, #tpu.memory_space<semaphore_mem>>) src(%dma_wait3A_238 : memref<100000x8xf32, #tpu.memory_space<hbm>>) dst(%arg11 : memref<128x8xf32, #tpu.memory_space<vmem>>)
      %dma_wait3A_239 = arith.constant 3 : i32
      %dma_wait3A_240 = arith.constant 0 : i32
      %dma_wait3A_241 = tpu.memref_slice %arg9[%dma_wait3A_239, %dma_wait3A_240] : memref<8x128xi32, #tpu.memory_space<vmem>> -> memref<1x128xi32, #tpu.memory_space<vmem>>
      %dma_wait3A_242 = tpu.memref_squeeze %dma_wait3A_241 : memref<1x128xi32, #tpu.memory_space<vmem>> -> memref<128xi32, #tpu.memory_space<vmem>>
      %dma_wait3A_243 = arith.constant 0 : i32
      %dma_wait3A_244 = arith.constant 0 : i32
      %dma_wait3A_245 = tpu.memref_slice %arg2[%dma_wait3A_243, %dma_wait3A_244] : memref<100000x8xf32, #tpu.memory_space<hbm>> -> memref<100000x8xf32, #tpu.memory_space<hbm>>
      tpu.wait_indirect_dma semaphore(%arg19 : memref<!tpu.dma_semaphore, #tpu.memory_space<semaphore_mem>>) src(%dma_wait3A_245 : memref<100000x8xf32, #tpu.memory_space<hbm>>) dst(%arg13 : memref<128x8xf32, #tpu.memory_space<vmem>>)
      %dma_wait3A_246 = arith.constant 1 : i32
      %dma_wait3A_247 = arith.constant 0 : i32
      %dma_wait3A_248 = tpu.memref_slice %arg8[%dma_wait3A_246, %dma_wait3A_247] : memref<8x128xi32, #tpu.memory_space<vmem>> -> memref<1x128xi32, #tpu.memory_space<vmem>>
      %dma_wait3A_249 = tpu.memref_squeeze %dma_wait3A_248 : memref<1x128xi32, #tpu.memory_space<vmem>> -> memref<128xi32, #tpu.memory_space<vmem>>
      %dma_wait3A_250 = arith.constant 0 : i32
      %dma_wait3A_251 = arith.constant 0 : i32
      %dma_wait3A_252 = tpu.memref_slice %arg17[%dma_wait3A_250, %dma_wait3A_251] : memref<100352x16xf32, #tpu.memory_space<vmem_shared>> -> memref<100352x16xf32, #tpu.memory_space<vmem_shared>>
      tpu.wait_indirect_dma semaphore(%arg21 : memref<!tpu.dma_semaphore, #tpu.memory_space<semaphore_mem>>) src(%arg15 : memref<128x16xf32, #tpu.memory_space<vmem>>) dst(%dma_wait3A_252 : memref<100352x16xf32, #tpu.memory_space<vmem_shared>>)
      %mul3A_253 = arith.constant 1024 : i32
      %mul3A_254 = arith.muli %scan3A_59, %mul3A_253 : i32
      %add3A_255 = arith.addi %mul3A_38, %mul3A_254 : i32
      %add3A_256 = arith.constant 384 : i32
      %add3A_257 = arith.addi %add3A_255, %add3A_256 : i32
      %parallel_loop3A_258 = arith.constant 0 : i32
      %parallel_loop3A_259 = arith.constant 8 : i32
      %parallel_loop3A_260 = arith.constant 1 : i32
      %parallel_loop3A_261:2 = scf.for %parallel_loop3A_473 = %parallel_loop3A_258 to %parallel_loop3A_259 step %parallel_loop3A_260 iter_args(%parallel_loop3A_474 = %parallel_loop3A_210#0, %parallel_loop3A_475 = %parallel_loop3A_210#1) -> (vector<16xf32>, vector<16xf32>)  : i32 {
        %parallel_loop3A_476 = arith.constant 16 : i32
        %parallel_loop3A_477 = arith.muli %parallel_loop3A_473, %parallel_loop3A_476 : i32
        %parallel_loop3A_478 = vector.broadcast %parallel_loop3A_477 : i32 to vector<16xi32>
        %parallel_loop3A_479 = arith.addi %parallel_loop3A_478, %iota3A : vector<16xi32>
        %parallel_loop3A_480 = tpu.vector_load_idx %arg11[%parallel_loop3A_479, %broadcast_in_dim3A_3] : memref<128x8xf32, #tpu.memory_space<vmem>>[vector<16xi32>, vector<16xi32>], vector<16xf32>,
        %parallel_loop3A_481 = tpu.vector_load_idx %arg11[%parallel_loop3A_479, %broadcast_in_dim3A_5] : memref<128x8xf32, #tpu.memory_space<vmem>>[vector<16xi32>, vector<16xi32>], vector<16xf32>,
        %parallel_loop3A_482 = tpu.vector_load_idx %arg11[%parallel_loop3A_479, %broadcast_in_dim3A_7] : memref<128x8xf32, #tpu.memory_space<vmem>>[vector<16xi32>, vector<16xi32>], vector<16xf32>,
        %parallel_loop3A_483 = tpu.vector_load_idx %arg11[%parallel_loop3A_479, %broadcast_in_dim3A_9] : memref<128x8xf32, #tpu.memory_space<vmem>>[vector<16xi32>, vector<16xi32>], vector<16xf32>,
        %parallel_loop3A_484 = tpu.vector_load_idx %arg11[%parallel_loop3A_479, %broadcast_in_dim3A_11] : memref<128x8xf32, #tpu.memory_space<vmem>>[vector<16xi32>, vector<16xi32>], vector<16xf32>,
        %parallel_loop3A_485 = tpu.vector_load_idx %arg11[%parallel_loop3A_479, %broadcast_in_dim3A_13] : memref<128x8xf32, #tpu.memory_space<vmem>>[vector<16xi32>, vector<16xi32>], vector<16xf32>,
        %parallel_loop3A_486 = tpu.vector_load_idx %arg13[%parallel_loop3A_479, %broadcast_in_dim3A_3] : memref<128x8xf32, #tpu.memory_space<vmem>>[vector<16xi32>, vector<16xi32>], vector<16xf32>,
        %parallel_loop3A_487 = tpu.vector_load_idx %arg13[%parallel_loop3A_479, %broadcast_in_dim3A_5] : memref<128x8xf32, #tpu.memory_space<vmem>>[vector<16xi32>, vector<16xi32>], vector<16xf32>,
        %parallel_loop3A_488 = tpu.vector_load_idx %arg13[%parallel_loop3A_479, %broadcast_in_dim3A_7] : memref<128x8xf32, #tpu.memory_space<vmem>>[vector<16xi32>, vector<16xi32>], vector<16xf32>,
        %parallel_loop3A_489 = tpu.vector_load_idx %arg13[%parallel_loop3A_479, %broadcast_in_dim3A_9] : memref<128x8xf32, #tpu.memory_space<vmem>>[vector<16xi32>, vector<16xi32>], vector<16xf32>,
        %parallel_loop3A_490 = tpu.vector_load_idx %arg13[%parallel_loop3A_479, %broadcast_in_dim3A_11] : memref<128x8xf32, #tpu.memory_space<vmem>>[vector<16xi32>, vector<16xi32>], vector<16xf32>,
        %parallel_loop3A_491 = tpu.vector_load_idx %arg13[%parallel_loop3A_479, %broadcast_in_dim3A_13] : memref<128x8xf32, #tpu.memory_space<vmem>>[vector<16xi32>, vector<16xi32>], vector<16xf32>,
        %parallel_loop3A_492 = arith.subf %parallel_loop3A_486, %parallel_loop3A_480 : vector<16xf32>
        %parallel_loop3A_493 = arith.subf %parallel_loop3A_487, %parallel_loop3A_481 : vector<16xf32>
        %parallel_loop3A_494 = arith.subf %parallel_loop3A_488, %parallel_loop3A_482 : vector<16xf32>
        %parallel_loop3A_495 = arith.subf %parallel_loop3A_489, %parallel_loop3A_483 : vector<16xf32>
        %parallel_loop3A_496 = arith.subf %parallel_loop3A_490, %parallel_loop3A_484 : vector<16xf32>
        %parallel_loop3A_497 = arith.subf %parallel_loop3A_491, %parallel_loop3A_485 : vector<16xf32>
        %parallel_loop3A_498 = arith.mulf %parallel_loop3A_492, %parallel_loop3A_492 : vector<16xf32>
        %parallel_loop3A_499 = arith.mulf %parallel_loop3A_493, %parallel_loop3A_493 : vector<16xf32>
        %parallel_loop3A_500 = arith.addf %parallel_loop3A_498, %parallel_loop3A_499 : vector<16xf32>
        %parallel_loop3A_501 = arith.mulf %parallel_loop3A_494, %parallel_loop3A_494 : vector<16xf32>
        %parallel_loop3A_502 = arith.addf %parallel_loop3A_500, %parallel_loop3A_501 : vector<16xf32>
        %parallel_loop3A_503 = arith.mulf %parallel_loop3A_495, %parallel_loop3A_495 : vector<16xf32>
        %parallel_loop3A_504 = arith.mulf %parallel_loop3A_496, %parallel_loop3A_496 : vector<16xf32>
        %parallel_loop3A_505 = arith.addf %parallel_loop3A_503, %parallel_loop3A_504 : vector<16xf32>
        %parallel_loop3A_506 = arith.mulf %parallel_loop3A_497, %parallel_loop3A_497 : vector<16xf32>
        %parallel_loop3A_507 = arith.addf %parallel_loop3A_505, %parallel_loop3A_506 : vector<16xf32>
        %parallel_loop3A_508 = vector.bitcast %parallel_loop3A_502 : vector<16xf32> to vector<16xi32>
        %parallel_loop3A_509 = arith.constant 1 : i32
        %parallel_loop3A_510 = vector.broadcast %parallel_loop3A_509 : i32 to vector<16xi32>
        %parallel_loop3A_511 = arith.shrsi %parallel_loop3A_508, %parallel_loop3A_510 : vector<16xi32>
        %parallel_loop3A_512 = arith.constant 1597463007 : i32
        %parallel_loop3A_513 = vector.broadcast %parallel_loop3A_512 : i32 to vector<16xi32>
        %parallel_loop3A_514 = arith.subi %parallel_loop3A_513, %parallel_loop3A_511 : vector<16xi32>
        %parallel_loop3A_515 = vector.bitcast %parallel_loop3A_514 : vector<16xi32> to vector<16xf32>
        %parallel_loop3A_516 = arith.mulf %parallel_loop3A_502, %parallel_loop3A_515 : vector<16xf32>
        %parallel_loop3A_517 = arith.mulf %parallel_loop3A_516, %parallel_loop3A_515 : vector<16xf32>
        %parallel_loop3A_518 = arith.constant 5.000000e-01 : f32
        %parallel_loop3A_519 = vector.broadcast %parallel_loop3A_518 : f32 to vector<16xf32>
        %parallel_loop3A_520 = arith.mulf %parallel_loop3A_519, %parallel_loop3A_517 : vector<16xf32>
        %parallel_loop3A_521 = arith.constant 1.500000e+00 : f32
        %parallel_loop3A_522 = vector.broadcast %parallel_loop3A_521 : f32 to vector<16xf32>
        %parallel_loop3A_523 = arith.subf %parallel_loop3A_522, %parallel_loop3A_520 : vector<16xf32>
        %parallel_loop3A_524 = arith.mulf %parallel_loop3A_515, %parallel_loop3A_523 : vector<16xf32>
        %parallel_loop3A_525 = arith.mulf %parallel_loop3A_502, %parallel_loop3A_524 : vector<16xf32>
        %parallel_loop3A_526 = arith.mulf %parallel_loop3A_525, %parallel_loop3A_524 : vector<16xf32>
        %parallel_loop3A_527 = arith.constant 5.000000e-01 : f32
        %parallel_loop3A_528 = vector.broadcast %parallel_loop3A_527 : f32 to vector<16xf32>
        %parallel_loop3A_529 = arith.mulf %parallel_loop3A_528, %parallel_loop3A_526 : vector<16xf32>
        %parallel_loop3A_530 = arith.constant 1.500000e+00 : f32
        %parallel_loop3A_531 = vector.broadcast %parallel_loop3A_530 : f32 to vector<16xf32>
        %parallel_loop3A_532 = arith.subf %parallel_loop3A_531, %parallel_loop3A_529 : vector<16xf32>
        %parallel_loop3A_533 = arith.mulf %parallel_loop3A_524, %parallel_loop3A_532 : vector<16xf32>
        %parallel_loop3A_534 = arith.mulf %parallel_loop3A_502, %parallel_loop3A_533 : vector<16xf32>
        %parallel_loop3A_535 = arith.constant 9.99999993E-9 : f32
        %parallel_loop3A_536 = vector.broadcast %parallel_loop3A_535 : f32 to vector<16xf32>
        %parallel_loop3A_537 = arith.addf %parallel_loop3A_534, %parallel_loop3A_536 : vector<16xf32>
        %parallel_loop3A_538 = arith.constant 1.000000e+00 : f32
        %parallel_loop3A_539 = vector.broadcast %parallel_loop3A_538 : f32 to vector<16xf32>
        %parallel_loop3A_540 = arith.divf %parallel_loop3A_539, %parallel_loop3A_537 : vector<16xf32>
        %parallel_loop3A_541 = arith.constant 16 : i32
        %parallel_loop3A_542 = arith.muli %parallel_loop3A_473, %parallel_loop3A_541 : i32
        %parallel_loop3A_543 = arith.addi %add3A_257, %parallel_loop3A_542 : i32
        %parallel_loop3A_544 = vector.broadcast %parallel_loop3A_543 : i32 to vector<16xi32>
        %parallel_loop3A_545 = arith.addi %parallel_loop3A_544, %iota3A : vector<16xi32>
        %parallel_loop3A_546 = arith.constant 3200000 : i32
        %parallel_loop3A_547 = vector.broadcast %parallel_loop3A_546 : i32 to vector<16xi32>
        %parallel_loop3A_548 = arith.cmpi slt, %parallel_loop3A_545, %parallel_loop3A_547 : vector<16xi32>
        %parallel_loop3A_549 = arith.constant 0.000000e+00 : f32
        %parallel_loop3A_550 = vector.broadcast %parallel_loop3A_549 : f32 to vector<16xf32>
        %parallel_loop3A_551 = arith.select %parallel_loop3A_548, %parallel_loop3A_540, %parallel_loop3A_550 : vector<16xi1>, vector<16xf32>
        %parallel_loop3A_552 = arith.addf %parallel_loop3A_502, %parallel_loop3A_507 : vector<16xf32>
        %parallel_loop3A_553 = arith.mulf %parallel_loop3A_551, %parallel_loop3A_552 : vector<16xf32>
        %parallel_loop3A_554 = arith.addf %parallel_loop3A_474, %parallel_loop3A_553 : vector<16xf32>
        %parallel_loop3A_555 = arith.addf %parallel_loop3A_475, %parallel_loop3A_551 : vector<16xf32>
        %parallel_loop3A_556 = arith.mulf %parallel_loop3A_551, %parallel_loop3A_495 : vector<16xf32>
        %parallel_loop3A_557 = arith.mulf %parallel_loop3A_551, %parallel_loop3A_496 : vector<16xf32>
        %parallel_loop3A_558 = arith.mulf %parallel_loop3A_551, %parallel_loop3A_497 : vector<16xf32>
        %parallel_loop3A_559 = arith.mulf %parallel_loop3A_556, %parallel_loop3A_492 : vector<16xf32>
        %parallel_loop3A_560 = arith.mulf %parallel_loop3A_556, %parallel_loop3A_493 : vector<16xf32>
        %parallel_loop3A_561 = arith.mulf %parallel_loop3A_556, %parallel_loop3A_494 : vector<16xf32>
        %parallel_loop3A_562 = arith.mulf %parallel_loop3A_557, %parallel_loop3A_492 : vector<16xf32>
        %parallel_loop3A_563 = arith.mulf %parallel_loop3A_557, %parallel_loop3A_493 : vector<16xf32>
        %parallel_loop3A_564 = arith.mulf %parallel_loop3A_557, %parallel_loop3A_494 : vector<16xf32>
        %parallel_loop3A_565 = arith.mulf %parallel_loop3A_558, %parallel_loop3A_492 : vector<16xf32>
        %parallel_loop3A_566 = arith.mulf %parallel_loop3A_558, %parallel_loop3A_493 : vector<16xf32>
        %parallel_loop3A_567 = arith.mulf %parallel_loop3A_558, %parallel_loop3A_494 : vector<16xf32>
        tpu.vector_store_idx %arg15[%parallel_loop3A_479, %broadcast_in_dim3A_15], %parallel_loop3A_559 : memref<128x16xf32, #tpu.memory_space<vmem>>[vector<16xi32>, vector<16xi32>], vector<16xf32>,
        tpu.vector_store_idx %arg15[%parallel_loop3A_479, %broadcast_in_dim3A_17], %parallel_loop3A_560 : memref<128x16xf32, #tpu.memory_space<vmem>>[vector<16xi32>, vector<16xi32>], vector<16xf32>,
        tpu.vector_store_idx %arg15[%parallel_loop3A_479, %broadcast_in_dim3A_19], %parallel_loop3A_561 : memref<128x16xf32, #tpu.memory_space<vmem>>[vector<16xi32>, vector<16xi32>], vector<16xf32>,
        tpu.vector_store_idx %arg15[%parallel_loop3A_479, %broadcast_in_dim3A_21], %parallel_loop3A_562 : memref<128x16xf32, #tpu.memory_space<vmem>>[vector<16xi32>, vector<16xi32>], vector<16xf32>,
        tpu.vector_store_idx %arg15[%parallel_loop3A_479, %broadcast_in_dim3A_23], %parallel_loop3A_563 : memref<128x16xf32, #tpu.memory_space<vmem>>[vector<16xi32>, vector<16xi32>], vector<16xf32>,
        tpu.vector_store_idx %arg15[%parallel_loop3A_479, %broadcast_in_dim3A_25], %parallel_loop3A_564 : memref<128x16xf32, #tpu.memory_space<vmem>>[vector<16xi32>, vector<16xi32>], vector<16xf32>,
        tpu.vector_store_idx %arg15[%parallel_loop3A_479, %broadcast_in_dim3A_27], %parallel_loop3A_565 : memref<128x16xf32, #tpu.memory_space<vmem>>[vector<16xi32>, vector<16xi32>], vector<16xf32>,
        tpu.vector_store_idx %arg15[%parallel_loop3A_479, %broadcast_in_dim3A_29], %parallel_loop3A_566 : memref<128x16xf32, #tpu.memory_space<vmem>>[vector<16xi32>, vector<16xi32>], vector<16xf32>,
        tpu.vector_store_idx %arg15[%parallel_loop3A_479, %broadcast_in_dim3A_31], %parallel_loop3A_567 : memref<128x16xf32, #tpu.memory_space<vmem>>[vector<16xi32>, vector<16xi32>], vector<16xf32>,
        scf.yield %parallel_loop3A_554, %parallel_loop3A_555 : vector<16xf32>, vector<16xf32>
      } {sc.loop_unroll_factor = 4 : i64, sc.parallel_access}
      %dma_start3A_262 = arith.constant 5 : i32
      %dma_start3A_263 = arith.constant 0 : i32
      %dma_start3A_264 = tpu.memref_slice %arg8[%dma_start3A_262, %dma_start3A_263] : memref<8x128xi32, #tpu.memory_space<vmem>> -> memref<1x128xi32, #tpu.memory_space<vmem>>
      %dma_start3A_265 = tpu.memref_squeeze %dma_start3A_264 : memref<1x128xi32, #tpu.memory_space<vmem>> -> memref<128xi32, #tpu.memory_space<vmem>>
      %dma_start3A_266 = arith.constant 0 : i32
      %dma_start3A_267 = arith.constant 0 : i32
      %dma_start3A_268 = tpu.memref_slice %arg2[%dma_start3A_266, %dma_start3A_267] : memref<100000x8xf32, #tpu.memory_space<hbm>> -> memref<100000x8xf32, #tpu.memory_space<hbm>>
      tpu.enqueue_indirect_dma source(%dma_start3A_268 : memref<100000x8xf32, #tpu.memory_space<hbm>>) target(%arg11 : memref<128x8xf32, #tpu.memory_space<vmem>>) offsets(%dma_start3A_265 : memref<128xi32, #tpu.memory_space<vmem>>) semaphore(%arg19 : memref<!tpu.dma_semaphore, #tpu.memory_space<semaphore_mem>>)
      %dma_start3A_269 = arith.constant 5 : i32
      %dma_start3A_270 = arith.constant 0 : i32
      %dma_start3A_271 = tpu.memref_slice %arg9[%dma_start3A_269, %dma_start3A_270] : memref<8x128xi32, #tpu.memory_space<vmem>> -> memref<1x128xi32, #tpu.memory_space<vmem>>
      %dma_start3A_272 = tpu.memref_squeeze %dma_start3A_271 : memref<1x128xi32, #tpu.memory_space<vmem>> -> memref<128xi32, #tpu.memory_space<vmem>>
      %dma_start3A_273 = arith.constant 0 : i32
      %dma_start3A_274 = arith.constant 0 : i32
      %dma_start3A_275 = tpu.memref_slice %arg2[%dma_start3A_273, %dma_start3A_274] : memref<100000x8xf32, #tpu.memory_space<hbm>> -> memref<100000x8xf32, #tpu.memory_space<hbm>>
      tpu.enqueue_indirect_dma source(%dma_start3A_275 : memref<100000x8xf32, #tpu.memory_space<hbm>>) target(%arg13 : memref<128x8xf32, #tpu.memory_space<vmem>>) offsets(%dma_start3A_272 : memref<128xi32, #tpu.memory_space<vmem>>) semaphore(%arg19 : memref<!tpu.dma_semaphore, #tpu.memory_space<semaphore_mem>>)
      %dma_start3A_276 = arith.constant 3 : i32
      %dma_start3A_277 = arith.constant 0 : i32
      %dma_start3A_278 = tpu.memref_slice %arg8[%dma_start3A_276, %dma_start3A_277] : memref<8x128xi32, #tpu.memory_space<vmem>> -> memref<1x128xi32, #tpu.memory_space<vmem>>
      %dma_start3A_279 = tpu.memref_squeeze %dma_start3A_278 : memref<1x128xi32, #tpu.memory_space<vmem>> -> memref<128xi32, #tpu.memory_space<vmem>>
      %dma_start3A_280 = arith.constant 0 : i32
      %dma_start3A_281 = arith.constant 0 : i32
      %dma_start3A_282 = tpu.memref_slice %arg17[%dma_start3A_280, %dma_start3A_281] : memref<100352x16xf32, #tpu.memory_space<vmem_shared>> -> memref<100352x16xf32, #tpu.memory_space<vmem_shared>>
      tpu.enqueue_indirect_dma source(%arg15 : memref<128x16xf32, #tpu.memory_space<vmem>>) target(%dma_start3A_282 : memref<100352x16xf32, #tpu.memory_space<vmem_shared>>) offsets(%dma_start3A_279 : memref<128xi32, #tpu.memory_space<vmem>>) semaphore(%arg21 : memref<!tpu.dma_semaphore, #tpu.memory_space<semaphore_mem>>) {add = true}
      %dma_wait3A_283 = arith.constant 4 : i32
      %dma_wait3A_284 = arith.constant 0 : i32
      %dma_wait3A_285 = tpu.memref_slice %arg8[%dma_wait3A_283, %dma_wait3A_284] : memref<8x128xi32, #tpu.memory_space<vmem>> -> memref<1x128xi32, #tpu.memory_space<vmem>>
      %dma_wait3A_286 = tpu.memref_squeeze %dma_wait3A_285 : memref<1x128xi32, #tpu.memory_space<vmem>> -> memref<128xi32, #tpu.memory_space<vmem>>
      %dma_wait3A_287 = arith.constant 0 : i32
      %dma_wait3A_288 = arith.constant 0 : i32
      %dma_wait3A_289 = tpu.memref_slice %arg2[%dma_wait3A_287, %dma_wait3A_288] : memref<100000x8xf32, #tpu.memory_space<hbm>> -> memref<100000x8xf32, #tpu.memory_space<hbm>>
      tpu.wait_indirect_dma semaphore(%arg18 : memref<!tpu.dma_semaphore, #tpu.memory_space<semaphore_mem>>) src(%dma_wait3A_289 : memref<100000x8xf32, #tpu.memory_space<hbm>>) dst(%arg10 : memref<128x8xf32, #tpu.memory_space<vmem>>)
      %dma_wait3A_290 = arith.constant 4 : i32
      %dma_wait3A_291 = arith.constant 0 : i32
      %dma_wait3A_292 = tpu.memref_slice %arg9[%dma_wait3A_290, %dma_wait3A_291] : memref<8x128xi32, #tpu.memory_space<vmem>> -> memref<1x128xi32, #tpu.memory_space<vmem>>
      %dma_wait3A_293 = tpu.memref_squeeze %dma_wait3A_292 : memref<1x128xi32, #tpu.memory_space<vmem>> -> memref<128xi32, #tpu.memory_space<vmem>>
      %dma_wait3A_294 = arith.constant 0 : i32
      %dma_wait3A_295 = arith.constant 0 : i32
      %dma_wait3A_296 = tpu.memref_slice %arg2[%dma_wait3A_294, %dma_wait3A_295] : memref<100000x8xf32, #tpu.memory_space<hbm>> -> memref<100000x8xf32, #tpu.memory_space<hbm>>
      tpu.wait_indirect_dma semaphore(%arg18 : memref<!tpu.dma_semaphore, #tpu.memory_space<semaphore_mem>>) src(%dma_wait3A_296 : memref<100000x8xf32, #tpu.memory_space<hbm>>) dst(%arg12 : memref<128x8xf32, #tpu.memory_space<vmem>>)
      %dma_wait3A_297 = arith.constant 2 : i32
      %dma_wait3A_298 = arith.constant 0 : i32
      %dma_wait3A_299 = tpu.memref_slice %arg8[%dma_wait3A_297, %dma_wait3A_298] : memref<8x128xi32, #tpu.memory_space<vmem>> -> memref<1x128xi32, #tpu.memory_space<vmem>>
      %dma_wait3A_300 = tpu.memref_squeeze %dma_wait3A_299 : memref<1x128xi32, #tpu.memory_space<vmem>> -> memref<128xi32, #tpu.memory_space<vmem>>
      %dma_wait3A_301 = arith.constant 0 : i32
      %dma_wait3A_302 = arith.constant 0 : i32
      %dma_wait3A_303 = tpu.memref_slice %arg17[%dma_wait3A_301, %dma_wait3A_302] : memref<100352x16xf32, #tpu.memory_space<vmem_shared>> -> memref<100352x16xf32, #tpu.memory_space<vmem_shared>>
      tpu.wait_indirect_dma semaphore(%arg20 : memref<!tpu.dma_semaphore, #tpu.memory_space<semaphore_mem>>) src(%arg14 : memref<128x16xf32, #tpu.memory_space<vmem>>) dst(%dma_wait3A_303 : memref<100352x16xf32, #tpu.memory_space<vmem_shared>>)
      %mul3A_304 = arith.constant 1024 : i32
      %mul3A_305 = arith.muli %scan3A_59, %mul3A_304 : i32
      %add3A_306 = arith.addi %mul3A_38, %mul3A_305 : i32
      %add3A_307 = arith.constant 512 : i32
      %add3A_308 = arith.addi %add3A_306, %add3A_307 : i32
      %parallel_loop3A_309 = arith.constant 0 : i32
      %parallel_loop3A_310 = arith.constant 8 : i32
      %parallel_loop3A_311 = arith.constant 1 : i32
      %parallel_loop3A_312:2 = scf.for %parallel_loop3A_473 = %parallel_loop3A_309 to %parallel_loop3A_310 step %parallel_loop3A_311 iter_args(%parallel_loop3A_474 = %parallel_loop3A_261#0, %parallel_loop3A_475 = %parallel_loop3A_261#1) -> (vector<16xf32>, vector<16xf32>)  : i32 {
        %parallel_loop3A_476 = arith.constant 16 : i32
        %parallel_loop3A_477 = arith.muli %parallel_loop3A_473, %parallel_loop3A_476 : i32
        %parallel_loop3A_478 = vector.broadcast %parallel_loop3A_477 : i32 to vector<16xi32>
        %parallel_loop3A_479 = arith.addi %parallel_loop3A_478, %iota3A : vector<16xi32>
        %parallel_loop3A_480 = tpu.vector_load_idx %arg10[%parallel_loop3A_479, %broadcast_in_dim3A_3] : memref<128x8xf32, #tpu.memory_space<vmem>>[vector<16xi32>, vector<16xi32>], vector<16xf32>,
        %parallel_loop3A_481 = tpu.vector_load_idx %arg10[%parallel_loop3A_479, %broadcast_in_dim3A_5] : memref<128x8xf32, #tpu.memory_space<vmem>>[vector<16xi32>, vector<16xi32>], vector<16xf32>,
        %parallel_loop3A_482 = tpu.vector_load_idx %arg10[%parallel_loop3A_479, %broadcast_in_dim3A_7] : memref<128x8xf32, #tpu.memory_space<vmem>>[vector<16xi32>, vector<16xi32>], vector<16xf32>,
        %parallel_loop3A_483 = tpu.vector_load_idx %arg10[%parallel_loop3A_479, %broadcast_in_dim3A_9] : memref<128x8xf32, #tpu.memory_space<vmem>>[vector<16xi32>, vector<16xi32>], vector<16xf32>,
        %parallel_loop3A_484 = tpu.vector_load_idx %arg10[%parallel_loop3A_479, %broadcast_in_dim3A_11] : memref<128x8xf32, #tpu.memory_space<vmem>>[vector<16xi32>, vector<16xi32>], vector<16xf32>,
        %parallel_loop3A_485 = tpu.vector_load_idx %arg10[%parallel_loop3A_479, %broadcast_in_dim3A_13] : memref<128x8xf32, #tpu.memory_space<vmem>>[vector<16xi32>, vector<16xi32>], vector<16xf32>,
        %parallel_loop3A_486 = tpu.vector_load_idx %arg12[%parallel_loop3A_479, %broadcast_in_dim3A_3] : memref<128x8xf32, #tpu.memory_space<vmem>>[vector<16xi32>, vector<16xi32>], vector<16xf32>,
        %parallel_loop3A_487 = tpu.vector_load_idx %arg12[%parallel_loop3A_479, %broadcast_in_dim3A_5] : memref<128x8xf32, #tpu.memory_space<vmem>>[vector<16xi32>, vector<16xi32>], vector<16xf32>,
        %parallel_loop3A_488 = tpu.vector_load_idx %arg12[%parallel_loop3A_479, %broadcast_in_dim3A_7] : memref<128x8xf32, #tpu.memory_space<vmem>>[vector<16xi32>, vector<16xi32>], vector<16xf32>,
        %parallel_loop3A_489 = tpu.vector_load_idx %arg12[%parallel_loop3A_479, %broadcast_in_dim3A_9] : memref<128x8xf32, #tpu.memory_space<vmem>>[vector<16xi32>, vector<16xi32>], vector<16xf32>,
        %parallel_loop3A_490 = tpu.vector_load_idx %arg12[%parallel_loop3A_479, %broadcast_in_dim3A_11] : memref<128x8xf32, #tpu.memory_space<vmem>>[vector<16xi32>, vector<16xi32>], vector<16xf32>,
        %parallel_loop3A_491 = tpu.vector_load_idx %arg12[%parallel_loop3A_479, %broadcast_in_dim3A_13] : memref<128x8xf32, #tpu.memory_space<vmem>>[vector<16xi32>, vector<16xi32>], vector<16xf32>,
        %parallel_loop3A_492 = arith.subf %parallel_loop3A_486, %parallel_loop3A_480 : vector<16xf32>
        %parallel_loop3A_493 = arith.subf %parallel_loop3A_487, %parallel_loop3A_481 : vector<16xf32>
        %parallel_loop3A_494 = arith.subf %parallel_loop3A_488, %parallel_loop3A_482 : vector<16xf32>
        %parallel_loop3A_495 = arith.subf %parallel_loop3A_489, %parallel_loop3A_483 : vector<16xf32>
        %parallel_loop3A_496 = arith.subf %parallel_loop3A_490, %parallel_loop3A_484 : vector<16xf32>
        %parallel_loop3A_497 = arith.subf %parallel_loop3A_491, %parallel_loop3A_485 : vector<16xf32>
        %parallel_loop3A_498 = arith.mulf %parallel_loop3A_492, %parallel_loop3A_492 : vector<16xf32>
        %parallel_loop3A_499 = arith.mulf %parallel_loop3A_493, %parallel_loop3A_493 : vector<16xf32>
        %parallel_loop3A_500 = arith.addf %parallel_loop3A_498, %parallel_loop3A_499 : vector<16xf32>
        %parallel_loop3A_501 = arith.mulf %parallel_loop3A_494, %parallel_loop3A_494 : vector<16xf32>
        %parallel_loop3A_502 = arith.addf %parallel_loop3A_500, %parallel_loop3A_501 : vector<16xf32>
        %parallel_loop3A_503 = arith.mulf %parallel_loop3A_495, %parallel_loop3A_495 : vector<16xf32>
        %parallel_loop3A_504 = arith.mulf %parallel_loop3A_496, %parallel_loop3A_496 : vector<16xf32>
        %parallel_loop3A_505 = arith.addf %parallel_loop3A_503, %parallel_loop3A_504 : vector<16xf32>
        %parallel_loop3A_506 = arith.mulf %parallel_loop3A_497, %parallel_loop3A_497 : vector<16xf32>
        %parallel_loop3A_507 = arith.addf %parallel_loop3A_505, %parallel_loop3A_506 : vector<16xf32>
        %parallel_loop3A_508 = vector.bitcast %parallel_loop3A_502 : vector<16xf32> to vector<16xi32>
        %parallel_loop3A_509 = arith.constant 1 : i32
        %parallel_loop3A_510 = vector.broadcast %parallel_loop3A_509 : i32 to vector<16xi32>
        %parallel_loop3A_511 = arith.shrsi %parallel_loop3A_508, %parallel_loop3A_510 : vector<16xi32>
        %parallel_loop3A_512 = arith.constant 1597463007 : i32
        %parallel_loop3A_513 = vector.broadcast %parallel_loop3A_512 : i32 to vector<16xi32>
        %parallel_loop3A_514 = arith.subi %parallel_loop3A_513, %parallel_loop3A_511 : vector<16xi32>
        %parallel_loop3A_515 = vector.bitcast %parallel_loop3A_514 : vector<16xi32> to vector<16xf32>
        %parallel_loop3A_516 = arith.mulf %parallel_loop3A_502, %parallel_loop3A_515 : vector<16xf32>
        %parallel_loop3A_517 = arith.mulf %parallel_loop3A_516, %parallel_loop3A_515 : vector<16xf32>
        %parallel_loop3A_518 = arith.constant 5.000000e-01 : f32
        %parallel_loop3A_519 = vector.broadcast %parallel_loop3A_518 : f32 to vector<16xf32>
        %parallel_loop3A_520 = arith.mulf %parallel_loop3A_519, %parallel_loop3A_517 : vector<16xf32>
        %parallel_loop3A_521 = arith.constant 1.500000e+00 : f32
        %parallel_loop3A_522 = vector.broadcast %parallel_loop3A_521 : f32 to vector<16xf32>
        %parallel_loop3A_523 = arith.subf %parallel_loop3A_522, %parallel_loop3A_520 : vector<16xf32>
        %parallel_loop3A_524 = arith.mulf %parallel_loop3A_515, %parallel_loop3A_523 : vector<16xf32>
        %parallel_loop3A_525 = arith.mulf %parallel_loop3A_502, %parallel_loop3A_524 : vector<16xf32>
        %parallel_loop3A_526 = arith.mulf %parallel_loop3A_525, %parallel_loop3A_524 : vector<16xf32>
        %parallel_loop3A_527 = arith.constant 5.000000e-01 : f32
        %parallel_loop3A_528 = vector.broadcast %parallel_loop3A_527 : f32 to vector<16xf32>
        %parallel_loop3A_529 = arith.mulf %parallel_loop3A_528, %parallel_loop3A_526 : vector<16xf32>
        %parallel_loop3A_530 = arith.constant 1.500000e+00 : f32
        %parallel_loop3A_531 = vector.broadcast %parallel_loop3A_530 : f32 to vector<16xf32>
        %parallel_loop3A_532 = arith.subf %parallel_loop3A_531, %parallel_loop3A_529 : vector<16xf32>
        %parallel_loop3A_533 = arith.mulf %parallel_loop3A_524, %parallel_loop3A_532 : vector<16xf32>
        %parallel_loop3A_534 = arith.mulf %parallel_loop3A_502, %parallel_loop3A_533 : vector<16xf32>
        %parallel_loop3A_535 = arith.constant 9.99999993E-9 : f32
        %parallel_loop3A_536 = vector.broadcast %parallel_loop3A_535 : f32 to vector<16xf32>
        %parallel_loop3A_537 = arith.addf %parallel_loop3A_534, %parallel_loop3A_536 : vector<16xf32>
        %parallel_loop3A_538 = arith.constant 1.000000e+00 : f32
        %parallel_loop3A_539 = vector.broadcast %parallel_loop3A_538 : f32 to vector<16xf32>
        %parallel_loop3A_540 = arith.divf %parallel_loop3A_539, %parallel_loop3A_537 : vector<16xf32>
        %parallel_loop3A_541 = arith.constant 16 : i32
        %parallel_loop3A_542 = arith.muli %parallel_loop3A_473, %parallel_loop3A_541 : i32
        %parallel_loop3A_543 = arith.addi %add3A_308, %parallel_loop3A_542 : i32
        %parallel_loop3A_544 = vector.broadcast %parallel_loop3A_543 : i32 to vector<16xi32>
        %parallel_loop3A_545 = arith.addi %parallel_loop3A_544, %iota3A : vector<16xi32>
        %parallel_loop3A_546 = arith.constant 3200000 : i32
        %parallel_loop3A_547 = vector.broadcast %parallel_loop3A_546 : i32 to vector<16xi32>
        %parallel_loop3A_548 = arith.cmpi slt, %parallel_loop3A_545, %parallel_loop3A_547 : vector<16xi32>
        %parallel_loop3A_549 = arith.constant 0.000000e+00 : f32
        %parallel_loop3A_550 = vector.broadcast %parallel_loop3A_549 : f32 to vector<16xf32>
        %parallel_loop3A_551 = arith.select %parallel_loop3A_548, %parallel_loop3A_540, %parallel_loop3A_550 : vector<16xi1>, vector<16xf32>
        %parallel_loop3A_552 = arith.addf %parallel_loop3A_502, %parallel_loop3A_507 : vector<16xf32>
        %parallel_loop3A_553 = arith.mulf %parallel_loop3A_551, %parallel_loop3A_552 : vector<16xf32>
        %parallel_loop3A_554 = arith.addf %parallel_loop3A_474, %parallel_loop3A_553 : vector<16xf32>
        %parallel_loop3A_555 = arith.addf %parallel_loop3A_475, %parallel_loop3A_551 : vector<16xf32>
        %parallel_loop3A_556 = arith.mulf %parallel_loop3A_551, %parallel_loop3A_495 : vector<16xf32>
        %parallel_loop3A_557 = arith.mulf %parallel_loop3A_551, %parallel_loop3A_496 : vector<16xf32>
        %parallel_loop3A_558 = arith.mulf %parallel_loop3A_551, %parallel_loop3A_497 : vector<16xf32>
        %parallel_loop3A_559 = arith.mulf %parallel_loop3A_556, %parallel_loop3A_492 : vector<16xf32>
        %parallel_loop3A_560 = arith.mulf %parallel_loop3A_556, %parallel_loop3A_493 : vector<16xf32>
        %parallel_loop3A_561 = arith.mulf %parallel_loop3A_556, %parallel_loop3A_494 : vector<16xf32>
        %parallel_loop3A_562 = arith.mulf %parallel_loop3A_557, %parallel_loop3A_492 : vector<16xf32>
        %parallel_loop3A_563 = arith.mulf %parallel_loop3A_557, %parallel_loop3A_493 : vector<16xf32>
        %parallel_loop3A_564 = arith.mulf %parallel_loop3A_557, %parallel_loop3A_494 : vector<16xf32>
        %parallel_loop3A_565 = arith.mulf %parallel_loop3A_558, %parallel_loop3A_492 : vector<16xf32>
        %parallel_loop3A_566 = arith.mulf %parallel_loop3A_558, %parallel_loop3A_493 : vector<16xf32>
        %parallel_loop3A_567 = arith.mulf %parallel_loop3A_558, %parallel_loop3A_494 : vector<16xf32>
        tpu.vector_store_idx %arg14[%parallel_loop3A_479, %broadcast_in_dim3A_15], %parallel_loop3A_559 : memref<128x16xf32, #tpu.memory_space<vmem>>[vector<16xi32>, vector<16xi32>], vector<16xf32>,
        tpu.vector_store_idx %arg14[%parallel_loop3A_479, %broadcast_in_dim3A_17], %parallel_loop3A_560 : memref<128x16xf32, #tpu.memory_space<vmem>>[vector<16xi32>, vector<16xi32>], vector<16xf32>,
        tpu.vector_store_idx %arg14[%parallel_loop3A_479, %broadcast_in_dim3A_19], %parallel_loop3A_561 : memref<128x16xf32, #tpu.memory_space<vmem>>[vector<16xi32>, vector<16xi32>], vector<16xf32>,
        tpu.vector_store_idx %arg14[%parallel_loop3A_479, %broadcast_in_dim3A_21], %parallel_loop3A_562 : memref<128x16xf32, #tpu.memory_space<vmem>>[vector<16xi32>, vector<16xi32>], vector<16xf32>,
        tpu.vector_store_idx %arg14[%parallel_loop3A_479, %broadcast_in_dim3A_23], %parallel_loop3A_563 : memref<128x16xf32, #tpu.memory_space<vmem>>[vector<16xi32>, vector<16xi32>], vector<16xf32>,
        tpu.vector_store_idx %arg14[%parallel_loop3A_479, %broadcast_in_dim3A_25], %parallel_loop3A_564 : memref<128x16xf32, #tpu.memory_space<vmem>>[vector<16xi32>, vector<16xi32>], vector<16xf32>,
        tpu.vector_store_idx %arg14[%parallel_loop3A_479, %broadcast_in_dim3A_27], %parallel_loop3A_565 : memref<128x16xf32, #tpu.memory_space<vmem>>[vector<16xi32>, vector<16xi32>], vector<16xf32>,
        tpu.vector_store_idx %arg14[%parallel_loop3A_479, %broadcast_in_dim3A_29], %parallel_loop3A_566 : memref<128x16xf32, #tpu.memory_space<vmem>>[vector<16xi32>, vector<16xi32>], vector<16xf32>,
        tpu.vector_store_idx %arg14[%parallel_loop3A_479, %broadcast_in_dim3A_31], %parallel_loop3A_567 : memref<128x16xf32, #tpu.memory_space<vmem>>[vector<16xi32>, vector<16xi32>], vector<16xf32>,
        scf.yield %parallel_loop3A_554, %parallel_loop3A_555 : vector<16xf32>, vector<16xf32>
      } {sc.loop_unroll_factor = 4 : i64, sc.parallel_access}
      %dma_start3A_313 = arith.constant 6 : i32
      %dma_start3A_314 = arith.constant 0 : i32
      %dma_start3A_315 = tpu.memref_slice %arg8[%dma_start3A_313, %dma_start3A_314] : memref<8x128xi32, #tpu.memory_space<vmem>> -> memref<1x128xi32, #tpu.memory_space<vmem>>
      %dma_start3A_316 = tpu.memref_squeeze %dma_start3A_315 : memref<1x128xi32, #tpu.memory_space<vmem>> -> memref<128xi32, #tpu.memory_space<vmem>>
      %dma_start3A_317 = arith.constant 0 : i32
      %dma_start3A_318 = arith.constant 0 : i32
      %dma_start3A_319 = tpu.memref_slice %arg2[%dma_start3A_317, %dma_start3A_318] : memref<100000x8xf32, #tpu.memory_space<hbm>> -> memref<100000x8xf32, #tpu.memory_space<hbm>>
      tpu.enqueue_indirect_dma source(%dma_start3A_319 : memref<100000x8xf32, #tpu.memory_space<hbm>>) target(%arg10 : memref<128x8xf32, #tpu.memory_space<vmem>>) offsets(%dma_start3A_316 : memref<128xi32, #tpu.memory_space<vmem>>) semaphore(%arg18 : memref<!tpu.dma_semaphore, #tpu.memory_space<semaphore_mem>>)
      %dma_start3A_320 = arith.constant 6 : i32
      %dma_start3A_321 = arith.constant 0 : i32
      %dma_start3A_322 = tpu.memref_slice %arg9[%dma_start3A_320, %dma_start3A_321] : memref<8x128xi32, #tpu.memory_space<vmem>> -> memref<1x128xi32, #tpu.memory_space<vmem>>
      %dma_start3A_323 = tpu.memref_squeeze %dma_start3A_322 : memref<1x128xi32, #tpu.memory_space<vmem>> -> memref<128xi32, #tpu.memory_space<vmem>>
      %dma_start3A_324 = arith.constant 0 : i32
      %dma_start3A_325 = arith.constant 0 : i32
      %dma_start3A_326 = tpu.memref_slice %arg2[%dma_start3A_324, %dma_start3A_325] : memref<100000x8xf32, #tpu.memory_space<hbm>> -> memref<100000x8xf32, #tpu.memory_space<hbm>>
      tpu.enqueue_indirect_dma source(%dma_start3A_326 : memref<100000x8xf32, #tpu.memory_space<hbm>>) target(%arg12 : memref<128x8xf32, #tpu.memory_space<vmem>>) offsets(%dma_start3A_323 : memref<128xi32, #tpu.memory_space<vmem>>) semaphore(%arg18 : memref<!tpu.dma_semaphore, #tpu.memory_space<semaphore_mem>>)
      %dma_start3A_327 = arith.constant 4 : i32
      %dma_start3A_328 = arith.constant 0 : i32
      %dma_start3A_329 = tpu.memref_slice %arg8[%dma_start3A_327, %dma_start3A_328] : memref<8x128xi32, #tpu.memory_space<vmem>> -> memref<1x128xi32, #tpu.memory_space<vmem>>
      %dma_start3A_330 = tpu.memref_squeeze %dma_start3A_329 : memref<1x128xi32, #tpu.memory_space<vmem>> -> memref<128xi32, #tpu.memory_space<vmem>>
      %dma_start3A_331 = arith.constant 0 : i32
      %dma_start3A_332 = arith.constant 0 : i32
      %dma_start3A_333 = tpu.memref_slice %arg17[%dma_start3A_331, %dma_start3A_332] : memref<100352x16xf32, #tpu.memory_space<vmem_shared>> -> memref<100352x16xf32, #tpu.memory_space<vmem_shared>>
      tpu.enqueue_indirect_dma source(%arg14 : memref<128x16xf32, #tpu.memory_space<vmem>>) target(%dma_start3A_333 : memref<100352x16xf32, #tpu.memory_space<vmem_shared>>) offsets(%dma_start3A_330 : memref<128xi32, #tpu.memory_space<vmem>>) semaphore(%arg20 : memref<!tpu.dma_semaphore, #tpu.memory_space<semaphore_mem>>) {add = true}
      %dma_wait3A_334 = arith.constant 5 : i32
      %dma_wait3A_335 = arith.constant 0 : i32
      %dma_wait3A_336 = tpu.memref_slice %arg8[%dma_wait3A_334, %dma_wait3A_335] : memref<8x128xi32, #tpu.memory_space<vmem>> -> memref<1x128xi32, #tpu.memory_space<vmem>>
      %dma_wait3A_337 = tpu.memref_squeeze %dma_wait3A_336 : memref<1x128xi32, #tpu.memory_space<vmem>> -> memref<128xi32, #tpu.memory_space<vmem>>
      %dma_wait3A_338 = arith.constant 0 : i32
      %dma_wait3A_339 = arith.constant 0 : i32
      %dma_wait3A_340 = tpu.memref_slice %arg2[%dma_wait3A_338, %dma_wait3A_339] : memref<100000x8xf32, #tpu.memory_space<hbm>> -> memref<100000x8xf32, #tpu.memory_space<hbm>>
      tpu.wait_indirect_dma semaphore(%arg19 : memref<!tpu.dma_semaphore, #tpu.memory_space<semaphore_mem>>) src(%dma_wait3A_340 : memref<100000x8xf32, #tpu.memory_space<hbm>>) dst(%arg11 : memref<128x8xf32, #tpu.memory_space<vmem>>)
      %dma_wait3A_341 = arith.constant 5 : i32
      %dma_wait3A_342 = arith.constant 0 : i32
      %dma_wait3A_343 = tpu.memref_slice %arg9[%dma_wait3A_341, %dma_wait3A_342] : memref<8x128xi32, #tpu.memory_space<vmem>> -> memref<1x128xi32, #tpu.memory_space<vmem>>
      %dma_wait3A_344 = tpu.memref_squeeze %dma_wait3A_343 : memref<1x128xi32, #tpu.memory_space<vmem>> -> memref<128xi32, #tpu.memory_space<vmem>>
      %dma_wait3A_345 = arith.constant 0 : i32
      %dma_wait3A_346 = arith.constant 0 : i32
      %dma_wait3A_347 = tpu.memref_slice %arg2[%dma_wait3A_345, %dma_wait3A_346] : memref<100000x8xf32, #tpu.memory_space<hbm>> -> memref<100000x8xf32, #tpu.memory_space<hbm>>
      tpu.wait_indirect_dma semaphore(%arg19 : memref<!tpu.dma_semaphore, #tpu.memory_space<semaphore_mem>>) src(%dma_wait3A_347 : memref<100000x8xf32, #tpu.memory_space<hbm>>) dst(%arg13 : memref<128x8xf32, #tpu.memory_space<vmem>>)
      %dma_wait3A_348 = arith.constant 3 : i32
      %dma_wait3A_349 = arith.constant 0 : i32
      %dma_wait3A_350 = tpu.memref_slice %arg8[%dma_wait3A_348, %dma_wait3A_349] : memref<8x128xi32, #tpu.memory_space<vmem>> -> memref<1x128xi32, #tpu.memory_space<vmem>>
      %dma_wait3A_351 = tpu.memref_squeeze %dma_wait3A_350 : memref<1x128xi32, #tpu.memory_space<vmem>> -> memref<128xi32, #tpu.memory_space<vmem>>
      %dma_wait3A_352 = arith.constant 0 : i32
      %dma_wait3A_353 = arith.constant 0 : i32
      %dma_wait3A_354 = tpu.memref_slice %arg17[%dma_wait3A_352, %dma_wait3A_353] : memref<100352x16xf32, #tpu.memory_space<vmem_shared>> -> memref<100352x16xf32, #tpu.memory_space<vmem_shared>>
      tpu.wait_indirect_dma semaphore(%arg21 : memref<!tpu.dma_semaphore, #tpu.memory_space<semaphore_mem>>) src(%arg15 : memref<128x16xf32, #tpu.memory_space<vmem>>) dst(%dma_wait3A_354 : memref<100352x16xf32, #tpu.memory_space<vmem_shared>>)
      %mul3A_355 = arith.constant 1024 : i32
      %mul3A_356 = arith.muli %scan3A_59, %mul3A_355 : i32
      %add3A_357 = arith.addi %mul3A_38, %mul3A_356 : i32
      %add3A_358 = arith.constant 640 : i32
      %add3A_359 = arith.addi %add3A_357, %add3A_358 : i32
      %parallel_loop3A_360 = arith.constant 0 : i32
      %parallel_loop3A_361 = arith.constant 8 : i32
      %parallel_loop3A_362 = arith.constant 1 : i32
      %parallel_loop3A_363:2 = scf.for %parallel_loop3A_473 = %parallel_loop3A_360 to %parallel_loop3A_361 step %parallel_loop3A_362 iter_args(%parallel_loop3A_474 = %parallel_loop3A_312#0, %parallel_loop3A_475 = %parallel_loop3A_312#1) -> (vector<16xf32>, vector<16xf32>)  : i32 {
        %parallel_loop3A_476 = arith.constant 16 : i32
        %parallel_loop3A_477 = arith.muli %parallel_loop3A_473, %parallel_loop3A_476 : i32
        %parallel_loop3A_478 = vector.broadcast %parallel_loop3A_477 : i32 to vector<16xi32>
        %parallel_loop3A_479 = arith.addi %parallel_loop3A_478, %iota3A : vector<16xi32>
        %parallel_loop3A_480 = tpu.vector_load_idx %arg11[%parallel_loop3A_479, %broadcast_in_dim3A_3] : memref<128x8xf32, #tpu.memory_space<vmem>>[vector<16xi32>, vector<16xi32>], vector<16xf32>,
        %parallel_loop3A_481 = tpu.vector_load_idx %arg11[%parallel_loop3A_479, %broadcast_in_dim3A_5] : memref<128x8xf32, #tpu.memory_space<vmem>>[vector<16xi32>, vector<16xi32>], vector<16xf32>,
        %parallel_loop3A_482 = tpu.vector_load_idx %arg11[%parallel_loop3A_479, %broadcast_in_dim3A_7] : memref<128x8xf32, #tpu.memory_space<vmem>>[vector<16xi32>, vector<16xi32>], vector<16xf32>,
        %parallel_loop3A_483 = tpu.vector_load_idx %arg11[%parallel_loop3A_479, %broadcast_in_dim3A_9] : memref<128x8xf32, #tpu.memory_space<vmem>>[vector<16xi32>, vector<16xi32>], vector<16xf32>,
        %parallel_loop3A_484 = tpu.vector_load_idx %arg11[%parallel_loop3A_479, %broadcast_in_dim3A_11] : memref<128x8xf32, #tpu.memory_space<vmem>>[vector<16xi32>, vector<16xi32>], vector<16xf32>,
        %parallel_loop3A_485 = tpu.vector_load_idx %arg11[%parallel_loop3A_479, %broadcast_in_dim3A_13] : memref<128x8xf32, #tpu.memory_space<vmem>>[vector<16xi32>, vector<16xi32>], vector<16xf32>,
        %parallel_loop3A_486 = tpu.vector_load_idx %arg13[%parallel_loop3A_479, %broadcast_in_dim3A_3] : memref<128x8xf32, #tpu.memory_space<vmem>>[vector<16xi32>, vector<16xi32>], vector<16xf32>,
        %parallel_loop3A_487 = tpu.vector_load_idx %arg13[%parallel_loop3A_479, %broadcast_in_dim3A_5] : memref<128x8xf32, #tpu.memory_space<vmem>>[vector<16xi32>, vector<16xi32>], vector<16xf32>,
        %parallel_loop3A_488 = tpu.vector_load_idx %arg13[%parallel_loop3A_479, %broadcast_in_dim3A_7] : memref<128x8xf32, #tpu.memory_space<vmem>>[vector<16xi32>, vector<16xi32>], vector<16xf32>,
        %parallel_loop3A_489 = tpu.vector_load_idx %arg13[%parallel_loop3A_479, %broadcast_in_dim3A_9] : memref<128x8xf32, #tpu.memory_space<vmem>>[vector<16xi32>, vector<16xi32>], vector<16xf32>,
        %parallel_loop3A_490 = tpu.vector_load_idx %arg13[%parallel_loop3A_479, %broadcast_in_dim3A_11] : memref<128x8xf32, #tpu.memory_space<vmem>>[vector<16xi32>, vector<16xi32>], vector<16xf32>,
        %parallel_loop3A_491 = tpu.vector_load_idx %arg13[%parallel_loop3A_479, %broadcast_in_dim3A_13] : memref<128x8xf32, #tpu.memory_space<vmem>>[vector<16xi32>, vector<16xi32>], vector<16xf32>,
        %parallel_loop3A_492 = arith.subf %parallel_loop3A_486, %parallel_loop3A_480 : vector<16xf32>
        %parallel_loop3A_493 = arith.subf %parallel_loop3A_487, %parallel_loop3A_481 : vector<16xf32>
        %parallel_loop3A_494 = arith.subf %parallel_loop3A_488, %parallel_loop3A_482 : vector<16xf32>
        %parallel_loop3A_495 = arith.subf %parallel_loop3A_489, %parallel_loop3A_483 : vector<16xf32>
        %parallel_loop3A_496 = arith.subf %parallel_loop3A_490, %parallel_loop3A_484 : vector<16xf32>
        %parallel_loop3A_497 = arith.subf %parallel_loop3A_491, %parallel_loop3A_485 : vector<16xf32>
        %parallel_loop3A_498 = arith.mulf %parallel_loop3A_492, %parallel_loop3A_492 : vector<16xf32>
        %parallel_loop3A_499 = arith.mulf %parallel_loop3A_493, %parallel_loop3A_493 : vector<16xf32>
        %parallel_loop3A_500 = arith.addf %parallel_loop3A_498, %parallel_loop3A_499 : vector<16xf32>
        %parallel_loop3A_501 = arith.mulf %parallel_loop3A_494, %parallel_loop3A_494 : vector<16xf32>
        %parallel_loop3A_502 = arith.addf %parallel_loop3A_500, %parallel_loop3A_501 : vector<16xf32>
        %parallel_loop3A_503 = arith.mulf %parallel_loop3A_495, %parallel_loop3A_495 : vector<16xf32>
        %parallel_loop3A_504 = arith.mulf %parallel_loop3A_496, %parallel_loop3A_496 : vector<16xf32>
        %parallel_loop3A_505 = arith.addf %parallel_loop3A_503, %parallel_loop3A_504 : vector<16xf32>
        %parallel_loop3A_506 = arith.mulf %parallel_loop3A_497, %parallel_loop3A_497 : vector<16xf32>
        %parallel_loop3A_507 = arith.addf %parallel_loop3A_505, %parallel_loop3A_506 : vector<16xf32>
        %parallel_loop3A_508 = vector.bitcast %parallel_loop3A_502 : vector<16xf32> to vector<16xi32>
        %parallel_loop3A_509 = arith.constant 1 : i32
        %parallel_loop3A_510 = vector.broadcast %parallel_loop3A_509 : i32 to vector<16xi32>
        %parallel_loop3A_511 = arith.shrsi %parallel_loop3A_508, %parallel_loop3A_510 : vector<16xi32>
        %parallel_loop3A_512 = arith.constant 1597463007 : i32
        %parallel_loop3A_513 = vector.broadcast %parallel_loop3A_512 : i32 to vector<16xi32>
        %parallel_loop3A_514 = arith.subi %parallel_loop3A_513, %parallel_loop3A_511 : vector<16xi32>
        %parallel_loop3A_515 = vector.bitcast %parallel_loop3A_514 : vector<16xi32> to vector<16xf32>
        %parallel_loop3A_516 = arith.mulf %parallel_loop3A_502, %parallel_loop3A_515 : vector<16xf32>
        %parallel_loop3A_517 = arith.mulf %parallel_loop3A_516, %parallel_loop3A_515 : vector<16xf32>
        %parallel_loop3A_518 = arith.constant 5.000000e-01 : f32
        %parallel_loop3A_519 = vector.broadcast %parallel_loop3A_518 : f32 to vector<16xf32>
        %parallel_loop3A_520 = arith.mulf %parallel_loop3A_519, %parallel_loop3A_517 : vector<16xf32>
        %parallel_loop3A_521 = arith.constant 1.500000e+00 : f32
        %parallel_loop3A_522 = vector.broadcast %parallel_loop3A_521 : f32 to vector<16xf32>
        %parallel_loop3A_523 = arith.subf %parallel_loop3A_522, %parallel_loop3A_520 : vector<16xf32>
        %parallel_loop3A_524 = arith.mulf %parallel_loop3A_515, %parallel_loop3A_523 : vector<16xf32>
        %parallel_loop3A_525 = arith.mulf %parallel_loop3A_502, %parallel_loop3A_524 : vector<16xf32>
        %parallel_loop3A_526 = arith.mulf %parallel_loop3A_525, %parallel_loop3A_524 : vector<16xf32>
        %parallel_loop3A_527 = arith.constant 5.000000e-01 : f32
        %parallel_loop3A_528 = vector.broadcast %parallel_loop3A_527 : f32 to vector<16xf32>
        %parallel_loop3A_529 = arith.mulf %parallel_loop3A_528, %parallel_loop3A_526 : vector<16xf32>
        %parallel_loop3A_530 = arith.constant 1.500000e+00 : f32
        %parallel_loop3A_531 = vector.broadcast %parallel_loop3A_530 : f32 to vector<16xf32>
        %parallel_loop3A_532 = arith.subf %parallel_loop3A_531, %parallel_loop3A_529 : vector<16xf32>
        %parallel_loop3A_533 = arith.mulf %parallel_loop3A_524, %parallel_loop3A_532 : vector<16xf32>
        %parallel_loop3A_534 = arith.mulf %parallel_loop3A_502, %parallel_loop3A_533 : vector<16xf32>
        %parallel_loop3A_535 = arith.constant 9.99999993E-9 : f32
        %parallel_loop3A_536 = vector.broadcast %parallel_loop3A_535 : f32 to vector<16xf32>
        %parallel_loop3A_537 = arith.addf %parallel_loop3A_534, %parallel_loop3A_536 : vector<16xf32>
        %parallel_loop3A_538 = arith.constant 1.000000e+00 : f32
        %parallel_loop3A_539 = vector.broadcast %parallel_loop3A_538 : f32 to vector<16xf32>
        %parallel_loop3A_540 = arith.divf %parallel_loop3A_539, %parallel_loop3A_537 : vector<16xf32>
        %parallel_loop3A_541 = arith.constant 16 : i32
        %parallel_loop3A_542 = arith.muli %parallel_loop3A_473, %parallel_loop3A_541 : i32
        %parallel_loop3A_543 = arith.addi %add3A_359, %parallel_loop3A_542 : i32
        %parallel_loop3A_544 = vector.broadcast %parallel_loop3A_543 : i32 to vector<16xi32>
        %parallel_loop3A_545 = arith.addi %parallel_loop3A_544, %iota3A : vector<16xi32>
        %parallel_loop3A_546 = arith.constant 3200000 : i32
        %parallel_loop3A_547 = vector.broadcast %parallel_loop3A_546 : i32 to vector<16xi32>
        %parallel_loop3A_548 = arith.cmpi slt, %parallel_loop3A_545, %parallel_loop3A_547 : vector<16xi32>
        %parallel_loop3A_549 = arith.constant 0.000000e+00 : f32
        %parallel_loop3A_550 = vector.broadcast %parallel_loop3A_549 : f32 to vector<16xf32>
        %parallel_loop3A_551 = arith.select %parallel_loop3A_548, %parallel_loop3A_540, %parallel_loop3A_550 : vector<16xi1>, vector<16xf32>
        %parallel_loop3A_552 = arith.addf %parallel_loop3A_502, %parallel_loop3A_507 : vector<16xf32>
        %parallel_loop3A_553 = arith.mulf %parallel_loop3A_551, %parallel_loop3A_552 : vector<16xf32>
        %parallel_loop3A_554 = arith.addf %parallel_loop3A_474, %parallel_loop3A_553 : vector<16xf32>
        %parallel_loop3A_555 = arith.addf %parallel_loop3A_475, %parallel_loop3A_551 : vector<16xf32>
        %parallel_loop3A_556 = arith.mulf %parallel_loop3A_551, %parallel_loop3A_495 : vector<16xf32>
        %parallel_loop3A_557 = arith.mulf %parallel_loop3A_551, %parallel_loop3A_496 : vector<16xf32>
        %parallel_loop3A_558 = arith.mulf %parallel_loop3A_551, %parallel_loop3A_497 : vector<16xf32>
        %parallel_loop3A_559 = arith.mulf %parallel_loop3A_556, %parallel_loop3A_492 : vector<16xf32>
        %parallel_loop3A_560 = arith.mulf %parallel_loop3A_556, %parallel_loop3A_493 : vector<16xf32>
        %parallel_loop3A_561 = arith.mulf %parallel_loop3A_556, %parallel_loop3A_494 : vector<16xf32>
        %parallel_loop3A_562 = arith.mulf %parallel_loop3A_557, %parallel_loop3A_492 : vector<16xf32>
        %parallel_loop3A_563 = arith.mulf %parallel_loop3A_557, %parallel_loop3A_493 : vector<16xf32>
        %parallel_loop3A_564 = arith.mulf %parallel_loop3A_557, %parallel_loop3A_494 : vector<16xf32>
        %parallel_loop3A_565 = arith.mulf %parallel_loop3A_558, %parallel_loop3A_492 : vector<16xf32>
        %parallel_loop3A_566 = arith.mulf %parallel_loop3A_558, %parallel_loop3A_493 : vector<16xf32>
        %parallel_loop3A_567 = arith.mulf %parallel_loop3A_558, %parallel_loop3A_494 : vector<16xf32>
        tpu.vector_store_idx %arg15[%parallel_loop3A_479, %broadcast_in_dim3A_15], %parallel_loop3A_559 : memref<128x16xf32, #tpu.memory_space<vmem>>[vector<16xi32>, vector<16xi32>], vector<16xf32>,
        tpu.vector_store_idx %arg15[%parallel_loop3A_479, %broadcast_in_dim3A_17], %parallel_loop3A_560 : memref<128x16xf32, #tpu.memory_space<vmem>>[vector<16xi32>, vector<16xi32>], vector<16xf32>,
        tpu.vector_store_idx %arg15[%parallel_loop3A_479, %broadcast_in_dim3A_19], %parallel_loop3A_561 : memref<128x16xf32, #tpu.memory_space<vmem>>[vector<16xi32>, vector<16xi32>], vector<16xf32>,
        tpu.vector_store_idx %arg15[%parallel_loop3A_479, %broadcast_in_dim3A_21], %parallel_loop3A_562 : memref<128x16xf32, #tpu.memory_space<vmem>>[vector<16xi32>, vector<16xi32>], vector<16xf32>,
        tpu.vector_store_idx %arg15[%parallel_loop3A_479, %broadcast_in_dim3A_23], %parallel_loop3A_563 : memref<128x16xf32, #tpu.memory_space<vmem>>[vector<16xi32>, vector<16xi32>], vector<16xf32>,
        tpu.vector_store_idx %arg15[%parallel_loop3A_479, %broadcast_in_dim3A_25], %parallel_loop3A_564 : memref<128x16xf32, #tpu.memory_space<vmem>>[vector<16xi32>, vector<16xi32>], vector<16xf32>,
        tpu.vector_store_idx %arg15[%parallel_loop3A_479, %broadcast_in_dim3A_27], %parallel_loop3A_565 : memref<128x16xf32, #tpu.memory_space<vmem>>[vector<16xi32>, vector<16xi32>], vector<16xf32>,
        tpu.vector_store_idx %arg15[%parallel_loop3A_479, %broadcast_in_dim3A_29], %parallel_loop3A_566 : memref<128x16xf32, #tpu.memory_space<vmem>>[vector<16xi32>, vector<16xi32>], vector<16xf32>,
        tpu.vector_store_idx %arg15[%parallel_loop3A_479, %broadcast_in_dim3A_31], %parallel_loop3A_567 : memref<128x16xf32, #tpu.memory_space<vmem>>[vector<16xi32>, vector<16xi32>], vector<16xf32>,
        scf.yield %parallel_loop3A_554, %parallel_loop3A_555 : vector<16xf32>, vector<16xf32>
      } {sc.loop_unroll_factor = 4 : i64, sc.parallel_access}
      %dma_start3A_364 = arith.constant 7 : i32
      %dma_start3A_365 = arith.constant 0 : i32
      %dma_start3A_366 = tpu.memref_slice %arg8[%dma_start3A_364, %dma_start3A_365] : memref<8x128xi32, #tpu.memory_space<vmem>> -> memref<1x128xi32, #tpu.memory_space<vmem>>
      %dma_start3A_367 = tpu.memref_squeeze %dma_start3A_366 : memref<1x128xi32, #tpu.memory_space<vmem>> -> memref<128xi32, #tpu.memory_space<vmem>>
      %dma_start3A_368 = arith.constant 0 : i32
      %dma_start3A_369 = arith.constant 0 : i32
      %dma_start3A_370 = tpu.memref_slice %arg2[%dma_start3A_368, %dma_start3A_369] : memref<100000x8xf32, #tpu.memory_space<hbm>> -> memref<100000x8xf32, #tpu.memory_space<hbm>>
      tpu.enqueue_indirect_dma source(%dma_start3A_370 : memref<100000x8xf32, #tpu.memory_space<hbm>>) target(%arg11 : memref<128x8xf32, #tpu.memory_space<vmem>>) offsets(%dma_start3A_367 : memref<128xi32, #tpu.memory_space<vmem>>) semaphore(%arg19 : memref<!tpu.dma_semaphore, #tpu.memory_space<semaphore_mem>>)
      %dma_start3A_371 = arith.constant 7 : i32
      %dma_start3A_372 = arith.constant 0 : i32
      %dma_start3A_373 = tpu.memref_slice %arg9[%dma_start3A_371, %dma_start3A_372] : memref<8x128xi32, #tpu.memory_space<vmem>> -> memref<1x128xi32, #tpu.memory_space<vmem>>
      %dma_start3A_374 = tpu.memref_squeeze %dma_start3A_373 : memref<1x128xi32, #tpu.memory_space<vmem>> -> memref<128xi32, #tpu.memory_space<vmem>>
      %dma_start3A_375 = arith.constant 0 : i32
      %dma_start3A_376 = arith.constant 0 : i32
      %dma_start3A_377 = tpu.memref_slice %arg2[%dma_start3A_375, %dma_start3A_376] : memref<100000x8xf32, #tpu.memory_space<hbm>> -> memref<100000x8xf32, #tpu.memory_space<hbm>>
      tpu.enqueue_indirect_dma source(%dma_start3A_377 : memref<100000x8xf32, #tpu.memory_space<hbm>>) target(%arg13 : memref<128x8xf32, #tpu.memory_space<vmem>>) offsets(%dma_start3A_374 : memref<128xi32, #tpu.memory_space<vmem>>) semaphore(%arg19 : memref<!tpu.dma_semaphore, #tpu.memory_space<semaphore_mem>>)
      %dma_start3A_378 = arith.constant 5 : i32
      %dma_start3A_379 = arith.constant 0 : i32
      %dma_start3A_380 = tpu.memref_slice %arg8[%dma_start3A_378, %dma_start3A_379] : memref<8x128xi32, #tpu.memory_space<vmem>> -> memref<1x128xi32, #tpu.memory_space<vmem>>
      %dma_start3A_381 = tpu.memref_squeeze %dma_start3A_380 : memref<1x128xi32, #tpu.memory_space<vmem>> -> memref<128xi32, #tpu.memory_space<vmem>>
      %dma_start3A_382 = arith.constant 0 : i32
      %dma_start3A_383 = arith.constant 0 : i32
      %dma_start3A_384 = tpu.memref_slice %arg17[%dma_start3A_382, %dma_start3A_383] : memref<100352x16xf32, #tpu.memory_space<vmem_shared>> -> memref<100352x16xf32, #tpu.memory_space<vmem_shared>>
      tpu.enqueue_indirect_dma source(%arg15 : memref<128x16xf32, #tpu.memory_space<vmem>>) target(%dma_start3A_384 : memref<100352x16xf32, #tpu.memory_space<vmem_shared>>) offsets(%dma_start3A_381 : memref<128xi32, #tpu.memory_space<vmem>>) semaphore(%arg21 : memref<!tpu.dma_semaphore, #tpu.memory_space<semaphore_mem>>) {add = true}
      %dma_wait3A_385 = arith.constant 6 : i32
      %dma_wait3A_386 = arith.constant 0 : i32
      %dma_wait3A_387 = tpu.memref_slice %arg8[%dma_wait3A_385, %dma_wait3A_386] : memref<8x128xi32, #tpu.memory_space<vmem>> -> memref<1x128xi32, #tpu.memory_space<vmem>>
      %dma_wait3A_388 = tpu.memref_squeeze %dma_wait3A_387 : memref<1x128xi32, #tpu.memory_space<vmem>> -> memref<128xi32, #tpu.memory_space<vmem>>
      %dma_wait3A_389 = arith.constant 0 : i32
      %dma_wait3A_390 = arith.constant 0 : i32
      %dma_wait3A_391 = tpu.memref_slice %arg2[%dma_wait3A_389, %dma_wait3A_390] : memref<100000x8xf32, #tpu.memory_space<hbm>> -> memref<100000x8xf32, #tpu.memory_space<hbm>>
      tpu.wait_indirect_dma semaphore(%arg18 : memref<!tpu.dma_semaphore, #tpu.memory_space<semaphore_mem>>) src(%dma_wait3A_391 : memref<100000x8xf32, #tpu.memory_space<hbm>>) dst(%arg10 : memref<128x8xf32, #tpu.memory_space<vmem>>)
      %dma_wait3A_392 = arith.constant 6 : i32
      %dma_wait3A_393 = arith.constant 0 : i32
      %dma_wait3A_394 = tpu.memref_slice %arg9[%dma_wait3A_392, %dma_wait3A_393] : memref<8x128xi32, #tpu.memory_space<vmem>> -> memref<1x128xi32, #tpu.memory_space<vmem>>
      %dma_wait3A_395 = tpu.memref_squeeze %dma_wait3A_394 : memref<1x128xi32, #tpu.memory_space<vmem>> -> memref<128xi32, #tpu.memory_space<vmem>>
      %dma_wait3A_396 = arith.constant 0 : i32
      %dma_wait3A_397 = arith.constant 0 : i32
      %dma_wait3A_398 = tpu.memref_slice %arg2[%dma_wait3A_396, %dma_wait3A_397] : memref<100000x8xf32, #tpu.memory_space<hbm>> -> memref<100000x8xf32, #tpu.memory_space<hbm>>
      tpu.wait_indirect_dma semaphore(%arg18 : memref<!tpu.dma_semaphore, #tpu.memory_space<semaphore_mem>>) src(%dma_wait3A_398 : memref<100000x8xf32, #tpu.memory_space<hbm>>) dst(%arg12 : memref<128x8xf32, #tpu.memory_space<vmem>>)
      %dma_wait3A_399 = arith.constant 4 : i32
      %dma_wait3A_400 = arith.constant 0 : i32
      %dma_wait3A_401 = tpu.memref_slice %arg8[%dma_wait3A_399, %dma_wait3A_400] : memref<8x128xi32, #tpu.memory_space<vmem>> -> memref<1x128xi32, #tpu.memory_space<vmem>>
      %dma_wait3A_402 = tpu.memref_squeeze %dma_wait3A_401 : memref<1x128xi32, #tpu.memory_space<vmem>> -> memref<128xi32, #tpu.memory_space<vmem>>
      %dma_wait3A_403 = arith.constant 0 : i32
      %dma_wait3A_404 = arith.constant 0 : i32
      %dma_wait3A_405 = tpu.memref_slice %arg17[%dma_wait3A_403, %dma_wait3A_404] : memref<100352x16xf32, #tpu.memory_space<vmem_shared>> -> memref<100352x16xf32, #tpu.memory_space<vmem_shared>>
      tpu.wait_indirect_dma semaphore(%arg20 : memref<!tpu.dma_semaphore, #tpu.memory_space<semaphore_mem>>) src(%arg14 : memref<128x16xf32, #tpu.memory_space<vmem>>) dst(%dma_wait3A_405 : memref<100352x16xf32, #tpu.memory_space<vmem_shared>>)
      %mul3A_406 = arith.constant 1024 : i32
      %mul3A_407 = arith.muli %scan3A_59, %mul3A_406 : i32
      %add3A_408 = arith.addi %mul3A_38, %mul3A_407 : i32
      %add3A_409 = arith.constant 768 : i32
      %add3A_410 = arith.addi %add3A_408, %add3A_409 : i32
      %parallel_loop3A_411 = arith.constant 0 : i32
      %parallel_loop3A_412 = arith.constant 8 : i32
      %parallel_loop3A_413 = arith.constant 1 : i32
      %parallel_loop3A_414:2 = scf.for %parallel_loop3A_473 = %parallel_loop3A_411 to %parallel_loop3A_412 step %parallel_loop3A_413 iter_args(%parallel_loop3A_474 = %parallel_loop3A_363#0, %parallel_loop3A_475 = %parallel_loop3A_363#1) -> (vector<16xf32>, vector<16xf32>)  : i32 {
        %parallel_loop3A_476 = arith.constant 16 : i32
        %parallel_loop3A_477 = arith.muli %parallel_loop3A_473, %parallel_loop3A_476 : i32
        %parallel_loop3A_478 = vector.broadcast %parallel_loop3A_477 : i32 to vector<16xi32>
        %parallel_loop3A_479 = arith.addi %parallel_loop3A_478, %iota3A : vector<16xi32>
        %parallel_loop3A_480 = tpu.vector_load_idx %arg10[%parallel_loop3A_479, %broadcast_in_dim3A_3] : memref<128x8xf32, #tpu.memory_space<vmem>>[vector<16xi32>, vector<16xi32>], vector<16xf32>,
        %parallel_loop3A_481 = tpu.vector_load_idx %arg10[%parallel_loop3A_479, %broadcast_in_dim3A_5] : memref<128x8xf32, #tpu.memory_space<vmem>>[vector<16xi32>, vector<16xi32>], vector<16xf32>,
        %parallel_loop3A_482 = tpu.vector_load_idx %arg10[%parallel_loop3A_479, %broadcast_in_dim3A_7] : memref<128x8xf32, #tpu.memory_space<vmem>>[vector<16xi32>, vector<16xi32>], vector<16xf32>,
        %parallel_loop3A_483 = tpu.vector_load_idx %arg10[%parallel_loop3A_479, %broadcast_in_dim3A_9] : memref<128x8xf32, #tpu.memory_space<vmem>>[vector<16xi32>, vector<16xi32>], vector<16xf32>,
        %parallel_loop3A_484 = tpu.vector_load_idx %arg10[%parallel_loop3A_479, %broadcast_in_dim3A_11] : memref<128x8xf32, #tpu.memory_space<vmem>>[vector<16xi32>, vector<16xi32>], vector<16xf32>,
        %parallel_loop3A_485 = tpu.vector_load_idx %arg10[%parallel_loop3A_479, %broadcast_in_dim3A_13] : memref<128x8xf32, #tpu.memory_space<vmem>>[vector<16xi32>, vector<16xi32>], vector<16xf32>,
        %parallel_loop3A_486 = tpu.vector_load_idx %arg12[%parallel_loop3A_479, %broadcast_in_dim3A_3] : memref<128x8xf32, #tpu.memory_space<vmem>>[vector<16xi32>, vector<16xi32>], vector<16xf32>,
        %parallel_loop3A_487 = tpu.vector_load_idx %arg12[%parallel_loop3A_479, %broadcast_in_dim3A_5] : memref<128x8xf32, #tpu.memory_space<vmem>>[vector<16xi32>, vector<16xi32>], vector<16xf32>,
        %parallel_loop3A_488 = tpu.vector_load_idx %arg12[%parallel_loop3A_479, %broadcast_in_dim3A_7] : memref<128x8xf32, #tpu.memory_space<vmem>>[vector<16xi32>, vector<16xi32>], vector<16xf32>,
        %parallel_loop3A_489 = tpu.vector_load_idx %arg12[%parallel_loop3A_479, %broadcast_in_dim3A_9] : memref<128x8xf32, #tpu.memory_space<vmem>>[vector<16xi32>, vector<16xi32>], vector<16xf32>,
        %parallel_loop3A_490 = tpu.vector_load_idx %arg12[%parallel_loop3A_479, %broadcast_in_dim3A_11] : memref<128x8xf32, #tpu.memory_space<vmem>>[vector<16xi32>, vector<16xi32>], vector<16xf32>,
        %parallel_loop3A_491 = tpu.vector_load_idx %arg12[%parallel_loop3A_479, %broadcast_in_dim3A_13] : memref<128x8xf32, #tpu.memory_space<vmem>>[vector<16xi32>, vector<16xi32>], vector<16xf32>,
        %parallel_loop3A_492 = arith.subf %parallel_loop3A_486, %parallel_loop3A_480 : vector<16xf32>
        %parallel_loop3A_493 = arith.subf %parallel_loop3A_487, %parallel_loop3A_481 : vector<16xf32>
        %parallel_loop3A_494 = arith.subf %parallel_loop3A_488, %parallel_loop3A_482 : vector<16xf32>
        %parallel_loop3A_495 = arith.subf %parallel_loop3A_489, %parallel_loop3A_483 : vector<16xf32>
        %parallel_loop3A_496 = arith.subf %parallel_loop3A_490, %parallel_loop3A_484 : vector<16xf32>
        %parallel_loop3A_497 = arith.subf %parallel_loop3A_491, %parallel_loop3A_485 : vector<16xf32>
        %parallel_loop3A_498 = arith.mulf %parallel_loop3A_492, %parallel_loop3A_492 : vector<16xf32>
        %parallel_loop3A_499 = arith.mulf %parallel_loop3A_493, %parallel_loop3A_493 : vector<16xf32>
        %parallel_loop3A_500 = arith.addf %parallel_loop3A_498, %parallel_loop3A_499 : vector<16xf32>
        %parallel_loop3A_501 = arith.mulf %parallel_loop3A_494, %parallel_loop3A_494 : vector<16xf32>
        %parallel_loop3A_502 = arith.addf %parallel_loop3A_500, %parallel_loop3A_501 : vector<16xf32>
        %parallel_loop3A_503 = arith.mulf %parallel_loop3A_495, %parallel_loop3A_495 : vector<16xf32>
        %parallel_loop3A_504 = arith.mulf %parallel_loop3A_496, %parallel_loop3A_496 : vector<16xf32>
        %parallel_loop3A_505 = arith.addf %parallel_loop3A_503, %parallel_loop3A_504 : vector<16xf32>
        %parallel_loop3A_506 = arith.mulf %parallel_loop3A_497, %parallel_loop3A_497 : vector<16xf32>
        %parallel_loop3A_507 = arith.addf %parallel_loop3A_505, %parallel_loop3A_506 : vector<16xf32>
        %parallel_loop3A_508 = vector.bitcast %parallel_loop3A_502 : vector<16xf32> to vector<16xi32>
        %parallel_loop3A_509 = arith.constant 1 : i32
        %parallel_loop3A_510 = vector.broadcast %parallel_loop3A_509 : i32 to vector<16xi32>
        %parallel_loop3A_511 = arith.shrsi %parallel_loop3A_508, %parallel_loop3A_510 : vector<16xi32>
        %parallel_loop3A_512 = arith.constant 1597463007 : i32
        %parallel_loop3A_513 = vector.broadcast %parallel_loop3A_512 : i32 to vector<16xi32>
        %parallel_loop3A_514 = arith.subi %parallel_loop3A_513, %parallel_loop3A_511 : vector<16xi32>
        %parallel_loop3A_515 = vector.bitcast %parallel_loop3A_514 : vector<16xi32> to vector<16xf32>
        %parallel_loop3A_516 = arith.mulf %parallel_loop3A_502, %parallel_loop3A_515 : vector<16xf32>
        %parallel_loop3A_517 = arith.mulf %parallel_loop3A_516, %parallel_loop3A_515 : vector<16xf32>
        %parallel_loop3A_518 = arith.constant 5.000000e-01 : f32
        %parallel_loop3A_519 = vector.broadcast %parallel_loop3A_518 : f32 to vector<16xf32>
        %parallel_loop3A_520 = arith.mulf %parallel_loop3A_519, %parallel_loop3A_517 : vector<16xf32>
        %parallel_loop3A_521 = arith.constant 1.500000e+00 : f32
        %parallel_loop3A_522 = vector.broadcast %parallel_loop3A_521 : f32 to vector<16xf32>
        %parallel_loop3A_523 = arith.subf %parallel_loop3A_522, %parallel_loop3A_520 : vector<16xf32>
        %parallel_loop3A_524 = arith.mulf %parallel_loop3A_515, %parallel_loop3A_523 : vector<16xf32>
        %parallel_loop3A_525 = arith.mulf %parallel_loop3A_502, %parallel_loop3A_524 : vector<16xf32>
        %parallel_loop3A_526 = arith.mulf %parallel_loop3A_525, %parallel_loop3A_524 : vector<16xf32>
        %parallel_loop3A_527 = arith.constant 5.000000e-01 : f32
        %parallel_loop3A_528 = vector.broadcast %parallel_loop3A_527 : f32 to vector<16xf32>
        %parallel_loop3A_529 = arith.mulf %parallel_loop3A_528, %parallel_loop3A_526 : vector<16xf32>
        %parallel_loop3A_530 = arith.constant 1.500000e+00 : f32
        %parallel_loop3A_531 = vector.broadcast %parallel_loop3A_530 : f32 to vector<16xf32>
        %parallel_loop3A_532 = arith.subf %parallel_loop3A_531, %parallel_loop3A_529 : vector<16xf32>
        %parallel_loop3A_533 = arith.mulf %parallel_loop3A_524, %parallel_loop3A_532 : vector<16xf32>
        %parallel_loop3A_534 = arith.mulf %parallel_loop3A_502, %parallel_loop3A_533 : vector<16xf32>
        %parallel_loop3A_535 = arith.constant 9.99999993E-9 : f32
        %parallel_loop3A_536 = vector.broadcast %parallel_loop3A_535 : f32 to vector<16xf32>
        %parallel_loop3A_537 = arith.addf %parallel_loop3A_534, %parallel_loop3A_536 : vector<16xf32>
        %parallel_loop3A_538 = arith.constant 1.000000e+00 : f32
        %parallel_loop3A_539 = vector.broadcast %parallel_loop3A_538 : f32 to vector<16xf32>
        %parallel_loop3A_540 = arith.divf %parallel_loop3A_539, %parallel_loop3A_537 : vector<16xf32>
        %parallel_loop3A_541 = arith.constant 16 : i32
        %parallel_loop3A_542 = arith.muli %parallel_loop3A_473, %parallel_loop3A_541 : i32
        %parallel_loop3A_543 = arith.addi %add3A_410, %parallel_loop3A_542 : i32
        %parallel_loop3A_544 = vector.broadcast %parallel_loop3A_543 : i32 to vector<16xi32>
        %parallel_loop3A_545 = arith.addi %parallel_loop3A_544, %iota3A : vector<16xi32>
        %parallel_loop3A_546 = arith.constant 3200000 : i32
        %parallel_loop3A_547 = vector.broadcast %parallel_loop3A_546 : i32 to vector<16xi32>
        %parallel_loop3A_548 = arith.cmpi slt, %parallel_loop3A_545, %parallel_loop3A_547 : vector<16xi32>
        %parallel_loop3A_549 = arith.constant 0.000000e+00 : f32
        %parallel_loop3A_550 = vector.broadcast %parallel_loop3A_549 : f32 to vector<16xf32>
        %parallel_loop3A_551 = arith.select %parallel_loop3A_548, %parallel_loop3A_540, %parallel_loop3A_550 : vector<16xi1>, vector<16xf32>
        %parallel_loop3A_552 = arith.addf %parallel_loop3A_502, %parallel_loop3A_507 : vector<16xf32>
        %parallel_loop3A_553 = arith.mulf %parallel_loop3A_551, %parallel_loop3A_552 : vector<16xf32>
        %parallel_loop3A_554 = arith.addf %parallel_loop3A_474, %parallel_loop3A_553 : vector<16xf32>
        %parallel_loop3A_555 = arith.addf %parallel_loop3A_475, %parallel_loop3A_551 : vector<16xf32>
        %parallel_loop3A_556 = arith.mulf %parallel_loop3A_551, %parallel_loop3A_495 : vector<16xf32>
        %parallel_loop3A_557 = arith.mulf %parallel_loop3A_551, %parallel_loop3A_496 : vector<16xf32>
        %parallel_loop3A_558 = arith.mulf %parallel_loop3A_551, %parallel_loop3A_497 : vector<16xf32>
        %parallel_loop3A_559 = arith.mulf %parallel_loop3A_556, %parallel_loop3A_492 : vector<16xf32>
        %parallel_loop3A_560 = arith.mulf %parallel_loop3A_556, %parallel_loop3A_493 : vector<16xf32>
        %parallel_loop3A_561 = arith.mulf %parallel_loop3A_556, %parallel_loop3A_494 : vector<16xf32>
        %parallel_loop3A_562 = arith.mulf %parallel_loop3A_557, %parallel_loop3A_492 : vector<16xf32>
        %parallel_loop3A_563 = arith.mulf %parallel_loop3A_557, %parallel_loop3A_493 : vector<16xf32>
        %parallel_loop3A_564 = arith.mulf %parallel_loop3A_557, %parallel_loop3A_494 : vector<16xf32>
        %parallel_loop3A_565 = arith.mulf %parallel_loop3A_558, %parallel_loop3A_492 : vector<16xf32>
        %parallel_loop3A_566 = arith.mulf %parallel_loop3A_558, %parallel_loop3A_493 : vector<16xf32>
        %parallel_loop3A_567 = arith.mulf %parallel_loop3A_558, %parallel_loop3A_494 : vector<16xf32>
        tpu.vector_store_idx %arg14[%parallel_loop3A_479, %broadcast_in_dim3A_15], %parallel_loop3A_559 : memref<128x16xf32, #tpu.memory_space<vmem>>[vector<16xi32>, vector<16xi32>], vector<16xf32>,
        tpu.vector_store_idx %arg14[%parallel_loop3A_479, %broadcast_in_dim3A_17], %parallel_loop3A_560 : memref<128x16xf32, #tpu.memory_space<vmem>>[vector<16xi32>, vector<16xi32>], vector<16xf32>,
        tpu.vector_store_idx %arg14[%parallel_loop3A_479, %broadcast_in_dim3A_19], %parallel_loop3A_561 : memref<128x16xf32, #tpu.memory_space<vmem>>[vector<16xi32>, vector<16xi32>], vector<16xf32>,
        tpu.vector_store_idx %arg14[%parallel_loop3A_479, %broadcast_in_dim3A_21], %parallel_loop3A_562 : memref<128x16xf32, #tpu.memory_space<vmem>>[vector<16xi32>, vector<16xi32>], vector<16xf32>,
        tpu.vector_store_idx %arg14[%parallel_loop3A_479, %broadcast_in_dim3A_23], %parallel_loop3A_563 : memref<128x16xf32, #tpu.memory_space<vmem>>[vector<16xi32>, vector<16xi32>], vector<16xf32>,
        tpu.vector_store_idx %arg14[%parallel_loop3A_479, %broadcast_in_dim3A_25], %parallel_loop3A_564 : memref<128x16xf32, #tpu.memory_space<vmem>>[vector<16xi32>, vector<16xi32>], vector<16xf32>,
        tpu.vector_store_idx %arg14[%parallel_loop3A_479, %broadcast_in_dim3A_27], %parallel_loop3A_565 : memref<128x16xf32, #tpu.memory_space<vmem>>[vector<16xi32>, vector<16xi32>], vector<16xf32>,
        tpu.vector_store_idx %arg14[%parallel_loop3A_479, %broadcast_in_dim3A_29], %parallel_loop3A_566 : memref<128x16xf32, #tpu.memory_space<vmem>>[vector<16xi32>, vector<16xi32>], vector<16xf32>,
        tpu.vector_store_idx %arg14[%parallel_loop3A_479, %broadcast_in_dim3A_31], %parallel_loop3A_567 : memref<128x16xf32, #tpu.memory_space<vmem>>[vector<16xi32>, vector<16xi32>], vector<16xf32>,
        scf.yield %parallel_loop3A_554, %parallel_loop3A_555 : vector<16xf32>, vector<16xf32>
      } {sc.loop_unroll_factor = 4 : i64, sc.parallel_access}
      %dma_start3A_415 = arith.constant 6 : i32
      %dma_start3A_416 = arith.constant 0 : i32
      %dma_start3A_417 = tpu.memref_slice %arg8[%dma_start3A_415, %dma_start3A_416] : memref<8x128xi32, #tpu.memory_space<vmem>> -> memref<1x128xi32, #tpu.memory_space<vmem>>
      %dma_start3A_418 = tpu.memref_squeeze %dma_start3A_417 : memref<1x128xi32, #tpu.memory_space<vmem>> -> memref<128xi32, #tpu.memory_space<vmem>>
      %dma_start3A_419 = arith.constant 0 : i32
      %dma_start3A_420 = arith.constant 0 : i32
      %dma_start3A_421 = tpu.memref_slice %arg17[%dma_start3A_419, %dma_start3A_420] : memref<100352x16xf32, #tpu.memory_space<vmem_shared>> -> memref<100352x16xf32, #tpu.memory_space<vmem_shared>>
      tpu.enqueue_indirect_dma source(%arg14 : memref<128x16xf32, #tpu.memory_space<vmem>>) target(%dma_start3A_421 : memref<100352x16xf32, #tpu.memory_space<vmem_shared>>) offsets(%dma_start3A_418 : memref<128xi32, #tpu.memory_space<vmem>>) semaphore(%arg20 : memref<!tpu.dma_semaphore, #tpu.memory_space<semaphore_mem>>) {add = true}
      %dma_wait3A_422 = arith.constant 7 : i32
      %dma_wait3A_423 = arith.constant 0 : i32
      %dma_wait3A_424 = tpu.memref_slice %arg8[%dma_wait3A_422, %dma_wait3A_423] : memref<8x128xi32, #tpu.memory_space<vmem>> -> memref<1x128xi32, #tpu.memory_space<vmem>>
      %dma_wait3A_425 = tpu.memref_squeeze %dma_wait3A_424 : memref<1x128xi32, #tpu.memory_space<vmem>> -> memref<128xi32, #tpu.memory_space<vmem>>
      %dma_wait3A_426 = arith.constant 0 : i32
      %dma_wait3A_427 = arith.constant 0 : i32
      %dma_wait3A_428 = tpu.memref_slice %arg2[%dma_wait3A_426, %dma_wait3A_427] : memref<100000x8xf32, #tpu.memory_space<hbm>> -> memref<100000x8xf32, #tpu.memory_space<hbm>>
      tpu.wait_indirect_dma semaphore(%arg19 : memref<!tpu.dma_semaphore, #tpu.memory_space<semaphore_mem>>) src(%dma_wait3A_428 : memref<100000x8xf32, #tpu.memory_space<hbm>>) dst(%arg11 : memref<128x8xf32, #tpu.memory_space<vmem>>)
      %dma_wait3A_429 = arith.constant 7 : i32
      %dma_wait3A_430 = arith.constant 0 : i32
      %dma_wait3A_431 = tpu.memref_slice %arg9[%dma_wait3A_429, %dma_wait3A_430] : memref<8x128xi32, #tpu.memory_space<vmem>> -> memref<1x128xi32, #tpu.memory_space<vmem>>
      %dma_wait3A_432 = tpu.memref_squeeze %dma_wait3A_431 : memref<1x128xi32, #tpu.memory_space<vmem>> -> memref<128xi32, #tpu.memory_space<vmem>>
      %dma_wait3A_433 = arith.constant 0 : i32
      %dma_wait3A_434 = arith.constant 0 : i32
      %dma_wait3A_435 = tpu.memref_slice %arg2[%dma_wait3A_433, %dma_wait3A_434] : memref<100000x8xf32, #tpu.memory_space<hbm>> -> memref<100000x8xf32, #tpu.memory_space<hbm>>
      tpu.wait_indirect_dma semaphore(%arg19 : memref<!tpu.dma_semaphore, #tpu.memory_space<semaphore_mem>>) src(%dma_wait3A_435 : memref<100000x8xf32, #tpu.memory_space<hbm>>) dst(%arg13 : memref<128x8xf32, #tpu.memory_space<vmem>>)
      %dma_wait3A_436 = arith.constant 5 : i32
      %dma_wait3A_437 = arith.constant 0 : i32
      %dma_wait3A_438 = tpu.memref_slice %arg8[%dma_wait3A_436, %dma_wait3A_437] : memref<8x128xi32, #tpu.memory_space<vmem>> -> memref<1x128xi32, #tpu.memory_space<vmem>>
      %dma_wait3A_439 = tpu.memref_squeeze %dma_wait3A_438 : memref<1x128xi32, #tpu.memory_space<vmem>> -> memref<128xi32, #tpu.memory_space<vmem>>
      %dma_wait3A_440 = arith.constant 0 : i32
      %dma_wait3A_441 = arith.constant 0 : i32
      %dma_wait3A_442 = tpu.memref_slice %arg17[%dma_wait3A_440, %dma_wait3A_441] : memref<100352x16xf32, #tpu.memory_space<vmem_shared>> -> memref<100352x16xf32, #tpu.memory_space<vmem_shared>>
      tpu.wait_indirect_dma semaphore(%arg21 : memref<!tpu.dma_semaphore, #tpu.memory_space<semaphore_mem>>) src(%arg15 : memref<128x16xf32, #tpu.memory_space<vmem>>) dst(%dma_wait3A_442 : memref<100352x16xf32, #tpu.memory_space<vmem_shared>>)
      %mul3A_443 = arith.constant 1024 : i32
      %mul3A_444 = arith.muli %scan3A_59, %mul3A_443 : i32
      %add3A_445 = arith.addi %mul3A_38, %mul3A_444 : i32
      %add3A_446 = arith.constant 896 : i32
      %add3A_447 = arith.addi %add3A_445, %add3A_446 : i32
      %parallel_loop3A_448 = arith.constant 0 : i32
      %parallel_loop3A_449 = arith.constant 8 : i32
      %parallel_loop3A_450 = arith.constant 1 : i32
      %parallel_loop3A_451:2 = scf.for %parallel_loop3A_473 = %parallel_loop3A_448 to %parallel_loop3A_449 step %parallel_loop3A_450 iter_args(%parallel_loop3A_474 = %parallel_loop3A_414#0, %parallel_loop3A_475 = %parallel_loop3A_414#1) -> (vector<16xf32>, vector<16xf32>)  : i32 {
        %parallel_loop3A_476 = arith.constant 16 : i32
        %parallel_loop3A_477 = arith.muli %parallel_loop3A_473, %parallel_loop3A_476 : i32
        %parallel_loop3A_478 = vector.broadcast %parallel_loop3A_477 : i32 to vector<16xi32>
        %parallel_loop3A_479 = arith.addi %parallel_loop3A_478, %iota3A : vector<16xi32>
        %parallel_loop3A_480 = tpu.vector_load_idx %arg11[%parallel_loop3A_479, %broadcast_in_dim3A_3] : memref<128x8xf32, #tpu.memory_space<vmem>>[vector<16xi32>, vector<16xi32>], vector<16xf32>,
        %parallel_loop3A_481 = tpu.vector_load_idx %arg11[%parallel_loop3A_479, %broadcast_in_dim3A_5] : memref<128x8xf32, #tpu.memory_space<vmem>>[vector<16xi32>, vector<16xi32>], vector<16xf32>,
        %parallel_loop3A_482 = tpu.vector_load_idx %arg11[%parallel_loop3A_479, %broadcast_in_dim3A_7] : memref<128x8xf32, #tpu.memory_space<vmem>>[vector<16xi32>, vector<16xi32>], vector<16xf32>,
        %parallel_loop3A_483 = tpu.vector_load_idx %arg11[%parallel_loop3A_479, %broadcast_in_dim3A_9] : memref<128x8xf32, #tpu.memory_space<vmem>>[vector<16xi32>, vector<16xi32>], vector<16xf32>,
        %parallel_loop3A_484 = tpu.vector_load_idx %arg11[%parallel_loop3A_479, %broadcast_in_dim3A_11] : memref<128x8xf32, #tpu.memory_space<vmem>>[vector<16xi32>, vector<16xi32>], vector<16xf32>,
        %parallel_loop3A_485 = tpu.vector_load_idx %arg11[%parallel_loop3A_479, %broadcast_in_dim3A_13] : memref<128x8xf32, #tpu.memory_space<vmem>>[vector<16xi32>, vector<16xi32>], vector<16xf32>,
        %parallel_loop3A_486 = tpu.vector_load_idx %arg13[%parallel_loop3A_479, %broadcast_in_dim3A_3] : memref<128x8xf32, #tpu.memory_space<vmem>>[vector<16xi32>, vector<16xi32>], vector<16xf32>,
        %parallel_loop3A_487 = tpu.vector_load_idx %arg13[%parallel_loop3A_479, %broadcast_in_dim3A_5] : memref<128x8xf32, #tpu.memory_space<vmem>>[vector<16xi32>, vector<16xi32>], vector<16xf32>,
        %parallel_loop3A_488 = tpu.vector_load_idx %arg13[%parallel_loop3A_479, %broadcast_in_dim3A_7] : memref<128x8xf32, #tpu.memory_space<vmem>>[vector<16xi32>, vector<16xi32>], vector<16xf32>,
        %parallel_loop3A_489 = tpu.vector_load_idx %arg13[%parallel_loop3A_479, %broadcast_in_dim3A_9] : memref<128x8xf32, #tpu.memory_space<vmem>>[vector<16xi32>, vector<16xi32>], vector<16xf32>,
        %parallel_loop3A_490 = tpu.vector_load_idx %arg13[%parallel_loop3A_479, %broadcast_in_dim3A_11] : memref<128x8xf32, #tpu.memory_space<vmem>>[vector<16xi32>, vector<16xi32>], vector<16xf32>,
        %parallel_loop3A_491 = tpu.vector_load_idx %arg13[%parallel_loop3A_479, %broadcast_in_dim3A_13] : memref<128x8xf32, #tpu.memory_space<vmem>>[vector<16xi32>, vector<16xi32>], vector<16xf32>,
        %parallel_loop3A_492 = arith.subf %parallel_loop3A_486, %parallel_loop3A_480 : vector<16xf32>
        %parallel_loop3A_493 = arith.subf %parallel_loop3A_487, %parallel_loop3A_481 : vector<16xf32>
        %parallel_loop3A_494 = arith.subf %parallel_loop3A_488, %parallel_loop3A_482 : vector<16xf32>
        %parallel_loop3A_495 = arith.subf %parallel_loop3A_489, %parallel_loop3A_483 : vector<16xf32>
        %parallel_loop3A_496 = arith.subf %parallel_loop3A_490, %parallel_loop3A_484 : vector<16xf32>
        %parallel_loop3A_497 = arith.subf %parallel_loop3A_491, %parallel_loop3A_485 : vector<16xf32>
        %parallel_loop3A_498 = arith.mulf %parallel_loop3A_492, %parallel_loop3A_492 : vector<16xf32>
        %parallel_loop3A_499 = arith.mulf %parallel_loop3A_493, %parallel_loop3A_493 : vector<16xf32>
        %parallel_loop3A_500 = arith.addf %parallel_loop3A_498, %parallel_loop3A_499 : vector<16xf32>
        %parallel_loop3A_501 = arith.mulf %parallel_loop3A_494, %parallel_loop3A_494 : vector<16xf32>
        %parallel_loop3A_502 = arith.addf %parallel_loop3A_500, %parallel_loop3A_501 : vector<16xf32>
        %parallel_loop3A_503 = arith.mulf %parallel_loop3A_495, %parallel_loop3A_495 : vector<16xf32>
        %parallel_loop3A_504 = arith.mulf %parallel_loop3A_496, %parallel_loop3A_496 : vector<16xf32>
        %parallel_loop3A_505 = arith.addf %parallel_loop3A_503, %parallel_loop3A_504 : vector<16xf32>
        %parallel_loop3A_506 = arith.mulf %parallel_loop3A_497, %parallel_loop3A_497 : vector<16xf32>
        %parallel_loop3A_507 = arith.addf %parallel_loop3A_505, %parallel_loop3A_506 : vector<16xf32>
        %parallel_loop3A_508 = vector.bitcast %parallel_loop3A_502 : vector<16xf32> to vector<16xi32>
        %parallel_loop3A_509 = arith.constant 1 : i32
        %parallel_loop3A_510 = vector.broadcast %parallel_loop3A_509 : i32 to vector<16xi32>
        %parallel_loop3A_511 = arith.shrsi %parallel_loop3A_508, %parallel_loop3A_510 : vector<16xi32>
        %parallel_loop3A_512 = arith.constant 1597463007 : i32
        %parallel_loop3A_513 = vector.broadcast %parallel_loop3A_512 : i32 to vector<16xi32>
        %parallel_loop3A_514 = arith.subi %parallel_loop3A_513, %parallel_loop3A_511 : vector<16xi32>
        %parallel_loop3A_515 = vector.bitcast %parallel_loop3A_514 : vector<16xi32> to vector<16xf32>
        %parallel_loop3A_516 = arith.mulf %parallel_loop3A_502, %parallel_loop3A_515 : vector<16xf32>
        %parallel_loop3A_517 = arith.mulf %parallel_loop3A_516, %parallel_loop3A_515 : vector<16xf32>
        %parallel_loop3A_518 = arith.constant 5.000000e-01 : f32
        %parallel_loop3A_519 = vector.broadcast %parallel_loop3A_518 : f32 to vector<16xf32>
        %parallel_loop3A_520 = arith.mulf %parallel_loop3A_519, %parallel_loop3A_517 : vector<16xf32>
        %parallel_loop3A_521 = arith.constant 1.500000e+00 : f32
        %parallel_loop3A_522 = vector.broadcast %parallel_loop3A_521 : f32 to vector<16xf32>
        %parallel_loop3A_523 = arith.subf %parallel_loop3A_522, %parallel_loop3A_520 : vector<16xf32>
        %parallel_loop3A_524 = arith.mulf %parallel_loop3A_515, %parallel_loop3A_523 : vector<16xf32>
        %parallel_loop3A_525 = arith.mulf %parallel_loop3A_502, %parallel_loop3A_524 : vector<16xf32>
        %parallel_loop3A_526 = arith.mulf %parallel_loop3A_525, %parallel_loop3A_524 : vector<16xf32>
        %parallel_loop3A_527 = arith.constant 5.000000e-01 : f32
        %parallel_loop3A_528 = vector.broadcast %parallel_loop3A_527 : f32 to vector<16xf32>
        %parallel_loop3A_529 = arith.mulf %parallel_loop3A_528, %parallel_loop3A_526 : vector<16xf32>
        %parallel_loop3A_530 = arith.constant 1.500000e+00 : f32
        %parallel_loop3A_531 = vector.broadcast %parallel_loop3A_530 : f32 to vector<16xf32>
        %parallel_loop3A_532 = arith.subf %parallel_loop3A_531, %parallel_loop3A_529 : vector<16xf32>
        %parallel_loop3A_533 = arith.mulf %parallel_loop3A_524, %parallel_loop3A_532 : vector<16xf32>
        %parallel_loop3A_534 = arith.mulf %parallel_loop3A_502, %parallel_loop3A_533 : vector<16xf32>
        %parallel_loop3A_535 = arith.constant 9.99999993E-9 : f32
        %parallel_loop3A_536 = vector.broadcast %parallel_loop3A_535 : f32 to vector<16xf32>
        %parallel_loop3A_537 = arith.addf %parallel_loop3A_534, %parallel_loop3A_536 : vector<16xf32>
        %parallel_loop3A_538 = arith.constant 1.000000e+00 : f32
        %parallel_loop3A_539 = vector.broadcast %parallel_loop3A_538 : f32 to vector<16xf32>
        %parallel_loop3A_540 = arith.divf %parallel_loop3A_539, %parallel_loop3A_537 : vector<16xf32>
        %parallel_loop3A_541 = arith.constant 16 : i32
        %parallel_loop3A_542 = arith.muli %parallel_loop3A_473, %parallel_loop3A_541 : i32
        %parallel_loop3A_543 = arith.addi %add3A_447, %parallel_loop3A_542 : i32
        %parallel_loop3A_544 = vector.broadcast %parallel_loop3A_543 : i32 to vector<16xi32>
        %parallel_loop3A_545 = arith.addi %parallel_loop3A_544, %iota3A : vector<16xi32>
        %parallel_loop3A_546 = arith.constant 3200000 : i32
        %parallel_loop3A_547 = vector.broadcast %parallel_loop3A_546 : i32 to vector<16xi32>
        %parallel_loop3A_548 = arith.cmpi slt, %parallel_loop3A_545, %parallel_loop3A_547 : vector<16xi32>
        %parallel_loop3A_549 = arith.constant 0.000000e+00 : f32
        %parallel_loop3A_550 = vector.broadcast %parallel_loop3A_549 : f32 to vector<16xf32>
        %parallel_loop3A_551 = arith.select %parallel_loop3A_548, %parallel_loop3A_540, %parallel_loop3A_550 : vector<16xi1>, vector<16xf32>
        %parallel_loop3A_552 = arith.addf %parallel_loop3A_502, %parallel_loop3A_507 : vector<16xf32>
        %parallel_loop3A_553 = arith.mulf %parallel_loop3A_551, %parallel_loop3A_552 : vector<16xf32>
        %parallel_loop3A_554 = arith.addf %parallel_loop3A_474, %parallel_loop3A_553 : vector<16xf32>
        %parallel_loop3A_555 = arith.addf %parallel_loop3A_475, %parallel_loop3A_551 : vector<16xf32>
        %parallel_loop3A_556 = arith.mulf %parallel_loop3A_551, %parallel_loop3A_495 : vector<16xf32>
        %parallel_loop3A_557 = arith.mulf %parallel_loop3A_551, %parallel_loop3A_496 : vector<16xf32>
        %parallel_loop3A_558 = arith.mulf %parallel_loop3A_551, %parallel_loop3A_497 : vector<16xf32>
        %parallel_loop3A_559 = arith.mulf %parallel_loop3A_556, %parallel_loop3A_492 : vector<16xf32>
        %parallel_loop3A_560 = arith.mulf %parallel_loop3A_556, %parallel_loop3A_493 : vector<16xf32>
        %parallel_loop3A_561 = arith.mulf %parallel_loop3A_556, %parallel_loop3A_494 : vector<16xf32>
        %parallel_loop3A_562 = arith.mulf %parallel_loop3A_557, %parallel_loop3A_492 : vector<16xf32>
        %parallel_loop3A_563 = arith.mulf %parallel_loop3A_557, %parallel_loop3A_493 : vector<16xf32>
        %parallel_loop3A_564 = arith.mulf %parallel_loop3A_557, %parallel_loop3A_494 : vector<16xf32>
        %parallel_loop3A_565 = arith.mulf %parallel_loop3A_558, %parallel_loop3A_492 : vector<16xf32>
        %parallel_loop3A_566 = arith.mulf %parallel_loop3A_558, %parallel_loop3A_493 : vector<16xf32>
        %parallel_loop3A_567 = arith.mulf %parallel_loop3A_558, %parallel_loop3A_494 : vector<16xf32>
        tpu.vector_store_idx %arg15[%parallel_loop3A_479, %broadcast_in_dim3A_15], %parallel_loop3A_559 : memref<128x16xf32, #tpu.memory_space<vmem>>[vector<16xi32>, vector<16xi32>], vector<16xf32>,
        tpu.vector_store_idx %arg15[%parallel_loop3A_479, %broadcast_in_dim3A_17], %parallel_loop3A_560 : memref<128x16xf32, #tpu.memory_space<vmem>>[vector<16xi32>, vector<16xi32>], vector<16xf32>,
        tpu.vector_store_idx %arg15[%parallel_loop3A_479, %broadcast_in_dim3A_19], %parallel_loop3A_561 : memref<128x16xf32, #tpu.memory_space<vmem>>[vector<16xi32>, vector<16xi32>], vector<16xf32>,
        tpu.vector_store_idx %arg15[%parallel_loop3A_479, %broadcast_in_dim3A_21], %parallel_loop3A_562 : memref<128x16xf32, #tpu.memory_space<vmem>>[vector<16xi32>, vector<16xi32>], vector<16xf32>,
        tpu.vector_store_idx %arg15[%parallel_loop3A_479, %broadcast_in_dim3A_23], %parallel_loop3A_563 : memref<128x16xf32, #tpu.memory_space<vmem>>[vector<16xi32>, vector<16xi32>], vector<16xf32>,
        tpu.vector_store_idx %arg15[%parallel_loop3A_479, %broadcast_in_dim3A_25], %parallel_loop3A_564 : memref<128x16xf32, #tpu.memory_space<vmem>>[vector<16xi32>, vector<16xi32>], vector<16xf32>,
        tpu.vector_store_idx %arg15[%parallel_loop3A_479, %broadcast_in_dim3A_27], %parallel_loop3A_565 : memref<128x16xf32, #tpu.memory_space<vmem>>[vector<16xi32>, vector<16xi32>], vector<16xf32>,
        tpu.vector_store_idx %arg15[%parallel_loop3A_479, %broadcast_in_dim3A_29], %parallel_loop3A_566 : memref<128x16xf32, #tpu.memory_space<vmem>>[vector<16xi32>, vector<16xi32>], vector<16xf32>,
        tpu.vector_store_idx %arg15[%parallel_loop3A_479, %broadcast_in_dim3A_31], %parallel_loop3A_567 : memref<128x16xf32, #tpu.memory_space<vmem>>[vector<16xi32>, vector<16xi32>], vector<16xf32>,
        scf.yield %parallel_loop3A_554, %parallel_loop3A_555 : vector<16xf32>, vector<16xf32>
      } {sc.loop_unroll_factor = 4 : i64, sc.parallel_access}
      %dma_start3A_452 = arith.constant 7 : i32
      %dma_start3A_453 = arith.constant 0 : i32
      %dma_start3A_454 = tpu.memref_slice %arg8[%dma_start3A_452, %dma_start3A_453] : memref<8x128xi32, #tpu.memory_space<vmem>> -> memref<1x128xi32, #tpu.memory_space<vmem>>
      %dma_start3A_455 = tpu.memref_squeeze %dma_start3A_454 : memref<1x128xi32, #tpu.memory_space<vmem>> -> memref<128xi32, #tpu.memory_space<vmem>>
      %dma_start3A_456 = arith.constant 0 : i32
      %dma_start3A_457 = arith.constant 0 : i32
      %dma_start3A_458 = tpu.memref_slice %arg17[%dma_start3A_456, %dma_start3A_457] : memref<100352x16xf32, #tpu.memory_space<vmem_shared>> -> memref<100352x16xf32, #tpu.memory_space<vmem_shared>>
      tpu.enqueue_indirect_dma source(%arg15 : memref<128x16xf32, #tpu.memory_space<vmem>>) target(%dma_start3A_458 : memref<100352x16xf32, #tpu.memory_space<vmem_shared>>) offsets(%dma_start3A_455 : memref<128xi32, #tpu.memory_space<vmem>>) semaphore(%arg21 : memref<!tpu.dma_semaphore, #tpu.memory_space<semaphore_mem>>) {add = true}
      %dma_wait3A_459 = arith.constant 6 : i32
      %dma_wait3A_460 = arith.constant 0 : i32
      %dma_wait3A_461 = tpu.memref_slice %arg8[%dma_wait3A_459, %dma_wait3A_460] : memref<8x128xi32, #tpu.memory_space<vmem>> -> memref<1x128xi32, #tpu.memory_space<vmem>>
      %dma_wait3A_462 = tpu.memref_squeeze %dma_wait3A_461 : memref<1x128xi32, #tpu.memory_space<vmem>> -> memref<128xi32, #tpu.memory_space<vmem>>
      %dma_wait3A_463 = arith.constant 0 : i32
      %dma_wait3A_464 = arith.constant 0 : i32
      %dma_wait3A_465 = tpu.memref_slice %arg17[%dma_wait3A_463, %dma_wait3A_464] : memref<100352x16xf32, #tpu.memory_space<vmem_shared>> -> memref<100352x16xf32, #tpu.memory_space<vmem_shared>>
      tpu.wait_indirect_dma semaphore(%arg20 : memref<!tpu.dma_semaphore, #tpu.memory_space<semaphore_mem>>) src(%arg14 : memref<128x16xf32, #tpu.memory_space<vmem>>) dst(%dma_wait3A_465 : memref<100352x16xf32, #tpu.memory_space<vmem_shared>>)
      %dma_wait3A_466 = arith.constant 7 : i32
      %dma_wait3A_467 = arith.constant 0 : i32
      %dma_wait3A_468 = tpu.memref_slice %arg8[%dma_wait3A_466, %dma_wait3A_467] : memref<8x128xi32, #tpu.memory_space<vmem>> -> memref<1x128xi32, #tpu.memory_space<vmem>>
      %dma_wait3A_469 = tpu.memref_squeeze %dma_wait3A_468 : memref<1x128xi32, #tpu.memory_space<vmem>> -> memref<128xi32, #tpu.memory_space<vmem>>
      %dma_wait3A_470 = arith.constant 0 : i32
      %dma_wait3A_471 = arith.constant 0 : i32
      %dma_wait3A_472 = tpu.memref_slice %arg17[%dma_wait3A_470, %dma_wait3A_471] : memref<100352x16xf32, #tpu.memory_space<vmem_shared>> -> memref<100352x16xf32, #tpu.memory_space<vmem_shared>>
      tpu.wait_indirect_dma semaphore(%arg21 : memref<!tpu.dma_semaphore, #tpu.memory_space<semaphore_mem>>) src(%arg15 : memref<128x16xf32, #tpu.memory_space<vmem>>) dst(%dma_wait3A_472 : memref<100352x16xf32, #tpu.memory_space<vmem_shared>>)
      scf.yield %parallel_loop3A_451#0, %parallel_loop3A_451#1 : vector<16xf32>, vector<16xf32>
    }
    %scan3A_46 = arith.constant 98 : i32
    %barrier3A_47 = arith.constant 0 : index
    tpu.barrier barrier_id(%barrier3A_47)
    %mul3A_48 = arith.constant 6272 : i32
    %mul3A_49 = arith.muli %arg1, %mul3A_48 : i32
    %mul3A_50 = arith.constant 6272 : i32
    %mul3A_51 = arith.muli %arg1, %mul3A_50 : i32
    "tpu.region"() ({
      %run_scoped3A = tpu.sem_alloc : memref<!tpu.dma_semaphore, #tpu.memory_space<semaphore_mem>>
      %dma_start3A = arith.constant 0 : i32
      %dma_start3A_59 = tpu.memref_slice %arg6[%arg0, %mul3A_51, %dma_start3A] : memref<2x100352x16xf32, #tpu.memory_space<hbm>> -> memref<1x6272x16xf32, #tpu.memory_space<hbm>>
      %dma_start3A_60 = tpu.memref_squeeze %dma_start3A_59 : memref<1x6272x16xf32, #tpu.memory_space<hbm>> -> memref<6272x16xf32, #tpu.memory_space<hbm>>
      %dma_start3A_61 = arith.constant 0 : i32
      %dma_start3A_62 = tpu.memref_slice %arg17[%mul3A_49, %dma_start3A_61] : memref<100352x16xf32, #tpu.memory_space<vmem_shared>> -> memref<6272x16xf32, #tpu.memory_space<vmem_shared>>
      tpu.enqueue_dma source(%dma_start3A_62 : memref<6272x16xf32, #tpu.memory_space<vmem_shared>>) target(%dma_start3A_60 : memref<6272x16xf32, #tpu.memory_space<hbm>>) target_semaphore(%run_scoped3A : memref<!tpu.dma_semaphore, #tpu.memory_space<semaphore_mem>>)
      %dma_wait3A = arith.constant 0 : i32
      %dma_wait3A_63 = tpu.memref_slice %arg6[%arg0, %mul3A_51, %dma_wait3A] : memref<2x100352x16xf32, #tpu.memory_space<hbm>> -> memref<1x6272x16xf32, #tpu.memory_space<hbm>>
      %dma_wait3A_64 = tpu.memref_squeeze %dma_wait3A_63 : memref<1x6272x16xf32, #tpu.memory_space<hbm>> -> memref<6272x16xf32, #tpu.memory_space<hbm>>
      %dma_wait3A_65 = arith.constant 0 : i32
      %dma_wait3A_66 = tpu.memref_slice %arg17[%mul3A_49, %dma_wait3A_65] : memref<100352x16xf32, #tpu.memory_space<vmem_shared>> -> memref<6272x16xf32, #tpu.memory_space<vmem_shared>>
      tpu.wait_dma2 semaphore(%run_scoped3A : memref<!tpu.dma_semaphore, #tpu.memory_space<semaphore_mem>>) src(%dma_wait3A_66 : memref<6272x16xf32, #tpu.memory_space<vmem_shared>>) dst(%dma_wait3A_64 : memref<6272x16xf32, #tpu.memory_space<hbm>>)
      tpu.yield
    }) : () -> ()
    %swap3A = arith.constant 0 : i32
    %swap3A_52 = arith.index_cast %swap3A : i32 to index
    %swap3A_53 = arith.constant 0 : index
    %swap3A_54 = tpu.vector_load %arg16[%swap3A_52, %swap3A_53] {strides = array<i32>} : memref<2x16xf32, #tpu.memory_space<vmem>>, vector<16xf32>,
    tpu.vector_store %arg16[%swap3A_52, %swap3A_53], %scan3A_45#0 {strides = array<i32>} : memref<2x16xf32, #tpu.memory_space<vmem>>, vector<16xf32>,
    %swap3A_55 = arith.constant 1 : i32
    %swap3A_56 = arith.index_cast %swap3A_55 : i32 to index
    %swap3A_57 = arith.constant 0 : index
    %swap3A_58 = tpu.vector_load %arg16[%swap3A_56, %swap3A_57] {strides = array<i32>} : memref<2x16xf32, #tpu.memory_space<vmem>>, vector<16xf32>,
    tpu.vector_store %arg16[%swap3A_56, %swap3A_57], %scan3A_45#1 {strides = array<i32>} : memref<2x16xf32, #tpu.memory_space<vmem>>, vector<16xf32>,
    "tpu.region"() ({
      %run_scoped3A = tpu.sem_alloc : memref<!tpu.dma_semaphore, #tpu.memory_space<semaphore_mem>>
      %dma_start3A = arith.constant 0 : i32
      %dma_start3A_59 = arith.constant 0 : i32
      %dma_start3A_60 = tpu.memref_slice %arg7[%arg0, %arg1, %dma_start3A, %dma_start3A_59] : memref<2x16x2x16xf32, #tpu.memory_space<hbm>> -> memref<1x1x2x16xf32, #tpu.memory_space<hbm>>
      %dma_start3A_61 = tpu.memref_squeeze %dma_start3A_60 : memref<1x1x2x16xf32, #tpu.memory_space<hbm>> -> memref<2x16xf32, #tpu.memory_space<hbm>>
      %dma_start3A_62 = arith.constant 0 : i32
      %dma_start3A_63 = arith.constant 0 : i32
      %dma_start3A_64 = tpu.memref_slice %arg7[%arg0, %arg1, %dma_start3A_62, %dma_start3A_63] : memref<2x16x2x16xf32, #tpu.memory_space<hbm>> -> memref<1x1x2x16xf32, #tpu.memory_space<hbm>>
      %dma_start3A_65 = tpu.memref_squeeze %dma_start3A_64 : memref<1x1x2x16xf32, #tpu.memory_space<hbm>> -> memref<2x16xf32, #tpu.memory_space<hbm>>
      tpu.enqueue_dma source(%arg16 : memref<2x16xf32, #tpu.memory_space<vmem>>) target(%dma_start3A_65 : memref<2x16xf32, #tpu.memory_space<hbm>>) target_semaphore(%run_scoped3A : memref<!tpu.dma_semaphore, #tpu.memory_space<semaphore_mem>>)
      %dma_wait3A = arith.constant 0 : i32
      %dma_wait3A_66 = arith.constant 0 : i32
      %dma_wait3A_67 = tpu.memref_slice %arg7[%arg0, %arg1, %dma_wait3A, %dma_wait3A_66] : memref<2x16x2x16xf32, #tpu.memory_space<hbm>> -> memref<1x1x2x16xf32, #tpu.memory_space<hbm>>
      %dma_wait3A_68 = tpu.memref_squeeze %dma_wait3A_67 : memref<1x1x2x16xf32, #tpu.memory_space<hbm>> -> memref<2x16xf32, #tpu.memory_space<hbm>>
      %dma_wait3A_69 = arith.constant 0 : i32
      %dma_wait3A_70 = arith.constant 0 : i32
      %dma_wait3A_71 = tpu.memref_slice %arg7[%arg0, %arg1, %dma_wait3A_69, %dma_wait3A_70] : memref<2x16x2x16xf32, #tpu.memory_space<hbm>> -> memref<1x1x2x16xf32, #tpu.memory_space<hbm>>
      %dma_wait3A_72 = tpu.memref_squeeze %dma_wait3A_71 : memref<1x1x2x16xf32, #tpu.memory_space<hbm>> -> memref<2x16xf32, #tpu.memory_space<hbm>>
      tpu.wait_dma2 semaphore(%run_scoped3A : memref<!tpu.dma_semaphore, #tpu.memory_space<semaphore_mem>>) src(%arg16 : memref<2x16xf32, #tpu.memory_space<vmem>>) dst(%dma_wait3A_72 : memref<2x16xf32, #tpu.memory_space<hbm>>)
      tpu.yield
    }) : () -> ()
    return
  }
}

</mosaic_0001>

<sc_bundles>
// kernel: kernel.4.cloned.1.call-start
scs
__scs_entry_jumppad:
0x0: {  	(pc) =	sbr.rel $0x88, $3  }
0x1: {  	(tag) =	ssettag $0x0;
	lr =	simm.s32 $0x1  }
0x2: {  	[smem:$0x3F9E] =	sst lr;
	_ =	strace $0xD0000000  }
0x3: {  	_ = 	snop  }
0x4: {  	_ = 	snop  }
0x5: {  	_ = 	snop  }
0x6: {  	_ = 	snop  }
0x7: {  	_ = 	snop  }
__scs_overlays_trampoline_lowered:
0x8: {  	[smem:$0x3FAD] =	sst s0  }
0x9: {  	[smem:$0x3FAE] =	sst s1  }
0xa: {  	[smem:$0x3FAF] =	sst s2  }
0xb: {  	[smem:$0x3FB0] =	sst s3  }
0xc: {  	[smem:$0x3FB1] =	sst s4  }
0xd: {  	[smem:$0x3FB2] =	sst s5  }
0xe: {  	[smem:$0x3FB3] =	sst s6  }
0xf: {  	[smem:$0x3FB4] =	sst s7  }
0x10: {  	[smem:$0x3FB5] =	sst s8  }
0x11: {  	[smem:$0x3FB6] =	sst s9;
	s0 =	simm.s32 @!p0 $0x0  }
0x12: {  	s1 =	sld [smem:$0x3F9C];
	s0 =	simm.s32 @p0 $0x1  }
0x13: {  	[smem:$0x3FB7] =	sst s0;
	s0 =	simm.s32 @!p1 $0x0  }
0x14: {  	s2 =	sld [smem:$0x3F9B];
	s0 =	simm.s32 @p1 $0x1  }
0x15: {  	[smem:$0x3FB8] =	sst s0;
	s0 =	simm.s32 @!p2 $0x0  }
0x16: {  	s3 =	sld [smem:$0x3FDB];
	s0 =	simm.s32 @p2 $0x1  }
0x17: {  	s4 =	simm.s32 $0x1BF5;
	[smem:$0x3FBA] =	sst s0  }
0x18: {  	s0 =	sld [smem:$0x3F9D];
	_ =	swait.ge [sflag:s4], $0x0  }
0x19: {  	s7 =	sld [smem:$0x3F9E]  }
0x1a: {  	s8 =	sadd.s32 $0xFFFFE003, lr  }
0x1b: {  	s9 =	sadd.s32 $0xFFFFFEF7, lr;
	s5 =	simm.s32 $0xFFFFFFFF;
	p2 =	slt.u32 s8, $0xFFFFF086  }
0x1c: {  	p1 =	slt.u32 s9, $0xF7A;
	s5 =	simm.s32 @!p2 $0x0  }
0x1d: {  	s5 =	simm.s32 @p1 $0x1;
	p0 =	seq.s32 s7, s2  }
0x1e: {  	s7 =	smul.u32 @!p0 $0xF7A, s2;
	p2 =	seq.s32 @!p0 s5, $0x0  }
0x1f: {  	s9 =	smul.u32 $0xF7A, s1;
	s8 =	simm.s32 @!p0 $0x1BF5;
	p2 =	por !p2, p0  }
0x20: {  	[sflag:s8] =	ssyncset.s32 @!p0 $0xFFFFF086;
	s6 =	sadd.s32 @!p0 s3, s7;
	s7 =	simm.s32 @!p0 $0x108  }
0x21: {  	s3 =	sadd.s32 s3, s9;
	s6 =	sadd.s32 @!p0 $0x88, s6;
	s7 =	simm.s32 @p2 $0x1082  }
0x22: {  	[simem:s7], [sflag:s8] =	dma.local @!p0 [hbm:s6], $0xF7A  }
0x23: {  	s9 =	sor.u32 $0xD0000000, s2;
	s6 =	simm.s32 $0x108;
	_ =	swait.ge @!p0 [sflag:s8], $0x0  }
0x24: {  	s3 =	sadd.s32 $0x88, s3;
	s6 =	simm.s32 @!p1 $0x1082;
	[sflag:s4] =	ssyncset.s32 $0xFFFFF086  }
0x25: {  	[simem:s6], [sflag:s4] =	dma.local [hbm:s3], $0xF7A  }
0x26: {  	[smem:$0x3F9E] =	sst s1;
	(tag) =	ssettag s2;
	_ =	strace s9  }
0x27: {  	s1 =	sld [smem:$0x3FAE]  }
0x28: {  	s2 =	sld [smem:$0x3FAF]  }
0x29: {  	s4 =	sld [smem:$0x3FB1]  }
0x2a: {  	p0 =	seq.s32 s5, $0x0;
	s5 =	sld [smem:$0x3FB2]  }
0x2b: {  	s6 =	sld [smem:$0x3FB3]  }
0x2c: {  	s7 =	sld [smem:$0x3FB4]  }
0x2d: {  	s3 =	simm.s32 $0x108;
	s8 =	sld [smem:$0x3FB5]  }
0x2e: {  	s3 =	simm.s32 @!p0 $0x1082;
	s9 =	sld [smem:$0x3FB6]  }
0x2f: {  	lr =	sadd.s32 s0, s3;
	s0 =	sld [smem:$0x3FAD]  }
0x30: {  	s3 =	sld [smem:$0x3FB0]  }
0x31: {  	[smem:$0x3FB9] =	sst s10  }
0x32: {  	s10 =	sld [smem:$0x3FB7];
	_ =	sdelay $0x3  }
0x33: {  	p0 =	seq.s32 s10, $0x1;
	s10 =	sld [smem:$0x3FB9];
	_ =	sdelay $0x3  }
0x34: {  	[smem:$0x3FB9] =	sst s10  }
0x35: {  	s10 =	sld [smem:$0x3FB8];
	_ =	sdelay $0x3  }
0x36: {  	p1 =	seq.s32 s10, $0x1;
	s10 =	sld [smem:$0x3FB9];
	_ =	sdelay $0x3  }
0x37: {  	[smem:$0x3FB9] =	sst s10  }
0x38: {  	s10 =	sld [smem:$0x3FBA]  }
0x39: {  	_ = 	snop;
	(pc) =	sbr.ind lr, $3  }
0x3a: {  	_ = 	snop  }
0x3b: {  	_ = 	snop  }
0x3c: {  	p2 =	seq.s32 s10, $0x1;
	s10 =	sld [smem:$0x3FB9]  }
0x3d: {  	_ =	shalt  }
0x3e: {  	_ =	shalt  }
0x3f: {  	_ =	shalt  }
0x40: {  	_ =	shalt  }
0x41: {  	_ =	shalt  }
0x42: {  	_ =	shalt  }
0x43: {  	_ =	shalt  }
0x44: {  	_ =	shalt  }
0x45: {  	_ =	shalt  }
0x46: {  	_ =	shalt  }
0x47: {  	_ =	shalt  }
0x48: {  	_ =	shalt  }
0x49: {  	_ =	shalt  }
0x4a: {  	_ =	shalt  }
0x4b: {  	_ =	shalt  }
0x4c: {  	_ =	shalt  }
0x4d: {  	_ =	shalt  }
0x4e: {  	_ =	shalt  }
0x4f: {  	_ =	shalt  }
0x50: {  	_ =	shalt  }
0x51: {  	_ =	shalt  }
0x52: {  	_ =	shalt  }
0x53: {  	_ =	shalt  }
0x54: {  	_ =	shalt  }
0x55: {  	_ =	shalt  }
0x56: {  	_ =	shalt  }
0x57: {  	_ =	shalt  }
0x58: {  	_ =	shalt  }
0x59: {  	_ =	shalt  }
0x5a: {  	_ =	shalt  }
0x5b: {  	_ =	shalt  }
0x5c: {  	_ =	shalt  }
0x5d: {  	_ =	shalt  }
0x5e: {  	_ =	shalt  }
0x5f: {  	_ =	shalt  }
0x60: {  	_ =	shalt  }
0x61: {  	_ =	shalt  }
0x62: {  	_ =	shalt  }
0x63: {  	_ =	shalt  }
0x64: {  	_ =	shalt  }
0x65: {  	_ =	shalt  }
0x66: {  	_ =	shalt  }
0x67: {  	_ =	shalt  }
0x68: {  	_ =	shalt  }
0x69: {  	_ =	shalt  }
0x6a: {  	_ =	shalt  }
0x6b: {  	_ =	shalt  }
0x6c: {  	_ =	shalt  }
0x6d: {  	_ =	shalt  }
0x6e: {  	_ =	shalt  }
0x6f: {  	_ =	shalt  }
0x70: {  	_ =	shalt  }
0x71: {  	_ =	shalt  }
0x72: {  	_ =	shalt  }
0x73: {  	_ =	shalt  }
0x74: {  	_ =	shalt  }
0x75: {  	_ =	shalt  }
0x76: {  	_ =	shalt  }
0x77: {  	_ =	shalt  }
0x78: {  	_ =	shalt  }
0x79: {  	_ =	shalt  }
0x7a: {  	_ =	shalt  }
0x7b: {  	_ =	shalt  }
0x7c: {  	_ =	shalt  }
0x7d: {  	_ =	shalt  }
0x7e: {  	_ =	shalt  }
0x7f: {  	_ =	shalt  }
0x80: {  	_ =	shalt  }
0x81: {  	_ =	shalt  }
0x82: {  	_ =	shalt  }
0x83: {  	_ =	shalt  }
0x84: {  	_ =	shalt  }
0x85: {  	_ =	shalt  }
0x86: {  	_ =	shalt  }
0x87: {  	_ =	shalt  }
.Lfunc_end0:
.L_simem_size_0:
called_computation_lowered:
.L_overlay_start_0:
0x88: {  	s2 =	sld [smem:$0x3FD9]  }
0x89: {  	s3 =	sld [smem:$0x3FFE];
	_ =	sdelay $0x1  }
0x8a: {  	s1 =	srdreg.scid  }
0x8b: {  	s0 =	sand.u32 $0x1, s1  }
0x8c: {  	s16 =	sshll.u32 s0, $0xA;
	s2 =	sadd.s32 s3, s2  }
0x8d: {  	s2 =	sadd.s32 s2, s16  }
0x8e: {  	[smem:$0x3FC5] =	sst s2  }
0x8f: {  	_ = 	snop  }
0x90: {  	(tm) =	ssettm $0x1  }
0x91: {  	s17 =	sld [smem:$0x3FFB];
	_ =	sdelay $0x3  }
0x92: {  	_ =	strace s17  }
0x93: {  	s2 =	sld [smem:$0x3FFC];
	_ =	sdelay $0x3  }
0x94: {  	_ =	strace s2  }
0x95: {  	s2 =	sld [smem:$0x3FFD];
	_ =	sdelay $0x3  }
0x96: {  	_ =	strace s2  }
0x97: {  	_ =	strace $0x8FFFFFFF  }
0x98: {  	s18 =	sld [smem:$0x3FDB];
	_ =	sdelay $0x1  }
0x99: {  	s19 =	simm.s32 $_scs_section_size  }
0x9a: {  	s4 =	simm.s32 $_size__tile_overlayer_lowered;
	s5 =	simm.s32 $_tile_overlayer_lowered  }
0x9b: {  	s22 =	simm.s32 $0x1BFF;
	s21 =	sshll.u32 s5, $0x1;
	s2 =	sadd.s32 s19, s18  }
0x9c: {  	s6 =	simm.s32 $0x0;
	s20 =	sshll.u32 s4, $0x1;
	s4 =	sadd.s32 s21, s2  }
0x9d: {  	[timem:s6], [sflag:s22] =	dma.local [hbm:s4], s20  }
0x9e: {  	_ =	swait.ge [sflag:s22], s20  }
0x9f: {  	s3 =	ssub.s32 $0x0, s20;
	[sflag:s22] =	ssyncset.done $0x0  }
0xa0: {  	[sflag:s22] =	ssyncadd.s32 s3;
	_ =	sdelay $0x1  }
0xa1: {  	s23 =	simm.s32 $0x1B8B  }
0xa2: {  	_ =	swait.ge [sflag:s23], $0x1  }
0xa3: {  	[sflag:s23] =	ssyncset.done $0x0  }
0xa4: {  	s25 =	simm.s32 $0x1B8E;
	s24 =	sld [smem:$0x3FFE];
	[sflag:s23] =	ssyncadd.s32 $0xFFFFFFFF  }
0xa5: {  	s26 =	simm.s32 $execute0_lowered;
	[smem:$0x3FD2] =	sst s25  }
0xa6: {  	s4 =	sshll.u32 s26, $0x1;
	_ =	strace $0x80000046;
	[dreg:$0x1] =	wrdreg $0xFFFFFFFF  }
0xa7: {  	s28 =	simm.s32 $_size_execute0_lowered;
	s2 =	sadd.s32 s2, s4;
	[dreg:$0x0] =	wrdreg $0x0  }
0xa8: {  	s4 =	sshll.u32 s28, $0x1;
	[dreg:$0x2] =	wrdreg s2  }
0xa9: {  	[dreg:$0x3] =	wrdreg s4  }
0xaa: {  	[dreg:$0x4] =	wrdreg $0xC0  }
0xab: {  	_ =	task [dreg:s6], $0x5FFFF  }
0xac: {  	[dreg:$0x1] =	wrdreg $0xFFFFFFFF  }
0xad: {  	[dreg:$0x0] =	wrdreg $0x60  }
0xae: {  	[dreg:$0x2] =	wrdreg s24  }
0xaf: {  	[dreg:$0x3] =	wrdreg $0x28200  }
0xb0: {  	[dreg:$0x4] =	wrdreg $0x9  }
0xb1: {  	_ =	task.clear_ibuf [dreg:s6], $0x5FFFF;
	_ =	strace $0x90000046  }
0xb2: {  	s29 =	simm.s32 $0x9;
	_ =	strace $0x80000048  }
0xb3: {  	_ =	swait.ge [sflag:s29], $0x1  }
0xb4: {  	[sflag:s29] =	ssyncadd.s32 $0xFFFFFFFF  }
0xb5: {  	_ =	strace $0x90000048  }
0xb6: {  	_ =	sfence  }
0xb7: {  	s30 =	sld [smem:$0x0];
	_ =	sdelay $0x2  }
0xb8: {  	s31 =	sshll.u32 s1, $0xD;
	s1 =	sshrl.u32 s1, $0x2  }
0xb9: {  	s3 =	sand.u32 $0x4000, s31;
	s1 =	sadd.s32 s1, s30  }
0xba: {  	s0 =	sor.u32 s3, s0;
	s1 =	sshll.u32 s1, $0x11  }
0xbb: {  	s0 =	sor.u32 s1, s0  }
0xbc: {  	s0 =	sadd.s32 $0x8F2B, s0  }
0xbd: {  	[sflag:s0] =	ssyncadd.remote.s32 $0x1  }
0xbe: {  	_ =	sfence.sel $0xFFFF  }
0xbf: {  	[dreg:$0x0] =	wrdreg $0xFFFFFFFF;
	(pc) =	sbr.abs _section_cstart, $3  }
0xc0: {  	[dreg:$0x1] =	wrdreg $0xFFFFFFFF  }
0xc1: {  	_ =	task.clear_ibuf [dreg:s6], $0x2FFFF;
	_ =	strace $0x9FFFFFFF  }
0xc2: {  	(tm) =	ssettm $0x7FFFFFFF  }
0xc3: {  	_ =	shalt  }
tec
execute0_lowered:
.L_overlay_start_1:
0x0: {  	(tag) =	ssettag $0x1  }
0x1: {  	s0 =	rddreg [dreg:$0x0]  }
0x2: {  	s1 =	srdreg.scid;
	s2 =	rddreg [dreg:$0x1]  }
0x3: {  	s11 =	stileid.u32;
	s4 =	simm.s32 $0x0;
	s14 =	simm.s32 $0x5  }
0x4: {  	s16 =	simm.s32 $0x80;
	s17 =	simm.s32 $0x800;
	s18 =	simm.s32 $0x1000  }
0x5: {  	s28 =	simm.s32 $0x2;
	s29 =	simm.s32 $0x2000;
	s30 =	simm.s32 $0x180  }
0x6: {  	s12 =	simm.s32 $0x280;
	s1 =	sand.u32 $0x1, s1;
	s5 =	smul.u32 $0x18800, s11  }
0x7: {  	[smem:$0x7FF] =	sst s4;
	s4 =	sadd.s32 $0x186C00, s0;
	s6 =	sadd.s32 $0x200, s0  }
0x8: {  	s19 =	sadd.s32 $0x62200, s0;
	s7 =	sadd.s32 $0xC4200, s0;
	s20 =	sshll.u32 s11, $0x2  }
0x9: {  	s9 =	smul.u32 $0x62000, s11;
	_ =	strace $0x80000047;
	[dreg:$0x3] =	wrdreg s6  }
0xa: {  	s23 =	sshll.u32 s11, $0x6;
	s3 =	smul.u32 $0x188000, s1;
	[dreg:$0x4] =	wrdreg s19  }
0xb: {  	s8 =	ssub.s32 $0x2, s1;
	s10 =	sshll.u32 s1, $0x4;
	s1 =	sshll.u32 s1, $0x6  }
0xc: {  	s19 =	simm.s32 $0xC00;
	s21 =	sshrl.u32 s8, $0x1;
	s10 =	sor.u32 s11, s10  }
0xd: {  	s22 =	sshrl.u32 s9, $0x2;
	s9 =	sor.u32 $0x1C05, s23;
	s25 =	sadd.s32 s5, s2  }
0xe: {  	s23 =	simm.s32 $0x1800;
	s11 =	simm.s32 $0x4;
	s3 =	sadd.s32 s5, s3  }
0xf: {  	s6 =	ssub.s32 s8, s21;
	s8 =	sadd.s32 s22, s2;
	s10 =	smul.u32 $0x18800, s10  }
0x10: {  	s21 =	simm.s32 $0x1400;
	s22 =	simm.s32 $0x1;
	s31 =	sshrl.u32 s25, $0x3  }
0x11: {  	s25 =	simm.s32 $0x300;
	s5 =	simm.s32 $0x0;
	[dreg:$0x9] =	wrdreg s31  }
0x12: {  	s3 =	sshrl.u32 s3, $0x3;
	s26 =	smax.u32 s6, $0x1;
	[dreg:$0x5] =	wrdreg s10  }
0x13: {  	s3 =	sadd.s32 s3, s0;
	s0 =	sadd.s32 s20, s0;
	[dreg:$0x8] =	wrdreg s26  }
0x14: {  	s26 =	simm.s32 $0x380;
	s0 =	sadd.s32 s1, s0;
	s24 =	sadd.s32 $0xC4600, s3  }
0x15: {  	s1 =	simm.s32 $0x200;
	[dreg:$0x6] =	wrdreg s24;
	s0 =	sadd.s32 $0xC4400, s0  }
0x16: {  	v0 =	vlaneseq.u32;
	s24 =	simm.s32 $0x100;
	[dreg:$0x7] =	wrdreg s0;
	s0 =	simm.s32 $0x3  }
.LBB2_1:
0x17: {  	s3 =	sadd.s32 $0x0, s8  }
0x18: {  	[dreg:$0xa] =	wrdreg s5;
	s3 =	sshrl.u32 s3, $0x3  }
0x19: {  	[spmem:s3], [sflag:s9] =	dma.local [hbm:s7], $0x100  }
0x1a: {  	s3 =	simm.s32 $0x2000;
	_ =	swait.ge [sflag:s14], $0x100  }
.LBB2_2:
0x1b: {  	s5 =	sshra.s32 s3, $0x2;
	[sflag:s14] =	ssyncset.done $0x0;
	p0 =	sne.s32 s3, $0x60000  }
.Ltmp0:
0x1c: {  	s5 =	sadd.s32 s5, s8;
	[sflag:s14] =	ssyncadd.s32 $0xFFFFFF00;
	(pc) =	sbr.rel @p0 .LBB2_2-.Ltmp0, $4  }
0x1d: {  	s3 =	sadd.s32 $0x2000, s3;
	s5 =	sshrl.u32 s5, $0x3  }
0x1e: {  	[spmem:s5], [sflag:s9] =	dma.local [hbm:s7], $0x100  }
0x1f: {  	_ = 	snop  }
0x20: {  	_ =	swait.ge [sflag:s14], $0x100  }
0x21: {  	[sflag:s14] =	ssyncset.done $0x0  }
0x22: {  	[sflag:s14] =	ssyncadd.s32 $0xFFFFFF00  }
0x23: {  	s3 =	simm.s32 $0x0;
	v1 =	vimm.f32 $0.0e+00;
	v2 =	vimm.f32 $0.0e+00;
	s13 =	simm.s32 $0x0;
	[bflag:$0x0] =	sbarrier.arrive $0xFFFF  }
.LBB2_4:
0x24: {  	s5 =	sshll.u32 s13, $0xA;
	s6 =	rddreg [dreg:$0x5]  }
0x25: {  	s20 =	sadd.s32 s6, s5  }
0x26: {  	s31 =	rddreg [dreg:$0x3];
	s5 =	sshrl.u32 s20, $0x3  }
0x27: {  	s6 =	sadd.s32 s31, s5  }
0x28: {  	[tilespmem:s3], [sflag:$0x5] =	stream.linear.gather [hbm4b:s6+s3], $0x400, $0x38;
	[tilespmem:$0x1B020] =	vst v63  }
0x29: {  	_ =	swait.ge [sflag:s14], $0x400  }
0x2a: {  	[sflag:s14] =	ssyncset.done $0x0;
	s10 =	rddreg [dreg:$0x4]  }
0x2b: {  	s15 =	simm.s32 $0x400;
	[sflag:s14] =	ssyncadd.s32 $0xFFFFFC00;
	s5 =	sadd.s32 s10, s5  }
0x2c: {  	[tilespmem:s15], [sflag:$0x5] =	stream.linear.gather [hbm4b:s5+s3], $0x400, $0x38;
	[tilespmem:$0x1B020] =	vst v63  }
0x2d: {  	_ =	swait.ge [sflag:s14], $0x400  }
0x2e: {  	[sflag:s14] =	ssyncset.done $0x0  }
0x2f: {  	[sflag:s14] =	ssyncadd.s32 $0xFFFFFC00  }
0x30: {  	[tilespmem:s17], [sflag:$0x1] =	stream.indirect.gather [hbm4b:s4+s16], $0x8, s3, s16, $0xb8;
	[tilespmem:$0x1B020] =	vst v63  }
0x31: {  	_ = 	snop  }
0x32: {  	[tilespmem:s18], [sflag:$0x1] =	stream.indirect.gather [hbm4b:s4+s16], $0x8, s15, s16, $0xb8;
	[tilespmem:$0x1B020] =	vst v63  }
0x33: {  	_ = 	snop  }
0x34: {  	[tilespmem:s19], [sflag:$0x2] =	stream.indirect.gather [hbm4b:s4+s16], $0x8, s16, s16, $0xb8;
	[tilespmem:$0x1B020] =	vst v63  }
0x35: {  	s31 =	simm.s32 $0x480  }
0x36: {  	[tilespmem:s21], [sflag:$0x2] =	stream.indirect.gather [hbm4b:s4+s16], $0x8, s31, s16, $0xb8;
	[tilespmem:$0x1B020] =	vst v63  }
0x37: {  	_ =	swait.ge [sflag:s22], $0x400  }
0x38: {  	[sflag:s22] =	ssyncset.done $0x0  }
0x39: {  	[sflag:s22] =	ssyncadd.s32 $0xFFFFFC00  }
0x3a: {  	_ =	swait.ge [sflag:s22], $0x400  }
0x3b: {  	[sflag:s22] =	ssyncset.done $0x0  }
0x3c: {  	p0 =	por $0x1, $0x1;
	s10 =	simm.s32 $0x0;
	[sflag:s22] =	ssyncadd.s32 $0xFFFFFC00  }
.LBB2_5:
0x3d: {  	v20 =	vor.u32 s10, v0  }
0x3e: {  	v3 =	vshll.u32 v20, $0x3;
	_ =	sdelay $0x1  }
0x3f: {  	v4 =	vor.u32 $0x1, v3;
	_ =	sdelay $0x1  }
0x40: {  	v5 =	vor.u32 $0x2, v3  }
0x41: {  	v6 =	vld.idx.msk [tilespmem:v3+s17+$0x0], $0xffff  }
0x42: {  	v8 =	vld.idx.msk [tilespmem:v3+s18+$0x0], $0xffff  }
0x43: {  	v7 =	vld.idx.msk [tilespmem:v4+s17+$0x0], $0xffff  }
0x44: {  	v4 =	vld.idx.msk [tilespmem:v4+s18+$0x0], $0xffff  }
0x45: {  	v9 =	vld.idx.msk [tilespmem:v5+s17+$0x0], $0xffff  }
0x46: {  	v5 =	vld.idx.msk [tilespmem:v5+s18+$0x0], $0xffff;
	_ =	sdelay $0x2  }
0x47: {  	v18 =	vsub.f32 v8, v6;
	v17 =	vsub.f32 v4, v7;
	_ =	sdelay $0x1  }
0x48: {  	v15 =	vsub.f32 v5, v9;
	v37 =	vmul.f32 v18, v18;
	v38 =	vmul.f32 v17, v17;
	_ =	sdelay $0x1  }
0x49: {  	s6 =	sor.u32 $0x10, s10;
	v39 =	vmul.f32 v15, v15;
	v4 =	vadd.f32 v38, v37  }
0x4a: {  	v16 =	vor.u32 s6, v0  }
0x4b: {  	v23 =	vshll.u32 v16, $0x3;
	v4 =	vadd.f32 v39, v4;
	_ =	sdelay $0x1  }
0x4c: {  	v41 =	vor.u32 $0x1, v23;
	v5 =	vshra.s32 v4, $0x1  }
0x4d: {  	v42 =	vor.u32 $0x2, v23;
	v5 =	vsub.s32 $0x5F3759DF, v5  }
0x4e: {  	v40 =	vmul.f32 v5, v4  }
0x4f: {  	v43 =	vld.idx.msk [tilespmem:v23+s17+$0x0], $0xffff  }
0x50: {  	v12 =	vld.idx.msk [tilespmem:v23+s18+$0x0], $0xffff;
	v6 =	vmul.f32 v5, v40  }
0x51: {  	v10 =	vld.idx.msk [tilespmem:v41+s17+$0x0], $0xffff  }
0x52: {  	v13 =	vld.idx.msk [tilespmem:v42+s17+$0x0], $0xffff;
	v6 =	vmul.f32 $5.000000000e-01, v6  }
0x53: {  	v7 =	vld.idx.msk [tilespmem:v41+s18+$0x0], $0xffff  }
0x54: {  	v11 =	vor.u32 $0x3, v3;
	v19 =	vld.idx.msk [tilespmem:v42+s18+$0x0], $0xffff;
	v6 =	vsub.f32 $1.500000000e+00, v6  }
0x55: {  	v14 =	vor.u32 $0x4, v3;
	v3 =	vor.u32 $0x5, v3  }
0x56: {  	v5 =	vmul.f32 v5, v6  }
0x57: {  	s5 =	sor.u32 $0x20, s10;
	v12 =	vsub.f32 v12, v43  }
0x58: {  	v8 =	vsub.f32 v7, v10;
	v7 =	vor.u32 s5, v0;
	v6 =	vmul.f32 v5, v4  }
0x59: {  	v24 =	vld.idx.msk [tilespmem:v11+s17+$0x0], $0xffff;
	v9 =	vsub.f32 v19, v13;
	v47 =	vmul.f32 v12, v12;
	v21 =	vshll.u32 v7, $0x3  }
0x5a: {  	v44 =	vld.idx.msk [tilespmem:v3+s17+$0x0], $0xffff;
	v48 =	vmul.f32 v8, v8;
	v49 =	vor.u32 $0x1, v21;
	v6 =	vmul.f32 v6, v5  }
0x5b: {  	v3 =	vld.idx.msk [tilespmem:v3+s18+$0x0], $0xffff  }
0x5c: {  	v25 =	vld.idx.msk [tilespmem:v14+s17+$0x0], $0xffff;
	v50 =	vmul.f32 v9, v9;
	v13 =	vadd.f32 v48, v47;
	v6 =	vmul.f32 $5.000000000e-01, v6  }
0x5d: {  	v45 =	vld.idx.msk [tilespmem:v11+s18+$0x0], $0xffff  }
0x5e: {  	v36 =	vor.u32 $0x3, v23;
	v46 =	vld.idx.msk [tilespmem:v14+s18+$0x0], $0xffff;
	v22 =	vadd.f32 v50, v13;
	v6 =	vsub.f32 $1.500000000e+00, v6  }
0x5f: {  	v38 =	vor.u32 $0x4, v23;
	v23 =	vor.u32 $0x5, v23;
	v51 =	vor.u32 $0x2, v21;
	v53 =	vld.idx.msk [tilespmem:v49+s17+$0x0], $0xffff  }
0x60: {  	v19 =	vld.idx.msk [tilespmem:v49+s18+$0x0], $0xffff;
	v5 =	vmul.f32 v6, v5;
	v6 =	vsub.f32 v3, v44;
	v3 =	vshra.s32 v22, $0x1  }
0x61: {  	v26 =	vsub.s32 $0x5F3759DF, v3  }
0x62: {  	s31 =	sor.u32 $0x30, s10;
	v52 =	vld.idx.msk [tilespmem:v21+s17+$0x0], $0xffff;
	v5 =	vmul.f32 v5, v4;
	v29 =	vmul.f32 v26, v22  }
0x63: {  	v24 =	vsub.f32 v45, v24;
	v25 =	vsub.f32 v46, v25;
	v27 =	vld.idx.msk [tilespmem:v21+s18+$0x0], $0xffff;
	v3 =	vor.u32 s31, v0  }
0x64: {  	v30 =	vld.idx.msk [tilespmem:v51+s17+$0x0], $0xffff;
	v14 =	vshll.u32 v3, $0x3;
	v5 =	vadd.f32 $9.999999930e-09, v5;
	v29 =	vmul.f32 v26, v29  }
0x65: {  	v54 =	vmul.f32 v24, v24;
	v28 =	vmul.f32 v25, v25;
	v10 =	vsub.f32 v19, v53;
	v53 =	vld.idx.msk [tilespmem:v23+s17+$0x0], $0xffff  }
0x66: {  	(erf) = vrcp.f32 v5;
	v5 =	vld.idx.msk [tilespmem:v51+s18+$0x0], $0xffff;
	v29 =	vmul.f32 $5.000000000e-01, v29  }
0x67: {  	v13 =	vadd.f32 v28, v54;
	v23 =	vld.idx.msk [tilespmem:v23+s18+$0x0], $0xffff;
	v55 =	vmul.f32 v6, v6;
	v31 =	vor.u32 $0x1, v14  }
0x68: {  	v57 =	vsub.f32 $1.500000000e+00, v29  }
0x69: {  	v32 =	vor.u32 $0x2, v14;
	v28 =	vadd.f32 v55, v13;
	v13 =	vsub.f32 v27, v52;
	v56 =	vld.idx.msk [tilespmem:v14+s17+$0x0], $0xffff  }
0x6a: {  	v20 =	vshll.u32 v20, $0x4;
	v7 =	vshll.u32 v7, $0x4;
	v61 =	vld.idx.msk [tilespmem:v14+s18+$0x0], $0xffff;
	v26 =	vmul.f32 v26, v57  }
0x6b: {  	v60 =	vmul.f32 v10, v10;
	v59 =	vmul.f32 v13, v13;
	v11 =	vsub.f32 v5, v30  }
0x6c: {  	v54 =	vor.u32 $0x1, v20;
	v23 =	vsub.f32 v23, v53;
	v58 =	vld.idx.msk [tilespmem:v31+s17+$0x0], $0xffff;
	v41 =	vmul.f32 v26, v22  }
0x6d: {  	v3 =	vshll.u32 v3, $0x4;
	v62 =	vld.idx.msk [tilespmem:v31+s18+$0x0], $0xffff;
	v5 =	vadd.f32 v60, v59;
	v63 =	vmul.f32 v11, v11  }
0x6e: {  	s15 =	sor.u32 s20, s10;
	v4 =	vadd.f32 v28, v4;
	v40 =	vld.idx.msk [tilespmem:v32+s17+$0x0], $0xffff;
	v57 =	vor.u32 $0x2, v20;
	v42 =	vmul.f32 v41, v26  }
0x6f: {  	p1 =	slt.u32 s15, $0x30D400;
	v32 =	vld.idx.msk [tilespmem:v32+s18+$0x0], $0xffff;
	v33 =	vpop (erf);
	v19 =	vadd.f32 v63, v5;
	v5 =	vsub.f32 v61, v56;
	v61 =	vmul.f32 v23, v23  }
0x70: {  	v49 =	vld.idx.msk [tilespmem:v36+s17+$0x0], $0xffff;
	v63 =	vor.u32 $0x3, v21;
	v33 =	vpsel !p1, $0x0, v33;
	v44 =	vmul.f32 $5.000000000e-01, v42  }
0x71: {  	v36 =	vld.idx.msk [tilespmem:v36+s18+$0x0], $0xffff;
	v34 =	vmul.f32 v33, v4;
	v24 =	vmul.f32 v33, v24;
	v43 =	vshra.s32 v19, $0x1  }
0x72: {  	v25 =	vmul.f32 v33, v25;
	v4 =	vsub.f32 v62, v58;
	v45 =	vsub.s32 $0x5F3759DF, v43  }
0x73: {  	v42 =	vor.u32 $0x3, v20;
	v35 =	vmul.f32 v33, v6;
	v39 =	vmul.f32 v45, v19  }
0x74: {  	v6 =	vsub.f32 v32, v40;
	v46 =	vmul.f32 v5, v5;
	v47 =	vmul.f32 v4, v4  }
0x75: {  	v1 =	vadd.f32 v33, v1;
	v27 =	vsub.f32 $1.500000000e+00, v44;
	v51 =	vmul.f32 v45, v39  }
0x76: {  	v40 =	vld.idx.msk [tilespmem:v38+s17+$0x0], $0xffff;
	v32 =	vsub.f32 v36, v49;
	v50 =	vmul.f32 v6, v6;
	v29 =	vadd.f32 v47, v46  }
0x77: {  	v38 =	vld.idx.msk [tilespmem:v38+s18+$0x0], $0xffff;
	v62 =	vor.u32 $0x5, v20;
	v26 =	vmul.f32 v27, v26;
	v27 =	vmul.f32 $5.000000000e-01, v51  }
0x78: {  	v43 =	vor.u32 $0x4, v20;
	v34 =	vadd.f32 v34, v2;
	v2 =	vadd.f32 v50, v29  }
0x79: {  	v37 =	vmul.f32 v24, v18;
	v48 =	vmul.f32 v24, v17;
	v27 =	vsub.f32 $1.500000000e+00, v27  }
0x7a: {  	v24 =	vmul.f32 v24, v15;
	v52 =	vmul.f32 v25, v18;
	v30 =	vshra.s32 v2, $0x1  }
0x7b: {  	v26 =	vmul.f32 v26, v22;
	v30 =	vsub.s32 $0x5F3759DF, v30;
	v56 =	vmul.f32 v45, v27  }
0x7c: {  	v41 =	vmul.f32 v25, v17;
	v38 =	vsub.f32 v38, v40;
	v55 =	vmul.f32 v30, v2  }
0x7d: {  	v58 =	vmul.f32 v32, v32;
	v26 =	vadd.f32 $9.999999930e-09, v26;
	v60 =	vmul.f32 v56, v19  }
0x7e: {  	v33 =	vor.u32 $0x4, v7;
	[tilespmem:v20+s23+$0x0] =	vst.idx.msk $0xffff, v37;
	v59 =	vmul.f32 v38, v38;
	v36 =	vmul.f32 v30, v55  }
0x7f: {  	v44 =	vor.u32 $0x6, v20;
	[tilespmem:v54+s23+$0x0] =	vst.idx.msk $0xffff, v48;
	(erf) = vrcp.f32 v26;
	v40 =	vmul.f32 v60, v56  }
0x80: {  	v25 =	vmul.f32 v25, v15;
	v48 =	vor.u32 $0x7, v20;
	[tilespmem:v57+s23+$0x0] =	vst.idx.msk $0xffff, v24;
	v36 =	vmul.f32 $5.000000000e-01, v36  }
0x81: {  	v18 =	vmul.f32 v35, v18;
	[tilespmem:v42+s23+$0x0] =	vst.idx.msk $0xffff, v52;
	v28 =	vadd.f32 v59, v58;
	v40 =	vmul.f32 $5.000000000e-01, v40  }
0x82: {  	[tilespmem:v43+s23+$0x0] =	vst.idx.msk $0xffff, v41;
	v45 =	vor.u32 $0x4, v21;
	v21 =	vor.u32 $0x5, v21;
	v36 =	vsub.f32 $1.500000000e+00, v36  }
0x83: {  	v17 =	vmul.f32 v35, v17;
	v47 =	vmul.f32 v35, v15;
	[tilespmem:v62+s23+$0x0] =	vst.idx.msk $0xffff, v25;
	v46 =	vsub.f32 $1.500000000e+00, v40  }
0x84: {  	v52 =	vor.u32 $0x8, v20;
	[tilespmem:v44+s23+$0x0] =	vst.idx.msk $0xffff, v18;
	v28 =	vadd.f32 v61, v28;
	v24 =	vmul.f32 v30, v36  }
0x85: {  	v54 =	vld.idx.msk [tilespmem:v63+s17+$0x0], $0xffff;
	[tilespmem:v48+s23+$0x0] =	vst.idx.msk $0xffff, v17;
	v48 =	vor.u32 $0x3, v14;
	v55 =	vshll.u32 v16, $0x4;
	v50 =	vmul.f32 v46, v56  }
0x86: {  	v29 =	vld.idx.msk [tilespmem:v63+s18+$0x0], $0xffff;
	v22 =	vadd.f32 v28, v22;
	v58 =	vor.u32 $0x1, v55;
	v51 =	vmul.f32 v24, v2  }
0x87: {  	s6 =	sor.u32 s20, s6;
	v63 =	vor.u32 $0x2, v55;
	v37 =	vor.u32 $0x3, v55;
	v59 =	vld.idx.msk [tilespmem:v21+s17+$0x0], $0xffff;
	v25 =	vmul.f32 v50, v19  }
0x88: {  	p4 =	slt.u32 s6, $0x30D400;
	v39 =	vor.u32 $0x4, v55;
	v41 =	vor.u32 $0x5, v55;
	v21 =	vld.idx.msk [tilespmem:v21+s18+$0x0], $0xffff;
	v49 =	vpop (erf);
	v26 =	vmul.f32 v51, v24  }
0x89: {  	v15 =	vpsel !p4, $0x0, v49;
	v49 =	vor.u32 $0x4, v14;
	v25 =	vadd.f32 $9.999999930e-09, v25  }
0x8a: {  	v14 =	vor.u32 $0x5, v14;
	v53 =	vmul.f32 v15, v22;
	v26 =	vmul.f32 $5.000000000e-01, v26  }
0x8b: {  	[tilespmem:v52+s23+$0x0] =	vst.idx.msk $0xffff, v47;
	v43 =	vor.u32 $0x6, v55;
	v27 =	vld.idx.msk [tilespmem:v45+s18+$0x0], $0xffff;
	v57 =	vmul.f32 v15, v32;
	(erf) = vrcp.f32 v25  }
0x8c: {  	v56 =	vld.idx.msk [tilespmem:v45+s17+$0x0], $0xffff;
	v60 =	vmul.f32 v15, v38;
	v23 =	vmul.f32 v15, v23;
	v38 =	vsub.f32 $1.500000000e+00, v26  }
0x8d: {  	v22 =	vsub.f32 v29, v54;
	v21 =	vsub.f32 v21, v59;
	v61 =	vmul.f32 v57, v12  }
0x8e: {  	v16 =	vadd.f32 v53, v34;
	v62 =	vmul.f32 v57, v8;
	v24 =	vmul.f32 v38, v24  }
0x8f: {  	v20 =	vmul.f32 v57, v9;
	v40 =	vmul.f32 v60, v12;
	[tilespmem:v55+s23+$0x0] =	vst.idx.msk $0xffff, v61;
	v34 =	vld.idx.msk [tilespmem:v14+s17+$0x0], $0xffff  }
0x90: {  	v42 =	vmul.f32 v60, v8;
	v14 =	vld.idx.msk [tilespmem:v14+s18+$0x0], $0xffff;
	[tilespmem:v58+s23+$0x0] =	vst.idx.msk $0xffff, v62;
	v24 =	vmul.f32 v24, v2  }
0x91: {  	v17 =	vmul.f32 v60, v9;
	v27 =	vsub.f32 v27, v56;
	v56 =	vld.idx.msk [tilespmem:v48+s17+$0x0], $0xffff;
	[tilespmem:v63+s23+$0x0] =	vst.idx.msk $0xffff, v20  }
0x92: {  	v44 =	vor.u32 $0x7, v55;
	v46 =	vmul.f32 v22, v22;
	v62 =	vld.idx.msk [tilespmem:v48+s18+$0x0], $0xffff;
	[tilespmem:v37+s23+$0x0] =	vst.idx.msk $0xffff, v40;
	v24 =	vadd.f32 $9.999999930e-09, v24  }
0x93: {  	s5 =	sor.u32 s20, s5;
	v45 =	vor.u32 $0x8, v55;
	v12 =	vmul.f32 v23, v12;
	v8 =	vmul.f32 v23, v8;
	[tilespmem:v39+s23+$0x0] =	vst.idx.msk $0xffff, v42  }
0x94: {  	p5 =	slt.u32 s5, $0x30D400;
	v1 =	vadd.f32 v15, v1;
	v47 =	vmul.f32 v27, v27;
	[tilespmem:v41+s23+$0x0] =	vst.idx.msk $0xffff, v17;
	v52 =	vpop (erf);
	(erf) = vrcp.f32 v24  }
0x95: {  	v51 =	vmul.f32 v21, v21;
	v9 =	vmul.f32 v23, v9;
	[tilespmem:v43+s23+$0x0] =	vst.idx.msk $0xffff, v12;
	v12 =	vpsel !p5, $0x0, v52  }
0x96: {  	v55 =	vor.u32 $0x1, v7;
	v50 =	vadd.f32 v47, v46;
	v54 =	vmul.f32 v12, v22  }
0x97: {  	v59 =	vld.idx.msk [tilespmem:v49+s17+$0x0], $0xffff;
	v58 =	vor.u32 $0x2, v7;
	v46 =	vsub.f32 v14, v34;
	v20 =	vsub.f32 v62, v56  }
0x98: {  	v61 =	vor.u32 $0x3, v7;
	[tilespmem:v44+s23+$0x0] =	vst.idx.msk $0xffff, v8;
	v53 =	vadd.f32 v51, v50;
	v60 =	vmul.f32 v54, v13  }
0x99: {  	v17 =	vld.idx.msk [tilespmem:v49+s18+$0x0], $0xffff;
	[tilespmem:v45+s23+$0x0] =	vst.idx.msk $0xffff, v9;
	v57 =	vmul.f32 v12, v27;
	v63 =	vmul.f32 v54, v10  }
0x9a: {  	v36 =	vor.u32 $0x5, v7;
	v56 =	vmul.f32 v46, v46;
	v9 =	vmul.f32 v54, v11;
	[tilespmem:v7+s23+$0x0] =	vst.idx.msk $0xffff, v60  }
0x9b: {  	v38 =	vor.u32 $0x6, v7;
	v47 =	vmul.f32 v20, v20;
	v35 =	vmul.f32 v57, v13;
	[tilespmem:v55+s23+$0x0] =	vst.idx.msk $0xffff, v63  }
0x9c: {  	s31 =	sor.u32 s20, s31;
	v40 =	vor.u32 $0x7, v7;
	v21 =	vmul.f32 v12, v21;
	v37 =	vmul.f32 v57, v10;
	[tilespmem:v58+s23+$0x0] =	vst.idx.msk $0xffff, v9  }
0x9d: {  	p6 =	slt.u32 s31, $0x30D400;
	v8 =	vadd.f32 v53, v19;
	v39 =	vmul.f32 v57, v11;
	v7 =	vor.u32 $0x8, v7;
	[tilespmem:v61+s23+$0x0] =	vst.idx.msk $0xffff, v35;
	v41 =	vpop (erf)  }
0x9e: {  	v43 =	vsub.f32 v17, v59;
	v13 =	vmul.f32 v21, v13;
	[tilespmem:v33+s23+$0x0] =	vst.idx.msk $0xffff, v37;
	v42 =	vpsel !p6, $0x0, v41  }
0x9f: {  	v45 =	vor.u32 $0x1, v3;
	v10 =	vmul.f32 v21, v10;
	[tilespmem:v36+s23+$0x0] =	vst.idx.msk $0xffff, v39;
	v44 =	vmul.f32 v42, v20  }
0xa0: {  	v48 =	vor.u32 $0x2, v3;
	v49 =	vmul.f32 v43, v43;
	v11 =	vmul.f32 v21, v11;
	[tilespmem:v38+s23+$0x0] =	vst.idx.msk $0xffff, v13  }
0xa1: {  	v51 =	vor.u32 $0x3, v3;
	v8 =	vmul.f32 v12, v8;
	[tilespmem:v40+s23+$0x0] =	vst.idx.msk $0xffff, v10;
	v50 =	vmul.f32 v44, v5  }
0xa2: {  	v54 =	vor.u32 $0x4, v3;
	v52 =	vmul.f32 v42, v43;
	v53 =	vmul.f32 v44, v4;
	[tilespmem:v7+s23+$0x0] =	vst.idx.msk $0xffff, v11  }
0xa3: {  	v58 =	vor.u32 $0x5, v3;
	v10 =	vadd.f32 v49, v47;
	v55 =	vmul.f32 v44, v6;
	[tilespmem:v3+s23+$0x0] =	vst.idx.msk $0xffff, v50  }
0xa4: {  	v60 =	vor.u32 $0x6, v3;
	v62 =	vmul.f32 v42, v46;
	v57 =	vmul.f32 v52, v5;
	[tilespmem:v45+s23+$0x0] =	vst.idx.msk $0xffff, v53  }
0xa5: {  	v63 =	vor.u32 $0x7, v3;
	v59 =	vmul.f32 v52, v4;
	v61 =	vadd.f32 v56, v10;
	[tilespmem:v48+s23+$0x0] =	vst.idx.msk $0xffff, v55  }
0xa6: {  	p1 =	por p0, p0;
	v1 =	vadd.f32 v12, v1;
	v7 =	vmul.f32 v52, v6;
	v3 =	vor.u32 $0x8, v3;
	[tilespmem:v51+s23+$0x0] =	vst.idx.msk $0xffff, v57  }
.Ltmp1:
0xa7: {  	v5 =	vmul.f32 v62, v5;
	v2 =	vadd.f32 v61, v2;
	[tilespmem:v54+s23+$0x0] =	vst.idx.msk $0xffff, v59;
	(pc) =	sbr.rel @p1 .LBB2_5-.Ltmp1, $4  }
0xa8: {  	v8 =	vadd.f32 v8, v16;
	v4 =	vmul.f32 v62, v4;
	[tilespmem:v58+s23+$0x0] =	vst.idx.msk $0xffff, v7  }
0xa9: {  	v6 =	vmul.f32 v62, v6;
	v2 =	vmul.f32 v42, v2;
	[tilespmem:v60+s23+$0x0] =	vst.idx.msk $0xffff, v5  }
0xaa: {  	[tilespmem:v63+s23+$0x0] =	vst.idx.msk $0xffff, v4  }
0xab: {  	s10 =	simm.s32 $0x40;
	p0 =	por $0x0, $0x0;
	v1 =	vadd.f32 v42, v1;
	v2 =	vadd.f32 v2, v8;
	[tilespmem:v3+s23+$0x0] =	vst.idx.msk $0xffff, v6  }
0xac: {  	[tilespmem:s17], [sflag:$0x1] =	stream.indirect.gather [hbm4b:s4+s16], $0x8, s24, s16, $0xb8;
	[tilespmem:$0x1B020] =	vst v63  }
0xad: {  	s5 =	simm.s32 $0x500  }
0xae: {  	[tilespmem:s18], [sflag:$0x1] =	stream.indirect.gather [hbm4b:s4+s16], $0x8, s5, s16, $0xb8;
	[tilespmem:$0x1B020] =	vst v63  }
0xaf: {  	s15 =	simm.s32 $0x0  }
0xb0: {  	[spmem:s2] =	stream.indirect.scatter.add.f32 [tilespmem:s23], [sflag:$0x3], $0x10, s15, s16, $0xb8;
	[tilespmem:$0x1B020] =	vst v63  }
0xb1: {  	_ =	swait.ge [sflag:s28], $0x400  }
0xb2: {  	[sflag:s28] =	ssyncset.done $0x0  }
0xb3: {  	[sflag:s28] =	ssyncadd.s32 $0xFFFFFC00  }
0xb4: {  	_ =	swait.ge [sflag:s28], $0x400  }
0xb5: {  	[sflag:s28] =	ssyncset.done $0x0  }
0xb6: {  	s31 =	sor.u32 $0x80, s20;
	p0 =	por $0x1, $0x1;
	[sflag:s28] =	ssyncadd.s32 $0xFFFFFC00  }
.LBB2_7:
0xb7: {  	v20 =	vor.u32 s15, v0  }
0xb8: {  	v3 =	vshll.u32 v20, $0x3;
	_ =	sdelay $0x1  }
0xb9: {  	v4 =	vor.u32 $0x1, v3;
	_ =	sdelay $0x1  }
0xba: {  	v5 =	vor.u32 $0x2, v3  }
0xbb: {  	v6 =	vld.idx.msk [tilespmem:v3+s19+$0x0], $0xffff  }
0xbc: {  	v8 =	vld.idx.msk [tilespmem:v3+s21+$0x0], $0xffff  }
0xbd: {  	v7 =	vld.idx.msk [tilespmem:v4+s19+$0x0], $0xffff  }
0xbe: {  	v4 =	vld.idx.msk [tilespmem:v4+s21+$0x0], $0xffff  }
0xbf: {  	v9 =	vld.idx.msk [tilespmem:v5+s19+$0x0], $0xffff  }
0xc0: {  	v5 =	vld.idx.msk [tilespmem:v5+s21+$0x0], $0xffff;
	_ =	sdelay $0x2  }
0xc1: {  	v18 =	vsub.f32 v8, v6;
	v17 =	vsub.f32 v4, v7;
	_ =	sdelay $0x1  }
0xc2: {  	v15 =	vsub.f32 v5, v9;
	v37 =	vmul.f32 v18, v18;
	v38 =	vmul.f32 v17, v17;
	_ =	sdelay $0x1  }
0xc3: {  	s10 =	sor.u32 $0x10, s15;
	v39 =	vmul.f32 v15, v15;
	v4 =	vadd.f32 v38, v37  }
0xc4: {  	v16 =	vor.u32 s10, v0  }
0xc5: {  	v23 =	vshll.u32 v16, $0x3;
	v4 =	vadd.f32 v39, v4;
	_ =	sdelay $0x1  }
0xc6: {  	v41 =	vor.u32 $0x1, v23;
	v5 =	vshra.s32 v4, $0x1  }
0xc7: {  	v42 =	vor.u32 $0x2, v23;
	v5 =	vsub.s32 $0x5F3759DF, v5  }
0xc8: {  	v40 =	vmul.f32 v5, v4  }
0xc9: {  	v43 =	vld.idx.msk [tilespmem:v23+s19+$0x0], $0xffff  }
0xca: {  	v12 =	vld.idx.msk [tilespmem:v23+s21+$0x0], $0xffff;
	v6 =	vmul.f32 v5, v40  }
0xcb: {  	v10 =	vld.idx.msk [tilespmem:v41+s19+$0x0], $0xffff  }
0xcc: {  	v13 =	vld.idx.msk [tilespmem:v42+s19+$0x0], $0xffff;
	v6 =	vmul.f32 $5.000000000e-01, v6  }
0xcd: {  	v7 =	vld.idx.msk [tilespmem:v41+s21+$0x0], $0xffff  }
0xce: {  	v11 =	vor.u32 $0x3, v3;
	v19 =	vld.idx.msk [tilespmem:v42+s21+$0x0], $0xffff;
	v6 =	vsub.f32 $1.500000000e+00, v6  }
0xcf: {  	v14 =	vor.u32 $0x4, v3;
	v3 =	vor.u32 $0x5, v3  }
0xd0: {  	v5 =	vmul.f32 v5, v6  }
0xd1: {  	s6 =	sor.u32 $0x20, s15;
	v12 =	vsub.f32 v12, v43  }
0xd2: {  	v8 =	vsub.f32 v7, v10;
	v7 =	vor.u32 s6, v0;
	v6 =	vmul.f32 v5, v4  }
0xd3: {  	v24 =	vld.idx.msk [tilespmem:v11+s19+$0x0], $0xffff;
	v9 =	vsub.f32 v19, v13;
	v47 =	vmul.f32 v12, v12;
	v21 =	vshll.u32 v7, $0x3  }
0xd4: {  	v44 =	vld.idx.msk [tilespmem:v3+s19+$0x0], $0xffff;
	v48 =	vmul.f32 v8, v8;
	v49 =	vor.u32 $0x1, v21;
	v6 =	vmul.f32 v6, v5  }
0xd5: {  	v3 =	vld.idx.msk [tilespmem:v3+s21+$0x0], $0xffff  }
0xd6: {  	v25 =	vld.idx.msk [tilespmem:v14+s19+$0x0], $0xffff;
	v50 =	vmul.f32 v9, v9;
	v13 =	vadd.f32 v48, v47;
	v6 =	vmul.f32 $5.000000000e-01, v6  }
0xd7: {  	v45 =	vld.idx.msk [tilespmem:v11+s21+$0x0], $0xffff  }
0xd8: {  	v36 =	vor.u32 $0x3, v23;
	v46 =	vld.idx.msk [tilespmem:v14+s21+$0x0], $0xffff;
	v22 =	vadd.f32 v50, v13;
	v6 =	vsub.f32 $1.500000000e+00, v6  }
0xd9: {  	v38 =	vor.u32 $0x4, v23;
	v23 =	vor.u32 $0x5, v23;
	v51 =	vor.u32 $0x2, v21;
	v53 =	vld.idx.msk [tilespmem:v49+s19+$0x0], $0xffff  }
0xda: {  	v19 =	vld.idx.msk [tilespmem:v49+s21+$0x0], $0xffff;
	v5 =	vmul.f32 v6, v5;
	v6 =	vsub.f32 v3, v44;
	v3 =	vshra.s32 v22, $0x1  }
0xdb: {  	v26 =	vsub.s32 $0x5F3759DF, v3  }
0xdc: {  	s5 =	sor.u32 $0x30, s15;
	v52 =	vld.idx.msk [tilespmem:v21+s19+$0x0], $0xffff;
	v5 =	vmul.f32 v5, v4;
	v29 =	vmul.f32 v26, v22  }
0xdd: {  	v24 =	vsub.f32 v45, v24;
	v25 =	vsub.f32 v46, v25;
	v27 =	vld.idx.msk [tilespmem:v21+s21+$0x0], $0xffff;
	v3 =	vor.u32 s5, v0  }
0xde: {  	v30 =	vld.idx.msk [tilespmem:v51+s19+$0x0], $0xffff;
	v14 =	vshll.u32 v3, $0x3;
	v5 =	vadd.f32 $9.999999930e-09, v5;
	v29 =	vmul.f32 v26, v29  }
0xdf: {  	v54 =	vmul.f32 v24, v24;
	v28 =	vmul.f32 v25, v25;
	v10 =	vsub.f32 v19, v53;
	v53 =	vld.idx.msk [tilespmem:v23+s19+$0x0], $0xffff  }
0xe0: {  	(erf) = vrcp.f32 v5;
	v5 =	vld.idx.msk [tilespmem:v51+s21+$0x0], $0xffff;
	v29 =	vmul.f32 $5.000000000e-01, v29  }
0xe1: {  	v13 =	vadd.f32 v28, v54;
	v23 =	vld.idx.msk [tilespmem:v23+s21+$0x0], $0xffff;
	v55 =	vmul.f32 v6, v6;
	v31 =	vor.u32 $0x1, v14  }
0xe2: {  	v57 =	vsub.f32 $1.500000000e+00, v29  }
0xe3: {  	v32 =	vor.u32 $0x2, v14;
	v28 =	vadd.f32 v55, v13;
	v13 =	vsub.f32 v27, v52;
	v56 =	vld.idx.msk [tilespmem:v14+s19+$0x0], $0xffff  }
0xe4: {  	v20 =	vshll.u32 v20, $0x4;
	v7 =	vshll.u32 v7, $0x4;
	v61 =	vld.idx.msk [tilespmem:v14+s21+$0x0], $0xffff;
	v26 =	vmul.f32 v26, v57  }
0xe5: {  	v60 =	vmul.f32 v10, v10;
	v59 =	vmul.f32 v13, v13;
	v11 =	vsub.f32 v5, v30  }
0xe6: {  	v54 =	vor.u32 $0x1, v20;
	v23 =	vsub.f32 v23, v53;
	v58 =	vld.idx.msk [tilespmem:v31+s19+$0x0], $0xffff;
	v41 =	vmul.f32 v26, v22  }
0xe7: {  	v3 =	vshll.u32 v3, $0x4;
	v62 =	vld.idx.msk [tilespmem:v31+s21+$0x0], $0xffff;
	v5 =	vadd.f32 v60, v59;
	v63 =	vmul.f32 v11, v11  }
0xe8: {  	s15 =	sor.u32 s31, s15;
	v4 =	vadd.f32 v28, v4;
	v40 =	vld.idx.msk [tilespmem:v32+s19+$0x0], $0xffff;
	v57 =	vor.u32 $0x2, v20;
	v42 =	vmul.f32 v41, v26  }
0xe9: {  	p1 =	slt.u32 s15, $0x30D400;
	v32 =	vld.idx.msk [tilespmem:v32+s21+$0x0], $0xffff;
	v33 =	vpop (erf);
	v19 =	vadd.f32 v63, v5;
	v5 =	vsub.f32 v61, v56;
	v61 =	vmul.f32 v23, v23  }
0xea: {  	v49 =	vld.idx.msk [tilespmem:v36+s19+$0x0], $0xffff;
	v63 =	vor.u32 $0x3, v21;
	v33 =	vpsel !p1, $0x0, v33;
	v44 =	vmul.f32 $5.000000000e-01, v42  }
0xeb: {  	v36 =	vld.idx.msk [tilespmem:v36+s21+$0x0], $0xffff;
	v34 =	vmul.f32 v33, v4;
	v24 =	vmul.f32 v33, v24;
	v43 =	vshra.s32 v19, $0x1  }
0xec: {  	v25 =	vmul.f32 v33, v25;
	v4 =	vsub.f32 v62, v58;
	v45 =	vsub.s32 $0x5F3759DF, v43  }
0xed: {  	v42 =	vor.u32 $0x3, v20;
	v35 =	vmul.f32 v33, v6;
	v39 =	vmul.f32 v45, v19  }
0xee: {  	v6 =	vsub.f32 v32, v40;
	v46 =	vmul.f32 v5, v5;
	v47 =	vmul.f32 v4, v4  }
0xef: {  	v1 =	vadd.f32 v33, v1;
	v27 =	vsub.f32 $1.500000000e+00, v44;
	v51 =	vmul.f32 v45, v39  }
0xf0: {  	v40 =	vld.idx.msk [tilespmem:v38+s19+$0x0], $0xffff;
	v32 =	vsub.f32 v36, v49;
	v50 =	vmul.f32 v6, v6;
	v29 =	vadd.f32 v47, v46  }
0xf1: {  	v38 =	vld.idx.msk [tilespmem:v38+s21+$0x0], $0xffff;
	v62 =	vor.u32 $0x5, v20;
	v26 =	vmul.f32 v27, v26;
	v27 =	vmul.f32 $5.000000000e-01, v51  }
0xf2: {  	v43 =	vor.u32 $0x4, v20;
	v34 =	vadd.f32 v34, v2;
	v2 =	vadd.f32 v50, v29  }
0xf3: {  	v37 =	vmul.f32 v24, v18;
	v48 =	vmul.f32 v24, v17;
	v27 =	vsub.f32 $1.500000000e+00, v27  }
0xf4: {  	v24 =	vmul.f32 v24, v15;
	v52 =	vmul.f32 v25, v18;
	v30 =	vshra.s32 v2, $0x1  }
0xf5: {  	v26 =	vmul.f32 v26, v22;
	v30 =	vsub.s32 $0x5F3759DF, v30;
	v56 =	vmul.f32 v45, v27  }
0xf6: {  	v41 =	vmul.f32 v25, v17;
	v38 =	vsub.f32 v38, v40;
	v55 =	vmul.f32 v30, v2  }
0xf7: {  	v58 =	vmul.f32 v32, v32;
	v26 =	vadd.f32 $9.999999930e-09, v26;
	v60 =	vmul.f32 v56, v19  }
0xf8: {  	v33 =	vor.u32 $0x4, v7;
	[tilespmem:v20+s29+$0x0] =	vst.idx.msk $0xffff, v37;
	v59 =	vmul.f32 v38, v38;
	v36 =	vmul.f32 v30, v55  }
0xf9: {  	v44 =	vor.u32 $0x6, v20;
	[tilespmem:v54+s29+$0x0] =	vst.idx.msk $0xffff, v48;
	(erf) = vrcp.f32 v26;
	v40 =	vmul.f32 v60, v56  }
0xfa: {  	v25 =	vmul.f32 v25, v15;
	v48 =	vor.u32 $0x7, v20;
	[tilespmem:v57+s29+$0x0] =	vst.idx.msk $0xffff, v24;
	v36 =	vmul.f32 $5.000000000e-01, v36  }
0xfb: {  	v18 =	vmul.f32 v35, v18;
	[tilespmem:v42+s29+$0x0] =	vst.idx.msk $0xffff, v52;
	v28 =	vadd.f32 v59, v58;
	v40 =	vmul.f32 $5.000000000e-01, v40  }
0xfc: {  	[tilespmem:v43+s29+$0x0] =	vst.idx.msk $0xffff, v41;
	v45 =	vor.u32 $0x4, v21;
	v21 =	vor.u32 $0x5, v21;
	v36 =	vsub.f32 $1.500000000e+00, v36  }
0xfd: {  	v17 =	vmul.f32 v35, v17;
	v47 =	vmul.f32 v35, v15;
	[tilespmem:v62+s29+$0x0] =	vst.idx.msk $0xffff, v25;
	v46 =	vsub.f32 $1.500000000e+00, v40  }
0xfe: {  	v52 =	vor.u32 $0x8, v20;
	[tilespmem:v44+s29+$0x0] =	vst.idx.msk $0xffff, v18;
	v28 =	vadd.f32 v61, v28;
	v24 =	vmul.f32 v30, v36  }
0xff: {  	v54 =	vld.idx.msk [tilespmem:v63+s19+$0x0], $0xffff;
	[tilespmem:v48+s29+$0x0] =	vst.idx.msk $0xffff, v17;
	v48 =	vor.u32 $0x3, v14;
	v55 =	vshll.u32 v16, $0x4;
	v50 =	vmul.f32 v46, v56  }
0x100: {  	v29 =	vld.idx.msk [tilespmem:v63+s21+$0x0], $0xffff;
	v22 =	vadd.f32 v28, v22;
	v58 =	vor.u32 $0x1, v55;
	v51 =	vmul.f32 v24, v2  }
0x101: {  	s10 =	sor.u32 s31, s10;
	v63 =	vor.u32 $0x2, v55;
	v37 =	vor.u32 $0x3, v55;
	v59 =	vld.idx.msk [tilespmem:v21+s19+$0x0], $0xffff;
	v25 =	vmul.f32 v50, v19  }
0x102: {  	p4 =	slt.u32 s10, $0x30D400;
	v39 =	vor.u32 $0x4, v55;
	v41 =	vor.u32 $0x5, v55;
	v21 =	vld.idx.msk [tilespmem:v21+s21+$0x0], $0xffff;
	v49 =	vpop (erf);
	v26 =	vmul.f32 v51, v24  }
0x103: {  	v15 =	vpsel !p4, $0x0, v49;
	v49 =	vor.u32 $0x4, v14;
	v25 =	vadd.f32 $9.999999930e-09, v25  }
0x104: {  	v14 =	vor.u32 $0x5, v14;
	v53 =	vmul.f32 v15, v22;
	v26 =	vmul.f32 $5.000000000e-01, v26  }
0x105: {  	[tilespmem:v52+s29+$0x0] =	vst.idx.msk $0xffff, v47;
	v43 =	vor.u32 $0x6, v55;
	v27 =	vld.idx.msk [tilespmem:v45+s21+$0x0], $0xffff;
	v57 =	vmul.f32 v15, v32;
	(erf) = vrcp.f32 v25  }
0x106: {  	v56 =	vld.idx.msk [tilespmem:v45+s19+$0x0], $0xffff;
	v60 =	vmul.f32 v15, v38;
	v23 =	vmul.f32 v15, v23;
	v38 =	vsub.f32 $1.500000000e+00, v26  }
0x107: {  	v22 =	vsub.f32 v29, v54;
	v21 =	vsub.f32 v21, v59;
	v61 =	vmul.f32 v57, v12  }
0x108: {  	v16 =	vadd.f32 v53, v34;
	v62 =	vmul.f32 v57, v8;
	v24 =	vmul.f32 v38, v24  }
0x109: {  	v20 =	vmul.f32 v57, v9;
	v40 =	vmul.f32 v60, v12;
	[tilespmem:v55+s29+$0x0] =	vst.idx.msk $0xffff, v61;
	v34 =	vld.idx.msk [tilespmem:v14+s19+$0x0], $0xffff  }
0x10a: {  	v42 =	vmul.f32 v60, v8;
	v14 =	vld.idx.msk [tilespmem:v14+s21+$0x0], $0xffff;
	[tilespmem:v58+s29+$0x0] =	vst.idx.msk $0xffff, v62;
	v24 =	vmul.f32 v24, v2  }
0x10b: {  	v17 =	vmul.f32 v60, v9;
	v27 =	vsub.f32 v27, v56;
	v56 =	vld.idx.msk [tilespmem:v48+s19+$0x0], $0xffff;
	[tilespmem:v63+s29+$0x0] =	vst.idx.msk $0xffff, v20  }
0x10c: {  	v44 =	vor.u32 $0x7, v55;
	v46 =	vmul.f32 v22, v22;
	v62 =	vld.idx.msk [tilespmem:v48+s21+$0x0], $0xffff;
	[tilespmem:v37+s29+$0x0] =	vst.idx.msk $0xffff, v40;
	v24 =	vadd.f32 $9.999999930e-09, v24  }
0x10d: {  	s6 =	sor.u32 s31, s6;
	v45 =	vor.u32 $0x8, v55;
	v12 =	vmul.f32 v23, v12;
	v8 =	vmul.f32 v23, v8;
	[tilespmem:v39+s29+$0x0] =	vst.idx.msk $0xffff, v42  }
0x10e: {  	p5 =	slt.u32 s6, $0x30D400;
	v1 =	vadd.f32 v15, v1;
	v47 =	vmul.f32 v27, v27;
	[tilespmem:v41+s29+$0x0] =	vst.idx.msk $0xffff, v17;
	v52 =	vpop (erf);
	(erf) = vrcp.f32 v24  }
0x10f: {  	v51 =	vmul.f32 v21, v21;
	v9 =	vmul.f32 v23, v9;
	[tilespmem:v43+s29+$0x0] =	vst.idx.msk $0xffff, v12;
	v12 =	vpsel !p5, $0x0, v52  }
0x110: {  	v55 =	vor.u32 $0x1, v7;
	v50 =	vadd.f32 v47, v46;
	v54 =	vmul.f32 v12, v22  }
0x111: {  	v59 =	vld.idx.msk [tilespmem:v49+s19+$0x0], $0xffff;
	v58 =	vor.u32 $0x2, v7;
	v46 =	vsub.f32 v14, v34;
	v20 =	vsub.f32 v62, v56  }
0x112: {  	v61 =	vor.u32 $0x3, v7;
	[tilespmem:v44+s29+$0x0] =	vst.idx.msk $0xffff, v8;
	v53 =	vadd.f32 v51, v50;
	v60 =	vmul.f32 v54, v13  }
0x113: {  	v17 =	vld.idx.msk [tilespmem:v49+s21+$0x0], $0xffff;
	[tilespmem:v45+s29+$0x0] =	vst.idx.msk $0xffff, v9;
	v57 =	vmul.f32 v12, v27;
	v63 =	vmul.f32 v54, v10  }
0x114: {  	v36 =	vor.u32 $0x5, v7;
	v56 =	vmul.f32 v46, v46;
	v9 =	vmul.f32 v54, v11;
	[tilespmem:v7+s29+$0x0] =	vst.idx.msk $0xffff, v60  }
0x115: {  	v38 =	vor.u32 $0x6, v7;
	v47 =	vmul.f32 v20, v20;
	v35 =	vmul.f32 v57, v13;
	[tilespmem:v55+s29+$0x0] =	vst.idx.msk $0xffff, v63  }
0x116: {  	s5 =	sor.u32 s31, s5;
	v40 =	vor.u32 $0x7, v7;
	v21 =	vmul.f32 v12, v21;
	v37 =	vmul.f32 v57, v10;
	[tilespmem:v58+s29+$0x0] =	vst.idx.msk $0xffff, v9  }
0x117: {  	p6 =	slt.u32 s5, $0x30D400;
	v8 =	vadd.f32 v53, v19;
	v39 =	vmul.f32 v57, v11;
	v7 =	vor.u32 $0x8, v7;
	[tilespmem:v61+s29+$0x0] =	vst.idx.msk $0xffff, v35;
	v41 =	vpop (erf)  }
0x118: {  	v43 =	vsub.f32 v17, v59;
	v13 =	vmul.f32 v21, v13;
	[tilespmem:v33+s29+$0x0] =	vst.idx.msk $0xffff, v37;
	v42 =	vpsel !p6, $0x0, v41  }
0x119: {  	v45 =	vor.u32 $0x1, v3;
	v10 =	vmul.f32 v21, v10;
	[tilespmem:v36+s29+$0x0] =	vst.idx.msk $0xffff, v39;
	v44 =	vmul.f32 v42, v20  }
0x11a: {  	v48 =	vor.u32 $0x2, v3;
	v49 =	vmul.f32 v43, v43;
	v11 =	vmul.f32 v21, v11;
	[tilespmem:v38+s29+$0x0] =	vst.idx.msk $0xffff, v13  }
0x11b: {  	v51 =	vor.u32 $0x3, v3;
	v8 =	vmul.f32 v12, v8;
	[tilespmem:v40+s29+$0x0] =	vst.idx.msk $0xffff, v10;
	v50 =	vmul.f32 v44, v5  }
0x11c: {  	v54 =	vor.u32 $0x4, v3;
	v52 =	vmul.f32 v42, v43;
	v53 =	vmul.f32 v44, v4;
	[tilespmem:v7+s29+$0x0] =	vst.idx.msk $0xffff, v11  }
0x11d: {  	v58 =	vor.u32 $0x5, v3;
	v10 =	vadd.f32 v49, v47;
	v55 =	vmul.f32 v44, v6;
	[tilespmem:v3+s29+$0x0] =	vst.idx.msk $0xffff, v50  }
0x11e: {  	v60 =	vor.u32 $0x6, v3;
	v62 =	vmul.f32 v42, v46;
	v57 =	vmul.f32 v52, v5;
	[tilespmem:v45+s29+$0x0] =	vst.idx.msk $0xffff, v53  }
0x11f: {  	v63 =	vor.u32 $0x7, v3;
	v59 =	vmul.f32 v52, v4;
	v61 =	vadd.f32 v56, v10;
	[tilespmem:v48+s29+$0x0] =	vst.idx.msk $0xffff, v55  }
0x120: {  	p1 =	por p0, p0;
	v1 =	vadd.f32 v12, v1;
	v7 =	vmul.f32 v52, v6;
	v3 =	vor.u32 $0x8, v3;
	[tilespmem:v51+s29+$0x0] =	vst.idx.msk $0xffff, v57  }
.Ltmp2:
0x121: {  	v5 =	vmul.f32 v62, v5;
	v2 =	vadd.f32 v61, v2;
	[tilespmem:v54+s29+$0x0] =	vst.idx.msk $0xffff, v59;
	(pc) =	sbr.rel @p1 .LBB2_7-.Ltmp2, $4  }
0x122: {  	v8 =	vadd.f32 v8, v16;
	v4 =	vmul.f32 v62, v4;
	[tilespmem:v58+s29+$0x0] =	vst.idx.msk $0xffff, v7  }
0x123: {  	v6 =	vmul.f32 v62, v6;
	v2 =	vmul.f32 v42, v2;
	[tilespmem:v60+s29+$0x0] =	vst.idx.msk $0xffff, v5  }
0x124: {  	[tilespmem:v63+s29+$0x0] =	vst.idx.msk $0xffff, v4  }
0x125: {  	s15 =	simm.s32 $0x40;
	p0 =	por $0x0, $0x0;
	v1 =	vadd.f32 v42, v1;
	v2 =	vadd.f32 v2, v8;
	[tilespmem:v3+s29+$0x0] =	vst.idx.msk $0xffff, v6  }
0x126: {  	[tilespmem:s19], [sflag:$0x2] =	stream.indirect.gather [hbm4b:s4+s16], $0x8, s30, s16, $0xb8;
	[tilespmem:$0x1B020] =	vst v63  }
0x127: {  	s5 =	simm.s32 $0x580  }
0x128: {  	[tilespmem:s21], [sflag:$0x2] =	stream.indirect.gather [hbm4b:s4+s16], $0x8, s5, s16, $0xb8;
	[tilespmem:$0x1B020] =	vst v63  }
0x129: {  	_ = 	snop  }
0x12a: {  	[spmem:s2] =	stream.indirect.scatter.add.f32 [tilespmem:s29], [sflag:$0x4], $0x10, s16, s16, $0xb8;
	[tilespmem:$0x1B020] =	vst v63  }
0x12b: {  	_ =	swait.ge [sflag:s22], $0x400  }
0x12c: {  	[sflag:s22] =	ssyncset.done $0x0  }
0x12d: {  	[sflag:s22] =	ssyncadd.s32 $0xFFFFFC00  }
0x12e: {  	_ =	swait.ge [sflag:s22], $0x400  }
0x12f: {  	[sflag:s22] =	ssyncset.done $0x0  }
0x130: {  	[sflag:s22] =	ssyncadd.s32 $0xFFFFFC00  }
0x131: {  	_ =	swait.ge [sflag:s0], $0x800  }
0x132: {  	s31 =	sor.u32 $0x100, s20;
	[sflag:s0] =	ssyncset.done $0x0  }
0x133: {  	s15 =	simm.s32 $0x0;
	p0 =	por $0x1, $0x1;
	[sflag:s0] =	ssyncadd.s32 $0xFFFFF800  }
.LBB2_9:
0x134: {  	v20 =	vor.u32 s15, v0  }
0x135: {  	v3 =	vshll.u32 v20, $0x3;
	_ =	sdelay $0x1  }
0x136: {  	v4 =	vor.u32 $0x1, v3;
	_ =	sdelay $0x1  }
0x137: {  	v5 =	vor.u32 $0x2, v3  }
0x138: {  	v6 =	vld.idx.msk [tilespmem:v3+s17+$0x0], $0xffff  }
0x139: {  	v8 =	vld.idx.msk [tilespmem:v3+s18+$0x0], $0xffff  }
0x13a: {  	v7 =	vld.idx.msk [tilespmem:v4+s17+$0x0], $0xffff  }
0x13b: {  	v4 =	vld.idx.msk [tilespmem:v4+s18+$0x0], $0xffff  }
0x13c: {  	v9 =	vld.idx.msk [tilespmem:v5+s17+$0x0], $0xffff  }
0x13d: {  	v5 =	vld.idx.msk [tilespmem:v5+s18+$0x0], $0xffff;
	_ =	sdelay $0x2  }
0x13e: {  	v18 =	vsub.f32 v8, v6;
	v17 =	vsub.f32 v4, v7;
	_ =	sdelay $0x1  }
0x13f: {  	v15 =	vsub.f32 v5, v9;
	v37 =	vmul.f32 v18, v18;
	v38 =	vmul.f32 v17, v17;
	_ =	sdelay $0x1  }
0x140: {  	s10 =	sor.u32 $0x10, s15;
	v39 =	vmul.f32 v15, v15;
	v4 =	vadd.f32 v38, v37  }
0x141: {  	v16 =	vor.u32 s10, v0  }
0x142: {  	v23 =	vshll.u32 v16, $0x3;
	v4 =	vadd.f32 v39, v4;
	_ =	sdelay $0x1  }
0x143: {  	v41 =	vor.u32 $0x1, v23;
	v5 =	vshra.s32 v4, $0x1  }
0x144: {  	v42 =	vor.u32 $0x2, v23;
	v5 =	vsub.s32 $0x5F3759DF, v5  }
0x145: {  	v40 =	vmul.f32 v5, v4  }
0x146: {  	v43 =	vld.idx.msk [tilespmem:v23+s17+$0x0], $0xffff  }
0x147: {  	v12 =	vld.idx.msk [tilespmem:v23+s18+$0x0], $0xffff;
	v6 =	vmul.f32 v5, v40  }
0x148: {  	v10 =	vld.idx.msk [tilespmem:v41+s17+$0x0], $0xffff  }
0x149: {  	v13 =	vld.idx.msk [tilespmem:v42+s17+$0x0], $0xffff;
	v6 =	vmul.f32 $5.000000000e-01, v6  }
0x14a: {  	v7 =	vld.idx.msk [tilespmem:v41+s18+$0x0], $0xffff  }
0x14b: {  	v11 =	vor.u32 $0x3, v3;
	v19 =	vld.idx.msk [tilespmem:v42+s18+$0x0], $0xffff;
	v6 =	vsub.f32 $1.500000000e+00, v6  }
0x14c: {  	v14 =	vor.u32 $0x4, v3;
	v3 =	vor.u32 $0x5, v3  }
0x14d: {  	v5 =	vmul.f32 v5, v6  }
0x14e: {  	s6 =	sor.u32 $0x20, s15;
	v12 =	vsub.f32 v12, v43  }
0x14f: {  	v8 =	vsub.f32 v7, v10;
	v7 =	vor.u32 s6, v0;
	v6 =	vmul.f32 v5, v4  }
0x150: {  	v24 =	vld.idx.msk [tilespmem:v11+s17+$0x0], $0xffff;
	v9 =	vsub.f32 v19, v13;
	v47 =	vmul.f32 v12, v12;
	v21 =	vshll.u32 v7, $0x3  }
0x151: {  	v44 =	vld.idx.msk [tilespmem:v3+s17+$0x0], $0xffff;
	v48 =	vmul.f32 v8, v8;
	v49 =	vor.u32 $0x1, v21;
	v6 =	vmul.f32 v6, v5  }
0x152: {  	v3 =	vld.idx.msk [tilespmem:v3+s18+$0x0], $0xffff  }
0x153: {  	v25 =	vld.idx.msk [tilespmem:v14+s17+$0x0], $0xffff;
	v50 =	vmul.f32 v9, v9;
	v13 =	vadd.f32 v48, v47;
	v6 =	vmul.f32 $5.000000000e-01, v6  }
0x154: {  	v45 =	vld.idx.msk [tilespmem:v11+s18+$0x0], $0xffff  }
0x155: {  	v36 =	vor.u32 $0x3, v23;
	v46 =	vld.idx.msk [tilespmem:v14+s18+$0x0], $0xffff;
	v22 =	vadd.f32 v50, v13;
	v6 =	vsub.f32 $1.500000000e+00, v6  }
0x156: {  	v38 =	vor.u32 $0x4, v23;
	v23 =	vor.u32 $0x5, v23;
	v51 =	vor.u32 $0x2, v21;
	v53 =	vld.idx.msk [tilespmem:v49+s17+$0x0], $0xffff  }
0x157: {  	v19 =	vld.idx.msk [tilespmem:v49+s18+$0x0], $0xffff;
	v5 =	vmul.f32 v6, v5;
	v6 =	vsub.f32 v3, v44;
	v3 =	vshra.s32 v22, $0x1  }
0x158: {  	v26 =	vsub.s32 $0x5F3759DF, v3  }
0x159: {  	s5 =	sor.u32 $0x30, s15;
	v52 =	vld.idx.msk [tilespmem:v21+s17+$0x0], $0xffff;
	v5 =	vmul.f32 v5, v4;
	v29 =	vmul.f32 v26, v22  }
0x15a: {  	v24 =	vsub.f32 v45, v24;
	v25 =	vsub.f32 v46, v25;
	v27 =	vld.idx.msk [tilespmem:v21+s18+$0x0], $0xffff;
	v3 =	vor.u32 s5, v0  }
0x15b: {  	v30 =	vld.idx.msk [tilespmem:v51+s17+$0x0], $0xffff;
	v14 =	vshll.u32 v3, $0x3;
	v5 =	vadd.f32 $9.999999930e-09, v5;
	v29 =	vmul.f32 v26, v29  }
0x15c: {  	v54 =	vmul.f32 v24, v24;
	v28 =	vmul.f32 v25, v25;
	v10 =	vsub.f32 v19, v53;
	v53 =	vld.idx.msk [tilespmem:v23+s17+$0x0], $0xffff  }
0x15d: {  	(erf) = vrcp.f32 v5;
	v5 =	vld.idx.msk [tilespmem:v51+s18+$0x0], $0xffff;
	v29 =	vmul.f32 $5.000000000e-01, v29  }
0x15e: {  	v13 =	vadd.f32 v28, v54;
	v23 =	vld.idx.msk [tilespmem:v23+s18+$0x0], $0xffff;
	v55 =	vmul.f32 v6, v6;
	v31 =	vor.u32 $0x1, v14  }
0x15f: {  	v57 =	vsub.f32 $1.500000000e+00, v29  }
0x160: {  	v32 =	vor.u32 $0x2, v14;
	v28 =	vadd.f32 v55, v13;
	v13 =	vsub.f32 v27, v52;
	v56 =	vld.idx.msk [tilespmem:v14+s17+$0x0], $0xffff  }
0x161: {  	v20 =	vshll.u32 v20, $0x4;
	v7 =	vshll.u32 v7, $0x4;
	v61 =	vld.idx.msk [tilespmem:v14+s18+$0x0], $0xffff;
	v26 =	vmul.f32 v26, v57  }
0x162: {  	v60 =	vmul.f32 v10, v10;
	v59 =	vmul.f32 v13, v13;
	v11 =	vsub.f32 v5, v30  }
0x163: {  	v54 =	vor.u32 $0x1, v20;
	v23 =	vsub.f32 v23, v53;
	v58 =	vld.idx.msk [tilespmem:v31+s17+$0x0], $0xffff;
	v41 =	vmul.f32 v26, v22  }
0x164: {  	v3 =	vshll.u32 v3, $0x4;
	v62 =	vld.idx.msk [tilespmem:v31+s18+$0x0], $0xffff;
	v5 =	vadd.f32 v60, v59;
	v63 =	vmul.f32 v11, v11  }
0x165: {  	s15 =	sor.u32 s31, s15;
	v4 =	vadd.f32 v28, v4;
	v40 =	vld.idx.msk [tilespmem:v32+s17+$0x0], $0xffff;
	v57 =	vor.u32 $0x2, v20;
	v42 =	vmul.f32 v41, v26  }
0x166: {  	p1 =	slt.u32 s15, $0x30D400;
	v32 =	vld.idx.msk [tilespmem:v32+s18+$0x0], $0xffff;
	v33 =	vpop (erf);
	v19 =	vadd.f32 v63, v5;
	v5 =	vsub.f32 v61, v56;
	v61 =	vmul.f32 v23, v23  }
0x167: {  	v49 =	vld.idx.msk [tilespmem:v36+s17+$0x0], $0xffff;
	v63 =	vor.u32 $0x3, v21;
	v33 =	vpsel !p1, $0x0, v33;
	v44 =	vmul.f32 $5.000000000e-01, v42  }
0x168: {  	v36 =	vld.idx.msk [tilespmem:v36+s18+$0x0], $0xffff;
	v34 =	vmul.f32 v33, v4;
	v24 =	vmul.f32 v33, v24;
	v43 =	vshra.s32 v19, $0x1  }
0x169: {  	v25 =	vmul.f32 v33, v25;
	v4 =	vsub.f32 v62, v58;
	v45 =	vsub.s32 $0x5F3759DF, v43  }
0x16a: {  	v42 =	vor.u32 $0x3, v20;
	v35 =	vmul.f32 v33, v6;
	v39 =	vmul.f32 v45, v19  }
0x16b: {  	v6 =	vsub.f32 v32, v40;
	v46 =	vmul.f32 v5, v5;
	v47 =	vmul.f32 v4, v4  }
0x16c: {  	v1 =	vadd.f32 v33, v1;
	v27 =	vsub.f32 $1.500000000e+00, v44;
	v51 =	vmul.f32 v45, v39  }
0x16d: {  	v40 =	vld.idx.msk [tilespmem:v38+s17+$0x0], $0xffff;
	v32 =	vsub.f32 v36, v49;
	v50 =	vmul.f32 v6, v6;
	v29 =	vadd.f32 v47, v46  }
0x16e: {  	v38 =	vld.idx.msk [tilespmem:v38+s18+$0x0], $0xffff;
	v62 =	vor.u32 $0x5, v20;
	v26 =	vmul.f32 v27, v26;
	v27 =	vmul.f32 $5.000000000e-01, v51  }
0x16f: {  	v43 =	vor.u32 $0x4, v20;
	v34 =	vadd.f32 v34, v2;
	v2 =	vadd.f32 v50, v29  }
0x170: {  	v37 =	vmul.f32 v24, v18;
	v48 =	vmul.f32 v24, v17;
	v27 =	vsub.f32 $1.500000000e+00, v27  }
0x171: {  	v24 =	vmul.f32 v24, v15;
	v52 =	vmul.f32 v25, v18;
	v30 =	vshra.s32 v2, $0x1  }
0x172: {  	v26 =	vmul.f32 v26, v22;
	v30 =	vsub.s32 $0x5F3759DF, v30;
	v56 =	vmul.f32 v45, v27  }
0x173: {  	v41 =	vmul.f32 v25, v17;
	v38 =	vsub.f32 v38, v40;
	v55 =	vmul.f32 v30, v2  }
0x174: {  	v58 =	vmul.f32 v32, v32;
	v26 =	vadd.f32 $9.999999930e-09, v26;
	v60 =	vmul.f32 v56, v19  }
0x175: {  	v33 =	vor.u32 $0x4, v7;
	[tilespmem:v20+s23+$0x0] =	vst.idx.msk $0xffff, v37;
	v59 =	vmul.f32 v38, v38;
	v36 =	vmul.f32 v30, v55  }
0x176: {  	v44 =	vor.u32 $0x6, v20;
	[tilespmem:v54+s23+$0x0] =	vst.idx.msk $0xffff, v48;
	(erf) = vrcp.f32 v26;
	v40 =	vmul.f32 v60, v56  }
0x177: {  	v25 =	vmul.f32 v25, v15;
	v48 =	vor.u32 $0x7, v20;
	[tilespmem:v57+s23+$0x0] =	vst.idx.msk $0xffff, v24;
	v36 =	vmul.f32 $5.000000000e-01, v36  }
0x178: {  	v18 =	vmul.f32 v35, v18;
	[tilespmem:v42+s23+$0x0] =	vst.idx.msk $0xffff, v52;
	v28 =	vadd.f32 v59, v58;
	v40 =	vmul.f32 $5.000000000e-01, v40  }
0x179: {  	[tilespmem:v43+s23+$0x0] =	vst.idx.msk $0xffff, v41;
	v45 =	vor.u32 $0x4, v21;
	v21 =	vor.u32 $0x5, v21;
	v36 =	vsub.f32 $1.500000000e+00, v36  }
0x17a: {  	v17 =	vmul.f32 v35, v17;
	v47 =	vmul.f32 v35, v15;
	[tilespmem:v62+s23+$0x0] =	vst.idx.msk $0xffff, v25;
	v46 =	vsub.f32 $1.500000000e+00, v40  }
0x17b: {  	v52 =	vor.u32 $0x8, v20;
	[tilespmem:v44+s23+$0x0] =	vst.idx.msk $0xffff, v18;
	v28 =	vadd.f32 v61, v28;
	v24 =	vmul.f32 v30, v36  }
0x17c: {  	v54 =	vld.idx.msk [tilespmem:v63+s17+$0x0], $0xffff;
	[tilespmem:v48+s23+$0x0] =	vst.idx.msk $0xffff, v17;
	v48 =	vor.u32 $0x3, v14;
	v55 =	vshll.u32 v16, $0x4;
	v50 =	vmul.f32 v46, v56  }
0x17d: {  	v29 =	vld.idx.msk [tilespmem:v63+s18+$0x0], $0xffff;
	v22 =	vadd.f32 v28, v22;
	v58 =	vor.u32 $0x1, v55;
	v51 =	vmul.f32 v24, v2  }
0x17e: {  	s10 =	sor.u32 s31, s10;
	v63 =	vor.u32 $0x2, v55;
	v37 =	vor.u32 $0x3, v55;
	v59 =	vld.idx.msk [tilespmem:v21+s17+$0x0], $0xffff;
	v25 =	vmul.f32 v50, v19  }
0x17f: {  	p4 =	slt.u32 s10, $0x30D400;
	v39 =	vor.u32 $0x4, v55;
	v41 =	vor.u32 $0x5, v55;
	v21 =	vld.idx.msk [tilespmem:v21+s18+$0x0], $0xffff;
	v49 =	vpop (erf);
	v26 =	vmul.f32 v51, v24  }
0x180: {  	v15 =	vpsel !p4, $0x0, v49;
	v49 =	vor.u32 $0x4, v14;
	v25 =	vadd.f32 $9.999999930e-09, v25  }
0x181: {  	v14 =	vor.u32 $0x5, v14;
	v53 =	vmul.f32 v15, v22;
	v26 =	vmul.f32 $5.000000000e-01, v26  }
0x182: {  	[tilespmem:v52+s23+$0x0] =	vst.idx.msk $0xffff, v47;
	v43 =	vor.u32 $0x6, v55;
	v27 =	vld.idx.msk [tilespmem:v45+s18+$0x0], $0xffff;
	v57 =	vmul.f32 v15, v32;
	(erf) = vrcp.f32 v25  }
0x183: {  	v56 =	vld.idx.msk [tilespmem:v45+s17+$0x0], $0xffff;
	v60 =	vmul.f32 v15, v38;
	v23 =	vmul.f32 v15, v23;
	v38 =	vsub.f32 $1.500000000e+00, v26  }
0x184: {  	v22 =	vsub.f32 v29, v54;
	v21 =	vsub.f32 v21, v59;
	v61 =	vmul.f32 v57, v12  }
0x185: {  	v16 =	vadd.f32 v53, v34;
	v62 =	vmul.f32 v57, v8;
	v24 =	vmul.f32 v38, v24  }
0x186: {  	v20 =	vmul.f32 v57, v9;
	v40 =	vmul.f32 v60, v12;
	[tilespmem:v55+s23+$0x0] =	vst.idx.msk $0xffff, v61;
	v34 =	vld.idx.msk [tilespmem:v14+s17+$0x0], $0xffff  }
0x187: {  	v42 =	vmul.f32 v60, v8;
	v14 =	vld.idx.msk [tilespmem:v14+s18+$0x0], $0xffff;
	[tilespmem:v58+s23+$0x0] =	vst.idx.msk $0xffff, v62;
	v24 =	vmul.f32 v24, v2  }
0x188: {  	v17 =	vmul.f32 v60, v9;
	v27 =	vsub.f32 v27, v56;
	v56 =	vld.idx.msk [tilespmem:v48+s17+$0x0], $0xffff;
	[tilespmem:v63+s23+$0x0] =	vst.idx.msk $0xffff, v20  }
0x189: {  	v44 =	vor.u32 $0x7, v55;
	v46 =	vmul.f32 v22, v22;
	v62 =	vld.idx.msk [tilespmem:v48+s18+$0x0], $0xffff;
	[tilespmem:v37+s23+$0x0] =	vst.idx.msk $0xffff, v40;
	v24 =	vadd.f32 $9.999999930e-09, v24  }
0x18a: {  	s6 =	sor.u32 s31, s6;
	v45 =	vor.u32 $0x8, v55;
	v12 =	vmul.f32 v23, v12;
	v8 =	vmul.f32 v23, v8;
	[tilespmem:v39+s23+$0x0] =	vst.idx.msk $0xffff, v42  }
0x18b: {  	p5 =	slt.u32 s6, $0x30D400;
	v1 =	vadd.f32 v15, v1;
	v47 =	vmul.f32 v27, v27;
	[tilespmem:v41+s23+$0x0] =	vst.idx.msk $0xffff, v17;
	v52 =	vpop (erf);
	(erf) = vrcp.f32 v24  }
0x18c: {  	v51 =	vmul.f32 v21, v21;
	v9 =	vmul.f32 v23, v9;
	[tilespmem:v43+s23+$0x0] =	vst.idx.msk $0xffff, v12;
	v12 =	vpsel !p5, $0x0, v52  }
0x18d: {  	v55 =	vor.u32 $0x1, v7;
	v50 =	vadd.f32 v47, v46;
	v54 =	vmul.f32 v12, v22  }
0x18e: {  	v59 =	vld.idx.msk [tilespmem:v49+s17+$0x0], $0xffff;
	v58 =	vor.u32 $0x2, v7;
	v46 =	vsub.f32 v14, v34;
	v20 =	vsub.f32 v62, v56  }
0x18f: {  	v61 =	vor.u32 $0x3, v7;
	[tilespmem:v44+s23+$0x0] =	vst.idx.msk $0xffff, v8;
	v53 =	vadd.f32 v51, v50;
	v60 =	vmul.f32 v54, v13  }
0x190: {  	v17 =	vld.idx.msk [tilespmem:v49+s18+$0x0], $0xffff;
	[tilespmem:v45+s23+$0x0] =	vst.idx.msk $0xffff, v9;
	v57 =	vmul.f32 v12, v27;
	v63 =	vmul.f32 v54, v10  }
0x191: {  	v36 =	vor.u32 $0x5, v7;
	v56 =	vmul.f32 v46, v46;
	v9 =	vmul.f32 v54, v11;
	[tilespmem:v7+s23+$0x0] =	vst.idx.msk $0xffff, v60  }
0x192: {  	v38 =	vor.u32 $0x6, v7;
	v47 =	vmul.f32 v20, v20;
	v35 =	vmul.f32 v57, v13;
	[tilespmem:v55+s23+$0x0] =	vst.idx.msk $0xffff, v63  }
0x193: {  	s5 =	sor.u32 s31, s5;
	v40 =	vor.u32 $0x7, v7;
	v21 =	vmul.f32 v12, v21;
	v37 =	vmul.f32 v57, v10;
	[tilespmem:v58+s23+$0x0] =	vst.idx.msk $0xffff, v9  }
0x194: {  	p6 =	slt.u32 s5, $0x30D400;
	v8 =	vadd.f32 v53, v19;
	v39 =	vmul.f32 v57, v11;
	v7 =	vor.u32 $0x8, v7;
	[tilespmem:v61+s23+$0x0] =	vst.idx.msk $0xffff, v35;
	v41 =	vpop (erf)  }
0x195: {  	v43 =	vsub.f32 v17, v59;
	v13 =	vmul.f32 v21, v13;
	[tilespmem:v33+s23+$0x0] =	vst.idx.msk $0xffff, v37;
	v42 =	vpsel !p6, $0x0, v41  }
0x196: {  	v45 =	vor.u32 $0x1, v3;
	v10 =	vmul.f32 v21, v10;
	[tilespmem:v36+s23+$0x0] =	vst.idx.msk $0xffff, v39;
	v44 =	vmul.f32 v42, v20  }
0x197: {  	v48 =	vor.u32 $0x2, v3;
	v49 =	vmul.f32 v43, v43;
	v11 =	vmul.f32 v21, v11;
	[tilespmem:v38+s23+$0x0] =	vst.idx.msk $0xffff, v13  }
0x198: {  	v51 =	vor.u32 $0x3, v3;
	v8 =	vmul.f32 v12, v8;
	[tilespmem:v40+s23+$0x0] =	vst.idx.msk $0xffff, v10;
	v50 =	vmul.f32 v44, v5  }
0x199: {  	v54 =	vor.u32 $0x4, v3;
	v52 =	vmul.f32 v42, v43;
	v53 =	vmul.f32 v44, v4;
	[tilespmem:v7+s23+$0x0] =	vst.idx.msk $0xffff, v11  }
0x19a: {  	v58 =	vor.u32 $0x5, v3;
	v10 =	vadd.f32 v49, v47;
	v55 =	vmul.f32 v44, v6;
	[tilespmem:v3+s23+$0x0] =	vst.idx.msk $0xffff, v50  }
0x19b: {  	v60 =	vor.u32 $0x6, v3;
	v62 =	vmul.f32 v42, v46;
	v57 =	vmul.f32 v52, v5;
	[tilespmem:v45+s23+$0x0] =	vst.idx.msk $0xffff, v53  }
0x19c: {  	v63 =	vor.u32 $0x7, v3;
	v59 =	vmul.f32 v52, v4;
	v61 =	vadd.f32 v56, v10;
	[tilespmem:v48+s23+$0x0] =	vst.idx.msk $0xffff, v55  }
0x19d: {  	p1 =	por p0, p0;
	v1 =	vadd.f32 v12, v1;
	v7 =	vmul.f32 v52, v6;
	v3 =	vor.u32 $0x8, v3;
	[tilespmem:v51+s23+$0x0] =	vst.idx.msk $0xffff, v57  }
.Ltmp3:
0x19e: {  	v5 =	vmul.f32 v62, v5;
	v2 =	vadd.f32 v61, v2;
	[tilespmem:v54+s23+$0x0] =	vst.idx.msk $0xffff, v59;
	(pc) =	sbr.rel @p1 .LBB2_9-.Ltmp3, $4  }
0x19f: {  	v8 =	vadd.f32 v8, v16;
	v4 =	vmul.f32 v62, v4;
	[tilespmem:v58+s23+$0x0] =	vst.idx.msk $0xffff, v7  }
0x1a0: {  	v6 =	vmul.f32 v62, v6;
	v2 =	vmul.f32 v42, v2;
	[tilespmem:v60+s23+$0x0] =	vst.idx.msk $0xffff, v5  }
0x1a1: {  	[tilespmem:v63+s23+$0x0] =	vst.idx.msk $0xffff, v4  }
0x1a2: {  	s15 =	simm.s32 $0x40;
	p0 =	por $0x0, $0x0;
	v1 =	vadd.f32 v42, v1;
	v2 =	vadd.f32 v2, v8;
	[tilespmem:v3+s23+$0x0] =	vst.idx.msk $0xffff, v6  }
0x1a3: {  	[tilespmem:s17], [sflag:$0x1] =	stream.indirect.gather [hbm4b:s4+s16], $0x8, s1, s16, $0xb8;
	[tilespmem:$0x1B020] =	vst v63  }
0x1a4: {  	s5 =	simm.s32 $0x600  }
0x1a5: {  	[tilespmem:s18], [sflag:$0x1] =	stream.indirect.gather [hbm4b:s4+s16], $0x8, s5, s16, $0xb8;
	[tilespmem:$0x1B020] =	vst v63  }
0x1a6: {  	_ = 	snop  }
0x1a7: {  	[spmem:s2] =	stream.indirect.scatter.add.f32 [tilespmem:s23], [sflag:$0x3], $0x10, s24, s16, $0xb8;
	[tilespmem:$0x1B020] =	vst v63  }
0x1a8: {  	_ =	swait.ge [sflag:s28], $0x400  }
0x1a9: {  	[sflag:s28] =	ssyncset.done $0x0  }
0x1aa: {  	[sflag:s28] =	ssyncadd.s32 $0xFFFFFC00  }
0x1ab: {  	_ =	swait.ge [sflag:s28], $0x400  }
0x1ac: {  	[sflag:s28] =	ssyncset.done $0x0  }
0x1ad: {  	[sflag:s28] =	ssyncadd.s32 $0xFFFFFC00  }
0x1ae: {  	_ =	swait.ge [sflag:s11], $0x800  }
0x1af: {  	s31 =	sor.u32 $0x180, s20;
	[sflag:s11] =	ssyncset.done $0x0  }
0x1b0: {  	s15 =	simm.s32 $0x0;
	p0 =	por $0x1, $0x1;
	[sflag:s11] =	ssyncadd.s32 $0xFFFFF800  }
.LBB2_11:
0x1b1: {  	v20 =	vor.u32 s15, v0  }
0x1b2: {  	v3 =	vshll.u32 v20, $0x3;
	_ =	sdelay $0x1  }
0x1b3: {  	v4 =	vor.u32 $0x1, v3;
	_ =	sdelay $0x1  }
0x1b4: {  	v5 =	vor.u32 $0x2, v3  }
0x1b5: {  	v6 =	vld.idx.msk [tilespmem:v3+s19+$0x0], $0xffff  }
0x1b6: {  	v8 =	vld.idx.msk [tilespmem:v3+s21+$0x0], $0xffff  }
0x1b7: {  	v7 =	vld.idx.msk [tilespmem:v4+s19+$0x0], $0xffff  }
0x1b8: {  	v4 =	vld.idx.msk [tilespmem:v4+s21+$0x0], $0xffff  }
0x1b9: {  	v9 =	vld.idx.msk [tilespmem:v5+s19+$0x0], $0xffff  }
0x1ba: {  	v5 =	vld.idx.msk [tilespmem:v5+s21+$0x0], $0xffff;
	_ =	sdelay $0x2  }
0x1bb: {  	v18 =	vsub.f32 v8, v6;
	v17 =	vsub.f32 v4, v7;
	_ =	sdelay $0x1  }
0x1bc: {  	v15 =	vsub.f32 v5, v9;
	v37 =	vmul.f32 v18, v18;
	v38 =	vmul.f32 v17, v17;
	_ =	sdelay $0x1  }
0x1bd: {  	s10 =	sor.u32 $0x10, s15;
	v39 =	vmul.f32 v15, v15;
	v4 =	vadd.f32 v38, v37  }
0x1be: {  	v16 =	vor.u32 s10, v0  }
0x1bf: {  	v23 =	vshll.u32 v16, $0x3;
	v4 =	vadd.f32 v39, v4;
	_ =	sdelay $0x1  }
0x1c0: {  	v41 =	vor.u32 $0x1, v23;
	v5 =	vshra.s32 v4, $0x1  }
0x1c1: {  	v42 =	vor.u32 $0x2, v23;
	v5 =	vsub.s32 $0x5F3759DF, v5  }
0x1c2: {  	v40 =	vmul.f32 v5, v4  }
0x1c3: {  	v43 =	vld.idx.msk [tilespmem:v23+s19+$0x0], $0xffff  }
0x1c4: {  	v12 =	vld.idx.msk [tilespmem:v23+s21+$0x0], $0xffff;
	v6 =	vmul.f32 v5, v40  }
0x1c5: {  	v10 =	vld.idx.msk [tilespmem:v41+s19+$0x0], $0xffff  }
0x1c6: {  	v13 =	vld.idx.msk [tilespmem:v42+s19+$0x0], $0xffff;
	v6 =	vmul.f32 $5.000000000e-01, v6  }
0x1c7: {  	v7 =	vld.idx.msk [tilespmem:v41+s21+$0x0], $0xffff  }
0x1c8: {  	v11 =	vor.u32 $0x3, v3;
	v19 =	vld.idx.msk [tilespmem:v42+s21+$0x0], $0xffff;
	v6 =	vsub.f32 $1.500000000e+00, v6  }
0x1c9: {  	v14 =	vor.u32 $0x4, v3;
	v3 =	vor.u32 $0x5, v3  }
0x1ca: {  	v5 =	vmul.f32 v5, v6  }
0x1cb: {  	s6 =	sor.u32 $0x20, s15;
	v12 =	vsub.f32 v12, v43  }
0x1cc: {  	v8 =	vsub.f32 v7, v10;
	v7 =	vor.u32 s6, v0;
	v6 =	vmul.f32 v5, v4  }
0x1cd: {  	v24 =	vld.idx.msk [tilespmem:v11+s19+$0x0], $0xffff;
	v9 =	vsub.f32 v19, v13;
	v47 =	vmul.f32 v12, v12;
	v21 =	vshll.u32 v7, $0x3  }
0x1ce: {  	v44 =	vld.idx.msk [tilespmem:v3+s19+$0x0], $0xffff;
	v48 =	vmul.f32 v8, v8;
	v49 =	vor.u32 $0x1, v21;
	v6 =	vmul.f32 v6, v5  }
0x1cf: {  	v3 =	vld.idx.msk [tilespmem:v3+s21+$0x0], $0xffff  }
0x1d0: {  	v25 =	vld.idx.msk [tilespmem:v14+s19+$0x0], $0xffff;
	v50 =	vmul.f32 v9, v9;
	v13 =	vadd.f32 v48, v47;
	v6 =	vmul.f32 $5.000000000e-01, v6  }
0x1d1: {  	v45 =	vld.idx.msk [tilespmem:v11+s21+$0x0], $0xffff  }
0x1d2: {  	v36 =	vor.u32 $0x3, v23;
	v46 =	vld.idx.msk [tilespmem:v14+s21+$0x0], $0xffff;
	v22 =	vadd.f32 v50, v13;
	v6 =	vsub.f32 $1.500000000e+00, v6  }
0x1d3: {  	v38 =	vor.u32 $0x4, v23;
	v23 =	vor.u32 $0x5, v23;
	v51 =	vor.u32 $0x2, v21;
	v53 =	vld.idx.msk [tilespmem:v49+s19+$0x0], $0xffff  }
0x1d4: {  	v19 =	vld.idx.msk [tilespmem:v49+s21+$0x0], $0xffff;
	v5 =	vmul.f32 v6, v5;
	v6 =	vsub.f32 v3, v44;
	v3 =	vshra.s32 v22, $0x1  }
0x1d5: {  	v26 =	vsub.s32 $0x5F3759DF, v3  }
0x1d6: {  	s5 =	sor.u32 $0x30, s15;
	v52 =	vld.idx.msk [tilespmem:v21+s19+$0x0], $0xffff;
	v5 =	vmul.f32 v5, v4;
	v29 =	vmul.f32 v26, v22  }
0x1d7: {  	v24 =	vsub.f32 v45, v24;
	v25 =	vsub.f32 v46, v25;
	v27 =	vld.idx.msk [tilespmem:v21+s21+$0x0], $0xffff;
	v3 =	vor.u32 s5, v0  }
0x1d8: {  	v30 =	vld.idx.msk [tilespmem:v51+s19+$0x0], $0xffff;
	v14 =	vshll.u32 v3, $0x3;
	v5 =	vadd.f32 $9.999999930e-09, v5;
	v29 =	vmul.f32 v26, v29  }
0x1d9: {  	v54 =	vmul.f32 v24, v24;
	v28 =	vmul.f32 v25, v25;
	v10 =	vsub.f32 v19, v53;
	v53 =	vld.idx.msk [tilespmem:v23+s19+$0x0], $0xffff  }
0x1da: {  	(erf) = vrcp.f32 v5;
	v5 =	vld.idx.msk [tilespmem:v51+s21+$0x0], $0xffff;
	v29 =	vmul.f32 $5.000000000e-01, v29  }
0x1db: {  	v13 =	vadd.f32 v28, v54;
	v23 =	vld.idx.msk [tilespmem:v23+s21+$0x0], $0xffff;
	v55 =	vmul.f32 v6, v6;
	v31 =	vor.u32 $0x1, v14  }
0x1dc: {  	v57 =	vsub.f32 $1.500000000e+00, v29  }
0x1dd: {  	v32 =	vor.u32 $0x2, v14;
	v28 =	vadd.f32 v55, v13;
	v13 =	vsub.f32 v27, v52;
	v56 =	vld.idx.msk [tilespmem:v14+s19+$0x0], $0xffff  }
0x1de: {  	v20 =	vshll.u32 v20, $0x4;
	v7 =	vshll.u32 v7, $0x4;
	v61 =	vld.idx.msk [tilespmem:v14+s21+$0x0], $0xffff;
	v26 =	vmul.f32 v26, v57  }
0x1df: {  	v60 =	vmul.f32 v10, v10;
	v59 =	vmul.f32 v13, v13;
	v11 =	vsub.f32 v5, v30  }
0x1e0: {  	v54 =	vor.u32 $0x1, v20;
	v23 =	vsub.f32 v23, v53;
	v58 =	vld.idx.msk [tilespmem:v31+s19+$0x0], $0xffff;
	v41 =	vmul.f32 v26, v22  }
0x1e1: {  	v3 =	vshll.u32 v3, $0x4;
	v62 =	vld.idx.msk [tilespmem:v31+s21+$0x0], $0xffff;
	v5 =	vadd.f32 v60, v59;
	v63 =	vmul.f32 v11, v11  }
0x1e2: {  	s15 =	sor.u32 s31, s15;
	v4 =	vadd.f32 v28, v4;
	v40 =	vld.idx.msk [tilespmem:v32+s19+$0x0], $0xffff;
	v57 =	vor.u32 $0x2, v20;
	v42 =	vmul.f32 v41, v26  }
0x1e3: {  	p1 =	slt.u32 s15, $0x30D400;
	v32 =	vld.idx.msk [tilespmem:v32+s21+$0x0], $0xffff;
	v33 =	vpop (erf);
	v19 =	vadd.f32 v63, v5;
	v5 =	vsub.f32 v61, v56;
	v61 =	vmul.f32 v23, v23  }
0x1e4: {  	v49 =	vld.idx.msk [tilespmem:v36+s19+$0x0], $0xffff;
	v63 =	vor.u32 $0x3, v21;
	v33 =	vpsel !p1, $0x0, v33;
	v44 =	vmul.f32 $5.000000000e-01, v42  }
0x1e5: {  	v36 =	vld.idx.msk [tilespmem:v36+s21+$0x0], $0xffff;
	v34 =	vmul.f32 v33, v4;
	v24 =	vmul.f32 v33, v24;
	v43 =	vshra.s32 v19, $0x1  }
0x1e6: {  	v25 =	vmul.f32 v33, v25;
	v4 =	vsub.f32 v62, v58;
	v45 =	vsub.s32 $0x5F3759DF, v43  }
0x1e7: {  	v42 =	vor.u32 $0x3, v20;
	v35 =	vmul.f32 v33, v6;
	v39 =	vmul.f32 v45, v19  }
0x1e8: {  	v6 =	vsub.f32 v32, v40;
	v46 =	vmul.f32 v5, v5;
	v47 =	vmul.f32 v4, v4  }
0x1e9: {  	v1 =	vadd.f32 v33, v1;
	v27 =	vsub.f32 $1.500000000e+00, v44;
	v51 =	vmul.f32 v45, v39  }
0x1ea: {  	v40 =	vld.idx.msk [tilespmem:v38+s19+$0x0], $0xffff;
	v32 =	vsub.f32 v36, v49;
	v50 =	vmul.f32 v6, v6;
	v29 =	vadd.f32 v47, v46  }
0x1eb: {  	v38 =	vld.idx.msk [tilespmem:v38+s21+$0x0], $0xffff;
	v62 =	vor.u32 $0x5, v20;
	v26 =	vmul.f32 v27, v26;
	v27 =	vmul.f32 $5.000000000e-01, v51  }
0x1ec: {  	v43 =	vor.u32 $0x4, v20;
	v34 =	vadd.f32 v34, v2;
	v2 =	vadd.f32 v50, v29  }
0x1ed: {  	v37 =	vmul.f32 v24, v18;
	v48 =	vmul.f32 v24, v17;
	v27 =	vsub.f32 $1.500000000e+00, v27  }
0x1ee: {  	v24 =	vmul.f32 v24, v15;
	v52 =	vmul.f32 v25, v18;
	v30 =	vshra.s32 v2, $0x1  }
0x1ef: {  	v26 =	vmul.f32 v26, v22;
	v30 =	vsub.s32 $0x5F3759DF, v30;
	v56 =	vmul.f32 v45, v27  }
0x1f0: {  	v41 =	vmul.f32 v25, v17;
	v38 =	vsub.f32 v38, v40;
	v55 =	vmul.f32 v30, v2  }
0x1f1: {  	v58 =	vmul.f32 v32, v32;
	v26 =	vadd.f32 $9.999999930e-09, v26;
	v60 =	vmul.f32 v56, v19  }
0x1f2: {  	v33 =	vor.u32 $0x4, v7;
	[tilespmem:v20+s29+$0x0] =	vst.idx.msk $0xffff, v37;
	v59 =	vmul.f32 v38, v38;
	v36 =	vmul.f32 v30, v55  }
0x1f3: {  	v44 =	vor.u32 $0x6, v20;
	[tilespmem:v54+s29+$0x0] =	vst.idx.msk $0xffff, v48;
	(erf) = vrcp.f32 v26;
	v40 =	vmul.f32 v60, v56  }
0x1f4: {  	v25 =	vmul.f32 v25, v15;
	v48 =	vor.u32 $0x7, v20;
	[tilespmem:v57+s29+$0x0] =	vst.idx.msk $0xffff, v24;
	v36 =	vmul.f32 $5.000000000e-01, v36  }
0x1f5: {  	v18 =	vmul.f32 v35, v18;
	[tilespmem:v42+s29+$0x0] =	vst.idx.msk $0xffff, v52;
	v28 =	vadd.f32 v59, v58;
	v40 =	vmul.f32 $5.000000000e-01, v40  }
0x1f6: {  	[tilespmem:v43+s29+$0x0] =	vst.idx.msk $0xffff, v41;
	v45 =	vor.u32 $0x4, v21;
	v21 =	vor.u32 $0x5, v21;
	v36 =	vsub.f32 $1.500000000e+00, v36  }
0x1f7: {  	v17 =	vmul.f32 v35, v17;
	v47 =	vmul.f32 v35, v15;
	[tilespmem:v62+s29+$0x0] =	vst.idx.msk $0xffff, v25;
	v46 =	vsub.f32 $1.500000000e+00, v40  }
0x1f8: {  	v52 =	vor.u32 $0x8, v20;
	[tilespmem:v44+s29+$0x0] =	vst.idx.msk $0xffff, v18;
	v28 =	vadd.f32 v61, v28;
	v24 =	vmul.f32 v30, v36  }
0x1f9: {  	v54 =	vld.idx.msk [tilespmem:v63+s19+$0x0], $0xffff;
	[tilespmem:v48+s29+$0x0] =	vst.idx.msk $0xffff, v17;
	v48 =	vor.u32 $0x3, v14;
	v55 =	vshll.u32 v16, $0x4;
	v50 =	vmul.f32 v46, v56  }
0x1fa: {  	v29 =	vld.idx.msk [tilespmem:v63+s21+$0x0], $0xffff;
	v22 =	vadd.f32 v28, v22;
	v58 =	vor.u32 $0x1, v55;
	v51 =	vmul.f32 v24, v2  }
0x1fb: {  	s10 =	sor.u32 s31, s10;
	v63 =	vor.u32 $0x2, v55;
	v37 =	vor.u32 $0x3, v55;
	v59 =	vld.idx.msk [tilespmem:v21+s19+$0x0], $0xffff;
	v25 =	vmul.f32 v50, v19  }
0x1fc: {  	p4 =	slt.u32 s10, $0x30D400;
	v39 =	vor.u32 $0x4, v55;
	v41 =	vor.u32 $0x5, v55;
	v21 =	vld.idx.msk [tilespmem:v21+s21+$0x0], $0xffff;
	v49 =	vpop (erf);
	v26 =	vmul.f32 v51, v24  }
0x1fd: {  	v15 =	vpsel !p4, $0x0, v49;
	v49 =	vor.u32 $0x4, v14;
	v25 =	vadd.f32 $9.999999930e-09, v25  }
0x1fe: {  	v14 =	vor.u32 $0x5, v14;
	v53 =	vmul.f32 v15, v22;
	v26 =	vmul.f32 $5.000000000e-01, v26  }
0x1ff: {  	[tilespmem:v52+s29+$0x0] =	vst.idx.msk $0xffff, v47;
	v43 =	vor.u32 $0x6, v55;
	v27 =	vld.idx.msk [tilespmem:v45+s21+$0x0], $0xffff;
	v57 =	vmul.f32 v15, v32;
	(erf) = vrcp.f32 v25  }
0x200: {  	v56 =	vld.idx.msk [tilespmem:v45+s19+$0x0], $0xffff;
	v60 =	vmul.f32 v15, v38;
	v23 =	vmul.f32 v15, v23;
	v38 =	vsub.f32 $1.500000000e+00, v26  }
0x201: {  	v22 =	vsub.f32 v29, v54;
	v21 =	vsub.f32 v21, v59;
	v61 =	vmul.f32 v57, v12  }
0x202: {  	v16 =	vadd.f32 v53, v34;
	v62 =	vmul.f32 v57, v8;
	v24 =	vmul.f32 v38, v24  }
0x203: {  	v20 =	vmul.f32 v57, v9;
	v40 =	vmul.f32 v60, v12;
	[tilespmem:v55+s29+$0x0] =	vst.idx.msk $0xffff, v61;
	v34 =	vld.idx.msk [tilespmem:v14+s19+$0x0], $0xffff  }
0x204: {  	v42 =	vmul.f32 v60, v8;
	v14 =	vld.idx.msk [tilespmem:v14+s21+$0x0], $0xffff;
	[tilespmem:v58+s29+$0x0] =	vst.idx.msk $0xffff, v62;
	v24 =	vmul.f32 v24, v2  }
0x205: {  	v17 =	vmul.f32 v60, v9;
	v27 =	vsub.f32 v27, v56;
	v56 =	vld.idx.msk [tilespmem:v48+s19+$0x0], $0xffff;
	[tilespmem:v63+s29+$0x0] =	vst.idx.msk $0xffff, v20  }
0x206: {  	v44 =	vor.u32 $0x7, v55;
	v46 =	vmul.f32 v22, v22;
	v62 =	vld.idx.msk [tilespmem:v48+s21+$0x0], $0xffff;
	[tilespmem:v37+s29+$0x0] =	vst.idx.msk $0xffff, v40;
	v24 =	vadd.f32 $9.999999930e-09, v24  }
0x207: {  	s6 =	sor.u32 s31, s6;
	v45 =	vor.u32 $0x8, v55;
	v12 =	vmul.f32 v23, v12;
	v8 =	vmul.f32 v23, v8;
	[tilespmem:v39+s29+$0x0] =	vst.idx.msk $0xffff, v42  }
0x208: {  	p5 =	slt.u32 s6, $0x30D400;
	v1 =	vadd.f32 v15, v1;
	v47 =	vmul.f32 v27, v27;
	[tilespmem:v41+s29+$0x0] =	vst.idx.msk $0xffff, v17;
	v52 =	vpop (erf);
	(erf) = vrcp.f32 v24  }
0x209: {  	v51 =	vmul.f32 v21, v21;
	v9 =	vmul.f32 v23, v9;
	[tilespmem:v43+s29+$0x0] =	vst.idx.msk $0xffff, v12;
	v12 =	vpsel !p5, $0x0, v52  }
0x20a: {  	v55 =	vor.u32 $0x1, v7;
	v50 =	vadd.f32 v47, v46;
	v54 =	vmul.f32 v12, v22  }
0x20b: {  	v59 =	vld.idx.msk [tilespmem:v49+s19+$0x0], $0xffff;
	v58 =	vor.u32 $0x2, v7;
	v46 =	vsub.f32 v14, v34;
	v20 =	vsub.f32 v62, v56  }
0x20c: {  	v61 =	vor.u32 $0x3, v7;
	[tilespmem:v44+s29+$0x0] =	vst.idx.msk $0xffff, v8;
	v53 =	vadd.f32 v51, v50;
	v60 =	vmul.f32 v54, v13  }
0x20d: {  	v17 =	vld.idx.msk [tilespmem:v49+s21+$0x0], $0xffff;
	[tilespmem:v45+s29+$0x0] =	vst.idx.msk $0xffff, v9;
	v57 =	vmul.f32 v12, v27;
	v63 =	vmul.f32 v54, v10  }
0x20e: {  	v36 =	vor.u32 $0x5, v7;
	v56 =	vmul.f32 v46, v46;
	v9 =	vmul.f32 v54, v11;
	[tilespmem:v7+s29+$0x0] =	vst.idx.msk $0xffff, v60  }
0x20f: {  	v38 =	vor.u32 $0x6, v7;
	v47 =	vmul.f32 v20, v20;
	v35 =	vmul.f32 v57, v13;
	[tilespmem:v55+s29+$0x0] =	vst.idx.msk $0xffff, v63  }
0x210: {  	s5 =	sor.u32 s31, s5;
	v40 =	vor.u32 $0x7, v7;
	v21 =	vmul.f32 v12, v21;
	v37 =	vmul.f32 v57, v10;
	[tilespmem:v58+s29+$0x0] =	vst.idx.msk $0xffff, v9  }
0x211: {  	p6 =	slt.u32 s5, $0x30D400;
	v8 =	vadd.f32 v53, v19;
	v39 =	vmul.f32 v57, v11;
	v7 =	vor.u32 $0x8, v7;
	[tilespmem:v61+s29+$0x0] =	vst.idx.msk $0xffff, v35;
	v41 =	vpop (erf)  }
0x212: {  	v43 =	vsub.f32 v17, v59;
	v13 =	vmul.f32 v21, v13;
	[tilespmem:v33+s29+$0x0] =	vst.idx.msk $0xffff, v37;
	v42 =	vpsel !p6, $0x0, v41  }
0x213: {  	v45 =	vor.u32 $0x1, v3;
	v10 =	vmul.f32 v21, v10;
	[tilespmem:v36+s29+$0x0] =	vst.idx.msk $0xffff, v39;
	v44 =	vmul.f32 v42, v20  }
0x214: {  	v48 =	vor.u32 $0x2, v3;
	v49 =	vmul.f32 v43, v43;
	v11 =	vmul.f32 v21, v11;
	[tilespmem:v38+s29+$0x0] =	vst.idx.msk $0xffff, v13  }
0x215: {  	v51 =	vor.u32 $0x3, v3;
	v8 =	vmul.f32 v12, v8;
	[tilespmem:v40+s29+$0x0] =	vst.idx.msk $0xffff, v10;
	v50 =	vmul.f32 v44, v5  }
0x216: {  	v54 =	vor.u32 $0x4, v3;
	v52 =	vmul.f32 v42, v43;
	v53 =	vmul.f32 v44, v4;
	[tilespmem:v7+s29+$0x0] =	vst.idx.msk $0xffff, v11  }
0x217: {  	v58 =	vor.u32 $0x5, v3;
	v10 =	vadd.f32 v49, v47;
	v55 =	vmul.f32 v44, v6;
	[tilespmem:v3+s29+$0x0] =	vst.idx.msk $0xffff, v50  }
0x218: {  	v60 =	vor.u32 $0x6, v3;
	v62 =	vmul.f32 v42, v46;
	v57 =	vmul.f32 v52, v5;
	[tilespmem:v45+s29+$0x0] =	vst.idx.msk $0xffff, v53  }
0x219: {  	v63 =	vor.u32 $0x7, v3;
	v59 =	vmul.f32 v52, v4;
	v61 =	vadd.f32 v56, v10;
	[tilespmem:v48+s29+$0x0] =	vst.idx.msk $0xffff, v55  }
0x21a: {  	p1 =	por p0, p0;
	v1 =	vadd.f32 v12, v1;
	v7 =	vmul.f32 v52, v6;
	v3 =	vor.u32 $0x8, v3;
	[tilespmem:v51+s29+$0x0] =	vst.idx.msk $0xffff, v57  }
.Ltmp4:
0x21b: {  	v5 =	vmul.f32 v62, v5;
	v2 =	vadd.f32 v61, v2;
	[tilespmem:v54+s29+$0x0] =	vst.idx.msk $0xffff, v59;
	(pc) =	sbr.rel @p1 .LBB2_11-.Ltmp4, $4  }
0x21c: {  	v8 =	vadd.f32 v8, v16;
	v4 =	vmul.f32 v62, v4;
	[tilespmem:v58+s29+$0x0] =	vst.idx.msk $0xffff, v7  }
0x21d: {  	v6 =	vmul.f32 v62, v6;
	v2 =	vmul.f32 v42, v2;
	[tilespmem:v60+s29+$0x0] =	vst.idx.msk $0xffff, v5  }
0x21e: {  	[tilespmem:v63+s29+$0x0] =	vst.idx.msk $0xffff, v4  }
0x21f: {  	s15 =	simm.s32 $0x40;
	p0 =	por $0x0, $0x0;
	v1 =	vadd.f32 v42, v1;
	v2 =	vadd.f32 v2, v8;
	[tilespmem:v3+s29+$0x0] =	vst.idx.msk $0xffff, v6  }
0x220: {  	[tilespmem:s19], [sflag:$0x2] =	stream.indirect.gather [hbm4b:s4+s16], $0x8, s12, s16, $0xb8;
	[tilespmem:$0x1B020] =	vst v63  }
0x221: {  	s5 =	simm.s32 $0x680  }
0x222: {  	[tilespmem:s21], [sflag:$0x2] =	stream.indirect.gather [hbm4b:s4+s16], $0x8, s5, s16, $0xb8;
	[tilespmem:$0x1B020] =	vst v63  }
0x223: {  	_ = 	snop  }
0x224: {  	[spmem:s2] =	stream.indirect.scatter.add.f32 [tilespmem:s29], [sflag:$0x4], $0x10, s30, s16, $0xb8;
	[tilespmem:$0x1B020] =	vst v63  }
0x225: {  	_ =	swait.ge [sflag:s22], $0x400  }
0x226: {  	[sflag:s22] =	ssyncset.done $0x0  }
0x227: {  	[sflag:s22] =	ssyncadd.s32 $0xFFFFFC00  }
0x228: {  	_ =	swait.ge [sflag:s22], $0x400  }
0x229: {  	[sflag:s22] =	ssyncset.done $0x0  }
0x22a: {  	[sflag:s22] =	ssyncadd.s32 $0xFFFFFC00  }
0x22b: {  	_ =	swait.ge [sflag:s0], $0x800  }
0x22c: {  	s31 =	sor.u32 $0x200, s20;
	[sflag:s0] =	ssyncset.done $0x0  }
0x22d: {  	s15 =	simm.s32 $0x0;
	p0 =	por $0x1, $0x1;
	[sflag:s0] =	ssyncadd.s32 $0xFFFFF800  }
.LBB2_13:
0x22e: {  	v20 =	vor.u32 s15, v0  }
0x22f: {  	v3 =	vshll.u32 v20, $0x3;
	_ =	sdelay $0x1  }
0x230: {  	v4 =	vor.u32 $0x1, v3;
	_ =	sdelay $0x1  }
0x231: {  	v5 =	vor.u32 $0x2, v3  }
0x232: {  	v6 =	vld.idx.msk [tilespmem:v3+s17+$0x0], $0xffff  }
0x233: {  	v8 =	vld.idx.msk [tilespmem:v3+s18+$0x0], $0xffff  }
0x234: {  	v7 =	vld.idx.msk [tilespmem:v4+s17+$0x0], $0xffff  }
0x235: {  	v4 =	vld.idx.msk [tilespmem:v4+s18+$0x0], $0xffff  }
0x236: {  	v9 =	vld.idx.msk [tilespmem:v5+s17+$0x0], $0xffff  }
0x237: {  	v5 =	vld.idx.msk [tilespmem:v5+s18+$0x0], $0xffff;
	_ =	sdelay $0x2  }
0x238: {  	v18 =	vsub.f32 v8, v6;
	v17 =	vsub.f32 v4, v7;
	_ =	sdelay $0x1  }
0x239: {  	v15 =	vsub.f32 v5, v9;
	v37 =	vmul.f32 v18, v18;
	v38 =	vmul.f32 v17, v17;
	_ =	sdelay $0x1  }
0x23a: {  	s10 =	sor.u32 $0x10, s15;
	v39 =	vmul.f32 v15, v15;
	v4 =	vadd.f32 v38, v37  }
0x23b: {  	v16 =	vor.u32 s10, v0  }
0x23c: {  	v23 =	vshll.u32 v16, $0x3;
	v4 =	vadd.f32 v39, v4;
	_ =	sdelay $0x1  }
0x23d: {  	v41 =	vor.u32 $0x1, v23;
	v5 =	vshra.s32 v4, $0x1  }
0x23e: {  	v42 =	vor.u32 $0x2, v23;
	v5 =	vsub.s32 $0x5F3759DF, v5  }
0x23f: {  	v40 =	vmul.f32 v5, v4  }
0x240: {  	v43 =	vld.idx.msk [tilespmem:v23+s17+$0x0], $0xffff  }
0x241: {  	v12 =	vld.idx.msk [tilespmem:v23+s18+$0x0], $0xffff;
	v6 =	vmul.f32 v5, v40  }
0x242: {  	v10 =	vld.idx.msk [tilespmem:v41+s17+$0x0], $0xffff  }
0x243: {  	v13 =	vld.idx.msk [tilespmem:v42+s17+$0x0], $0xffff;
	v6 =	vmul.f32 $5.000000000e-01, v6  }
0x244: {  	v7 =	vld.idx.msk [tilespmem:v41+s18+$0x0], $0xffff  }
0x245: {  	v11 =	vor.u32 $0x3, v3;
	v19 =	vld.idx.msk [tilespmem:v42+s18+$0x0], $0xffff;
	v6 =	vsub.f32 $1.500000000e+00, v6  }
0x246: {  	v14 =	vor.u32 $0x4, v3;
	v3 =	vor.u32 $0x5, v3  }
0x247: {  	v5 =	vmul.f32 v5, v6  }
0x248: {  	s6 =	sor.u32 $0x20, s15;
	v12 =	vsub.f32 v12, v43  }
0x249: {  	v8 =	vsub.f32 v7, v10;
	v7 =	vor.u32 s6, v0;
	v6 =	vmul.f32 v5, v4  }
0x24a: {  	v24 =	vld.idx.msk [tilespmem:v11+s17+$0x0], $0xffff;
	v9 =	vsub.f32 v19, v13;
	v47 =	vmul.f32 v12, v12;
	v21 =	vshll.u32 v7, $0x3  }
0x24b: {  	v44 =	vld.idx.msk [tilespmem:v3+s17+$0x0], $0xffff;
	v48 =	vmul.f32 v8, v8;
	v49 =	vor.u32 $0x1, v21;
	v6 =	vmul.f32 v6, v5  }
0x24c: {  	v3 =	vld.idx.msk [tilespmem:v3+s18+$0x0], $0xffff  }
0x24d: {  	v25 =	vld.idx.msk [tilespmem:v14+s17+$0x0], $0xffff;
	v50 =	vmul.f32 v9, v9;
	v13 =	vadd.f32 v48, v47;
	v6 =	vmul.f32 $5.000000000e-01, v6  }
0x24e: {  	v45 =	vld.idx.msk [tilespmem:v11+s18+$0x0], $0xffff  }
0x24f: {  	v36 =	vor.u32 $0x3, v23;
	v46 =	vld.idx.msk [tilespmem:v14+s18+$0x0], $0xffff;
	v22 =	vadd.f32 v50, v13;
	v6 =	vsub.f32 $1.500000000e+00, v6  }
0x250: {  	v38 =	vor.u32 $0x4, v23;
	v23 =	vor.u32 $0x5, v23;
	v51 =	vor.u32 $0x2, v21;
	v53 =	vld.idx.msk [tilespmem:v49+s17+$0x0], $0xffff  }
0x251: {  	v19 =	vld.idx.msk [tilespmem:v49+s18+$0x0], $0xffff;
	v5 =	vmul.f32 v6, v5;
	v6 =	vsub.f32 v3, v44;
	v3 =	vshra.s32 v22, $0x1  }
0x252: {  	v26 =	vsub.s32 $0x5F3759DF, v3  }
0x253: {  	s5 =	sor.u32 $0x30, s15;
	v52 =	vld.idx.msk [tilespmem:v21+s17+$0x0], $0xffff;
	v5 =	vmul.f32 v5, v4;
	v29 =	vmul.f32 v26, v22  }
0x254: {  	v24 =	vsub.f32 v45, v24;
	v25 =	vsub.f32 v46, v25;
	v27 =	vld.idx.msk [tilespmem:v21+s18+$0x0], $0xffff;
	v3 =	vor.u32 s5, v0  }
0x255: {  	v30 =	vld.idx.msk [tilespmem:v51+s17+$0x0], $0xffff;
	v14 =	vshll.u32 v3, $0x3;
	v5 =	vadd.f32 $9.999999930e-09, v5;
	v29 =	vmul.f32 v26, v29  }
0x256: {  	v54 =	vmul.f32 v24, v24;
	v28 =	vmul.f32 v25, v25;
	v10 =	vsub.f32 v19, v53;
	v53 =	vld.idx.msk [tilespmem:v23+s17+$0x0], $0xffff  }
0x257: {  	(erf) = vrcp.f32 v5;
	v5 =	vld.idx.msk [tilespmem:v51+s18+$0x0], $0xffff;
	v29 =	vmul.f32 $5.000000000e-01, v29  }
0x258: {  	v13 =	vadd.f32 v28, v54;
	v23 =	vld.idx.msk [tilespmem:v23+s18+$0x0], $0xffff;
	v55 =	vmul.f32 v6, v6;
	v31 =	vor.u32 $0x1, v14  }
0x259: {  	v57 =	vsub.f32 $1.500000000e+00, v29  }
0x25a: {  	v32 =	vor.u32 $0x2, v14;
	v28 =	vadd.f32 v55, v13;
	v13 =	vsub.f32 v27, v52;
	v56 =	vld.idx.msk [tilespmem:v14+s17+$0x0], $0xffff  }
0x25b: {  	v20 =	vshll.u32 v20, $0x4;
	v7 =	vshll.u32 v7, $0x4;
	v61 =	vld.idx.msk [tilespmem:v14+s18+$0x0], $0xffff;
	v26 =	vmul.f32 v26, v57  }
0x25c: {  	v60 =	vmul.f32 v10, v10;
	v59 =	vmul.f32 v13, v13;
	v11 =	vsub.f32 v5, v30  }
0x25d: {  	v54 =	vor.u32 $0x1, v20;
	v23 =	vsub.f32 v23, v53;
	v58 =	vld.idx.msk [tilespmem:v31+s17+$0x0], $0xffff;
	v41 =	vmul.f32 v26, v22  }
0x25e: {  	v3 =	vshll.u32 v3, $0x4;
	v62 =	vld.idx.msk [tilespmem:v31+s18+$0x0], $0xffff;
	v5 =	vadd.f32 v60, v59;
	v63 =	vmul.f32 v11, v11  }
0x25f: {  	s15 =	sor.u32 s31, s15;
	v4 =	vadd.f32 v28, v4;
	v40 =	vld.idx.msk [tilespmem:v32+s17+$0x0], $0xffff;
	v57 =	vor.u32 $0x2, v20;
	v42 =	vmul.f32 v41, v26  }
0x260: {  	p1 =	slt.u32 s15, $0x30D400;
	v32 =	vld.idx.msk [tilespmem:v32+s18+$0x0], $0xffff;
	v33 =	vpop (erf);
	v19 =	vadd.f32 v63, v5;
	v5 =	vsub.f32 v61, v56;
	v61 =	vmul.f32 v23, v23  }
0x261: {  	v49 =	vld.idx.msk [tilespmem:v36+s17+$0x0], $0xffff;
	v63 =	vor.u32 $0x3, v21;
	v33 =	vpsel !p1, $0x0, v33;
	v44 =	vmul.f32 $5.000000000e-01, v42  }
0x262: {  	v36 =	vld.idx.msk [tilespmem:v36+s18+$0x0], $0xffff;
	v34 =	vmul.f32 v33, v4;
	v24 =	vmul.f32 v33, v24;
	v43 =	vshra.s32 v19, $0x1  }
0x263: {  	v25 =	vmul.f32 v33, v25;
	v4 =	vsub.f32 v62, v58;
	v45 =	vsub.s32 $0x5F3759DF, v43  }
0x264: {  	v42 =	vor.u32 $0x3, v20;
	v35 =	vmul.f32 v33, v6;
	v39 =	vmul.f32 v45, v19  }
0x265: {  	v6 =	vsub.f32 v32, v40;
	v46 =	vmul.f32 v5, v5;
	v47 =	vmul.f32 v4, v4  }
0x266: {  	v1 =	vadd.f32 v33, v1;
	v27 =	vsub.f32 $1.500000000e+00, v44;
	v51 =	vmul.f32 v45, v39  }
0x267: {  	v40 =	vld.idx.msk [tilespmem:v38+s17+$0x0], $0xffff;
	v32 =	vsub.f32 v36, v49;
	v50 =	vmul.f32 v6, v6;
	v29 =	vadd.f32 v47, v46  }
0x268: {  	v38 =	vld.idx.msk [tilespmem:v38+s18+$0x0], $0xffff;
	v62 =	vor.u32 $0x5, v20;
	v26 =	vmul.f32 v27, v26;
	v27 =	vmul.f32 $5.000000000e-01, v51  }
0x269: {  	v43 =	vor.u32 $0x4, v20;
	v34 =	vadd.f32 v34, v2;
	v2 =	vadd.f32 v50, v29  }
0x26a: {  	v37 =	vmul.f32 v24, v18;
	v48 =	vmul.f32 v24, v17;
	v27 =	vsub.f32 $1.500000000e+00, v27  }
0x26b: {  	v24 =	vmul.f32 v24, v15;
	v52 =	vmul.f32 v25, v18;
	v30 =	vshra.s32 v2, $0x1  }
0x26c: {  	v26 =	vmul.f32 v26, v22;
	v30 =	vsub.s32 $0x5F3759DF, v30;
	v56 =	vmul.f32 v45, v27  }
0x26d: {  	v41 =	vmul.f32 v25, v17;
	v38 =	vsub.f32 v38, v40;
	v55 =	vmul.f32 v30, v2  }
0x26e: {  	v58 =	vmul.f32 v32, v32;
	v26 =	vadd.f32 $9.999999930e-09, v26;
	v60 =	vmul.f32 v56, v19  }
0x26f: {  	v33 =	vor.u32 $0x4, v7;
	[tilespmem:v20+s23+$0x0] =	vst.idx.msk $0xffff, v37;
	v59 =	vmul.f32 v38, v38;
	v36 =	vmul.f32 v30, v55  }
0x270: {  	v44 =	vor.u32 $0x6, v20;
	[tilespmem:v54+s23+$0x0] =	vst.idx.msk $0xffff, v48;
	(erf) = vrcp.f32 v26;
	v40 =	vmul.f32 v60, v56  }
0x271: {  	v25 =	vmul.f32 v25, v15;
	v48 =	vor.u32 $0x7, v20;
	[tilespmem:v57+s23+$0x0] =	vst.idx.msk $0xffff, v24;
	v36 =	vmul.f32 $5.000000000e-01, v36  }
0x272: {  	v18 =	vmul.f32 v35, v18;
	[tilespmem:v42+s23+$0x0] =	vst.idx.msk $0xffff, v52;
	v28 =	vadd.f32 v59, v58;
	v40 =	vmul.f32 $5.000000000e-01, v40  }
0x273: {  	[tilespmem:v43+s23+$0x0] =	vst.idx.msk $0xffff, v41;
	v45 =	vor.u32 $0x4, v21;
	v21 =	vor.u32 $0x5, v21;
	v36 =	vsub.f32 $1.500000000e+00, v36  }
0x274: {  	v17 =	vmul.f32 v35, v17;
	v47 =	vmul.f32 v35, v15;
	[tilespmem:v62+s23+$0x0] =	vst.idx.msk $0xffff, v25;
	v46 =	vsub.f32 $1.500000000e+00, v40  }
0x275: {  	v52 =	vor.u32 $0x8, v20;
	[tilespmem:v44+s23+$0x0] =	vst.idx.msk $0xffff, v18;
	v28 =	vadd.f32 v61, v28;
	v24 =	vmul.f32 v30, v36  }
0x276: {  	v54 =	vld.idx.msk [tilespmem:v63+s17+$0x0], $0xffff;
	[tilespmem:v48+s23+$0x0] =	vst.idx.msk $0xffff, v17;
	v48 =	vor.u32 $0x3, v14;
	v55 =	vshll.u32 v16, $0x4;
	v50 =	vmul.f32 v46, v56  }
0x277: {  	v29 =	vld.idx.msk [tilespmem:v63+s18+$0x0], $0xffff;
	v22 =	vadd.f32 v28, v22;
	v58 =	vor.u32 $0x1, v55;
	v51 =	vmul.f32 v24, v2  }
0x278: {  	s10 =	sor.u32 s31, s10;
	v63 =	vor.u32 $0x2, v55;
	v37 =	vor.u32 $0x3, v55;
	v59 =	vld.idx.msk [tilespmem:v21+s17+$0x0], $0xffff;
	v25 =	vmul.f32 v50, v19  }
0x279: {  	p4 =	slt.u32 s10, $0x30D400;
	v39 =	vor.u32 $0x4, v55;
	v41 =	vor.u32 $0x5, v55;
	v21 =	vld.idx.msk [tilespmem:v21+s18+$0x0], $0xffff;
	v49 =	vpop (erf);
	v26 =	vmul.f32 v51, v24  }
0x27a: {  	v15 =	vpsel !p4, $0x0, v49;
	v49 =	vor.u32 $0x4, v14;
	v25 =	vadd.f32 $9.999999930e-09, v25  }
0x27b: {  	v14 =	vor.u32 $0x5, v14;
	v53 =	vmul.f32 v15, v22;
	v26 =	vmul.f32 $5.000000000e-01, v26  }
0x27c: {  	[tilespmem:v52+s23+$0x0] =	vst.idx.msk $0xffff, v47;
	v43 =	vor.u32 $0x6, v55;
	v27 =	vld.idx.msk [tilespmem:v45+s18+$0x0], $0xffff;
	v57 =	vmul.f32 v15, v32;
	(erf) = vrcp.f32 v25  }
0x27d: {  	v56 =	vld.idx.msk [tilespmem:v45+s17+$0x0], $0xffff;
	v60 =	vmul.f32 v15, v38;
	v23 =	vmul.f32 v15, v23;
	v38 =	vsub.f32 $1.500000000e+00, v26  }
0x27e: {  	v22 =	vsub.f32 v29, v54;
	v21 =	vsub.f32 v21, v59;
	v61 =	vmul.f32 v57, v12  }
0x27f: {  	v16 =	vadd.f32 v53, v34;
	v62 =	vmul.f32 v57, v8;
	v24 =	vmul.f32 v38, v24  }
0x280: {  	v20 =	vmul.f32 v57, v9;
	v40 =	vmul.f32 v60, v12;
	[tilespmem:v55+s23+$0x0] =	vst.idx.msk $0xffff, v61;
	v34 =	vld.idx.msk [tilespmem:v14+s17+$0x0], $0xffff  }
0x281: {  	v42 =	vmul.f32 v60, v8;
	v14 =	vld.idx.msk [tilespmem:v14+s18+$0x0], $0xffff;
	[tilespmem:v58+s23+$0x0] =	vst.idx.msk $0xffff, v62;
	v24 =	vmul.f32 v24, v2  }
0x282: {  	v17 =	vmul.f32 v60, v9;
	v27 =	vsub.f32 v27, v56;
	v56 =	vld.idx.msk [tilespmem:v48+s17+$0x0], $0xffff;
	[tilespmem:v63+s23+$0x0] =	vst.idx.msk $0xffff, v20  }
0x283: {  	v44 =	vor.u32 $0x7, v55;
	v46 =	vmul.f32 v22, v22;
	v62 =	vld.idx.msk [tilespmem:v48+s18+$0x0], $0xffff;
	[tilespmem:v37+s23+$0x0] =	vst.idx.msk $0xffff, v40;
	v24 =	vadd.f32 $9.999999930e-09, v24  }
0x284: {  	s6 =	sor.u32 s31, s6;
	v45 =	vor.u32 $0x8, v55;
	v12 =	vmul.f32 v23, v12;
	v8 =	vmul.f32 v23, v8;
	[tilespmem:v39+s23+$0x0] =	vst.idx.msk $0xffff, v42  }
0x285: {  	p5 =	slt.u32 s6, $0x30D400;
	v1 =	vadd.f32 v15, v1;
	v47 =	vmul.f32 v27, v27;
	[tilespmem:v41+s23+$0x0] =	vst.idx.msk $0xffff, v17;
	v52 =	vpop (erf);
	(erf) = vrcp.f32 v24  }
0x286: {  	v51 =	vmul.f32 v21, v21;
	v9 =	vmul.f32 v23, v9;
	[tilespmem:v43+s23+$0x0] =	vst.idx.msk $0xffff, v12;
	v12 =	vpsel !p5, $0x0, v52  }
0x287: {  	v55 =	vor.u32 $0x1, v7;
	v50 =	vadd.f32 v47, v46;
	v54 =	vmul.f32 v12, v22  }
0x288: {  	v59 =	vld.idx.msk [tilespmem:v49+s17+$0x0], $0xffff;
	v58 =	vor.u32 $0x2, v7;
	v46 =	vsub.f32 v14, v34;
	v20 =	vsub.f32 v62, v56  }
0x289: {  	v61 =	vor.u32 $0x3, v7;
	[tilespmem:v44+s23+$0x0] =	vst.idx.msk $0xffff, v8;
	v53 =	vadd.f32 v51, v50;
	v60 =	vmul.f32 v54, v13  }
0x28a: {  	v17 =	vld.idx.msk [tilespmem:v49+s18+$0x0], $0xffff;
	[tilespmem:v45+s23+$0x0] =	vst.idx.msk $0xffff, v9;
	v57 =	vmul.f32 v12, v27;
	v63 =	vmul.f32 v54, v10  }
0x28b: {  	v36 =	vor.u32 $0x5, v7;
	v56 =	vmul.f32 v46, v46;
	v9 =	vmul.f32 v54, v11;
	[tilespmem:v7+s23+$0x0] =	vst.idx.msk $0xffff, v60  }
0x28c: {  	v38 =	vor.u32 $0x6, v7;
	v47 =	vmul.f32 v20, v20;
	v35 =	vmul.f32 v57, v13;
	[tilespmem:v55+s23+$0x0] =	vst.idx.msk $0xffff, v63  }
0x28d: {  	s5 =	sor.u32 s31, s5;
	v40 =	vor.u32 $0x7, v7;
	v21 =	vmul.f32 v12, v21;
	v37 =	vmul.f32 v57, v10;
	[tilespmem:v58+s23+$0x0] =	vst.idx.msk $0xffff, v9  }
0x28e: {  	p6 =	slt.u32 s5, $0x30D400;
	v8 =	vadd.f32 v53, v19;
	v39 =	vmul.f32 v57, v11;
	v7 =	vor.u32 $0x8, v7;
	[tilespmem:v61+s23+$0x0] =	vst.idx.msk $0xffff, v35;
	v41 =	vpop (erf)  }
0x28f: {  	v43 =	vsub.f32 v17, v59;
	v13 =	vmul.f32 v21, v13;
	[tilespmem:v33+s23+$0x0] =	vst.idx.msk $0xffff, v37;
	v42 =	vpsel !p6, $0x0, v41  }
0x290: {  	v45 =	vor.u32 $0x1, v3;
	v10 =	vmul.f32 v21, v10;
	[tilespmem:v36+s23+$0x0] =	vst.idx.msk $0xffff, v39;
	v44 =	vmul.f32 v42, v20  }
0x291: {  	v48 =	vor.u32 $0x2, v3;
	v49 =	vmul.f32 v43, v43;
	v11 =	vmul.f32 v21, v11;
	[tilespmem:v38+s23+$0x0] =	vst.idx.msk $0xffff, v13  }
0x292: {  	v51 =	vor.u32 $0x3, v3;
	v8 =	vmul.f32 v12, v8;
	[tilespmem:v40+s23+$0x0] =	vst.idx.msk $0xffff, v10;
	v50 =	vmul.f32 v44, v5  }
0x293: {  	v54 =	vor.u32 $0x4, v3;
	v52 =	vmul.f32 v42, v43;
	v53 =	vmul.f32 v44, v4;
	[tilespmem:v7+s23+$0x0] =	vst.idx.msk $0xffff, v11  }
0x294: {  	v58 =	vor.u32 $0x5, v3;
	v10 =	vadd.f32 v49, v47;
	v55 =	vmul.f32 v44, v6;
	[tilespmem:v3+s23+$0x0] =	vst.idx.msk $0xffff, v50  }
0x295: {  	v60 =	vor.u32 $0x6, v3;
	v62 =	vmul.f32 v42, v46;
	v57 =	vmul.f32 v52, v5;
	[tilespmem:v45+s23+$0x0] =	vst.idx.msk $0xffff, v53  }
0x296: {  	v63 =	vor.u32 $0x7, v3;
	v59 =	vmul.f32 v52, v4;
	v61 =	vadd.f32 v56, v10;
	[tilespmem:v48+s23+$0x0] =	vst.idx.msk $0xffff, v55  }
0x297: {  	p1 =	por p0, p0;
	v1 =	vadd.f32 v12, v1;
	v7 =	vmul.f32 v52, v6;
	v3 =	vor.u32 $0x8, v3;
	[tilespmem:v51+s23+$0x0] =	vst.idx.msk $0xffff, v57  }
.Ltmp5:
0x298: {  	v5 =	vmul.f32 v62, v5;
	v2 =	vadd.f32 v61, v2;
	[tilespmem:v54+s23+$0x0] =	vst.idx.msk $0xffff, v59;
	(pc) =	sbr.rel @p1 .LBB2_13-.Ltmp5, $4  }
0x299: {  	v8 =	vadd.f32 v8, v16;
	v4 =	vmul.f32 v62, v4;
	[tilespmem:v58+s23+$0x0] =	vst.idx.msk $0xffff, v7  }
0x29a: {  	v6 =	vmul.f32 v62, v6;
	v2 =	vmul.f32 v42, v2;
	[tilespmem:v60+s23+$0x0] =	vst.idx.msk $0xffff, v5  }
0x29b: {  	[tilespmem:v63+s23+$0x0] =	vst.idx.msk $0xffff, v4  }
0x29c: {  	s15 =	simm.s32 $0x40;
	p0 =	por $0x0, $0x0;
	v1 =	vadd.f32 v42, v1;
	v2 =	vadd.f32 v2, v8;
	[tilespmem:v3+s23+$0x0] =	vst.idx.msk $0xffff, v6  }
0x29d: {  	[tilespmem:s17], [sflag:$0x1] =	stream.indirect.gather [hbm4b:s4+s16], $0x8, s25, s16, $0xb8;
	[tilespmem:$0x1B020] =	vst v63  }
0x29e: {  	s5 =	simm.s32 $0x700  }
0x29f: {  	[tilespmem:s18], [sflag:$0x1] =	stream.indirect.gather [hbm4b:s4+s16], $0x8, s5, s16, $0xb8;
	[tilespmem:$0x1B020] =	vst v63  }
0x2a0: {  	_ = 	snop  }
0x2a1: {  	[spmem:s2] =	stream.indirect.scatter.add.f32 [tilespmem:s23], [sflag:$0x3], $0x10, s1, s16, $0xb8;
	[tilespmem:$0x1B020] =	vst v63  }
0x2a2: {  	_ =	swait.ge [sflag:s28], $0x400  }
0x2a3: {  	[sflag:s28] =	ssyncset.done $0x0  }
0x2a4: {  	[sflag:s28] =	ssyncadd.s32 $0xFFFFFC00  }
0x2a5: {  	_ =	swait.ge [sflag:s28], $0x400  }
0x2a6: {  	[sflag:s28] =	ssyncset.done $0x0  }
0x2a7: {  	[sflag:s28] =	ssyncadd.s32 $0xFFFFFC00  }
0x2a8: {  	_ =	swait.ge [sflag:s11], $0x800  }
0x2a9: {  	s31 =	sor.u32 $0x280, s20;
	[sflag:s11] =	ssyncset.done $0x0  }
0x2aa: {  	s15 =	simm.s32 $0x0;
	p0 =	por $0x1, $0x1;
	[sflag:s11] =	ssyncadd.s32 $0xFFFFF800  }
.LBB2_15:
0x2ab: {  	v20 =	vor.u32 s15, v0  }
0x2ac: {  	v3 =	vshll.u32 v20, $0x3;
	_ =	sdelay $0x1  }
0x2ad: {  	v4 =	vor.u32 $0x1, v3;
	_ =	sdelay $0x1  }
0x2ae: {  	v5 =	vor.u32 $0x2, v3  }
0x2af: {  	v6 =	vld.idx.msk [tilespmem:v3+s19+$0x0], $0xffff  }
0x2b0: {  	v8 =	vld.idx.msk [tilespmem:v3+s21+$0x0], $0xffff  }
0x2b1: {  	v7 =	vld.idx.msk [tilespmem:v4+s19+$0x0], $0xffff  }
0x2b2: {  	v4 =	vld.idx.msk [tilespmem:v4+s21+$0x0], $0xffff  }
0x2b3: {  	v9 =	vld.idx.msk [tilespmem:v5+s19+$0x0], $0xffff  }
0x2b4: {  	v5 =	vld.idx.msk [tilespmem:v5+s21+$0x0], $0xffff;
	_ =	sdelay $0x2  }
0x2b5: {  	v18 =	vsub.f32 v8, v6;
	v17 =	vsub.f32 v4, v7;
	_ =	sdelay $0x1  }
0x2b6: {  	v15 =	vsub.f32 v5, v9;
	v37 =	vmul.f32 v18, v18;
	v38 =	vmul.f32 v17, v17;
	_ =	sdelay $0x1  }
0x2b7: {  	s10 =	sor.u32 $0x10, s15;
	v39 =	vmul.f32 v15, v15;
	v4 =	vadd.f32 v38, v37  }
0x2b8: {  	v16 =	vor.u32 s10, v0  }
0x2b9: {  	v23 =	vshll.u32 v16, $0x3;
	v4 =	vadd.f32 v39, v4;
	_ =	sdelay $0x1  }
0x2ba: {  	v41 =	vor.u32 $0x1, v23;
	v5 =	vshra.s32 v4, $0x1  }
0x2bb: {  	v42 =	vor.u32 $0x2, v23;
	v5 =	vsub.s32 $0x5F3759DF, v5  }
0x2bc: {  	v40 =	vmul.f32 v5, v4  }
0x2bd: {  	v43 =	vld.idx.msk [tilespmem:v23+s19+$0x0], $0xffff  }
0x2be: {  	v12 =	vld.idx.msk [tilespmem:v23+s21+$0x0], $0xffff;
	v6 =	vmul.f32 v5, v40  }
0x2bf: {  	v10 =	vld.idx.msk [tilespmem:v41+s19+$0x0], $0xffff  }
0x2c0: {  	v13 =	vld.idx.msk [tilespmem:v42+s19+$0x0], $0xffff;
	v6 =	vmul.f32 $5.000000000e-01, v6  }
0x2c1: {  	v7 =	vld.idx.msk [tilespmem:v41+s21+$0x0], $0xffff  }
0x2c2: {  	v11 =	vor.u32 $0x3, v3;
	v19 =	vld.idx.msk [tilespmem:v42+s21+$0x0], $0xffff;
	v6 =	vsub.f32 $1.500000000e+00, v6  }
0x2c3: {  	v14 =	vor.u32 $0x4, v3;
	v3 =	vor.u32 $0x5, v3  }
0x2c4: {  	v5 =	vmul.f32 v5, v6  }
0x2c5: {  	s6 =	sor.u32 $0x20, s15;
	v12 =	vsub.f32 v12, v43  }
0x2c6: {  	v8 =	vsub.f32 v7, v10;
	v7 =	vor.u32 s6, v0;
	v6 =	vmul.f32 v5, v4  }
0x2c7: {  	v24 =	vld.idx.msk [tilespmem:v11+s19+$0x0], $0xffff;
	v9 =	vsub.f32 v19, v13;
	v47 =	vmul.f32 v12, v12;
	v21 =	vshll.u32 v7, $0x3  }
0x2c8: {  	v44 =	vld.idx.msk [tilespmem:v3+s19+$0x0], $0xffff;
	v48 =	vmul.f32 v8, v8;
	v49 =	vor.u32 $0x1, v21;
	v6 =	vmul.f32 v6, v5  }
0x2c9: {  	v3 =	vld.idx.msk [tilespmem:v3+s21+$0x0], $0xffff  }
0x2ca: {  	v25 =	vld.idx.msk [tilespmem:v14+s19+$0x0], $0xffff;
	v50 =	vmul.f32 v9, v9;
	v13 =	vadd.f32 v48, v47;
	v6 =	vmul.f32 $5.000000000e-01, v6  }
0x2cb: {  	v45 =	vld.idx.msk [tilespmem:v11+s21+$0x0], $0xffff  }
0x2cc: {  	v36 =	vor.u32 $0x3, v23;
	v46 =	vld.idx.msk [tilespmem:v14+s21+$0x0], $0xffff;
	v22 =	vadd.f32 v50, v13;
	v6 =	vsub.f32 $1.500000000e+00, v6  }
0x2cd: {  	v38 =	vor.u32 $0x4, v23;
	v23 =	vor.u32 $0x5, v23;
	v51 =	vor.u32 $0x2, v21;
	v53 =	vld.idx.msk [tilespmem:v49+s19+$0x0], $0xffff  }
0x2ce: {  	v19 =	vld.idx.msk [tilespmem:v49+s21+$0x0], $0xffff;
	v5 =	vmul.f32 v6, v5;
	v6 =	vsub.f32 v3, v44;
	v3 =	vshra.s32 v22, $0x1  }
0x2cf: {  	v26 =	vsub.s32 $0x5F3759DF, v3  }
0x2d0: {  	s5 =	sor.u32 $0x30, s15;
	v52 =	vld.idx.msk [tilespmem:v21+s19+$0x0], $0xffff;
	v5 =	vmul.f32 v5, v4;
	v29 =	vmul.f32 v26, v22  }
0x2d1: {  	v24 =	vsub.f32 v45, v24;
	v25 =	vsub.f32 v46, v25;
	v27 =	vld.idx.msk [tilespmem:v21+s21+$0x0], $0xffff;
	v3 =	vor.u32 s5, v0  }
0x2d2: {  	v30 =	vld.idx.msk [tilespmem:v51+s19+$0x0], $0xffff;
	v14 =	vshll.u32 v3, $0x3;
	v5 =	vadd.f32 $9.999999930e-09, v5;
	v29 =	vmul.f32 v26, v29  }
0x2d3: {  	v54 =	vmul.f32 v24, v24;
	v28 =	vmul.f32 v25, v25;
	v10 =	vsub.f32 v19, v53;
	v53 =	vld.idx.msk [tilespmem:v23+s19+$0x0], $0xffff  }
0x2d4: {  	(erf) = vrcp.f32 v5;
	v5 =	vld.idx.msk [tilespmem:v51+s21+$0x0], $0xffff;
	v29 =	vmul.f32 $5.000000000e-01, v29  }
0x2d5: {  	v13 =	vadd.f32 v28, v54;
	v23 =	vld.idx.msk [tilespmem:v23+s21+$0x0], $0xffff;
	v55 =	vmul.f32 v6, v6;
	v31 =	vor.u32 $0x1, v14  }
0x2d6: {  	v57 =	vsub.f32 $1.500000000e+00, v29  }
0x2d7: {  	v32 =	vor.u32 $0x2, v14;
	v28 =	vadd.f32 v55, v13;
	v13 =	vsub.f32 v27, v52;
	v56 =	vld.idx.msk [tilespmem:v14+s19+$0x0], $0xffff  }
0x2d8: {  	v20 =	vshll.u32 v20, $0x4;
	v7 =	vshll.u32 v7, $0x4;
	v61 =	vld.idx.msk [tilespmem:v14+s21+$0x0], $0xffff;
	v26 =	vmul.f32 v26, v57  }
0x2d9: {  	v60 =	vmul.f32 v10, v10;
	v59 =	vmul.f32 v13, v13;
	v11 =	vsub.f32 v5, v30  }
0x2da: {  	v54 =	vor.u32 $0x1, v20;
	v23 =	vsub.f32 v23, v53;
	v58 =	vld.idx.msk [tilespmem:v31+s19+$0x0], $0xffff;
	v41 =	vmul.f32 v26, v22  }
0x2db: {  	v3 =	vshll.u32 v3, $0x4;
	v62 =	vld.idx.msk [tilespmem:v31+s21+$0x0], $0xffff;
	v5 =	vadd.f32 v60, v59;
	v63 =	vmul.f32 v11, v11  }
0x2dc: {  	s15 =	sor.u32 s31, s15;
	v4 =	vadd.f32 v28, v4;
	v40 =	vld.idx.msk [tilespmem:v32+s19+$0x0], $0xffff;
	v57 =	vor.u32 $0x2, v20;
	v42 =	vmul.f32 v41, v26  }
0x2dd: {  	p1 =	slt.u32 s15, $0x30D400;
	v32 =	vld.idx.msk [tilespmem:v32+s21+$0x0], $0xffff;
	v33 =	vpop (erf);
	v19 =	vadd.f32 v63, v5;
	v5 =	vsub.f32 v61, v56;
	v61 =	vmul.f32 v23, v23  }
0x2de: {  	v49 =	vld.idx.msk [tilespmem:v36+s19+$0x0], $0xffff;
	v63 =	vor.u32 $0x3, v21;
	v33 =	vpsel !p1, $0x0, v33;
	v44 =	vmul.f32 $5.000000000e-01, v42  }
0x2df: {  	v36 =	vld.idx.msk [tilespmem:v36+s21+$0x0], $0xffff;
	v34 =	vmul.f32 v33, v4;
	v24 =	vmul.f32 v33, v24;
	v43 =	vshra.s32 v19, $0x1  }
0x2e0: {  	v25 =	vmul.f32 v33, v25;
	v4 =	vsub.f32 v62, v58;
	v45 =	vsub.s32 $0x5F3759DF, v43  }
0x2e1: {  	v42 =	vor.u32 $0x3, v20;
	v35 =	vmul.f32 v33, v6;
	v39 =	vmul.f32 v45, v19  }
0x2e2: {  	v6 =	vsub.f32 v32, v40;
	v46 =	vmul.f32 v5, v5;
	v47 =	vmul.f32 v4, v4  }
0x2e3: {  	v1 =	vadd.f32 v33, v1;
	v27 =	vsub.f32 $1.500000000e+00, v44;
	v51 =	vmul.f32 v45, v39  }
0x2e4: {  	v40 =	vld.idx.msk [tilespmem:v38+s19+$0x0], $0xffff;
	v32 =	vsub.f32 v36, v49;
	v50 =	vmul.f32 v6, v6;
	v29 =	vadd.f32 v47, v46  }
0x2e5: {  	v38 =	vld.idx.msk [tilespmem:v38+s21+$0x0], $0xffff;
	v62 =	vor.u32 $0x5, v20;
	v26 =	vmul.f32 v27, v26;
	v27 =	vmul.f32 $5.000000000e-01, v51  }
0x2e6: {  	v43 =	vor.u32 $0x4, v20;
	v34 =	vadd.f32 v34, v2;
	v2 =	vadd.f32 v50, v29  }
0x2e7: {  	v37 =	vmul.f32 v24, v18;
	v48 =	vmul.f32 v24, v17;
	v27 =	vsub.f32 $1.500000000e+00, v27  }
0x2e8: {  	v24 =	vmul.f32 v24, v15;
	v52 =	vmul.f32 v25, v18;
	v30 =	vshra.s32 v2, $0x1  }
0x2e9: {  	v26 =	vmul.f32 v26, v22;
	v30 =	vsub.s32 $0x5F3759DF, v30;
	v56 =	vmul.f32 v45, v27  }
0x2ea: {  	v41 =	vmul.f32 v25, v17;
	v38 =	vsub.f32 v38, v40;
	v55 =	vmul.f32 v30, v2  }
0x2eb: {  	v58 =	vmul.f32 v32, v32;
	v26 =	vadd.f32 $9.999999930e-09, v26;
	v60 =	vmul.f32 v56, v19  }
0x2ec: {  	v33 =	vor.u32 $0x4, v7;
	[tilespmem:v20+s29+$0x0] =	vst.idx.msk $0xffff, v37;
	v59 =	vmul.f32 v38, v38;
	v36 =	vmul.f32 v30, v55  }
0x2ed: {  	v44 =	vor.u32 $0x6, v20;
	[tilespmem:v54+s29+$0x0] =	vst.idx.msk $0xffff, v48;
	(erf) = vrcp.f32 v26;
	v40 =	vmul.f32 v60, v56  }
0x2ee: {  	v25 =	vmul.f32 v25, v15;
	v48 =	vor.u32 $0x7, v20;
	[tilespmem:v57+s29+$0x0] =	vst.idx.msk $0xffff, v24;
	v36 =	vmul.f32 $5.000000000e-01, v36  }
0x2ef: {  	v18 =	vmul.f32 v35, v18;
	[tilespmem:v42+s29+$0x0] =	vst.idx.msk $0xffff, v52;
	v28 =	vadd.f32 v59, v58;
	v40 =	vmul.f32 $5.000000000e-01, v40  }
0x2f0: {  	[tilespmem:v43+s29+$0x0] =	vst.idx.msk $0xffff, v41;
	v45 =	vor.u32 $0x4, v21;
	v21 =	vor.u32 $0x5, v21;
	v36 =	vsub.f32 $1.500000000e+00, v36  }
0x2f1: {  	v17 =	vmul.f32 v35, v17;
	v47 =	vmul.f32 v35, v15;
	[tilespmem:v62+s29+$0x0] =	vst.idx.msk $0xffff, v25;
	v46 =	vsub.f32 $1.500000000e+00, v40  }
0x2f2: {  	v52 =	vor.u32 $0x8, v20;
	[tilespmem:v44+s29+$0x0] =	vst.idx.msk $0xffff, v18;
	v28 =	vadd.f32 v61, v28;
	v24 =	vmul.f32 v30, v36  }
0x2f3: {  	v54 =	vld.idx.msk [tilespmem:v63+s19+$0x0], $0xffff;
	[tilespmem:v48+s29+$0x0] =	vst.idx.msk $0xffff, v17;
	v48 =	vor.u32 $0x3, v14;
	v55 =	vshll.u32 v16, $0x4;
	v50 =	vmul.f32 v46, v56  }
0x2f4: {  	v29 =	vld.idx.msk [tilespmem:v63+s21+$0x0], $0xffff;
	v22 =	vadd.f32 v28, v22;
	v58 =	vor.u32 $0x1, v55;
	v51 =	vmul.f32 v24, v2  }
0x2f5: {  	s10 =	sor.u32 s31, s10;
	v63 =	vor.u32 $0x2, v55;
	v37 =	vor.u32 $0x3, v55;
	v59 =	vld.idx.msk [tilespmem:v21+s19+$0x0], $0xffff;
	v25 =	vmul.f32 v50, v19  }
0x2f6: {  	p4 =	slt.u32 s10, $0x30D400;
	v39 =	vor.u32 $0x4, v55;
	v41 =	vor.u32 $0x5, v55;
	v21 =	vld.idx.msk [tilespmem:v21+s21+$0x0], $0xffff;
	v49 =	vpop (erf);
	v26 =	vmul.f32 v51, v24  }
0x2f7: {  	v15 =	vpsel !p4, $0x0, v49;
	v49 =	vor.u32 $0x4, v14;
	v25 =	vadd.f32 $9.999999930e-09, v25  }
0x2f8: {  	v14 =	vor.u32 $0x5, v14;
	v53 =	vmul.f32 v15, v22;
	v26 =	vmul.f32 $5.000000000e-01, v26  }
0x2f9: {  	[tilespmem:v52+s29+$0x0] =	vst.idx.msk $0xffff, v47;
	v43 =	vor.u32 $0x6, v55;
	v27 =	vld.idx.msk [tilespmem:v45+s21+$0x0], $0xffff;
	v57 =	vmul.f32 v15, v32;
	(erf) = vrcp.f32 v25  }
0x2fa: {  	v56 =	vld.idx.msk [tilespmem:v45+s19+$0x0], $0xffff;
	v60 =	vmul.f32 v15, v38;
	v23 =	vmul.f32 v15, v23;
	v38 =	vsub.f32 $1.500000000e+00, v26  }
0x2fb: {  	v22 =	vsub.f32 v29, v54;
	v21 =	vsub.f32 v21, v59;
	v61 =	vmul.f32 v57, v12  }
0x2fc: {  	v16 =	vadd.f32 v53, v34;
	v62 =	vmul.f32 v57, v8;
	v24 =	vmul.f32 v38, v24  }
0x2fd: {  	v20 =	vmul.f32 v57, v9;
	v40 =	vmul.f32 v60, v12;
	[tilespmem:v55+s29+$0x0] =	vst.idx.msk $0xffff, v61;
	v34 =	vld.idx.msk [tilespmem:v14+s19+$0x0], $0xffff  }
0x2fe: {  	v42 =	vmul.f32 v60, v8;
	v14 =	vld.idx.msk [tilespmem:v14+s21+$0x0], $0xffff;
	[tilespmem:v58+s29+$0x0] =	vst.idx.msk $0xffff, v62;
	v24 =	vmul.f32 v24, v2  }
0x2ff: {  	v17 =	vmul.f32 v60, v9;
	v27 =	vsub.f32 v27, v56;
	v56 =	vld.idx.msk [tilespmem:v48+s19+$0x0], $0xffff;
	[tilespmem:v63+s29+$0x0] =	vst.idx.msk $0xffff, v20  }
0x300: {  	v44 =	vor.u32 $0x7, v55;
	v46 =	vmul.f32 v22, v22;
	v62 =	vld.idx.msk [tilespmem:v48+s21+$0x0], $0xffff;
	[tilespmem:v37+s29+$0x0] =	vst.idx.msk $0xffff, v40;
	v24 =	vadd.f32 $9.999999930e-09, v24  }
0x301: {  	s6 =	sor.u32 s31, s6;
	v45 =	vor.u32 $0x8, v55;
	v12 =	vmul.f32 v23, v12;
	v8 =	vmul.f32 v23, v8;
	[tilespmem:v39+s29+$0x0] =	vst.idx.msk $0xffff, v42  }
0x302: {  	p5 =	slt.u32 s6, $0x30D400;
	v1 =	vadd.f32 v15, v1;
	v47 =	vmul.f32 v27, v27;
	[tilespmem:v41+s29+$0x0] =	vst.idx.msk $0xffff, v17;
	v52 =	vpop (erf);
	(erf) = vrcp.f32 v24  }
0x303: {  	v51 =	vmul.f32 v21, v21;
	v9 =	vmul.f32 v23, v9;
	[tilespmem:v43+s29+$0x0] =	vst.idx.msk $0xffff, v12;
	v12 =	vpsel !p5, $0x0, v52  }
0x304: {  	v55 =	vor.u32 $0x1, v7;
	v50 =	vadd.f32 v47, v46;
	v54 =	vmul.f32 v12, v22  }
0x305: {  	v59 =	vld.idx.msk [tilespmem:v49+s19+$0x0], $0xffff;
	v58 =	vor.u32 $0x2, v7;
	v46 =	vsub.f32 v14, v34;
	v20 =	vsub.f32 v62, v56  }
0x306: {  	v61 =	vor.u32 $0x3, v7;
	[tilespmem:v44+s29+$0x0] =	vst.idx.msk $0xffff, v8;
	v53 =	vadd.f32 v51, v50;
	v60 =	vmul.f32 v54, v13  }
0x307: {  	v17 =	vld.idx.msk [tilespmem:v49+s21+$0x0], $0xffff;
	[tilespmem:v45+s29+$0x0] =	vst.idx.msk $0xffff, v9;
	v57 =	vmul.f32 v12, v27;
	v63 =	vmul.f32 v54, v10  }
0x308: {  	v36 =	vor.u32 $0x5, v7;
	v56 =	vmul.f32 v46, v46;
	v9 =	vmul.f32 v54, v11;
	[tilespmem:v7+s29+$0x0] =	vst.idx.msk $0xffff, v60  }
0x309: {  	v38 =	vor.u32 $0x6, v7;
	v47 =	vmul.f32 v20, v20;
	v35 =	vmul.f32 v57, v13;
	[tilespmem:v55+s29+$0x0] =	vst.idx.msk $0xffff, v63  }
0x30a: {  	s5 =	sor.u32 s31, s5;
	v40 =	vor.u32 $0x7, v7;
	v21 =	vmul.f32 v12, v21;
	v37 =	vmul.f32 v57, v10;
	[tilespmem:v58+s29+$0x0] =	vst.idx.msk $0xffff, v9  }
0x30b: {  	p6 =	slt.u32 s5, $0x30D400;
	v8 =	vadd.f32 v53, v19;
	v39 =	vmul.f32 v57, v11;
	v7 =	vor.u32 $0x8, v7;
	[tilespmem:v61+s29+$0x0] =	vst.idx.msk $0xffff, v35;
	v41 =	vpop (erf)  }
0x30c: {  	v43 =	vsub.f32 v17, v59;
	v13 =	vmul.f32 v21, v13;
	[tilespmem:v33+s29+$0x0] =	vst.idx.msk $0xffff, v37;
	v42 =	vpsel !p6, $0x0, v41  }
0x30d: {  	v45 =	vor.u32 $0x1, v3;
	v10 =	vmul.f32 v21, v10;
	[tilespmem:v36+s29+$0x0] =	vst.idx.msk $0xffff, v39;
	v44 =	vmul.f32 v42, v20  }
0x30e: {  	v48 =	vor.u32 $0x2, v3;
	v49 =	vmul.f32 v43, v43;
	v11 =	vmul.f32 v21, v11;
	[tilespmem:v38+s29+$0x0] =	vst.idx.msk $0xffff, v13  }
0x30f: {  	v51 =	vor.u32 $0x3, v3;
	v8 =	vmul.f32 v12, v8;
	[tilespmem:v40+s29+$0x0] =	vst.idx.msk $0xffff, v10;
	v50 =	vmul.f32 v44, v5  }
0x310: {  	v54 =	vor.u32 $0x4, v3;
	v52 =	vmul.f32 v42, v43;
	v53 =	vmul.f32 v44, v4;
	[tilespmem:v7+s29+$0x0] =	vst.idx.msk $0xffff, v11  }
0x311: {  	v58 =	vor.u32 $0x5, v3;
	v10 =	vadd.f32 v49, v47;
	v55 =	vmul.f32 v44, v6;
	[tilespmem:v3+s29+$0x0] =	vst.idx.msk $0xffff, v50  }
0x312: {  	v60 =	vor.u32 $0x6, v3;
	v62 =	vmul.f32 v42, v46;
	v57 =	vmul.f32 v52, v5;
	[tilespmem:v45+s29+$0x0] =	vst.idx.msk $0xffff, v53  }
0x313: {  	v63 =	vor.u32 $0x7, v3;
	v59 =	vmul.f32 v52, v4;
	v61 =	vadd.f32 v56, v10;
	[tilespmem:v48+s29+$0x0] =	vst.idx.msk $0xffff, v55  }
0x314: {  	p1 =	por p0, p0;
	v1 =	vadd.f32 v12, v1;
	v7 =	vmul.f32 v52, v6;
	v3 =	vor.u32 $0x8, v3;
	[tilespmem:v51+s29+$0x0] =	vst.idx.msk $0xffff, v57  }
.Ltmp6:
0x315: {  	v5 =	vmul.f32 v62, v5;
	v2 =	vadd.f32 v61, v2;
	[tilespmem:v54+s29+$0x0] =	vst.idx.msk $0xffff, v59;
	(pc) =	sbr.rel @p1 .LBB2_15-.Ltmp6, $4  }
0x316: {  	v8 =	vadd.f32 v8, v16;
	v4 =	vmul.f32 v62, v4;
	[tilespmem:v58+s29+$0x0] =	vst.idx.msk $0xffff, v7  }
0x317: {  	v6 =	vmul.f32 v62, v6;
	v2 =	vmul.f32 v42, v2;
	[tilespmem:v60+s29+$0x0] =	vst.idx.msk $0xffff, v5  }
0x318: {  	[tilespmem:v63+s29+$0x0] =	vst.idx.msk $0xffff, v4  }
0x319: {  	s15 =	simm.s32 $0x40;
	p0 =	por $0x0, $0x0;
	v1 =	vadd.f32 v42, v1;
	v2 =	vadd.f32 v2, v8;
	[tilespmem:v3+s29+$0x0] =	vst.idx.msk $0xffff, v6  }
0x31a: {  	[tilespmem:s19], [sflag:$0x2] =	stream.indirect.gather [hbm4b:s4+s16], $0x8, s26, s16, $0xb8;
	[tilespmem:$0x1B020] =	vst v63  }
0x31b: {  	s5 =	simm.s32 $0x780  }
0x31c: {  	[tilespmem:s21], [sflag:$0x2] =	stream.indirect.gather [hbm4b:s4+s16], $0x8, s5, s16, $0xb8;
	[tilespmem:$0x1B020] =	vst v63  }
0x31d: {  	_ = 	snop  }
0x31e: {  	[spmem:s2] =	stream.indirect.scatter.add.f32 [tilespmem:s29], [sflag:$0x4], $0x10, s12, s16, $0xb8;
	[tilespmem:$0x1B020] =	vst v63  }
0x31f: {  	_ =	swait.ge [sflag:s22], $0x400  }
0x320: {  	[sflag:s22] =	ssyncset.done $0x0  }
0x321: {  	[sflag:s22] =	ssyncadd.s32 $0xFFFFFC00  }
0x322: {  	_ =	swait.ge [sflag:s22], $0x400  }
0x323: {  	[sflag:s22] =	ssyncset.done $0x0  }
0x324: {  	[sflag:s22] =	ssyncadd.s32 $0xFFFFFC00  }
0x325: {  	_ =	swait.ge [sflag:s0], $0x800  }
0x326: {  	s31 =	sor.u32 $0x300, s20;
	[sflag:s0] =	ssyncset.done $0x0  }
0x327: {  	s15 =	simm.s32 $0x0;
	p0 =	por $0x1, $0x1;
	[sflag:s0] =	ssyncadd.s32 $0xFFFFF800  }
.LBB2_17:
0x328: {  	v20 =	vor.u32 s15, v0  }
0x329: {  	v3 =	vshll.u32 v20, $0x3;
	_ =	sdelay $0x1  }
0x32a: {  	v4 =	vor.u32 $0x1, v3;
	_ =	sdelay $0x1  }
0x32b: {  	v5 =	vor.u32 $0x2, v3  }
0x32c: {  	v6 =	vld.idx.msk [tilespmem:v3+s17+$0x0], $0xffff  }
0x32d: {  	v8 =	vld.idx.msk [tilespmem:v3+s18+$0x0], $0xffff  }
0x32e: {  	v7 =	vld.idx.msk [tilespmem:v4+s17+$0x0], $0xffff  }
0x32f: {  	v4 =	vld.idx.msk [tilespmem:v4+s18+$0x0], $0xffff  }
0x330: {  	v9 =	vld.idx.msk [tilespmem:v5+s17+$0x0], $0xffff  }
0x331: {  	v5 =	vld.idx.msk [tilespmem:v5+s18+$0x0], $0xffff;
	_ =	sdelay $0x2  }
0x332: {  	v18 =	vsub.f32 v8, v6;
	v17 =	vsub.f32 v4, v7;
	_ =	sdelay $0x1  }
0x333: {  	v15 =	vsub.f32 v5, v9;
	v37 =	vmul.f32 v18, v18;
	v38 =	vmul.f32 v17, v17;
	_ =	sdelay $0x1  }
0x334: {  	s10 =	sor.u32 $0x10, s15;
	v39 =	vmul.f32 v15, v15;
	v4 =	vadd.f32 v38, v37  }
0x335: {  	v16 =	vor.u32 s10, v0  }
0x336: {  	v23 =	vshll.u32 v16, $0x3;
	v4 =	vadd.f32 v39, v4;
	_ =	sdelay $0x1  }
0x337: {  	v41 =	vor.u32 $0x1, v23;
	v5 =	vshra.s32 v4, $0x1  }
0x338: {  	v42 =	vor.u32 $0x2, v23;
	v5 =	vsub.s32 $0x5F3759DF, v5  }
0x339: {  	v40 =	vmul.f32 v5, v4  }
0x33a: {  	v43 =	vld.idx.msk [tilespmem:v23+s17+$0x0], $0xffff  }
0x33b: {  	v12 =	vld.idx.msk [tilespmem:v23+s18+$0x0], $0xffff;
	v6 =	vmul.f32 v5, v40  }
0x33c: {  	v10 =	vld.idx.msk [tilespmem:v41+s17+$0x0], $0xffff  }
0x33d: {  	v13 =	vld.idx.msk [tilespmem:v42+s17+$0x0], $0xffff;
	v6 =	vmul.f32 $5.000000000e-01, v6  }
0x33e: {  	v7 =	vld.idx.msk [tilespmem:v41+s18+$0x0], $0xffff  }
0x33f: {  	v11 =	vor.u32 $0x3, v3;
	v19 =	vld.idx.msk [tilespmem:v42+s18+$0x0], $0xffff;
	v6 =	vsub.f32 $1.500000000e+00, v6  }
0x340: {  	v14 =	vor.u32 $0x4, v3;
	v3 =	vor.u32 $0x5, v3  }
0x341: {  	v5 =	vmul.f32 v5, v6  }
0x342: {  	s6 =	sor.u32 $0x20, s15;
	v12 =	vsub.f32 v12, v43  }
0x343: {  	v8 =	vsub.f32 v7, v10;
	v7 =	vor.u32 s6, v0;
	v6 =	vmul.f32 v5, v4  }
0x344: {  	v24 =	vld.idx.msk [tilespmem:v11+s17+$0x0], $0xffff;
	v9 =	vsub.f32 v19, v13;
	v47 =	vmul.f32 v12, v12;
	v21 =	vshll.u32 v7, $0x3  }
0x345: {  	v44 =	vld.idx.msk [tilespmem:v3+s17+$0x0], $0xffff;
	v48 =	vmul.f32 v8, v8;
	v49 =	vor.u32 $0x1, v21;
	v6 =	vmul.f32 v6, v5  }
0x346: {  	v3 =	vld.idx.msk [tilespmem:v3+s18+$0x0], $0xffff  }
0x347: {  	v25 =	vld.idx.msk [tilespmem:v14+s17+$0x0], $0xffff;
	v50 =	vmul.f32 v9, v9;
	v13 =	vadd.f32 v48, v47;
	v6 =	vmul.f32 $5.000000000e-01, v6  }
0x348: {  	v45 =	vld.idx.msk [tilespmem:v11+s18+$0x0], $0xffff  }
0x349: {  	v36 =	vor.u32 $0x3, v23;
	v46 =	vld.idx.msk [tilespmem:v14+s18+$0x0], $0xffff;
	v22 =	vadd.f32 v50, v13;
	v6 =	vsub.f32 $1.500000000e+00, v6  }
0x34a: {  	v38 =	vor.u32 $0x4, v23;
	v23 =	vor.u32 $0x5, v23;
	v51 =	vor.u32 $0x2, v21;
	v53 =	vld.idx.msk [tilespmem:v49+s17+$0x0], $0xffff  }
0x34b: {  	v19 =	vld.idx.msk [tilespmem:v49+s18+$0x0], $0xffff;
	v5 =	vmul.f32 v6, v5;
	v6 =	vsub.f32 v3, v44;
	v3 =	vshra.s32 v22, $0x1  }
0x34c: {  	v26 =	vsub.s32 $0x5F3759DF, v3  }
0x34d: {  	s5 =	sor.u32 $0x30, s15;
	v52 =	vld.idx.msk [tilespmem:v21+s17+$0x0], $0xffff;
	v5 =	vmul.f32 v5, v4;
	v29 =	vmul.f32 v26, v22  }
0x34e: {  	v24 =	vsub.f32 v45, v24;
	v25 =	vsub.f32 v46, v25;
	v27 =	vld.idx.msk [tilespmem:v21+s18+$0x0], $0xffff;
	v3 =	vor.u32 s5, v0  }
0x34f: {  	v30 =	vld.idx.msk [tilespmem:v51+s17+$0x0], $0xffff;
	v14 =	vshll.u32 v3, $0x3;
	v5 =	vadd.f32 $9.999999930e-09, v5;
	v29 =	vmul.f32 v26, v29  }
0x350: {  	v54 =	vmul.f32 v24, v24;
	v28 =	vmul.f32 v25, v25;
	v10 =	vsub.f32 v19, v53;
	v53 =	vld.idx.msk [tilespmem:v23+s17+$0x0], $0xffff  }
0x351: {  	(erf) = vrcp.f32 v5;
	v5 =	vld.idx.msk [tilespmem:v51+s18+$0x0], $0xffff;
	v29 =	vmul.f32 $5.000000000e-01, v29  }
0x352: {  	v13 =	vadd.f32 v28, v54;
	v23 =	vld.idx.msk [tilespmem:v23+s18+$0x0], $0xffff;
	v55 =	vmul.f32 v6, v6;
	v31 =	vor.u32 $0x1, v14  }
0x353: {  	v57 =	vsub.f32 $1.500000000e+00, v29  }
0x354: {  	v32 =	vor.u32 $0x2, v14;
	v28 =	vadd.f32 v55, v13;
	v13 =	vsub.f32 v27, v52;
	v56 =	vld.idx.msk [tilespmem:v14+s17+$0x0], $0xffff  }
0x355: {  	v20 =	vshll.u32 v20, $0x4;
	v7 =	vshll.u32 v7, $0x4;
	v61 =	vld.idx.msk [tilespmem:v14+s18+$0x0], $0xffff;
	v26 =	vmul.f32 v26, v57  }
0x356: {  	v60 =	vmul.f32 v10, v10;
	v59 =	vmul.f32 v13, v13;
	v11 =	vsub.f32 v5, v30  }
0x357: {  	v54 =	vor.u32 $0x1, v20;
	v23 =	vsub.f32 v23, v53;
	v58 =	vld.idx.msk [tilespmem:v31+s17+$0x0], $0xffff;
	v41 =	vmul.f32 v26, v22  }
0x358: {  	v3 =	vshll.u32 v3, $0x4;
	v62 =	vld.idx.msk [tilespmem:v31+s18+$0x0], $0xffff;
	v5 =	vadd.f32 v60, v59;
	v63 =	vmul.f32 v11, v11  }
0x359: {  	s15 =	sor.u32 s31, s15;
	v4 =	vadd.f32 v28, v4;
	v40 =	vld.idx.msk [tilespmem:v32+s17+$0x0], $0xffff;
	v57 =	vor.u32 $0x2, v20;
	v42 =	vmul.f32 v41, v26  }
0x35a: {  	p1 =	slt.u32 s15, $0x30D400;
	v32 =	vld.idx.msk [tilespmem:v32+s18+$0x0], $0xffff;
	v33 =	vpop (erf);
	v19 =	vadd.f32 v63, v5;
	v5 =	vsub.f32 v61, v56;
	v61 =	vmul.f32 v23, v23  }
0x35b: {  	v49 =	vld.idx.msk [tilespmem:v36+s17+$0x0], $0xffff;
	v63 =	vor.u32 $0x3, v21;
	v33 =	vpsel !p1, $0x0, v33;
	v44 =	vmul.f32 $5.000000000e-01, v42  }
0x35c: {  	v36 =	vld.idx.msk [tilespmem:v36+s18+$0x0], $0xffff;
	v34 =	vmul.f32 v33, v4;
	v24 =	vmul.f32 v33, v24;
	v43 =	vshra.s32 v19, $0x1  }
0x35d: {  	v25 =	vmul.f32 v33, v25;
	v4 =	vsub.f32 v62, v58;
	v45 =	vsub.s32 $0x5F3759DF, v43  }
0x35e: {  	v42 =	vor.u32 $0x3, v20;
	v35 =	vmul.f32 v33, v6;
	v39 =	vmul.f32 v45, v19  }
0x35f: {  	v6 =	vsub.f32 v32, v40;
	v46 =	vmul.f32 v5, v5;
	v47 =	vmul.f32 v4, v4  }
0x360: {  	v1 =	vadd.f32 v33, v1;
	v27 =	vsub.f32 $1.500000000e+00, v44;
	v51 =	vmul.f32 v45, v39  }
0x361: {  	v40 =	vld.idx.msk [tilespmem:v38+s17+$0x0], $0xffff;
	v32 =	vsub.f32 v36, v49;
	v50 =	vmul.f32 v6, v6;
	v29 =	vadd.f32 v47, v46  }
0x362: {  	v38 =	vld.idx.msk [tilespmem:v38+s18+$0x0], $0xffff;
	v62 =	vor.u32 $0x5, v20;
	v26 =	vmul.f32 v27, v26;
	v27 =	vmul.f32 $5.000000000e-01, v51  }
0x363: {  	v43 =	vor.u32 $0x4, v20;
	v34 =	vadd.f32 v34, v2;
	v2 =	vadd.f32 v50, v29  }
0x364: {  	v37 =	vmul.f32 v24, v18;
	v48 =	vmul.f32 v24, v17;
	v27 =	vsub.f32 $1.500000000e+00, v27  }
0x365: {  	v24 =	vmul.f32 v24, v15;
	v52 =	vmul.f32 v25, v18;
	v30 =	vshra.s32 v2, $0x1  }
0x366: {  	v26 =	vmul.f32 v26, v22;
	v30 =	vsub.s32 $0x5F3759DF, v30;
	v56 =	vmul.f32 v45, v27  }
0x367: {  	v41 =	vmul.f32 v25, v17;
	v38 =	vsub.f32 v38, v40;
	v55 =	vmul.f32 v30, v2  }
0x368: {  	v58 =	vmul.f32 v32, v32;
	v26 =	vadd.f32 $9.999999930e-09, v26;
	v60 =	vmul.f32 v56, v19  }
0x369: {  	v33 =	vor.u32 $0x4, v7;
	[tilespmem:v20+s23+$0x0] =	vst.idx.msk $0xffff, v37;
	v59 =	vmul.f32 v38, v38;
	v36 =	vmul.f32 v30, v55  }
0x36a: {  	v44 =	vor.u32 $0x6, v20;
	[tilespmem:v54+s23+$0x0] =	vst.idx.msk $0xffff, v48;
	(erf) = vrcp.f32 v26;
	v40 =	vmul.f32 v60, v56  }
0x36b: {  	v25 =	vmul.f32 v25, v15;
	v48 =	vor.u32 $0x7, v20;
	[tilespmem:v57+s23+$0x0] =	vst.idx.msk $0xffff, v24;
	v36 =	vmul.f32 $5.000000000e-01, v36  }
0x36c: {  	v18 =	vmul.f32 v35, v18;
	[tilespmem:v42+s23+$0x0] =	vst.idx.msk $0xffff, v52;
	v28 =	vadd.f32 v59, v58;
	v40 =	vmul.f32 $5.000000000e-01, v40  }
0x36d: {  	[tilespmem:v43+s23+$0x0] =	vst.idx.msk $0xffff, v41;
	v45 =	vor.u32 $0x4, v21;
	v21 =	vor.u32 $0x5, v21;
	v36 =	vsub.f32 $1.500000000e+00, v36  }
0x36e: {  	v17 =	vmul.f32 v35, v17;
	v47 =	vmul.f32 v35, v15;
	[tilespmem:v62+s23+$0x0] =	vst.idx.msk $0xffff, v25;
	v46 =	vsub.f32 $1.500000000e+00, v40  }
0x36f: {  	v52 =	vor.u32 $0x8, v20;
	[tilespmem:v44+s23+$0x0] =	vst.idx.msk $0xffff, v18;
	v28 =	vadd.f32 v61, v28;
	v24 =	vmul.f32 v30, v36  }
0x370: {  	v54 =	vld.idx.msk [tilespmem:v63+s17+$0x0], $0xffff;
	[tilespmem:v48+s23+$0x0] =	vst.idx.msk $0xffff, v17;
	v48 =	vor.u32 $0x3, v14;
	v55 =	vshll.u32 v16, $0x4;
	v50 =	vmul.f32 v46, v56  }
0x371: {  	v29 =	vld.idx.msk [tilespmem:v63+s18+$0x0], $0xffff;
	v22 =	vadd.f32 v28, v22;
	v58 =	vor.u32 $0x1, v55;
	v51 =	vmul.f32 v24, v2  }
0x372: {  	s10 =	sor.u32 s31, s10;
	v63 =	vor.u32 $0x2, v55;
	v37 =	vor.u32 $0x3, v55;
	v59 =	vld.idx.msk [tilespmem:v21+s17+$0x0], $0xffff;
	v25 =	vmul.f32 v50, v19  }
0x373: {  	p4 =	slt.u32 s10, $0x30D400;
	v39 =	vor.u32 $0x4, v55;
	v41 =	vor.u32 $0x5, v55;
	v21 =	vld.idx.msk [tilespmem:v21+s18+$0x0], $0xffff;
	v49 =	vpop (erf);
	v26 =	vmul.f32 v51, v24  }
0x374: {  	v15 =	vpsel !p4, $0x0, v49;
	v49 =	vor.u32 $0x4, v14;
	v25 =	vadd.f32 $9.999999930e-09, v25  }
0x375: {  	v14 =	vor.u32 $0x5, v14;
	v53 =	vmul.f32 v15, v22;
	v26 =	vmul.f32 $5.000000000e-01, v26  }
0x376: {  	[tilespmem:v52+s23+$0x0] =	vst.idx.msk $0xffff, v47;
	v43 =	vor.u32 $0x6, v55;
	v27 =	vld.idx.msk [tilespmem:v45+s18+$0x0], $0xffff;
	v57 =	vmul.f32 v15, v32;
	(erf) = vrcp.f32 v25  }
0x377: {  	v56 =	vld.idx.msk [tilespmem:v45+s17+$0x0], $0xffff;
	v60 =	vmul.f32 v15, v38;
	v23 =	vmul.f32 v15, v23;
	v38 =	vsub.f32 $1.500000000e+00, v26  }
0x378: {  	v22 =	vsub.f32 v29, v54;
	v21 =	vsub.f32 v21, v59;
	v61 =	vmul.f32 v57, v12  }
0x379: {  	v16 =	vadd.f32 v53, v34;
	v62 =	vmul.f32 v57, v8;
	v24 =	vmul.f32 v38, v24  }
0x37a: {  	v20 =	vmul.f32 v57, v9;
	v40 =	vmul.f32 v60, v12;
	[tilespmem:v55+s23+$0x0] =	vst.idx.msk $0xffff, v61;
	v34 =	vld.idx.msk [tilespmem:v14+s17+$0x0], $0xffff  }
0x37b: {  	v42 =	vmul.f32 v60, v8;
	v14 =	vld.idx.msk [tilespmem:v14+s18+$0x0], $0xffff;
	[tilespmem:v58+s23+$0x0] =	vst.idx.msk $0xffff, v62;
	v24 =	vmul.f32 v24, v2  }
0x37c: {  	v17 =	vmul.f32 v60, v9;
	v27 =	vsub.f32 v27, v56;
	v56 =	vld.idx.msk [tilespmem:v48+s17+$0x0], $0xffff;
	[tilespmem:v63+s23+$0x0] =	vst.idx.msk $0xffff, v20  }
0x37d: {  	v44 =	vor.u32 $0x7, v55;
	v46 =	vmul.f32 v22, v22;
	v62 =	vld.idx.msk [tilespmem:v48+s18+$0x0], $0xffff;
	[tilespmem:v37+s23+$0x0] =	vst.idx.msk $0xffff, v40;
	v24 =	vadd.f32 $9.999999930e-09, v24  }
0x37e: {  	s6 =	sor.u32 s31, s6;
	v45 =	vor.u32 $0x8, v55;
	v12 =	vmul.f32 v23, v12;
	v8 =	vmul.f32 v23, v8;
	[tilespmem:v39+s23+$0x0] =	vst.idx.msk $0xffff, v42  }
0x37f: {  	p5 =	slt.u32 s6, $0x30D400;
	v1 =	vadd.f32 v15, v1;
	v47 =	vmul.f32 v27, v27;
	[tilespmem:v41+s23+$0x0] =	vst.idx.msk $0xffff, v17;
	v52 =	vpop (erf);
	(erf) = vrcp.f32 v24  }
0x380: {  	v51 =	vmul.f32 v21, v21;
	v9 =	vmul.f32 v23, v9;
	[tilespmem:v43+s23+$0x0] =	vst.idx.msk $0xffff, v12;
	v12 =	vpsel !p5, $0x0, v52  }
0x381: {  	v55 =	vor.u32 $0x1, v7;
	v50 =	vadd.f32 v47, v46;
	v54 =	vmul.f32 v12, v22  }
0x382: {  	v59 =	vld.idx.msk [tilespmem:v49+s17+$0x0], $0xffff;
	v58 =	vor.u32 $0x2, v7;
	v46 =	vsub.f32 v14, v34;
	v20 =	vsub.f32 v62, v56  }
0x383: {  	v61 =	vor.u32 $0x3, v7;
	[tilespmem:v44+s23+$0x0] =	vst.idx.msk $0xffff, v8;
	v53 =	vadd.f32 v51, v50;
	v60 =	vmul.f32 v54, v13  }
0x384: {  	v17 =	vld.idx.msk [tilespmem:v49+s18+$0x0], $0xffff;
	[tilespmem:v45+s23+$0x0] =	vst.idx.msk $0xffff, v9;
	v57 =	vmul.f32 v12, v27;
	v63 =	vmul.f32 v54, v10  }
0x385: {  	v36 =	vor.u32 $0x5, v7;
	v56 =	vmul.f32 v46, v46;
	v9 =	vmul.f32 v54, v11;
	[tilespmem:v7+s23+$0x0] =	vst.idx.msk $0xffff, v60  }
0x386: {  	v38 =	vor.u32 $0x6, v7;
	v47 =	vmul.f32 v20, v20;
	v35 =	vmul.f32 v57, v13;
	[tilespmem:v55+s23+$0x0] =	vst.idx.msk $0xffff, v63  }
0x387: {  	s5 =	sor.u32 s31, s5;
	v40 =	vor.u32 $0x7, v7;
	v21 =	vmul.f32 v12, v21;
	v37 =	vmul.f32 v57, v10;
	[tilespmem:v58+s23+$0x0] =	vst.idx.msk $0xffff, v9  }
0x388: {  	p6 =	slt.u32 s5, $0x30D400;
	v8 =	vadd.f32 v53, v19;
	v39 =	vmul.f32 v57, v11;
	v7 =	vor.u32 $0x8, v7;
	[tilespmem:v61+s23+$0x0] =	vst.idx.msk $0xffff, v35;
	v41 =	vpop (erf)  }
0x389: {  	v43 =	vsub.f32 v17, v59;
	v13 =	vmul.f32 v21, v13;
	[tilespmem:v33+s23+$0x0] =	vst.idx.msk $0xffff, v37;
	v42 =	vpsel !p6, $0x0, v41  }
0x38a: {  	v45 =	vor.u32 $0x1, v3;
	v10 =	vmul.f32 v21, v10;
	[tilespmem:v36+s23+$0x0] =	vst.idx.msk $0xffff, v39;
	v44 =	vmul.f32 v42, v20  }
0x38b: {  	v48 =	vor.u32 $0x2, v3;
	v49 =	vmul.f32 v43, v43;
	v11 =	vmul.f32 v21, v11;
	[tilespmem:v38+s23+$0x0] =	vst.idx.msk $0xffff, v13  }
0x38c: {  	v51 =	vor.u32 $0x3, v3;
	v8 =	vmul.f32 v12, v8;
	[tilespmem:v40+s23+$0x0] =	vst.idx.msk $0xffff, v10;
	v50 =	vmul.f32 v44, v5  }
0x38d: {  	v54 =	vor.u32 $0x4, v3;
	v52 =	vmul.f32 v42, v43;
	v53 =	vmul.f32 v44, v4;
	[tilespmem:v7+s23+$0x0] =	vst.idx.msk $0xffff, v11  }
0x38e: {  	v58 =	vor.u32 $0x5, v3;
	v10 =	vadd.f32 v49, v47;
	v55 =	vmul.f32 v44, v6;
	[tilespmem:v3+s23+$0x0] =	vst.idx.msk $0xffff, v50  }
0x38f: {  	v60 =	vor.u32 $0x6, v3;
	v62 =	vmul.f32 v42, v46;
	v57 =	vmul.f32 v52, v5;
	[tilespmem:v45+s23+$0x0] =	vst.idx.msk $0xffff, v53  }
0x390: {  	v63 =	vor.u32 $0x7, v3;
	v59 =	vmul.f32 v52, v4;
	v61 =	vadd.f32 v56, v10;
	[tilespmem:v48+s23+$0x0] =	vst.idx.msk $0xffff, v55  }
0x391: {  	p1 =	por p0, p0;
	v1 =	vadd.f32 v12, v1;
	v7 =	vmul.f32 v52, v6;
	v3 =	vor.u32 $0x8, v3;
	[tilespmem:v51+s23+$0x0] =	vst.idx.msk $0xffff, v57  }
.Ltmp7:
0x392: {  	v5 =	vmul.f32 v62, v5;
	v2 =	vadd.f32 v61, v2;
	[tilespmem:v54+s23+$0x0] =	vst.idx.msk $0xffff, v59;
	(pc) =	sbr.rel @p1 .LBB2_17-.Ltmp7, $4  }
0x393: {  	v8 =	vadd.f32 v8, v16;
	v4 =	vmul.f32 v62, v4;
	[tilespmem:v58+s23+$0x0] =	vst.idx.msk $0xffff, v7  }
0x394: {  	v6 =	vmul.f32 v62, v6;
	v2 =	vmul.f32 v42, v2;
	[tilespmem:v60+s23+$0x0] =	vst.idx.msk $0xffff, v5  }
0x395: {  	[tilespmem:v63+s23+$0x0] =	vst.idx.msk $0xffff, v4  }
0x396: {  	s15 =	simm.s32 $0x40;
	p0 =	por $0x0, $0x0;
	v1 =	vadd.f32 v42, v1;
	v2 =	vadd.f32 v2, v8;
	[tilespmem:v3+s23+$0x0] =	vst.idx.msk $0xffff, v6  }
0x397: {  	[spmem:s2] =	stream.indirect.scatter.add.f32 [tilespmem:s23], [sflag:$0x3], $0x10, s25, s16, $0xb8;
	[tilespmem:$0x1B020] =	vst v63  }
0x398: {  	_ =	swait.ge [sflag:s28], $0x400  }
0x399: {  	[sflag:s28] =	ssyncset.done $0x0  }
0x39a: {  	[sflag:s28] =	ssyncadd.s32 $0xFFFFFC00  }
0x39b: {  	_ =	swait.ge [sflag:s28], $0x400  }
0x39c: {  	[sflag:s28] =	ssyncset.done $0x0  }
0x39d: {  	[sflag:s28] =	ssyncadd.s32 $0xFFFFFC00  }
0x39e: {  	_ =	swait.ge [sflag:s11], $0x800  }
0x39f: {  	s20 =	sor.u32 $0x380, s20;
	[sflag:s11] =	ssyncset.done $0x0  }
0x3a0: {  	s15 =	simm.s32 $0x0;
	p0 =	por $0x1, $0x1;
	[sflag:s11] =	ssyncadd.s32 $0xFFFFF800  }
.LBB2_19:
0x3a1: {  	v20 =	vor.u32 s15, v0  }
0x3a2: {  	v3 =	vshll.u32 v20, $0x3;
	_ =	sdelay $0x1  }
0x3a3: {  	v4 =	vor.u32 $0x1, v3;
	_ =	sdelay $0x1  }
0x3a4: {  	v5 =	vor.u32 $0x2, v3  }
0x3a5: {  	v6 =	vld.idx.msk [tilespmem:v3+s19+$0x0], $0xffff  }
0x3a6: {  	v8 =	vld.idx.msk [tilespmem:v3+s21+$0x0], $0xffff  }
0x3a7: {  	v7 =	vld.idx.msk [tilespmem:v4+s19+$0x0], $0xffff  }
0x3a8: {  	v4 =	vld.idx.msk [tilespmem:v4+s21+$0x0], $0xffff  }
0x3a9: {  	v9 =	vld.idx.msk [tilespmem:v5+s19+$0x0], $0xffff  }
0x3aa: {  	v5 =	vld.idx.msk [tilespmem:v5+s21+$0x0], $0xffff;
	_ =	sdelay $0x2  }
0x3ab: {  	v18 =	vsub.f32 v8, v6;
	v17 =	vsub.f32 v4, v7;
	_ =	sdelay $0x1  }
0x3ac: {  	v15 =	vsub.f32 v5, v9;
	v37 =	vmul.f32 v18, v18;
	v38 =	vmul.f32 v17, v17;
	_ =	sdelay $0x1  }
0x3ad: {  	s10 =	sor.u32 $0x10, s15;
	v39 =	vmul.f32 v15, v15;
	v4 =	vadd.f32 v38, v37  }
0x3ae: {  	v16 =	vor.u32 s10, v0  }
0x3af: {  	v23 =	vshll.u32 v16, $0x3;
	v4 =	vadd.f32 v39, v4;
	_ =	sdelay $0x1  }
0x3b0: {  	v41 =	vor.u32 $0x1, v23;
	v5 =	vshra.s32 v4, $0x1  }
0x3b1: {  	v42 =	vor.u32 $0x2, v23;
	v5 =	vsub.s32 $0x5F3759DF, v5  }
0x3b2: {  	v40 =	vmul.f32 v5, v4  }
0x3b3: {  	v43 =	vld.idx.msk [tilespmem:v23+s19+$0x0], $0xffff  }
0x3b4: {  	v12 =	vld.idx.msk [tilespmem:v23+s21+$0x0], $0xffff;
	v6 =	vmul.f32 v5, v40  }
0x3b5: {  	v10 =	vld.idx.msk [tilespmem:v41+s19+$0x0], $0xffff  }
0x3b6: {  	v13 =	vld.idx.msk [tilespmem:v42+s19+$0x0], $0xffff;
	v6 =	vmul.f32 $5.000000000e-01, v6  }
0x3b7: {  	v7 =	vld.idx.msk [tilespmem:v41+s21+$0x0], $0xffff  }
0x3b8: {  	v11 =	vor.u32 $0x3, v3;
	v19 =	vld.idx.msk [tilespmem:v42+s21+$0x0], $0xffff;
	v6 =	vsub.f32 $1.500000000e+00, v6  }
0x3b9: {  	v14 =	vor.u32 $0x4, v3;
	v3 =	vor.u32 $0x5, v3  }
0x3ba: {  	v5 =	vmul.f32 v5, v6  }
0x3bb: {  	s6 =	sor.u32 $0x20, s15;
	v12 =	vsub.f32 v12, v43  }
0x3bc: {  	v8 =	vsub.f32 v7, v10;
	v7 =	vor.u32 s6, v0;
	v6 =	vmul.f32 v5, v4  }
0x3bd: {  	v24 =	vld.idx.msk [tilespmem:v11+s19+$0x0], $0xffff;
	v9 =	vsub.f32 v19, v13;
	v47 =	vmul.f32 v12, v12;
	v21 =	vshll.u32 v7, $0x3  }
0x3be: {  	v44 =	vld.idx.msk [tilespmem:v3+s19+$0x0], $0xffff;
	v48 =	vmul.f32 v8, v8;
	v49 =	vor.u32 $0x1, v21;
	v6 =	vmul.f32 v6, v5  }
0x3bf: {  	v3 =	vld.idx.msk [tilespmem:v3+s21+$0x0], $0xffff  }
0x3c0: {  	v25 =	vld.idx.msk [tilespmem:v14+s19+$0x0], $0xffff;
	v50 =	vmul.f32 v9, v9;
	v13 =	vadd.f32 v48, v47;
	v6 =	vmul.f32 $5.000000000e-01, v6  }
0x3c1: {  	v45 =	vld.idx.msk [tilespmem:v11+s21+$0x0], $0xffff  }
0x3c2: {  	v36 =	vor.u32 $0x3, v23;
	v46 =	vld.idx.msk [tilespmem:v14+s21+$0x0], $0xffff;
	v22 =	vadd.f32 v50, v13;
	v6 =	vsub.f32 $1.500000000e+00, v6  }
0x3c3: {  	v38 =	vor.u32 $0x4, v23;
	v23 =	vor.u32 $0x5, v23;
	v51 =	vor.u32 $0x2, v21;
	v53 =	vld.idx.msk [tilespmem:v49+s19+$0x0], $0xffff  }
0x3c4: {  	v19 =	vld.idx.msk [tilespmem:v49+s21+$0x0], $0xffff;
	v5 =	vmul.f32 v6, v5;
	v6 =	vsub.f32 v3, v44;
	v3 =	vshra.s32 v22, $0x1  }
0x3c5: {  	v26 =	vsub.s32 $0x5F3759DF, v3  }
0x3c6: {  	s5 =	sor.u32 $0x30, s15;
	v52 =	vld.idx.msk [tilespmem:v21+s19+$0x0], $0xffff;
	v5 =	vmul.f32 v5, v4;
	v29 =	vmul.f32 v26, v22  }
0x3c7: {  	v24 =	vsub.f32 v45, v24;
	v25 =	vsub.f32 v46, v25;
	v27 =	vld.idx.msk [tilespmem:v21+s21+$0x0], $0xffff;
	v3 =	vor.u32 s5, v0  }
0x3c8: {  	v30 =	vld.idx.msk [tilespmem:v51+s19+$0x0], $0xffff;
	v14 =	vshll.u32 v3, $0x3;
	v5 =	vadd.f32 $9.999999930e-09, v5;
	v29 =	vmul.f32 v26, v29  }
0x3c9: {  	v54 =	vmul.f32 v24, v24;
	v28 =	vmul.f32 v25, v25;
	v10 =	vsub.f32 v19, v53;
	v53 =	vld.idx.msk [tilespmem:v23+s19+$0x0], $0xffff  }
0x3ca: {  	(erf) = vrcp.f32 v5;
	v5 =	vld.idx.msk [tilespmem:v51+s21+$0x0], $0xffff;
	v29 =	vmul.f32 $5.000000000e-01, v29  }
0x3cb: {  	v13 =	vadd.f32 v28, v54;
	v23 =	vld.idx.msk [tilespmem:v23+s21+$0x0], $0xffff;
	v55 =	vmul.f32 v6, v6;
	v31 =	vor.u32 $0x1, v14  }
0x3cc: {  	v57 =	vsub.f32 $1.500000000e+00, v29  }
0x3cd: {  	v32 =	vor.u32 $0x2, v14;
	v28 =	vadd.f32 v55, v13;
	v13 =	vsub.f32 v27, v52;
	v56 =	vld.idx.msk [tilespmem:v14+s19+$0x0], $0xffff  }
0x3ce: {  	v20 =	vshll.u32 v20, $0x4;
	v7 =	vshll.u32 v7, $0x4;
	v61 =	vld.idx.msk [tilespmem:v14+s21+$0x0], $0xffff;
	v26 =	vmul.f32 v26, v57  }
0x3cf: {  	v60 =	vmul.f32 v10, v10;
	v59 =	vmul.f32 v13, v13;
	v11 =	vsub.f32 v5, v30  }
0x3d0: {  	v54 =	vor.u32 $0x1, v20;
	v23 =	vsub.f32 v23, v53;
	v58 =	vld.idx.msk [tilespmem:v31+s19+$0x0], $0xffff;
	v41 =	vmul.f32 v26, v22  }
0x3d1: {  	v3 =	vshll.u32 v3, $0x4;
	v62 =	vld.idx.msk [tilespmem:v31+s21+$0x0], $0xffff;
	v5 =	vadd.f32 v60, v59;
	v63 =	vmul.f32 v11, v11  }
0x3d2: {  	s31 =	sor.u32 s20, s15;
	v4 =	vadd.f32 v28, v4;
	v40 =	vld.idx.msk [tilespmem:v32+s19+$0x0], $0xffff;
	v57 =	vor.u32 $0x2, v20;
	v42 =	vmul.f32 v41, v26  }
0x3d3: {  	p1 =	slt.u32 s31, $0x30D400;
	v32 =	vld.idx.msk [tilespmem:v32+s21+$0x0], $0xffff;
	v33 =	vpop (erf);
	v19 =	vadd.f32 v63, v5;
	v5 =	vsub.f32 v61, v56;
	v61 =	vmul.f32 v23, v23  }
0x3d4: {  	v49 =	vld.idx.msk [tilespmem:v36+s19+$0x0], $0xffff;
	v63 =	vor.u32 $0x3, v21;
	v33 =	vpsel !p1, $0x0, v33;
	v44 =	vmul.f32 $5.000000000e-01, v42  }
0x3d5: {  	v36 =	vld.idx.msk [tilespmem:v36+s21+$0x0], $0xffff;
	v34 =	vmul.f32 v33, v4;
	v24 =	vmul.f32 v33, v24;
	v43 =	vshra.s32 v19, $0x1  }
0x3d6: {  	v25 =	vmul.f32 v33, v25;
	v4 =	vsub.f32 v62, v58;
	v45 =	vsub.s32 $0x5F3759DF, v43  }
0x3d7: {  	v42 =	vor.u32 $0x3, v20;
	v35 =	vmul.f32 v33, v6;
	v39 =	vmul.f32 v45, v19  }
0x3d8: {  	v6 =	vsub.f32 v32, v40;
	v46 =	vmul.f32 v5, v5;
	v47 =	vmul.f32 v4, v4  }
0x3d9: {  	v1 =	vadd.f32 v33, v1;
	v27 =	vsub.f32 $1.500000000e+00, v44;
	v51 =	vmul.f32 v45, v39  }
0x3da: {  	v40 =	vld.idx.msk [tilespmem:v38+s19+$0x0], $0xffff;
	v32 =	vsub.f32 v36, v49;
	v50 =	vmul.f32 v6, v6;
	v29 =	vadd.f32 v47, v46  }
0x3db: {  	v38 =	vld.idx.msk [tilespmem:v38+s21+$0x0], $0xffff;
	v62 =	vor.u32 $0x5, v20;
	v26 =	vmul.f32 v27, v26;
	v27 =	vmul.f32 $5.000000000e-01, v51  }
0x3dc: {  	v43 =	vor.u32 $0x4, v20;
	v34 =	vadd.f32 v34, v2;
	v2 =	vadd.f32 v50, v29  }
0x3dd: {  	v37 =	vmul.f32 v24, v18;
	v48 =	vmul.f32 v24, v17;
	v27 =	vsub.f32 $1.500000000e+00, v27  }
0x3de: {  	v24 =	vmul.f32 v24, v15;
	v52 =	vmul.f32 v25, v18;
	v30 =	vshra.s32 v2, $0x1  }
0x3df: {  	v26 =	vmul.f32 v26, v22;
	v30 =	vsub.s32 $0x5F3759DF, v30;
	v56 =	vmul.f32 v45, v27  }
0x3e0: {  	v41 =	vmul.f32 v25, v17;
	v38 =	vsub.f32 v38, v40;
	v55 =	vmul.f32 v30, v2  }
0x3e1: {  	v58 =	vmul.f32 v32, v32;
	v26 =	vadd.f32 $9.999999930e-09, v26;
	v60 =	vmul.f32 v56, v19  }
0x3e2: {  	v33 =	vor.u32 $0x4, v7;
	[tilespmem:v20+s29+$0x0] =	vst.idx.msk $0xffff, v37;
	v59 =	vmul.f32 v38, v38;
	v36 =	vmul.f32 v30, v55  }
0x3e3: {  	v44 =	vor.u32 $0x6, v20;
	[tilespmem:v54+s29+$0x0] =	vst.idx.msk $0xffff, v48;
	(erf) = vrcp.f32 v26;
	v40 =	vmul.f32 v60, v56  }
0x3e4: {  	v25 =	vmul.f32 v25, v15;
	v48 =	vor.u32 $0x7, v20;
	[tilespmem:v57+s29+$0x0] =	vst.idx.msk $0xffff, v24;
	v36 =	vmul.f32 $5.000000000e-01, v36  }
0x3e5: {  	v18 =	vmul.f32 v35, v18;
	[tilespmem:v42+s29+$0x0] =	vst.idx.msk $0xffff, v52;
	v28 =	vadd.f32 v59, v58;
	v40 =	vmul.f32 $5.000000000e-01, v40  }
0x3e6: {  	[tilespmem:v43+s29+$0x0] =	vst.idx.msk $0xffff, v41;
	v45 =	vor.u32 $0x4, v21;
	v21 =	vor.u32 $0x5, v21;
	v36 =	vsub.f32 $1.500000000e+00, v36  }
0x3e7: {  	v17 =	vmul.f32 v35, v17;
	v47 =	vmul.f32 v35, v15;
	[tilespmem:v62+s29+$0x0] =	vst.idx.msk $0xffff, v25;
	v46 =	vsub.f32 $1.500000000e+00, v40  }
0x3e8: {  	v52 =	vor.u32 $0x8, v20;
	[tilespmem:v44+s29+$0x0] =	vst.idx.msk $0xffff, v18;
	v28 =	vadd.f32 v61, v28;
	v24 =	vmul.f32 v30, v36  }
0x3e9: {  	v54 =	vld.idx.msk [tilespmem:v63+s19+$0x0], $0xffff;
	[tilespmem:v48+s29+$0x0] =	vst.idx.msk $0xffff, v17;
	v48 =	vor.u32 $0x3, v14;
	v55 =	vshll.u32 v16, $0x4;
	v50 =	vmul.f32 v46, v56  }
0x3ea: {  	v29 =	vld.idx.msk [tilespmem:v63+s21+$0x0], $0xffff;
	v22 =	vadd.f32 v28, v22;
	v58 =	vor.u32 $0x1, v55;
	v51 =	vmul.f32 v24, v2  }
0x3eb: {  	s10 =	sor.u32 s20, s10;
	v63 =	vor.u32 $0x2, v55;
	v37 =	vor.u32 $0x3, v55;
	v59 =	vld.idx.msk [tilespmem:v21+s19+$0x0], $0xffff;
	v25 =	vmul.f32 v50, v19  }
0x3ec: {  	p4 =	slt.u32 s10, $0x30D400;
	v39 =	vor.u32 $0x4, v55;
	v41 =	vor.u32 $0x5, v55;
	v21 =	vld.idx.msk [tilespmem:v21+s21+$0x0], $0xffff;
	v49 =	vpop (erf);
	v26 =	vmul.f32 v51, v24  }
0x3ed: {  	v15 =	vpsel !p4, $0x0, v49;
	v49 =	vor.u32 $0x4, v14;
	v25 =	vadd.f32 $9.999999930e-09, v25  }
0x3ee: {  	v14 =	vor.u32 $0x5, v14;
	v53 =	vmul.f32 v15, v22;
	v26 =	vmul.f32 $5.000000000e-01, v26  }
0x3ef: {  	[tilespmem:v52+s29+$0x0] =	vst.idx.msk $0xffff, v47;
	v43 =	vor.u32 $0x6, v55;
	v27 =	vld.idx.msk [tilespmem:v45+s21+$0x0], $0xffff;
	v57 =	vmul.f32 v15, v32;
	(erf) = vrcp.f32 v25  }
0x3f0: {  	v56 =	vld.idx.msk [tilespmem:v45+s19+$0x0], $0xffff;
	v60 =	vmul.f32 v15, v38;
	v23 =	vmul.f32 v15, v23;
	v38 =	vsub.f32 $1.500000000e+00, v26  }
0x3f1: {  	v22 =	vsub.f32 v29, v54;
	v21 =	vsub.f32 v21, v59;
	v61 =	vmul.f32 v57, v12  }
0x3f2: {  	v16 =	vadd.f32 v53, v34;
	v62 =	vmul.f32 v57, v8;
	v24 =	vmul.f32 v38, v24  }
0x3f3: {  	v20 =	vmul.f32 v57, v9;
	v40 =	vmul.f32 v60, v12;
	[tilespmem:v55+s29+$0x0] =	vst.idx.msk $0xffff, v61;
	v34 =	vld.idx.msk [tilespmem:v14+s19+$0x0], $0xffff  }
0x3f4: {  	v42 =	vmul.f32 v60, v8;
	v14 =	vld.idx.msk [tilespmem:v14+s21+$0x0], $0xffff;
	[tilespmem:v58+s29+$0x0] =	vst.idx.msk $0xffff, v62;
	v24 =	vmul.f32 v24, v2  }
0x3f5: {  	v17 =	vmul.f32 v60, v9;
	v27 =	vsub.f32 v27, v56;
	v56 =	vld.idx.msk [tilespmem:v48+s19+$0x0], $0xffff;
	[tilespmem:v63+s29+$0x0] =	vst.idx.msk $0xffff, v20  }
0x3f6: {  	v44 =	vor.u32 $0x7, v55;
	v46 =	vmul.f32 v22, v22;
	v62 =	vld.idx.msk [tilespmem:v48+s21+$0x0], $0xffff;
	[tilespmem:v37+s29+$0x0] =	vst.idx.msk $0xffff, v40;
	v24 =	vadd.f32 $9.999999930e-09, v24  }
0x3f7: {  	s6 =	sor.u32 s20, s6;
	v45 =	vor.u32 $0x8, v55;
	v12 =	vmul.f32 v23, v12;
	v8 =	vmul.f32 v23, v8;
	[tilespmem:v39+s29+$0x0] =	vst.idx.msk $0xffff, v42  }
0x3f8: {  	p5 =	slt.u32 s6, $0x30D400;
	v1 =	vadd.f32 v15, v1;
	v47 =	vmul.f32 v27, v27;
	[tilespmem:v41+s29+$0x0] =	vst.idx.msk $0xffff, v17;
	v52 =	vpop (erf);
	(erf) = vrcp.f32 v24  }
0x3f9: {  	v51 =	vmul.f32 v21, v21;
	v9 =	vmul.f32 v23, v9;
	[tilespmem:v43+s29+$0x0] =	vst.idx.msk $0xffff, v12;
	v12 =	vpsel !p5, $0x0, v52  }
0x3fa: {  	v55 =	vor.u32 $0x1, v7;
	v50 =	vadd.f32 v47, v46;
	v54 =	vmul.f32 v12, v22  }
0x3fb: {  	v59 =	vld.idx.msk [tilespmem:v49+s19+$0x0], $0xffff;
	v58 =	vor.u32 $0x2, v7;
	v46 =	vsub.f32 v14, v34;
	v20 =	vsub.f32 v62, v56  }
0x3fc: {  	v61 =	vor.u32 $0x3, v7;
	[tilespmem:v44+s29+$0x0] =	vst.idx.msk $0xffff, v8;
	v53 =	vadd.f32 v51, v50;
	v60 =	vmul.f32 v54, v13  }
0x3fd: {  	v17 =	vld.idx.msk [tilespmem:v49+s21+$0x0], $0xffff;
	[tilespmem:v45+s29+$0x0] =	vst.idx.msk $0xffff, v9;
	v57 =	vmul.f32 v12, v27;
	v63 =	vmul.f32 v54, v10  }
0x3fe: {  	v36 =	vor.u32 $0x5, v7;
	v56 =	vmul.f32 v46, v46;
	v9 =	vmul.f32 v54, v11;
	[tilespmem:v7+s29+$0x0] =	vst.idx.msk $0xffff, v60  }
0x3ff: {  	v38 =	vor.u32 $0x6, v7;
	v47 =	vmul.f32 v20, v20;
	v35 =	vmul.f32 v57, v13;
	[tilespmem:v55+s29+$0x0] =	vst.idx.msk $0xffff, v63  }
0x400: {  	s5 =	sor.u32 s20, s5;
	v40 =	vor.u32 $0x7, v7;
	v21 =	vmul.f32 v12, v21;
	v37 =	vmul.f32 v57, v10;
	[tilespmem:v58+s29+$0x0] =	vst.idx.msk $0xffff, v9  }
0x401: {  	p6 =	slt.u32 s5, $0x30D400;
	v8 =	vadd.f32 v53, v19;
	v39 =	vmul.f32 v57, v11;
	v7 =	vor.u32 $0x8, v7;
	[tilespmem:v61+s29+$0x0] =	vst.idx.msk $0xffff, v35;
	v41 =	vpop (erf)  }
0x402: {  	v43 =	vsub.f32 v17, v59;
	v13 =	vmul.f32 v21, v13;
	[tilespmem:v33+s29+$0x0] =	vst.idx.msk $0xffff, v37;
	v42 =	vpsel !p6, $0x0, v41  }
0x403: {  	v45 =	vor.u32 $0x1, v3;
	v10 =	vmul.f32 v21, v10;
	[tilespmem:v36+s29+$0x0] =	vst.idx.msk $0xffff, v39;
	v44 =	vmul.f32 v42, v20  }
0x404: {  	v48 =	vor.u32 $0x2, v3;
	v49 =	vmul.f32 v43, v43;
	v11 =	vmul.f32 v21, v11;
	[tilespmem:v38+s29+$0x0] =	vst.idx.msk $0xffff, v13  }
0x405: {  	v51 =	vor.u32 $0x3, v3;
	v8 =	vmul.f32 v12, v8;
	[tilespmem:v40+s29+$0x0] =	vst.idx.msk $0xffff, v10;
	v50 =	vmul.f32 v44, v5  }
0x406: {  	v54 =	vor.u32 $0x4, v3;
	v52 =	vmul.f32 v42, v43;
	v53 =	vmul.f32 v44, v4;
	[tilespmem:v7+s29+$0x0] =	vst.idx.msk $0xffff, v11  }
0x407: {  	v58 =	vor.u32 $0x5, v3;
	v10 =	vadd.f32 v49, v47;
	v55 =	vmul.f32 v44, v6;
	[tilespmem:v3+s29+$0x0] =	vst.idx.msk $0xffff, v50  }
0x408: {  	v60 =	vor.u32 $0x6, v3;
	v62 =	vmul.f32 v42, v46;
	v57 =	vmul.f32 v52, v5;
	[tilespmem:v45+s29+$0x0] =	vst.idx.msk $0xffff, v53  }
0x409: {  	v63 =	vor.u32 $0x7, v3;
	v59 =	vmul.f32 v52, v4;
	v61 =	vadd.f32 v56, v10;
	[tilespmem:v48+s29+$0x0] =	vst.idx.msk $0xffff, v55  }
0x40a: {  	p1 =	por p0, p0;
	v1 =	vadd.f32 v12, v1;
	v7 =	vmul.f32 v52, v6;
	v3 =	vor.u32 $0x8, v3;
	[tilespmem:v51+s29+$0x0] =	vst.idx.msk $0xffff, v57  }
.Ltmp8:
0x40b: {  	v5 =	vmul.f32 v62, v5;
	v2 =	vadd.f32 v61, v2;
	[tilespmem:v54+s29+$0x0] =	vst.idx.msk $0xffff, v59;
	(pc) =	sbr.rel @p1 .LBB2_19-.Ltmp8, $4  }
0x40c: {  	v8 =	vadd.f32 v8, v16;
	v4 =	vmul.f32 v62, v4;
	[tilespmem:v58+s29+$0x0] =	vst.idx.msk $0xffff, v7  }
0x40d: {  	v6 =	vmul.f32 v62, v6;
	v2 =	vmul.f32 v42, v2;
	[tilespmem:v60+s29+$0x0] =	vst.idx.msk $0xffff, v5  }
0x40e: {  	[tilespmem:v63+s29+$0x0] =	vst.idx.msk $0xffff, v4  }
0x40f: {  	s15 =	simm.s32 $0x40;
	p0 =	por $0x0, $0x0;
	v1 =	vadd.f32 v42, v1;
	v2 =	vadd.f32 v2, v8;
	[tilespmem:v3+s29+$0x0] =	vst.idx.msk $0xffff, v6  }
0x410: {  	[spmem:s2] =	stream.indirect.scatter.add.f32 [tilespmem:s29], [sflag:$0x4], $0x10, s26, s16, $0xb8;
	[tilespmem:$0x1B020] =	vst v63  }
0x411: {  	s13 =	sadd.s32 $0x1, s13  }
0x412: {  	_ =	swait.ge [sflag:s0], $0x800;
	p0 =	sne.s32 s13, $0x62  }
.Ltmp9:
0x413: {  	[sflag:s0] =	ssyncset.done $0x0;
	(pc) =	sbr.rel @p0 .LBB2_4-.Ltmp9, $4  }
0x414: {  	[sflag:s0] =	ssyncadd.s32 $0xFFFFF800  }
0x415: {  	_ =	swait.ge [sflag:s11], $0x800  }
0x416: {  	[sflag:s11] =	ssyncset.done $0x0  }
0x417: {  	[sflag:s11] =	ssyncadd.s32 $0xFFFFF800  }
0x418: {  	[bflag:$0x0] =	sbarrier.arrive $0xFFFF  }
0x419: {  	s3 =	rddreg [dreg:$0x6]  }
0x41a: {  	s5 =	rddreg [dreg:$0x9]  }
0x41b: {  	[hbm:s3], [sflag:s9] =	dma.local [spmem:s5], $0x3100  }
0x41c: {  	_ =	swait.ge [sflag:s14], $0x3100  }
0x41d: {  	[sflag:s14] =	ssyncset.done $0x0  }
0x41e: {  	[sflag:s14] =	ssyncadd.s32 $0xFFFFCF00  }
0x41f: {  	[tilespmem:$0x2800] =	vst v2  }
0x420: {  	s13 =	simm.s32 $0x0;
	s6 =	simm.s32 $0x2800;
	s15 =	rddreg [dreg:$0x7];
	[tilespmem:$0x2810] =	vst v1  }
0x421: {  	[hbm4b:s15+s13] =	stream.linear.scatter [tilespmem:s6], [sflag:$0x5], $0x20, $0x38;
	[tilespmem:$0x1B020] =	vst v63  }
0x422: {  	_ =	swait.ge [sflag:s14], $0x20  }
0x423: {  	s20 =	rddreg [dreg:$0xa]  }
0x424: {  	s31 =	rddreg [dreg:$0x8];
	s5 =	sadd.s32 $0x1, s20  }
0x425: {  	p0 =	sne.s32 s5, s31  }
.Ltmp10:
0x426: {  	_ = 	snop;
	(pc) =	sbr.rel @p0 .LBB2_1-.Ltmp10, $3  }
0x427: {  	_ =	sdelay $0x1  }
0x428: {  	[sflag:s14] =	ssyncset.done $0x0  }
0x429: {  	[sflag:s14] =	ssyncadd.s32 $0xFFFFFFE0  }
0x42a: {  	_ =	sfence.sel $0x180000  }
0x42b: {  	[bflag:$0x0] =	sbarrier.arrive $0xFFFF  }
0x42c: {  	_ =	strace $0x90000047  }
0x42d: {  	s0 =	stileid.u32;
	[bflag:$0x2] =	sbarrier.arrive $0xFFFF  }
0x42e: {  	p0 =	sne.s32 s0, $0x0;
	s0 =	rddreg [dreg:$0x2]  }
0x42f: {  	s0 =	sadd.s32 @!p0 $0x100000, s0  }
0x430: {  	[sflag:s0] =	ssyncadd.tile.s32 @!p0 $0x1;
	_ =	shalt  }
.Lfunc_end2:
_tile_overlayer_lowered:
.L_overlay_start_2:
0x431: {  	(tag) =	ssettag $0x2  }
0x432: {  	s0 =	rddreg [dreg:$0x0];
	s2 =	stileid.u32  }
0x433: {  	s1 =	rddreg [dreg:$0x1];
	p0 =	sne.s32 s2, $0x0  }
0x434: {  	s3 =	rddreg [dreg:$0x2];
	[bflag:$0x3] =	sbarrier.arrive $0xFFFF;
	s2 =	simm.s32 @!p0 $0x1C05  }
0x435: {  	[timem:s3], [sflag:s2] =	dma.local @!p0 [hbm:s0], s1  }
0x436: {  	s0 =	simm.s32 @!p0 $0x5  }
0x437: {  	_ =	swait.ge @!p0 [sflag:s0], s1  }
0x438: {  	s1 =	ssub.s32 @!p0 $0x0, s1;
	[sflag:s0] =	ssyncset.done @!p0 $0x0  }
0x439: {  	[sflag:s0] =	ssyncadd.s32 @!p0 s1  }
0x43a: {  	[bflag:$0x3] =	sbarrier.arrive $0xFFFF  }
0x43b: {  	_ =	shalt  }

// kernel: kernel.7.cloned.1.call-start
scs
__scs_entry_jumppad:
0x0: {  	(pc) =	sbr.rel $0x88, $3  }
0x1: {  	(tag) =	ssettag $0x0;
	lr =	simm.s32 $0x1  }
0x2: {  	[smem:$0x3F9E] =	sst lr;
	_ =	strace $0xD0000000  }
0x3: {  	_ = 	snop  }
0x4: {  	_ = 	snop  }
0x5: {  	_ = 	snop  }
0x6: {  	_ = 	snop  }
0x7: {  	_ = 	snop  }
__scs_overlays_trampoline_lowered:
0x8: {  	[smem:$0x3FAD] =	sst s0  }
0x9: {  	[smem:$0x3FAE] =	sst s1  }
0xa: {  	[smem:$0x3FAF] =	sst s2  }
0xb: {  	[smem:$0x3FB0] =	sst s3  }
0xc: {  	[smem:$0x3FB1] =	sst s4  }
0xd: {  	[smem:$0x3FB2] =	sst s5  }
0xe: {  	[smem:$0x3FB3] =	sst s6  }
0xf: {  	[smem:$0x3FB4] =	sst s7  }
0x10: {  	[smem:$0x3FB5] =	sst s8  }
0x11: {  	[smem:$0x3FB6] =	sst s9;
	s0 =	simm.s32 @!p0 $0x0  }
0x12: {  	s1 =	sld [smem:$0x3F9C];
	s0 =	simm.s32 @p0 $0x1  }
0x13: {  	[smem:$0x3FB7] =	sst s0;
	s0 =	simm.s32 @!p1 $0x0  }
0x14: {  	s2 =	sld [smem:$0x3F9B];
	s0 =	simm.s32 @p1 $0x1  }
0x15: {  	[smem:$0x3FB8] =	sst s0;
	s0 =	simm.s32 @!p2 $0x0  }
0x16: {  	s3 =	sld [smem:$0x3FDB];
	s0 =	simm.s32 @p2 $0x1  }
0x17: {  	s4 =	simm.s32 $0x1BF5;
	[smem:$0x3FBA] =	sst s0  }
0x18: {  	s0 =	sld [smem:$0x3F9D];
	_ =	swait.ge [sflag:s4], $0x0  }
0x19: {  	s7 =	sld [smem:$0x3F9E]  }
0x1a: {  	s8 =	sadd.s32 $0xFFFFE003, lr  }
0x1b: {  	s9 =	sadd.s32 $0xFFFFFEF7, lr;
	s5 =	simm.s32 $0xFFFFFFFF;
	p2 =	slt.u32 s8, $0xFFFFF086  }
0x1c: {  	p1 =	slt.u32 s9, $0xF7A;
	s5 =	simm.s32 @!p2 $0x0  }
0x1d: {  	s5 =	simm.s32 @p1 $0x1;
	p0 =	seq.s32 s7, s2  }
0x1e: {  	s7 =	smul.u32 @!p0 $0xF7A, s2;
	p2 =	seq.s32 @!p0 s5, $0x0  }
0x1f: {  	s9 =	smul.u32 $0xF7A, s1;
	s8 =	simm.s32 @!p0 $0x1BF5;
	p2 =	por !p2, p0  }
0x20: {  	[sflag:s8] =	ssyncset.s32 @!p0 $0xFFFFF086;
	s6 =	sadd.s32 @!p0 s3, s7;
	s7 =	simm.s32 @!p0 $0x108  }
0x21: {  	s3 =	sadd.s32 s3, s9;
	s6 =	sadd.s32 @!p0 $0x88, s6;
	s7 =	simm.s32 @p2 $0x1082  }
0x22: {  	[simem:s7], [sflag:s8] =	dma.local @!p0 [hbm:s6], $0xF7A  }
0x23: {  	s9 =	sor.u32 $0xD0000000, s2;
	s6 =	simm.s32 $0x108;
	_ =	swait.ge @!p0 [sflag:s8], $0x0  }
0x24: {  	s3 =	sadd.s32 $0x88, s3;
	s6 =	simm.s32 @!p1 $0x1082;
	[sflag:s4] =	ssyncset.s32 $0xFFFFF086  }
0x25: {  	[simem:s6], [sflag:s4] =	dma.local [hbm:s3], $0xF7A  }
0x26: {  	[smem:$0x3F9E] =	sst s1;
	(tag) =	ssettag s2;
	_ =	strace s9  }
0x27: {  	s1 =	sld [smem:$0x3FAE]  }
0x28: {  	s2 =	sld [smem:$0x3FAF]  }
0x29: {  	s4 =	sld [smem:$0x3FB1]  }
0x2a: {  	p0 =	seq.s32 s5, $0x0;
	s5 =	sld [smem:$0x3FB2]  }
0x2b: {  	s6 =	sld [smem:$0x3FB3]  }
0x2c: {  	s7 =	sld [smem:$0x3FB4]  }
0x2d: {  	s3 =	simm.s32 $0x108;
	s8 =	sld [smem:$0x3FB5]  }
0x2e: {  	s3 =	simm.s32 @!p0 $0x1082;
	s9 =	sld [smem:$0x3FB6]  }
0x2f: {  	lr =	sadd.s32 s0, s3;
	s0 =	sld [smem:$0x3FAD]  }
0x30: {  	s3 =	sld [smem:$0x3FB0]  }
0x31: {  	[smem:$0x3FB9] =	sst s10  }
0x32: {  	s10 =	sld [smem:$0x3FB7];
	_ =	sdelay $0x3  }
0x33: {  	p0 =	seq.s32 s10, $0x1;
	s10 =	sld [smem:$0x3FB9];
	_ =	sdelay $0x3  }
0x34: {  	[smem:$0x3FB9] =	sst s10  }
0x35: {  	s10 =	sld [smem:$0x3FB8];
	_ =	sdelay $0x3  }
0x36: {  	p1 =	seq.s32 s10, $0x1;
	s10 =	sld [smem:$0x3FB9];
	_ =	sdelay $0x3  }
0x37: {  	[smem:$0x3FB9] =	sst s10  }
0x38: {  	s10 =	sld [smem:$0x3FBA]  }
0x39: {  	_ = 	snop;
	(pc) =	sbr.ind lr, $3  }
0x3a: {  	_ = 	snop  }
0x3b: {  	_ = 	snop  }
0x3c: {  	p2 =	seq.s32 s10, $0x1;
	s10 =	sld [smem:$0x3FB9]  }
0x3d: {  	_ =	shalt  }
0x3e: {  	_ =	shalt  }
0x3f: {  	_ =	shalt  }
0x40: {  	_ =	shalt  }
0x41: {  	_ =	shalt  }
0x42: {  	_ =	shalt  }
0x43: {  	_ =	shalt  }
0x44: {  	_ =	shalt  }
0x45: {  	_ =	shalt  }
0x46: {  	_ =	shalt  }
0x47: {  	_ =	shalt  }
0x48: {  	_ =	shalt  }
0x49: {  	_ =	shalt  }
0x4a: {  	_ =	shalt  }
0x4b: {  	_ =	shalt  }
0x4c: {  	_ =	shalt  }
0x4d: {  	_ =	shalt  }
0x4e: {  	_ =	shalt  }
0x4f: {  	_ =	shalt  }
0x50: {  	_ =	shalt  }
0x51: {  	_ =	shalt  }
0x52: {  	_ =	shalt  }
0x53: {  	_ =	shalt  }
0x54: {  	_ =	shalt  }
0x55: {  	_ =	shalt  }
0x56: {  	_ =	shalt  }
0x57: {  	_ =	shalt  }
0x58: {  	_ =	shalt  }
0x59: {  	_ =	shalt  }
0x5a: {  	_ =	shalt  }
0x5b: {  	_ =	shalt  }
0x5c: {  	_ =	shalt  }
0x5d: {  	_ =	shalt  }
0x5e: {  	_ =	shalt  }
0x5f: {  	_ =	shalt  }
0x60: {  	_ =	shalt  }
0x61: {  	_ =	shalt  }
0x62: {  	_ =	shalt  }
0x63: {  	_ =	shalt  }
0x64: {  	_ =	shalt  }
0x65: {  	_ =	shalt  }
0x66: {  	_ =	shalt  }
0x67: {  	_ =	shalt  }
0x68: {  	_ =	shalt  }
0x69: {  	_ =	shalt  }
0x6a: {  	_ =	shalt  }
0x6b: {  	_ =	shalt  }
0x6c: {  	_ =	shalt  }
0x6d: {  	_ =	shalt  }
0x6e: {  	_ =	shalt  }
0x6f: {  	_ =	shalt  }
0x70: {  	_ =	shalt  }
0x71: {  	_ =	shalt  }
0x72: {  	_ =	shalt  }
0x73: {  	_ =	shalt  }
0x74: {  	_ =	shalt  }
0x75: {  	_ =	shalt  }
0x76: {  	_ =	shalt  }
0x77: {  	_ =	shalt  }
0x78: {  	_ =	shalt  }
0x79: {  	_ =	shalt  }
0x7a: {  	_ =	shalt  }
0x7b: {  	_ =	shalt  }
0x7c: {  	_ =	shalt  }
0x7d: {  	_ =	shalt  }
0x7e: {  	_ =	shalt  }
0x7f: {  	_ =	shalt  }
0x80: {  	_ =	shalt  }
0x81: {  	_ =	shalt  }
0x82: {  	_ =	shalt  }
0x83: {  	_ =	shalt  }
0x84: {  	_ =	shalt  }
0x85: {  	_ =	shalt  }
0x86: {  	_ =	shalt  }
0x87: {  	_ =	shalt  }
.Lfunc_end0:
.L_simem_size_0:
called_computation.1_lowered:
.L_overlay_start_0:
0x88: {  	s2 =	sld [smem:$0x3FD9]  }
0x89: {  	s3 =	sld [smem:$0x3FFE];
	_ =	sdelay $0x1  }
0x8a: {  	s1 =	srdreg.scid  }
0x8b: {  	s0 =	sand.u32 $0x1, s1  }
0x8c: {  	s16 =	sshll.u32 s0, $0xA;
	s2 =	sadd.s32 s3, s2  }
0x8d: {  	s2 =	sadd.s32 s2, s16  }
0x8e: {  	[smem:$0x3FC5] =	sst s2  }
0x8f: {  	_ = 	snop  }
0x90: {  	(tm) =	ssettm $0x1  }
0x91: {  	s17 =	sld [smem:$0x3FFB];
	_ =	sdelay $0x3  }
0x92: {  	_ =	strace s17  }
0x93: {  	s2 =	sld [smem:$0x3FFC];
	_ =	sdelay $0x3  }
0x94: {  	_ =	strace s2  }
0x95: {  	s2 =	sld [smem:$0x3FFD];
	_ =	sdelay $0x3  }
0x96: {  	_ =	strace s2  }
0x97: {  	_ =	strace $0x8FFFFFFF  }
0x98: {  	s18 =	sld [smem:$0x3FDB];
	_ =	sdelay $0x1  }
0x99: {  	s19 =	simm.s32 $_scs_section_size  }
0x9a: {  	s4 =	simm.s32 $_size__tile_overlayer_lowered;
	s5 =	simm.s32 $_tile_overlayer_lowered  }
0x9b: {  	s22 =	simm.s32 $0x1BFF;
	s21 =	sshll.u32 s5, $0x1;
	s2 =	sadd.s32 s19, s18  }
0x9c: {  	s6 =	simm.s32 $0x0;
	s20 =	sshll.u32 s4, $0x1;
	s4 =	sadd.s32 s21, s2  }
0x9d: {  	[timem:s6], [sflag:s22] =	dma.local [hbm:s4], s20  }
0x9e: {  	_ =	swait.ge [sflag:s22], s20  }
0x9f: {  	s3 =	ssub.s32 $0x0, s20;
	[sflag:s22] =	ssyncset.done $0x0  }
0xa0: {  	[sflag:s22] =	ssyncadd.s32 s3;
	_ =	sdelay $0x1  }
0xa1: {  	s23 =	simm.s32 $0x1B8B  }
0xa2: {  	_ =	swait.ge [sflag:s23], $0x1  }
0xa3: {  	[sflag:s23] =	ssyncset.done $0x0  }
0xa4: {  	s25 =	simm.s32 $0x1B8E;
	s24 =	sld [smem:$0x3FFE];
	[sflag:s23] =	ssyncadd.s32 $0xFFFFFFFF  }
0xa5: {  	s26 =	simm.s32 $execute0_lowered;
	[smem:$0x3FD2] =	sst s25  }
0xa6: {  	s4 =	sshll.u32 s26, $0x1;
	_ =	strace $0x80000049;
	[dreg:$0x1] =	wrdreg $0xFFFFFFFF  }
0xa7: {  	s28 =	simm.s32 $_size_execute0_lowered;
	s2 =	sadd.s32 s2, s4;
	[dreg:$0x0] =	wrdreg $0x0  }
0xa8: {  	s4 =	sshll.u32 s28, $0x1;
	[dreg:$0x2] =	wrdreg s2  }
0xa9: {  	[dreg:$0x3] =	wrdreg s4  }
0xaa: {  	[dreg:$0x4] =	wrdreg $0xC0  }
0xab: {  	_ =	task [dreg:s6], $0x5FFFF  }
0xac: {  	[dreg:$0x1] =	wrdreg $0xFFFFFFFF  }
0xad: {  	[dreg:$0x0] =	wrdreg $0x60  }
0xae: {  	[dreg:$0x2] =	wrdreg s24  }
0xaf: {  	[dreg:$0x3] =	wrdreg $0x9  }
0xb0: {  	_ =	task.clear_ibuf [dreg:s6], $0x4FFFF;
	_ =	strace $0x90000049  }
0xb1: {  	s29 =	simm.s32 $0x9;
	_ =	strace $0x8000004B  }
0xb2: {  	_ =	swait.ge [sflag:s29], $0x1  }
0xb3: {  	[sflag:s29] =	ssyncadd.s32 $0xFFFFFFFF  }
0xb4: {  	_ =	strace $0x9000004B  }
0xb5: {  	_ =	sfence  }
0xb6: {  	s30 =	sld [smem:$0x0];
	_ =	sdelay $0x2  }
0xb7: {  	s31 =	sshll.u32 s1, $0xD;
	s1 =	sshrl.u32 s1, $0x2  }
0xb8: {  	s3 =	sand.u32 $0x4000, s31;
	s1 =	sadd.s32 s1, s30  }
0xb9: {  	s0 =	sor.u32 s3, s0;
	s1 =	sshll.u32 s1, $0x11  }
0xba: {  	s0 =	sor.u32 s1, s0  }
0xbb: {  	s0 =	sadd.s32 $0x8F2B, s0  }
0xbc: {  	[sflag:s0] =	ssyncadd.remote.s32 $0x1  }
0xbd: {  	_ =	sfence.sel $0xFFFF  }
0xbe: {  	[dreg:$0x0] =	wrdreg $0xFFFFFFFF;
	(pc) =	sbr.abs _section_cstart, $3  }
0xbf: {  	[dreg:$0x1] =	wrdreg $0xFFFFFFFF  }
0xc0: {  	_ =	task.clear_ibuf [dreg:s6], $0x2FFFF;
	_ =	strace $0x9FFFFFFF  }
0xc1: {  	(tm) =	ssettm $0x7FFFFFFF  }
tec
execute0_lowered:
.L_overlay_start_1:
0x0: {  	(tag) =	ssettag $0x1  }
0x1: {  	s5 =	rddreg [dreg:$0x0]  }
0x2: {  	s0 =	rddreg [dreg:$0x1]  }
0x3: {  	s2 =	simm.s32 $0x0;
	s3 =	srdreg.scid;
	s1 =	stileid.u32  }
0x4: {  	s10 =	simm.s32 $0x6200;
	s11 =	simm.s32 $0x0;
	[smem:$0x7FF] =	sst s2  }
0x5: {  	s4 =	sand.u32 $0x1, s3;
	s3 =	sadd.s32 $0xC4600, s5;
	s6 =	sshll.u32 s1, $0x1  }
0x6: {  	_ =	strace $0x8000004A;
	s7 =	ssub.s32 $0x2, s4;
	s6 =	sadd.s32 s6, s5  }
0x7: {  	s9 =	sshll.u32 s4, $0x4;
	s31 =	sshll.u32 s4, $0x5;
	s5 =	sadd.s32 $0xF5600, s5  }
0x8: {  	s8 =	sshrl.u32 s7, $0x1;
	s30 =	sor.u32 s1, s9;
	s6 =	sadd.s32 s31, s6  }
0x9: {  	v0 =	vlaneseq.u32;
	s9 =	simm.s32 $0x3100;
	s7 =	ssub.s32 s7, s8;
	s4 =	smul.u32 $0xC40, s30  }
0xa: {  	v0 =	vmul.u32 $0x10, v0;
	s6 =	sadd.s32 $0x200, s6;
	s8 =	simm.s32 $0x1;
	s7 =	smax.u32 s7, $0x1  }
.LBB2_1:
0xb: {  	v1 =	vimm.f32 $0.0e+00;
	s12 =	simm.s32 $0x0  }
.LBB2_2:
0xc: {  	s13 =	smul.u32 $0x310, s12;
	_ =	sdelay $0x1  }
0xd: {  	s13 =	sadd.s32 s4, s13  }
0xe: {  	s14 =	sshll.u32 s13, $0x1  }
0xf: {  	s13 =	simm.s32 $0x0;
	s15 =	sadd.s32 s3, s14  }
0x10: {  	[tilespmem:s13], [sflag:$0x1] =	stream.linear.gather [hbm4b:s15+s13], $0x3100, $0x38;
	[tilespmem:$0x6210] =	vst v63  }
0x11: {  	_ =	swait.ge [sflag:s8], $0x3100  }
0x12: {  	[sflag:s8] =	ssyncset.done $0x0  }
0x13: {  	s14 =	sadd.s32 s14, s5;
	[sflag:s8] =	ssyncadd.s32 $0xFFFFCF00  }
0x14: {  	[tilespmem:s9], [sflag:$0x1] =	stream.linear.gather [hbm4b:s14+s13], $0x3100, $0x38;
	[tilespmem:$0x6210] =	vst v63  }
0x15: {  	_ =	swait.ge [sflag:s8], $0x3100  }
0x16: {  	[sflag:s8] =	ssyncset.done $0x0  }
0x17: {  	[sflag:s8] =	ssyncadd.s32 $0xFFFFCF00  }
.LBB2_3:
0x18: {  	s14 =	sshll.u32 s13, $0x4  }
0x19: {  	v2 =	vmov s14  }
0x1a: {  	v2 =	vshll.u32 v2, $0x4  }
0x1b: {  	v2 =	vor.u32 v0, v2;
	_ =	sdelay $0x1  }
0x1c: {  	v3 =	vor.u32 $0x1, v2;
	_ =	sdelay $0x1  }
0x1d: {  	v4 =	vor.u32 $0x2, v2  }
0x1e: {  	v5 =	vld.idx.msk [tilespmem:v2+s2+$0x0], $0xffff  }
0x1f: {  	v7 =	vor.u32 $0x3, v2;
	v6 =	vld.idx.msk [tilespmem:v2+s9+$0x0], $0xffff  }
0x20: {  	v8 =	vld.idx.msk [tilespmem:v3+s2+$0x0], $0xffff  }
0x21: {  	v9 =	vor.u32 $0x4, v2;
	v3 =	vld.idx.msk [tilespmem:v3+s9+$0x0], $0xffff  }
0x22: {  	v11 =	vld.idx.msk [tilespmem:v4+s2+$0x0], $0xffff  }
0x23: {  	v10 =	vor.u32 $0x5, v2;
	v4 =	vld.idx.msk [tilespmem:v4+s9+$0x0], $0xffff  }
0x24: {  	v12 =	vld.idx.msk [tilespmem:v7+s2+$0x0], $0xffff  }
0x25: {  	v13 =	vor.u32 $0x6, v2;
	v7 =	vld.idx.msk [tilespmem:v7+s9+$0x0], $0xffff  }
0x26: {  	v14 =	vld.idx.msk [tilespmem:v9+s2+$0x0], $0xffff  }
0x27: {  	v16 =	vor.u32 $0x7, v2;
	v15 =	vld.idx.msk [tilespmem:v9+s9+$0x0], $0xffff  }
0x28: {  	v17 =	vld.idx.msk [tilespmem:v10+s2+$0x0], $0xffff  }
0x29: {  	v2 =	vor.u32 $0x8, v2;
	v18 =	vld.idx.msk [tilespmem:v10+s9+$0x0], $0xffff  }
0x2a: {  	v19 =	vld.idx.msk [tilespmem:v13+s2+$0x0], $0xffff  }
0x2b: {  	v13 =	vld.idx.msk [tilespmem:v13+s9+$0x0], $0xffff  }
0x2c: {  	v20 =	vld.idx.msk [tilespmem:v16+s2+$0x0], $0xffff  }
0x2d: {  	v9 =	vadd.f32 v6, v5;
	v10 =	vadd.f32 v3, v8;
	v3 =	vld.idx.msk [tilespmem:v16+s9+$0x0], $0xffff  }
0x2e: {  	v8 =	vadd.f32 v4, v11;
	v11 =	vld.idx.msk [tilespmem:v2+s2+$0x0], $0xffff  }
0x2f: {  	v7 =	vadd.f32 v7, v12;
	v2 =	vld.idx.msk [tilespmem:v2+s9+$0x0], $0xffff;
	v4 =	vand.u32 $0x7FFFFFFF, v9;
	v5 =	vand.u32 $0x7FFFFFFF, v10  }
0x30: {  	v6 =	vadd.f32 v15, v14;
	v12 =	vand.u32 $0x7FFFFFFF, v8;
	v4 =	vmax.f32 v4, v5  }
0x31: {  	v14 =	vand.u32 $0x7FFFFFFF, v7;
	v5 =	vadd.f32 v18, v17;
	v12 =	vmax.f32 v4, v12  }
0x32: {  	v4 =	vadd.f32 v13, v19;
	v13 =	vand.u32 $0x7FFFFFFF, v6;
	v12 =	vmax.f32 v12, v14  }
0x33: {  	v3 =	vadd.f32 v3, v20;
	v12 =	vmax.f32 v12, v13;
	v13 =	vand.u32 $0x7FFFFFFF, v5  }
0x34: {  	v2 =	vadd.f32 v2, v11;
	v11 =	vmax.f32 v12, v13;
	v12 =	vand.u32 $0x7FFFFFFF, v4  }
0x35: {  	v11 =	vmax.f32 v11, v12;
	v12 =	vand.u32 $0x7FFFFFFF, v3  }
0x36: {  	v11 =	vmax.f32 v11, v12;
	v12 =	vand.u32 $0x7FFFFFFF, v2  }
0x37: {  	v11 =	vmax.f32 v11, v12  }
0x38: {  	v11 =	vmul.f32 $4.000000000e+00, v11;
	_ =	sdelay $0x1  }
0x39: {  	v11 =	vadd.f32 $1.000000020e-35, v11;
	_ =	sdelay $0x1  }
0x3a: {  	(erf) = vrcp.f32 v11;
	_ =	sdelay $0x8  }
0x3b: {  	v11 =	vpop (erf)  }
0x3c: {  	v23 =	vmul.f32 v11, v9  }
0x3d: {  	v21 =	vmul.f32 v11, v10;
	v26 =	vmul.f32 v11, v8  }
0x3e: {  	v28 =	vmul.f32 v11, v7;
	v25 =	vmul.f32 v11, v6  }
0x3f: {  	v30 =	vmul.f32 v11, v5;
	v20 =	vmul.f32 v11, v4  }
0x40: {  	v27 =	vmul.f32 v11, v3;
	v29 =	vmul.f32 v11, v2  }
0x41: {  	v14 =	vmul.f32 v28, v28;
	v13 =	vmul.f32 v20, v20  }
0x42: {  	v12 =	vmul.f32 v21, v21;
	v16 =	vmul.f32 v23, v23  }
0x43: {  	v15 =	vmul.f32 v21, v23;
	v11 =	vmul.f32 v27, v27  }
0x44: {  	s15 =	simm.s32 $0x13;
	v17 =	vmul.f32 v25, v28;
	v31 =	vmul.f32 v29, v27;
	v24 =	vmovc v21;
	v22 =	vmov v28  }
.LBB2_4:
0x45: {  	p0 =	sne.s32 s15, $0x1;
	s15 =	sadd.s32 $0xFFFFFFFF, s15;
	v14 =	vadd.f32 v14, v16;
	v16 =	vmul.f32 v25, v25;
	v18 =	vmul.f32 v29, v29  }
0x46: {  	v15 =	vadd.f32 v17, v15;
	v17 =	vmul.f32 v26, v23;
	v19 =	vmul.f32 v30, v30  }
0x47: {  	v32 =	vmul.f32 v26, v26;
	v13 =	vadd.f32 v13, v14;
	v14 =	vmul.f32 v27, v20  }
0x48: {  	v33 =	vmul.f32 v30, v25;
	v12 =	vadd.f32 v16, v12;
	v16 =	vmul.f32 v26, v21  }
0x49: {  	v19 =	vadd.f32 v19, v32;
	v14 =	vadd.f32 v14, v15;
	v15 =	vmul.f32 v30, v28  }
0x4a: {  	v32 =	vmul.f32 v29, v20;
	v11 =	vadd.f32 v11, v12;
	v12 =	vmul.f32 $5.000000000e-01, v13  }
0x4b: {  	v13 =	vadd.f32 v15, v17;
	v15 =	vadd.f32 v18, v19;
	v14 =	vmul.f32 $-5.000000000e-01, v14  }
0x4c: {  	v16 =	vadd.f32 v33, v16;
	v12 =	vsub.f32 $1.500000000e+00, v12;
	v11 =	vmul.f32 $5.000000000e-01, v11  }
0x4d: {  	v13 =	vadd.f32 v32, v13;
	v15 =	vmul.f32 $5.000000000e-01, v15;
	v17 =	vmul.f32 v14, v21  }
0x4e: {  	v11 =	vsub.f32 $1.500000000e+00, v11;
	v18 =	vmul.f32 v12, v28;
	v19 =	vmul.f32 v14, v25  }
0x4f: {  	v16 =	vadd.f32 v31, v16;
	v31 =	vmul.f32 v14, v23;
	v13 =	vmul.f32 $-5.000000000e-01, v13  }
0x50: {  	v32 =	vmul.f32 v14, v28;
	v28 =	vmul.f32 v12, v20;
	v15 =	vsub.f32 $1.500000000e+00, v15  }
0x51: {  	v12 =	vmul.f32 v12, v23;
	v18 =	vadd.f32 v19, v18;
	v19 =	vmul.f32 v14, v27  }
0x52: {  	v34 =	vmul.f32 v14, v20;
	v33 =	vmul.f32 v13, v30  }
0x53: {  	v16 =	vmul.f32 $-5.000000000e-01, v16;
	v35 =	vmul.f32 v15, v26;
	v14 =	vadd.f32 v19, v28  }
0x54: {  	v19 =	vmul.f32 v15, v29;
	v28 =	vadd.f32 v33, v18;
	v18 =	vmul.f32 v13, v29  }
0x55: {  	v12 =	vadd.f32 v17, v12;
	v17 =	vmul.f32 v11, v21;
	v33 =	vmul.f32 v16, v30  }
0x56: {  	v30 =	vmul.f32 v15, v30;
	v15 =	vmul.f32 v13, v20;
	v20 =	vadd.f32 v18, v14  }
0x57: {  	v14 =	vmul.f32 v16, v26;
	v18 =	vmul.f32 v16, v29  }
0x58: {  	v17 =	vadd.f32 v17, v31;
	v31 =	vmul.f32 v16, v25;
	v29 =	vmul.f32 v11, v25  }
0x59: {  	v36 =	vmul.f32 v13, v23;
	v11 =	vmul.f32 v11, v27  }
0x5a: {  	v27 =	vmul.f32 v16, v27;
	v21 =	vadd.f32 v17, v14;
	v17 =	vadd.f32 v29, v32  }
0x5b: {  	v23 =	vmul.f32 v13, v26;
	v14 =	vmul.f32 v28, v28;
	v11 =	vadd.f32 v11, v34  }
0x5c: {  	v16 =	vmul.f32 v16, v24;
	v25 =	vadd.f32 v17, v33;
	v17 =	vmul.f32 v13, v22;
	v22 =	vmovc v28  }
.Ltmp0:
0x5d: {  	v23 =	vadd.f32 v23, v12;
	v15 =	vadd.f32 v27, v15;
	v13 =	vmul.f32 v20, v20;
	v24 =	vmovc v21;
	(pc) =	sbr.rel @p0 .LBB2_4-.Ltmp0, $4  }
0x5e: {  	v26 =	vadd.f32 v16, v36;
	v12 =	vmul.f32 v21, v21;
	v27 =	vadd.f32 v11, v18  }
0x5f: {  	v16 =	vmul.f32 v23, v23;
	v29 =	vadd.f32 v19, v15;
	v18 =	vadd.f32 v31, v17  }
0x60: {  	v15 =	vmul.f32 v21, v23;
	v26 =	vadd.f32 v35, v26;
	v11 =	vmul.f32 v27, v27  }
0x61: {  	v17 =	vmul.f32 v25, v28;
	v31 =	vmul.f32 v29, v27;
	v30 =	vadd.f32 v30, v18  }
0x62: {  	s14 =	sor.u32 $0x10, s14  }
0x63: {  	v18 =	vmov s14  }
0x64: {  	v18 =	vshll.u32 v18, $0x4  }
0x65: {  	v18 =	vor.u32 v0, v18;
	_ =	sdelay $0x1  }
0x66: {  	v19 =	vor.u32 $0x1, v18;
	_ =	sdelay $0x1  }
0x67: {  	v32 =	vor.u32 $0x2, v18  }
0x68: {  	v33 =	vld.idx.msk [tilespmem:v18+s2+$0x0], $0xffff  }
0x69: {  	v35 =	vor.u32 $0x3, v18;
	v34 =	vld.idx.msk [tilespmem:v18+s9+$0x0], $0xffff  }
0x6a: {  	v36 =	vld.idx.msk [tilespmem:v19+s2+$0x0], $0xffff  }
0x6b: {  	v37 =	vor.u32 $0x4, v18;
	v19 =	vld.idx.msk [tilespmem:v19+s9+$0x0], $0xffff  }
0x6c: {  	v14 =	vadd.f32 v14, v16;
	v38 =	vld.idx.msk [tilespmem:v32+s2+$0x0], $0xffff  }
0x6d: {  	v16 =	vmul.f32 v25, v25;
	v41 =	vmul.f32 v29, v29;
	v39 =	vor.u32 $0x5, v18;
	v32 =	vld.idx.msk [tilespmem:v32+s9+$0x0], $0xffff  }
0x6e: {  	v42 =	vmul.f32 v26, v23;
	v44 =	vmul.f32 v27, v20;
	v15 =	vadd.f32 v17, v15;
	v40 =	vld.idx.msk [tilespmem:v35+s2+$0x0], $0xffff  }
0x6f: {  	v17 =	vmul.f32 v30, v30;
	v47 =	vmul.f32 v30, v28;
	v43 =	vor.u32 $0x6, v18;
	v35 =	vld.idx.msk [tilespmem:v35+s9+$0x0], $0xffff  }
0x70: {  	v13 =	vadd.f32 v13, v14;
	v14 =	vmul.f32 v26, v26;
	v12 =	vadd.f32 v16, v12;
	v45 =	vld.idx.msk [tilespmem:v37+s2+$0x0], $0xffff  }
0x71: {  	v16 =	vmul.f32 v26, v21;
	v15 =	vadd.f32 v44, v15;
	v46 =	vor.u32 $0x7, v18;
	v37 =	vld.idx.msk [tilespmem:v37+s9+$0x0], $0xffff  }
0x72: {  	v42 =	vadd.f32 v47, v42;
	v14 =	vadd.f32 v17, v14;
	v48 =	vor.u32 $0x8, v18;
	v59 =	vld.idx.msk [tilespmem:v39+s2+$0x0], $0xffff  }
0x73: {  	v17 =	vmul.f32 v30, v25;
	v11 =	vadd.f32 v11, v12;
	v12 =	vmul.f32 $5.000000000e-01, v13;
	v39 =	vld.idx.msk [tilespmem:v39+s9+$0x0], $0xffff  }
0x74: {  	v50 =	vmul.f32 $-5.000000000e-01, v15;
	v41 =	vadd.f32 v41, v14;
	v14 =	vmul.f32 v29, v20;
	v13 =	vld.idx.msk [tilespmem:v43+s2+$0x0], $0xffff  }
0x75: {  	v60 =	vadd.f32 v17, v16;
	v49 =	vsub.f32 $1.500000000e+00, v12;
	v43 =	vld.idx.msk [tilespmem:v43+s9+$0x0], $0xffff  }
0x76: {  	v57 =	vmul.f32 v50, v25;
	v62 =	vadd.f32 v14, v42;
	v53 =	vmul.f32 $5.000000000e-01, v41;
	v12 =	vld.idx.msk [tilespmem:v46+s2+$0x0], $0xffff  }
0x77: {  	v56 =	vmul.f32 v49, v28;
	v61 =	vld.idx.msk [tilespmem:v46+s9+$0x0], $0xffff;
	v18 =	vadd.f32 v34, v33;
	v19 =	vadd.f32 v19, v36  }
0x78: {  	v31 =	vadd.f32 v31, v60;
	v63 =	vld.idx.msk [tilespmem:v48+s2+$0x0], $0xffff;
	v34 =	vmul.f32 $5.000000000e-01, v11;
	v17 =	vadd.f32 v32, v38  }
0x79: {  	v16 =	vadd.f32 v35, v40;
	v40 =	vld.idx.msk [tilespmem:v48+s9+$0x0], $0xffff;
	v11 =	vand.u32 $0x7FFFFFFF, v18;
	v14 =	vand.u32 $0x7FFFFFFF, v19  }
0x7a: {  	v15 =	vadd.f32 v37, v45;
	v42 =	vand.u32 $0x7FFFFFFF, v17;
	v11 =	vmax.f32 v11, v14  }
0x7b: {  	v44 =	vand.u32 $0x7FFFFFFF, v16;
	v14 =	vadd.f32 v39, v59;
	v11 =	vmax.f32 v11, v42  }
0x7c: {  	v13 =	vadd.f32 v43, v13;
	v45 =	vand.u32 $0x7FFFFFFF, v15;
	v37 =	vmax.f32 v11, v44  }
0x7d: {  	v11 =	vadd.f32 v61, v12;
	v48 =	vand.u32 $0x7FFFFFFF, v14;
	v46 =	vmax.f32 v37, v45  }
0x7e: {  	v52 =	vand.u32 $0x7FFFFFFF, v13;
	v12 =	vadd.f32 v40, v63;
	v51 =	vmax.f32 v46, v48  }
0x7f: {  	v28 =	vmul.f32 v50, v28;
	v54 =	vand.u32 $0x7FFFFFFF, v11;
	v32 =	vmax.f32 v51, v52  }
0x80: {  	v58 =	vmul.f32 v49, v20;
	v55 =	vand.u32 $0x7FFFFFFF, v12;
	v32 =	vmax.f32 v32, v54  }
0x81: {  	v60 =	vmul.f32 v50, v27;
	v31 =	vmul.f32 $-5.000000000e-01, v31;
	v32 =	vmax.f32 v32, v55  }
0x82: {  	v33 =	vmul.f32 $-5.000000000e-01, v62;
	v32 =	vmul.f32 $4.000000000e+00, v32  }
0x83: {  	v62 =	vmul.f32 v50, v20;
	v36 =	vmul.f32 v50, v23  }
0x84: {  	v35 =	vsub.f32 $1.500000000e+00, v53;
	v53 =	vmul.f32 v31, v30;
	v32 =	vadd.f32 $1.000000020e-35, v32  }
0x85: {  	v59 =	vmul.f32 v49, v23;
	v49 =	vmul.f32 v33, v29  }
0x86: {  	v23 =	vmul.f32 v33, v23;
	(erf) = vrcp.f32 v32  }
0x87: {  	v61 =	vmul.f32 v33, v30;
	v37 =	vmul.f32 v50, v21  }
0x88: {  	v63 =	vsub.f32 $1.500000000e+00, v34;
	v45 =	vmul.f32 v35, v26;
	v50 =	vmul.f32 v35, v29  }
0x89: {  	v48 =	vadd.f32 v57, v56;
	v57 =	vmul.f32 v31, v29;
	v51 =	vadd.f32 v60, v58  }
0x8a: {  	v52 =	vmul.f32 v63, v21;
	v56 =	vadd.f32 v37, v59;
	v58 =	vmul.f32 v63, v25  }
0x8b: {  	v59 =	vmul.f32 v31, v25;
	v60 =	vmul.f32 v31, v27;
	v21 =	vadd.f32 v61, v48  }
0x8c: {  	v54 =	vmul.f32 v35, v30;
	v30 =	vmul.f32 v31, v26;
	v29 =	vadd.f32 v52, v36  }
0x8d: {  	v26 =	vmul.f32 v33, v26;
	v31 =	vmul.f32 v31, v24;
	v28 =	vadd.f32 v58, v28  }
0x8e: {  	v55 =	vmul.f32 v33, v20;
	v20 =	vadd.f32 v49, v51;
	v25 =	vadd.f32 v29, v30  }
0x8f: {  	v24 =	vadd.f32 v28, v53;
	v28 =	vmul.f32 v33, v22;
	v32 =	vmul.f32 v63, v27;
	v61 =	vpop (erf)  }
0x90: {  	v27 =	vadd.f32 v26, v56;
	v26 =	vadd.f32 v60, v55;
	v30 =	vmul.f32 v61, v18  }
0x91: {  	v63 =	vadd.f32 v59, v28;
	v36 =	vmul.f32 v61, v19;
	v29 =	vmul.f32 v61, v17  }
0x92: {  	v32 =	vadd.f32 v32, v62;
	v37 =	vmul.f32 v61, v16;
	v34 =	vmul.f32 v61, v15  }
0x93: {  	v62 =	vadd.f32 v31, v23;
	v39 =	vmul.f32 v61, v14;
	v31 =	vmul.f32 v61, v13  }
0x94: {  	v23 =	vadd.f32 v50, v26;
	v35 =	vmul.f32 v61, v11;
	v38 =	vmul.f32 v61, v12  }
0x95: {  	v26 =	vadd.f32 v54, v63;
	v44 =	vmul.f32 v37, v37;
	v41 =	vmul.f32 v31, v31  }
0x96: {  	v22 =	vadd.f32 v32, v57;
	v43 =	vmul.f32 v36, v36;
	v46 =	vmul.f32 v30, v30  }
0x97: {  	v28 =	vadd.f32 v45, v62;
	v45 =	vmul.f32 v36, v30;
	v42 =	vmul.f32 v35, v35  }
0x98: {  	s14 =	simm.s32 $0x13;
	v47 =	vmul.f32 v34, v37;
	v40 =	vmul.f32 v38, v35;
	v33 =	vmovc v36;
	v32 =	vmov v37  }
.LBB2_6:
0x99: {  	p0 =	sne.s32 s14, $0x1;
	s14 =	sadd.s32 $0xFFFFFFFF, s14;
	v44 =	vadd.f32 v44, v46;
	v46 =	vmul.f32 v34, v34;
	v48 =	vmul.f32 v38, v38  }
0x9a: {  	v45 =	vadd.f32 v47, v45;
	v47 =	vmul.f32 v29, v30;
	v49 =	vmul.f32 v39, v39  }
0x9b: {  	v50 =	vmul.f32 v29, v29;
	v41 =	vadd.f32 v41, v44;
	v44 =	vmul.f32 v35, v31  }
0x9c: {  	v51 =	vmul.f32 v39, v34;
	v43 =	vadd.f32 v46, v43;
	v46 =	vmul.f32 v29, v36  }
0x9d: {  	v49 =	vadd.f32 v49, v50;
	v44 =	vadd.f32 v44, v45;
	v45 =	vmul.f32 v39, v37  }
0x9e: {  	v50 =	vmul.f32 v38, v31;
	v42 =	vadd.f32 v42, v43;
	v41 =	vmul.f32 $5.000000000e-01, v41  }
0x9f: {  	v43 =	vadd.f32 v45, v47;
	v45 =	vadd.f32 v48, v49;
	v44 =	vmul.f32 $-5.000000000e-01, v44  }
0xa0: {  	v46 =	vadd.f32 v51, v46;
	v41 =	vsub.f32 $1.500000000e+00, v41;
	v42 =	vmul.f32 $5.000000000e-01, v42  }
0xa1: {  	v43 =	vadd.f32 v50, v43;
	v45 =	vmul.f32 $5.000000000e-01, v45;
	v47 =	vmul.f32 v44, v36  }
0xa2: {  	v42 =	vsub.f32 $1.500000000e+00, v42;
	v48 =	vmul.f32 v41, v37;
	v49 =	vmul.f32 v44, v34  }
0xa3: {  	v40 =	vadd.f32 v40, v46;
	v46 =	vmul.f32 v44, v30;
	v43 =	vmul.f32 $-5.000000000e-01, v43  }
0xa4: {  	v50 =	vmul.f32 v44, v37;
	v37 =	vmul.f32 v41, v31;
	v45 =	vsub.f32 $1.500000000e+00, v45  }
0xa5: {  	v41 =	vmul.f32 v41, v30;
	v48 =	vadd.f32 v49, v48;
	v49 =	vmul.f32 v44, v35  }
0xa6: {  	v52 =	vmul.f32 v44, v31;
	v51 =	vmul.f32 v43, v39  }
0xa7: {  	v40 =	vmul.f32 $-5.000000000e-01, v40;
	v53 =	vmul.f32 v45, v29;
	v44 =	vadd.f32 v49, v37  }
0xa8: {  	v49 =	vmul.f32 v45, v38;
	v37 =	vadd.f32 v51, v48;
	v48 =	vmul.f32 v43, v38  }
0xa9: {  	v47 =	vadd.f32 v47, v41;
	v36 =	vmul.f32 v42, v36;
	v41 =	vmul.f32 v40, v39  }
0xaa: {  	v39 =	vmul.f32 v45, v39;
	v45 =	vmul.f32 v43, v31;
	v31 =	vadd.f32 v48, v44  }
0xab: {  	v38 =	vmul.f32 v40, v38;
	v44 =	vmul.f32 v40, v29  }
0xac: {  	v36 =	vadd.f32 v36, v46;
	v46 =	vmul.f32 v42, v34;
	v48 =	vmul.f32 v40, v34  }
0xad: {  	v51 =	vmul.f32 v43, v30;
	v30 =	vmul.f32 v42, v35  }
0xae: {  	v35 =	vmul.f32 v40, v35;
	v34 =	vadd.f32 v46, v50;
	v36 =	vadd.f32 v36, v44  }
0xaf: {  	v29 =	vmul.f32 v43, v29;
	v42 =	vadd.f32 v30, v52;
	v44 =	vmul.f32 v37, v37  }
0xb0: {  	v40 =	vmul.f32 v40, v33;
	v50 =	vmul.f32 v43, v32;
	v32 =	vmovc v37;
	v34 =	vadd.f32 v34, v41  }
.Ltmp1:
0xb1: {  	v41 =	vmul.f32 v31, v31;
	v30 =	vadd.f32 v29, v47;
	v29 =	vadd.f32 v35, v45;
	v33 =	vmovc v36;
	(pc) =	sbr.rel @p0 .LBB2_6-.Ltmp1, $4  }
0xb2: {  	v40 =	vadd.f32 v40, v51;
	v35 =	vadd.f32 v42, v38;
	v43 =	vmul.f32 v36, v36  }
0xb3: {  	v48 =	vadd.f32 v48, v50;
	v46 =	vmul.f32 v30, v30;
	v38 =	vadd.f32 v49, v29  }
0xb4: {  	v45 =	vmul.f32 v36, v30;
	v42 =	vmul.f32 v35, v35;
	v29 =	vadd.f32 v53, v40  }
0xb5: {  	v47 =	vmul.f32 v34, v37;
	v39 =	vadd.f32 v39, v48;
	v40 =	vmul.f32 v38, v35  }
0xb6: {  	v48 =	vmul.f32 v34, v34;
	v60 =	vmul.f32 v38, v38  }
0xb7: {  	v44 =	vadd.f32 v44, v46;
	v49 =	vmul.f32 v29, v30;
	v50 =	vmul.f32 v29, v29  }
0xb8: {  	v62 =	vmul.f32 v35, v31;
	v61 =	vmul.f32 v39, v39  }
0xb9: {  	v45 =	vadd.f32 v47, v45;
	v51 =	vmul.f32 v39, v37;
	v41 =	vadd.f32 v41, v44  }
0xba: {  	v63 =	vmul.f32 v29, v36;
	v43 =	vadd.f32 v48, v43;
	v47 =	vadd.f32 v61, v50  }
0xbb: {  	v53 =	vmul.f32 v38, v31;
	v44 =	vadd.f32 v62, v45;
	v54 =	vadd.f32 v51, v49  }
0xbc: {  	v55 =	vmul.f32 v39, v34;
	v42 =	vadd.f32 v42, v43;
	v46 =	vadd.f32 v60, v47  }
0xbd: {  	v41 =	vmul.f32 $5.000000000e-01, v41;
	v44 =	vmul.f32 $-5.000000000e-01, v44  }
0xbe: {  	v43 =	vadd.f32 v53, v54;
	v42 =	vmul.f32 $5.000000000e-01, v42;
	v56 =	vmul.f32 $5.000000000e-01, v46  }
0xbf: {  	v41 =	vsub.f32 $1.500000000e+00, v41;
	v57 =	vmul.f32 v44, v36;
	v59 =	vmul.f32 v44, v34  }
0xc0: {  	v47 =	vadd.f32 v55, v63;
	v43 =	vmul.f32 $-5.000000000e-01, v43;
	v60 =	vmul.f32 v44, v30  }
0xc1: {  	v62 =	vmul.f32 v44, v35;
	v58 =	vmul.f32 v41, v37  }
0xc2: {  	v40 =	vadd.f32 v40, v47;
	v37 =	vmul.f32 v44, v37;
	v61 =	vmul.f32 v41, v31  }
0xc3: {  	v41 =	vmul.f32 v41, v30;
	v44 =	vmul.f32 v44, v31  }
0xc4: {  	v52 =	vmul.f32 v43, v39;
	v40 =	vmul.f32 $-5.000000000e-01, v40  }
0xc5: {  	v42 =	vsub.f32 $1.500000000e+00, v42;
	v54 =	vmul.f32 v43, v38;
	v55 =	vmul.f32 v43, v31  }
0xc6: {  	v45 =	vsub.f32 $1.500000000e+00, v56;
	v32 =	vmul.f32 v43, v32;
	v46 =	vmul.f32 v43, v29  }
0xc7: {  	v48 =	vadd.f32 v59, v58;
	v63 =	vmul.f32 v42, v36;
	v58 =	vmul.f32 v42, v34  }
0xc8: {  	v47 =	vadd.f32 v62, v61;
	v42 =	vmul.f32 v42, v35;
	v62 =	vmul.f32 v23, v24  }
0xc9: {  	v53 =	vmul.f32 v45, v29;
	v49 =	vmul.f32 v45, v38  }
0xca: {  	v45 =	vmul.f32 v45, v39;
	v39 =	vmul.f32 v40, v39  }
0xcb: {  	v41 =	vadd.f32 v57, v41;
	v56 =	vmul.f32 v40, v29;
	v57 =	vmul.f32 v40, v38  }
0xcc: {  	v59 =	vmul.f32 v40, v34;
	v61 =	vmul.f32 v40, v35;
	v48 =	vadd.f32 v52, v48  }
0xcd: {  	v33 =	vmul.f32 v40, v33;
	v36 =	vadd.f32 v63, v60;
	v47 =	vadd.f32 v54, v47  }
0xce: {  	v63 =	vmul.f32 v22, v26;
	v37 =	vadd.f32 v58, v37;
	v42 =	vadd.f32 v42, v44  }
0xcf: {  	v60 =	vmul.f32 v43, v30;
	v29 =	vadd.f32 v46, v41;
	v31 =	vadd.f32 v61, v55  }
0xd0: {  	v52 =	vmul.f32 v23, v21;
	v32 =	vadd.f32 v59, v32;
	v51 =	vsub.f32 v62, v63  }
0xd1: {  	v54 =	vmul.f32 v20, v26;
	v37 =	vadd.f32 v37, v39;
	v34 =	vadd.f32 v42, v57  }
0xd2: {  	v55 =	vmul.f32 v22, v21;
	v31 =	vadd.f32 v49, v31;
	v32 =	vadd.f32 v45, v32  }
0xd3: {  	v36 =	vadd.f32 v36, v56;
	v56 =	vmul.f32 v20, v24;
	v35 =	vmul.f32 v51, v27  }
0xd4: {  	v38 =	vsub.f32 v52, v54;
	v57 =	vmul.f32 v31, v37;
	v42 =	vmul.f32 v34, v32  }
0xd5: {  	v30 =	vadd.f32 v33, v60;
	v58 =	vmul.f32 v31, v48;
	v59 =	vmul.f32 v47, v32  }
0xd6: {  	v38 =	vmul.f32 v38, v25;
	v40 =	vsub.f32 v55, v56;
	v60 =	vmul.f32 v34, v48  }
0xd7: {  	v61 =	vmul.f32 v47, v37;
	v39 =	vsub.f32 v57, v42;
	v33 =	vsub.f32 v58, v59  }
0xd8: {  	v30 =	vadd.f32 v53, v30;
	v35 =	vsub.f32 v35, v38;
	v62 =	vmul.f32 v40, v28  }
0xd9: {  	v63 =	vsub.f32 v60, v61;
	v39 =	vmul.f32 v39, v29;
	v33 =	vmul.f32 v33, v36;
	_ =	sdelay $0x1  }
0xda: {  	v35 =	vadd.f32 v35, v62;
	v44 =	vmul.f32 v63, v30;
	v33 =	vsub.f32 v39, v33  }
0xdb: {  	v43 =	vsub.f32 $0.0e+00, v27  }
0xdc: {  	vm0 =	vlt.f32 v35, $0.0e+00;
	v33 =	vadd.f32 v33, v44  }
0xdd: {  	v45 =	vsub.f32 $0.0e+00, v29;
	v27 =	vsel vm0, v43, v27  }
0xde: {  	v10 =	vmul.f32 v25, v10;
	v9 =	vmul.f32 v27, v9;
	vm1 =	vlt.f32 v33, $0.0e+00  }
0xdf: {  	v8 =	vmul.f32 v28, v8;
	v46 =	vsub.f32 $0.0e+00, v21;
	v49 =	vsel vm1, v45, v29  }
0xe0: {  	v50 =	vmul.f32 v36, v19;
	v9 =	vadd.f32 v9, v10;
	v10 =	vmul.f32 v49, v18  }
0xe1: {  	v51 =	vsub.f32 $0.0e+00, v48;
	v17 =	vmul.f32 v30, v17;
	v21 =	vsel vm0, v46, v21  }
0xe2: {  	v7 =	vmul.f32 v21, v7;
	v8 =	vadd.f32 v9, v8;
	v10 =	vadd.f32 v10, v50  }
0xe3: {  	v6 =	vmul.f32 v24, v6;
	v52 =	vsel vm1, v51, v48  }
0xe4: {  	v7 =	vadd.f32 v8, v7;
	v8 =	vmul.f32 v52, v16;
	v10 =	vadd.f32 v10, v17  }
0xe5: {  	v5 =	vmul.f32 v26, v5;
	v53 =	vsub.f32 $0.0e+00, v20  }
0xe6: {  	v55 =	vmul.f32 v37, v15;
	v6 =	vadd.f32 v7, v6;
	v8 =	vadd.f32 v10, v8  }
0xe7: {  	v56 =	vsub.f32 $0.0e+00, v47;
	v58 =	vmul.f32 v32, v14;
	v54 =	vsel vm0, v53, v20  }
0xe8: {  	v4 =	vmul.f32 v54, v4;
	v5 =	vadd.f32 v6, v5;
	v57 =	vadd.f32 v8, v55  }
0xe9: {  	v3 =	vmul.f32 v22, v3;
	v59 =	vsel vm1, v56, v47  }
0xea: {  	v4 =	vadd.f32 v5, v4;
	v5 =	vmul.f32 v59, v13;
	v60 =	vadd.f32 v57, v58  }
0xeb: {  	v2 =	vmul.f32 v23, v2  }
0xec: {  	v62 =	vmul.f32 v34, v11;
	v3 =	vadd.f32 v4, v3;
	v61 =	vadd.f32 v60, v5  }
0xed: {  	p0 =	slt.u32 s13, $0x2E  }
.Ltmp2:
0xee: {  	v63 =	vmul.f32 v31, v12;
	v2 =	vadd.f32 v3, v2;
	v3 =	vadd.f32 v61, v62;
	(pc) =	sbr.rel @p0 .LBB2_3-.Ltmp2, $4  }
0xef: {  	_ = 	snop  }
0xf0: {  	v1 =	vadd.f32 v2, v1;
	v2 =	vadd.f32 v3, v63  }
0xf1: {  	s14 =	sadd.s32 $0x2, s13  }
0xf2: {  	s13 =	smov.u32 s14;
	v1 =	vadd.f32 v2, v1  }
0xf3: {  	v2 =	vor.u32 $0x3000, v0;
	_ =	sdelay $0x1  }
0xf4: {  	v3 =	vor.u32 $0x3001, v0;
	_ =	sdelay $0x1  }
0xf5: {  	v4 =	vor.u32 $0x3002, v0  }
0xf6: {  	v5 =	vld.idx.msk [tilespmem:v2+s2+$0x0], $0xffff  }
0xf7: {  	v6 =	vor.u32 $0x3003, v0;
	v2 =	vld.idx.msk [tilespmem:v2+s9+$0x0], $0xffff  }
0xf8: {  	v7 =	vld.idx.msk [tilespmem:v3+s2+$0x0], $0xffff  }
0xf9: {  	v8 =	vor.u32 $0x3004, v0;
	v3 =	vld.idx.msk [tilespmem:v3+s9+$0x0], $0xffff  }
0xfa: {  	v9 =	vld.idx.msk [tilespmem:v4+s2+$0x0], $0xffff  }
0xfb: {  	v12 =	vor.u32 $0x3006, v0;
	v10 =	vld.idx.msk [tilespmem:v4+s9+$0x0], $0xffff  }
0xfc: {  	v11 =	vld.idx.msk [tilespmem:v6+s2+$0x0], $0xffff  }
0xfd: {  	v14 =	vor.u32 $0x3007, v0;
	v6 =	vld.idx.msk [tilespmem:v6+s9+$0x0], $0xffff  }
0xfe: {  	v4 =	vor.u32 $0x3005, v0;
	v13 =	vld.idx.msk [tilespmem:v8+s2+$0x0], $0xffff  }
0xff: {  	v8 =	vld.idx.msk [tilespmem:v8+s9+$0x0], $0xffff  }
0x100: {  	v18 =	vld.idx.msk [tilespmem:v12+s2+$0x0], $0xffff  }
0x101: {  	v17 =	vor.u32 $0x3008, v0;
	v12 =	vld.idx.msk [tilespmem:v12+s9+$0x0], $0xffff  }
0x102: {  	v19 =	vld.idx.msk [tilespmem:v14+s2+$0x0], $0xffff  }
0x103: {  	v15 =	vld.idx.msk [tilespmem:v4+s2+$0x0], $0xffff  }
0x104: {  	v16 =	vld.idx.msk [tilespmem:v4+s9+$0x0], $0xffff  }
0x105: {  	v14 =	vld.idx.msk [tilespmem:v14+s9+$0x0], $0xffff;
	v4 =	vadd.f32 v2, v5;
	v5 =	vadd.f32 v3, v7  }
0x106: {  	v3 =	vadd.f32 v10, v9;
	v10 =	vld.idx.msk [tilespmem:v17+s2+$0x0], $0xffff  }
0x107: {  	v2 =	vadd.f32 v6, v11;
	v11 =	vld.idx.msk [tilespmem:v17+s9+$0x0], $0xffff;
	v7 =	vand.u32 $0x7FFFFFFF, v4;
	v9 =	vand.u32 $0x7FFFFFFF, v5  }
0x108: {  	v6 =	vadd.f32 v8, v13;
	v8 =	vmax.f32 v7, v9;
	v9 =	vand.u32 $0x7FFFFFFF, v3  }
0x109: {  	v13 =	vand.u32 $0x7FFFFFFF, v2;
	v9 =	vmax.f32 v8, v9;
	v7 =	vadd.f32 v16, v15  }
0x10a: {  	v8 =	vadd.f32 v12, v18;
	v12 =	vmax.f32 v9, v13;
	v13 =	vand.u32 $0x7FFFFFFF, v6  }
0x10b: {  	v9 =	vadd.f32 v14, v19;
	v12 =	vmax.f32 v12, v13;
	v13 =	vand.u32 $0x7FFFFFFF, v7  }
0x10c: {  	v10 =	vadd.f32 v11, v10;
	v11 =	vmax.f32 v12, v13;
	v12 =	vand.u32 $0x7FFFFFFF, v8  }
0x10d: {  	v11 =	vmax.f32 v11, v12;
	v12 =	vand.u32 $0x7FFFFFFF, v9  }
0x10e: {  	v11 =	vmax.f32 v11, v12;
	v12 =	vand.u32 $0x7FFFFFFF, v10  }
0x10f: {  	v11 =	vmax.f32 v11, v12  }
0x110: {  	v11 =	vmul.f32 $4.000000000e+00, v11;
	_ =	sdelay $0x1  }
0x111: {  	v11 =	vadd.f32 $1.000000020e-35, v11;
	_ =	sdelay $0x1  }
0x112: {  	(erf) = vrcp.f32 v11;
	_ =	sdelay $0x8  }
0x113: {  	v13 =	vpop (erf)  }
0x114: {  	v12 =	vmul.f32 v13, v4  }
0x115: {  	v18 =	vmul.f32 v13, v5;
	v11 =	vmul.f32 v13, v3  }
0x116: {  	v20 =	vmul.f32 v13, v2;
	v16 =	vmul.f32 v13, v6  }
0x117: {  	v21 =	vmul.f32 v13, v7;
	v14 =	vmul.f32 v13, v8  }
0x118: {  	v17 =	vmul.f32 v13, v9;
	v19 =	vmul.f32 v13, v10  }
0x119: {  	v26 =	vmul.f32 v20, v20;
	v24 =	vmul.f32 v14, v14  }
0x11a: {  	v25 =	vmul.f32 v18, v18;
	v28 =	vmul.f32 v12, v12  }
0x11b: {  	v27 =	vmul.f32 v18, v12;
	v23 =	vmul.f32 v17, v17  }
0x11c: {  	s13 =	simm.s32 $0x13;
	v29 =	vmul.f32 v16, v20;
	v22 =	vmul.f32 v19, v17;
	v13 =	vmovc v18;
	v15 =	vmov v20  }
.LBB2_9:
0x11d: {  	p0 =	sne.s32 s13, $0x1;
	s13 =	sadd.s32 $0xFFFFFFFF, s13;
	v26 =	vadd.f32 v26, v28;
	v28 =	vmul.f32 v16, v16;
	v30 =	vmul.f32 v19, v19  }
0x11e: {  	v27 =	vadd.f32 v29, v27;
	v29 =	vmul.f32 v11, v12;
	v31 =	vmul.f32 v21, v21  }
0x11f: {  	v32 =	vmul.f32 v11, v11;
	v24 =	vadd.f32 v24, v26;
	v26 =	vmul.f32 v17, v14  }
0x120: {  	v33 =	vmul.f32 v21, v16;
	v25 =	vadd.f32 v28, v25;
	v28 =	vmul.f32 v11, v18  }
0x121: {  	v31 =	vadd.f32 v31, v32;
	v26 =	vadd.f32 v26, v27;
	v27 =	vmul.f32 v21, v20  }
0x122: {  	v32 =	vmul.f32 v19, v14;
	v23 =	vadd.f32 v23, v25;
	v24 =	vmul.f32 $5.000000000e-01, v24  }
0x123: {  	v25 =	vadd.f32 v27, v29;
	v27 =	vadd.f32 v30, v31;
	v26 =	vmul.f32 $-5.000000000e-01, v26  }
0x124: {  	v28 =	vadd.f32 v33, v28;
	v24 =	vsub.f32 $1.500000000e+00, v24;
	v23 =	vmul.f32 $5.000000000e-01, v23  }
0x125: {  	v25 =	vadd.f32 v32, v25;
	v27 =	vmul.f32 $5.000000000e-01, v27;
	v29 =	vmul.f32 v26, v18  }
0x126: {  	v23 =	vsub.f32 $1.500000000e+00, v23;
	v30 =	vmul.f32 v24, v20;
	v31 =	vmul.f32 v26, v16  }
0x127: {  	v22 =	vadd.f32 v22, v28;
	v28 =	vmul.f32 v26, v12;
	v25 =	vmul.f32 $-5.000000000e-01, v25  }
0x128: {  	v32 =	vmul.f32 v26, v20;
	v20 =	vmul.f32 v24, v14;
	v27 =	vsub.f32 $1.500000000e+00, v27  }
0x129: {  	v24 =	vmul.f32 v24, v12;
	v30 =	vadd.f32 v31, v30;
	v31 =	vmul.f32 v26, v17  }
0x12a: {  	v34 =	vmul.f32 v26, v14;
	v33 =	vmul.f32 v25, v21  }
0x12b: {  	v22 =	vmul.f32 $-5.000000000e-01, v22;
	v35 =	vmul.f32 v27, v11;
	v26 =	vadd.f32 v31, v20  }
0x12c: {  	v31 =	vmul.f32 v27, v19;
	v20 =	vadd.f32 v33, v30;
	v30 =	vmul.f32 v25, v19  }
0x12d: {  	v29 =	vadd.f32 v29, v24;
	v18 =	vmul.f32 v23, v18;
	v24 =	vmul.f32 v22, v21  }
0x12e: {  	v21 =	vmul.f32 v27, v21;
	v27 =	vmul.f32 v25, v14;
	v14 =	vadd.f32 v30, v26  }
0x12f: {  	v19 =	vmul.f32 v22, v19;
	v26 =	vmul.f32 v22, v11  }
0x130: {  	v18 =	vadd.f32 v18, v28;
	v28 =	vmul.f32 v23, v16;
	v30 =	vmul.f32 v22, v16  }
0x131: {  	v33 =	vmul.f32 v25, v12;
	v12 =	vmul.f32 v23, v17  }
0x132: {  	v17 =	vmul.f32 v22, v17;
	v16 =	vadd.f32 v28, v32;
	v18 =	vadd.f32 v18, v26  }
0x133: {  	v11 =	vmul.f32 v25, v11;
	v23 =	vadd.f32 v12, v34;
	v26 =	vmul.f32 v20, v20  }
0x134: {  	v22 =	vmul.f32 v22, v13;
	v32 =	vmul.f32 v25, v15;
	v15 =	vmovc v20;
	v16 =	vadd.f32 v16, v24  }
.Ltmp3:
0x135: {  	v24 =	vmul.f32 v14, v14;
	v12 =	vadd.f32 v11, v29;
	v11 =	vadd.f32 v17, v27;
	v13 =	vmovc v18;
	(pc) =	sbr.rel @p0 .LBB2_9-.Ltmp3, $4  }
0x136: {  	v22 =	vadd.f32 v22, v33;
	v17 =	vadd.f32 v23, v19;
	v25 =	vmul.f32 v18, v18  }
0x137: {  	v30 =	vadd.f32 v30, v32;
	v28 =	vmul.f32 v12, v12;
	v19 =	vadd.f32 v31, v11  }
0x138: {  	v27 =	vmul.f32 v18, v12;
	v23 =	vmul.f32 v17, v17;
	v11 =	vadd.f32 v35, v22  }
0x139: {  	v29 =	vmul.f32 v16, v20;
	v21 =	vadd.f32 v21, v30;
	v22 =	vmul.f32 v19, v17  }
0x13a: {  	v30 =	vmul.f32 v16, v16;
	v46 =	vmul.f32 v19, v19  }
0x13b: {  	v26 =	vadd.f32 v26, v28;
	v31 =	vmul.f32 v11, v12;
	v32 =	vmul.f32 v11, v11  }
0x13c: {  	v48 =	vmul.f32 v17, v14;
	v47 =	vmul.f32 v21, v21  }
0x13d: {  	v27 =	vadd.f32 v29, v27;
	v33 =	vmul.f32 v21, v20;
	v24 =	vadd.f32 v24, v26  }
0x13e: {  	v49 =	vmul.f32 v11, v18;
	v25 =	vadd.f32 v30, v25;
	v29 =	vadd.f32 v47, v32  }
0x13f: {  	v50 =	vmul.f32 v19, v14;
	v26 =	vadd.f32 v48, v27;
	v51 =	vadd.f32 v33, v31  }
0x140: {  	v52 =	vmul.f32 v21, v16;
	v23 =	vadd.f32 v23, v25;
	v28 =	vadd.f32 v46, v29  }
0x141: {  	v24 =	vmul.f32 $5.000000000e-01, v24;
	v26 =	vmul.f32 $-5.000000000e-01, v26  }
0x142: {  	v25 =	vadd.f32 v50, v51;
	v23 =	vmul.f32 $5.000000000e-01, v23;
	v53 =	vmul.f32 $5.000000000e-01, v28  }
0x143: {  	v29 =	vadd.f32 v52, v49;
	v54 =	vmul.f32 v26, v18;
	v56 =	vmul.f32 v26, v16  }
0x144: {  	v24 =	vsub.f32 $1.500000000e+00, v24;
	v25 =	vmul.f32 $-5.000000000e-01, v25;
	v57 =	vmul.f32 v26, v12  }
0x145: {  	v58 =	vmul.f32 v26, v20;
	v60 =	vmul.f32 v26, v17  }
0x146: {  	v22 =	vadd.f32 v22, v29;
	v26 =	vmul.f32 v26, v14;
	v55 =	vmul.f32 v24, v20  }
0x147: {  	v59 =	vmul.f32 v24, v14;
	v24 =	vmul.f32 v24, v12  }
0x148: {  	v34 =	vmul.f32 v25, v21;
	v22 =	vmul.f32 $-5.000000000e-01, v22  }
0x149: {  	v23 =	vsub.f32 $1.500000000e+00, v23;
	v61 =	vmul.f32 v25, v19;
	v36 =	vmul.f32 v25, v14  }
0x14a: {  	v15 =	vmul.f32 v25, v15;
	v44 =	vmul.f32 v25, v12  }
0x14b: {  	v27 =	vsub.f32 $1.500000000e+00, v53;
	v46 =	vmul.f32 v25, v11;
	v62 =	vmul.f32 v23, v18  }
0x14c: {  	v30 =	vadd.f32 v56, v55;
	v37 =	vmul.f32 v23, v16;
	v23 =	vmul.f32 v23, v17  }
0x14d: {  	v29 =	vadd.f32 v60, v59;
	v35 =	vmul.f32 v27, v19;
	v63 =	vmul.f32 v22, v21  }
0x14e: {  	v24 =	vadd.f32 v54, v24;
	v38 =	vmul.f32 v22, v16;
	v39 =	vmul.f32 v22, v17  }
0x14f: {  	v40 =	vmul.f32 v22, v19;
	v20 =	vadd.f32 v37, v58;
	v23 =	vadd.f32 v23, v26  }
0x150: {  	v41 =	vmul.f32 v27, v21;
	v14 =	vadd.f32 v39, v36;
	v15 =	vadd.f32 v38, v15  }
0x151: {  	v42 =	vmul.f32 v22, v11;
	v43 =	vadd.f32 v20, v63;
	v19 =	vadd.f32 v23, v40  }
0x152: {  	v13 =	vmul.f32 v22, v13;
	v14 =	vadd.f32 v35, v14;
	v15 =	vadd.f32 v41, v15  }
0x153: {  	v51 =	vmul.f32 v27, v11;
	v30 =	vadd.f32 v34, v30;
	v45 =	vadd.f32 v61, v29  }
0x154: {  	v18 =	vadd.f32 v62, v57;
	v47 =	vmul.f32 v14, v43;
	v48 =	vmul.f32 v19, v15  }
0x155: {  	v21 =	vadd.f32 v46, v24;
	v49 =	vmul.f32 v14, v30;
	v50 =	vmul.f32 v45, v15  }
0x156: {  	v12 =	vadd.f32 v13, v44;
	v16 =	vadd.f32 v18, v42;
	v54 =	vmul.f32 v19, v30  }
0x157: {  	v55 =	vmul.f32 v45, v43;
	v52 =	vsub.f32 v47, v48;
	v53 =	vsub.f32 v49, v50  }
0x158: {  	v11 =	vadd.f32 v51, v12  }
0x159: {  	v58 =	vsub.f32 v54, v55;
	v56 =	vmul.f32 v52, v21;
	v57 =	vmul.f32 v53, v16;
	_ =	sdelay $0x1  }
0x15a: {  	v59 =	vmul.f32 v58, v11;
	v12 =	vsub.f32 v56, v57;
	_ =	sdelay $0x1  }
0x15b: {  	v12 =	vadd.f32 v12, v59  }
0x15c: {  	v60 =	vsub.f32 $0.0e+00, v21  }
0x15d: {  	vm0 =	vlt.f32 v12, $0.0e+00  }
0x15e: {  	v12 =	vsel vm0, v60, v21  }
0x15f: {  	v5 =	vmul.f32 v16, v5;
	v4 =	vmul.f32 v12, v4  }
0x160: {  	v61 =	vsub.f32 $0.0e+00, v30  }
0x161: {  	v3 =	vmul.f32 v11, v3;
	v4 =	vadd.f32 v4, v5  }
0x162: {  	v62 =	vsel vm0, v61, v30  }
0x163: {  	v2 =	vmul.f32 v62, v2;
	v3 =	vadd.f32 v4, v3;
	_ =	sdelay $0x1  }
0x164: {  	v2 =	vadd.f32 v3, v2;
	v3 =	vmul.f32 v43, v6  }
0x165: {  	v63 =	vsub.f32 $0.0e+00, v45  }
0x166: {  	v2 =	vadd.f32 v2, v3;
	v3 =	vmul.f32 v15, v7  }
0x167: {  	v4 =	vsel vm0, v63, v45  }
0x168: {  	v2 =	vadd.f32 v2, v3;
	v3 =	vmul.f32 v4, v8;
	_ =	sdelay $0x1  }
0x169: {  	s12 =	sadd.s32 $0x1, s12;
	v2 =	vadd.f32 v2, v3;
	v3 =	vmul.f32 v19, v9  }
0x16a: {  	p0 =	sne.s32 s12, $0x4  }
.Ltmp4:
0x16b: {  	v2 =	vadd.f32 v2, v3;
	v3 =	vmul.f32 v14, v10;
	(pc) =	sbr.rel @p0 .LBB2_2-.Ltmp4, $3  }
0x16c: {  	_ = 	snop  }
0x16d: {  	v2 =	vadd.f32 v2, v3;
	_ =	sdelay $0x1  }
0x16e: {  	v1 =	vadd.f32 v2, v1  }
0x16f: {  	s11 =	sadd.s32 $0x1, s11  }
0x170: {  	p0 =	sne.s32 s11, s7  }
.Ltmp5:
0x171: {  	[tilespmem:$0x6200] =	vst v1;
	(pc) =	sbr.rel @p0 .LBB2_1-.Ltmp5, $4  }
0x172: {  	[hbm4b:s6+s2] =	stream.linear.scatter [tilespmem:s10], [sflag:$0x1], $0x10, $0x38;
	[tilespmem:$0x6210] =	vst v63  }
0x173: {  	_ =	swait.ge [sflag:s8], $0x10  }
0x174: {  	[sflag:s8] =	ssyncset.done $0x0  }
0x175: {  	[sflag:s8] =	ssyncadd.s32 $0xFFFFFFF0  }
0x176: {  	_ =	sfence.sel $0x180000  }
0x177: {  	[bflag:$0x0] =	sbarrier.arrive $0xFFFF  }
0x178: {  	p0 =	sne.s32 s1, $0x0;
	_ =	strace $0x9000004A  }
0x179: {  	s0 =	sadd.s32 @!p0 $0x100000, s0;
	[bflag:$0x2] =	sbarrier.arrive $0xFFFF  }
0x17a: {  	[sflag:s0] =	ssyncadd.tile.s32 @!p0 $0x1;
	_ =	shalt  }
.Lfunc_end2:
_tile_overlayer_lowered:
.L_overlay_start_2:
0x17b: {  	(tag) =	ssettag $0x2  }
0x17c: {  	s0 =	rddreg [dreg:$0x0];
	s2 =	stileid.u32  }
0x17d: {  	s1 =	rddreg [dreg:$0x1];
	p0 =	sne.s32 s2, $0x0  }
0x17e: {  	s3 =	rddreg [dreg:$0x2];
	[bflag:$0x3] =	sbarrier.arrive $0xFFFF;
	s2 =	simm.s32 @!p0 $0x1C01  }
0x17f: {  	[timem:s3], [sflag:s2] =	dma.local @!p0 [hbm:s0], s1  }
0x180: {  	s0 =	simm.s32 @!p0 $0x1  }
0x181: {  	_ =	swait.ge @!p0 [sflag:s0], s1  }
0x182: {  	s1 =	ssub.s32 @!p0 $0x0, s1;
	[sflag:s0] =	ssyncset.done @!p0 $0x0  }
0x183: {  	[sflag:s0] =	ssyncadd.s32 @!p0 s1  }
0x184: {  	[bflag:$0x3] =	sbarrier.arrive $0xFFFF  }
0x185: {  	_ =	shalt  }

</sc_bundles>
